<compile_context>
chip_gen: v7x
topology: tpu7x:2x2x1
jax: 0.10.2.dev20260603
libtpu: 0.0.44.dev20260713+nightly
codegen_flags: <defaults>
</compile_context>

<pallas_src>
import functools

import jax
import jax.numpy as jnp
from jax import lax
from jax.experimental import pallas as pl
from jax.experimental.pallas import tpu as pltpu
from jax.experimental.pallas import tpu_sc as plsc

N = 10000
NP = 10240
E = 320000
EQ = 65536
F_IN = 128
HID = 256
OUT = 128
HEADS = 4

NBLK = 400
MLP_BLK = 1024
K1 = 80
KD = 64
RPT = N // 16
CPT = NP // 16



def _tc1_body(x_ref, w1_ref, acat_ref, t1_ref, esed_ref):
    h1 = jnp.dot(x_ref[...], w1_ref[...], preferred_element_type=jnp.float32)
    for p in range(8):
        t1_ref[p] = h1[:, p * 128:(p + 1) * 128]
    esed_ref[...] = jnp.dot(h1, acat_ref[...],
                            preferred_element_type=jnp.float32)


def _tc2_body(outp_ref, ssum_ref, b1_ref, w2_ref, a2cat_ref, t2_ref,
              esed2_ref):
    acc = jnp.zeros((NBLK, OUT), jnp.float32)
    for p in range(8):
        h = p // 2
        denom = ssum_ref[:, h:h + 1] + 1e-16
        z = outp_ref[p] / denom + b1_ref[0:1, p * 128:(p + 1) * 128]
        z = jnp.where(z > 0, z, jnp.exp(jnp.minimum(z, 0.0)) - 1.0)
        acc = acc + jnp.dot(z, w2_ref[p * 128:(p + 1) * 128, :],
                            preferred_element_type=jnp.float32)
    t2_ref[...] = acc
    esed2_ref[...] = jnp.dot(acc, a2cat_ref[...],
                             preferred_element_type=jnp.float32)


def _tc3_body(out2p_ref, ssum2_ref, b2_ref, wp1_ref, u_ref, v_ref):
    denom = ssum2_ref[:, 0:1] + ssum2_ref[:, 1:2] + 1e-16
    z = (out2p_ref[0] + out2p_ref[1]) / denom + b2_ref[...]
    u_ref[...] = jnp.dot(z, wp1_ref[:OUT, :],
                         preferred_element_type=jnp.float32)
    v_ref[...] = jnp.dot(z, wp1_ref[OUT:, :],
                         preferred_element_type=jnp.float32)


def _tc4_body(ef_ref, bp1_ref, s1_ref, be1_ref, wp2_ref, bp2_ref, s2_ref,
              be2_ref, wp3_ref, bp3_ref, out_ref):
    h = (ef_ref[...] + bp1_ref[...]) * s1_ref[...] + be1_ref[...]
    h = jnp.maximum(h, 0.0)
    h2 = jnp.dot(h, wp2_ref[...], preferred_element_type=jnp.float32)
    h2 = (h2 + bp2_ref[...]) * s2_ref[...] + be2_ref[...]
    h2 = jnp.maximum(h2, 0.0)
    o = jnp.dot(h2, wp3_ref[...], preferred_element_type=jnp.float32)
    out_ref[...] = o + bp3_ref[...]



_SC_MESH = plsc.VectorSubcoreMesh(core_axis_name="c", subcore_axis_name="s")


def _zero_vec_ref(ref, nvec):
    z = jnp.zeros((16,), jnp.float32)

    def zb(i, _):
        ref[pl.ds(i * 16, 16)] = z
        return 0

    lax.fori_loop(0, nvec, zb, 0)


def _scale_rows(rows, pv, nrows, width_vecs):

    def sb(i, _):
        scv = plsc.load_gather(pv, [jnp.full((16,), 0, jnp.int32) + i])
        for v in range(width_vecs):
            sl = pl.ds(v * 16, 16)
            rows[i, sl] = rows[i, sl] * scv
        return 0

    lax.fori_loop(0, nrows, sb, 0)


def _edge_pass(nblk, do_ssum, base_e, tab_base, t_hbm, src_hbm, dst_hbm,
               es_v, ed_v, src_v, dst_v, pv, gidx, didx, rows,
               semb, semg, semsc, semp, acc_sh, ssum_sh):
    G = nblk * 25

    def stage_block(b, buf):
        e0 = base_e + b * 2000
        pltpu.async_copy(src_hbm.at[pl.ds(e0, 2000)], src_v.at[buf],
                         semb.at[buf])
        pltpu.async_copy(dst_hbm.at[pl.ds(e0, 2000)], dst_v.at[buf],
                         semb.at[buf])

    def wait_block(b, buf):
        e0 = base_e + b * 2000
        pltpu.make_async_copy(src_hbm.at[pl.ds(e0, 2000)], src_v.at[buf],
                              semb.at[buf]).wait()
        pltpu.make_async_copy(dst_hbm.at[pl.ds(e0, 2000)], dst_v.at[buf],
                              semb.at[buf]).wait()

    BPB = 25

    def scalars(gg, buf):
        bb = (gg // BPB) % 2
        o = (gg % BPB) * K1
        for j in range(K1 // 16):
            sl = pl.ds(o + j * 16, 16)
            bsl = pl.ds(j * 16, 16)
            s16 = src_v[bb, sl]
            d16 = dst_v[bb, sl]
            gidx[buf, bsl] = s16 + tab_base
            didx[buf, bsl] = d16
            ev = plsc.load_gather(es_v, [s16])
            dv = plsc.load_gather(ed_v, [d16])
            t = ev + dv
            e = jnp.where(t > 0, t, t * 0.2)
            pv[buf, bsl] = jnp.exp(e)

    def issue_gather(buf):
        pltpu.async_copy(t_hbm.at[gidx.at[buf]], rows.at[buf], semg.at[buf])

    def wait_gather(buf):
        pltpu.make_async_copy(t_hbm.at[gidx.at[buf]], rows.at[buf],
                              semg.at[buf]).wait()

    def issue_scatter(buf):
        pltpu.async_copy(rows.at[buf], acc_sh.at[didx.at[buf]],
                         semsc.at[buf], add=True)

        @pl.when(do_ssum)
        def _():
            pltpu.async_copy(pv.at[buf], ssum_sh.at[didx.at[buf]],
                             semp.at[buf], add=True)

    def wait_scatter(buf):
        pltpu.make_async_copy(rows.at[buf], acc_sh.at[didx.at[buf]],
                              semsc.at[buf]).wait()

        @pl.when(do_ssum)
        def _():
            pltpu.make_async_copy(pv.at[buf], ssum_sh.at[didx.at[buf]],
                                  semp.at[buf]).wait()

    def scale(buf):
        b16 = jnp.full((16,), 0, jnp.int32) + buf

        def sb(i, _):
            for u in range(4):
                iu = i * 4 + u
                i16 = jnp.full((16,), 0, jnp.int32) + iu
                scv = plsc.load_gather(pv, [b16, i16])
                for v in range(8):
                    sl = pl.ds(v * 16, 16)
                    rows[buf, iu, sl] = rows[buf, iu, sl] * scv
            return 0

        lax.fori_loop(0, K1 // 4, sb, 0)

    stage_block(0, 0)
    wait_block(0, 0)
    stage_block(1, 1)
    scalars(0, 0)
    issue_gather(0)

    def it(g, _):
        buf = g % 2
        buf2 = (g + 1) % 2
        wait_gather(buf)

        @pl.when(g + 1 < G)
        def _():
            @pl.when((g + 1) % BPB == 0)
            def _():
                b = (g + 1) // BPB
                wait_block(b, b % 2)

                @pl.when(b + 1 < nblk)
                def _():
                    stage_block(b + 1, (b + 1) % 2)

            @pl.when(g >= 1)
            def _():
                wait_scatter(buf2)

            scalars(g + 1, buf2)
            issue_gather(buf2)

        scale(buf)
        issue_scatter(buf)
        return 0

    lax.fori_loop(0, G, it, 0)
    wait_scatter(0)
    wait_scatter(1)


def _sc_l1_body(t1_hbm, esed_hbm, src_hbm, dst_hbm, zer_hbm, zer1_hbm,
                out_hbm, ssum_hbm,
                es_v, ed_v, src_v, dst_v, pv, gidx, didx, rows,
                semb, semg, semsc, semp, acc_sh, ssum_sh):
    c = lax.axis_index("c")
    s = lax.axis_index("s")

    def one_pass(pp, _):
        p = c * 4 + pp
        h = c * 2 + pp // 2
        even = (pp % 2) == 0
        pltpu.sync_copy(esed_hbm.at[pl.ds(h * N, N)], es_v)
        pltpu.sync_copy(esed_hbm.at[pl.ds((4 + h) * N, N)], ed_v)
        pltpu.sync_copy(zer_hbm, acc_sh.at[pl.ds(s * RPT, RPT)])

        @pl.when(even)
        def _():
            pltpu.sync_copy(zer1_hbm, ssum_sh.at[pl.ds(s * CPT, CPT)])

        plsc.subcore_barrier()
        _edge_pass(10, even, s * 20000, p * N, t1_hbm, src_hbm, dst_hbm,
                   es_v, ed_v, src_v, dst_v, pv, gidx, didx, rows,
                   semb, semg, semsc, semp, acc_sh, ssum_sh)
        plsc.subcore_barrier()
        pltpu.sync_copy(acc_sh.at[pl.ds(s * RPT, RPT)],
                        out_hbm.at[pl.ds(p * N + s * RPT, RPT)])

        @pl.when(even)
        def _():
            pltpu.sync_copy(ssum_sh.at[pl.ds(s * CPT, CPT)],
                            ssum_hbm.at[pl.ds(h * NP + s * CPT, CPT)])

        plsc.subcore_barrier()
        return 0

    lax.fori_loop(0, 4, one_pass, 0)


def _sc_l2_body(t2_hbm, esed2_hbm, src_hbm, dst_hbm, zer_hbm, zer1_hbm,
                out_hbm, ssum_hbm,
                es_v, ed_v, src_v, dst_v, pv, gidx, didx, rows,
                semb, semg, semsc, semp, acc_sh, ssum_sh):
    c = lax.axis_index("c")
    s = lax.axis_index("s")
    pltpu.sync_copy(esed2_hbm.at[pl.ds(0, N)], es_v)
    pltpu.sync_copy(esed2_hbm.at[pl.ds(N, N)], ed_v)
    pltpu.sync_copy(zer_hbm, acc_sh.at[pl.ds(s * RPT, RPT)])
    pltpu.sync_copy(zer1_hbm, ssum_sh.at[pl.ds(s * CPT, CPT)])
    plsc.subcore_barrier()
    _edge_pass(5, s >= 0, (c * 16 + s) * 10000, 0, t2_hbm, src_hbm, dst_hbm,
               es_v, ed_v, src_v, dst_v, pv, gidx, didx, rows,
               semb, semg, semsc, semp, acc_sh, ssum_sh)
    plsc.subcore_barrier()
    pltpu.sync_copy(acc_sh.at[pl.ds(s * RPT, RPT)],
                    out_hbm.at[pl.ds(c * N + s * RPT, RPT)])
    pltpu.sync_copy(ssum_sh.at[pl.ds(s * CPT, CPT)],
                    ssum_hbm.at[pl.ds(c * NP + s * CPT, CPT)])


def _sc_dec_body(u_hbm, v_hbm, row_hbm, col_hbm, ef_hbm,
                 row_v, col_v, ru, rv, semu, semv):
    c = lax.axis_index("c")
    s = lax.axis_index("s")
    tid = c * 16 + s
    q0 = tid * (EQ // 32)
    pltpu.sync_copy(row_hbm.at[pl.ds(q0, EQ // 32)], row_v)
    pltpu.sync_copy(col_hbm.at[pl.ds(q0, EQ // 32)], col_v)

    def one_batch(kb, _):
        o = kb * KD
        cu = pltpu.async_copy(u_hbm.at[row_v.at[pl.ds(o, KD)]], ru, semu)
        cv = pltpu.async_copy(v_hbm.at[col_v.at[pl.ds(o, KD)]], rv, semv)
        cu.wait()
        cv.wait()

        def add_row(i, _):
            for v in range(16):
                sl = pl.ds(v * 16, 16)
                ru[i, sl] = ru[i, sl] + rv[i, sl]
            return 0

        lax.fori_loop(0, KD, add_row, 0)
        pltpu.sync_copy(ru, ef_hbm.at[pl.ds(q0 + o, KD)])
        return 0

    lax.fori_loop(0, (EQ // 32) // KD, one_batch, 0)


_sc_l1 = functools.partial(
    pl.kernel, _sc_l1_body,
    out_type=(jax.ShapeDtypeStruct((8 * N, 128), jnp.float32),
              jax.ShapeDtypeStruct((4 * NP,), jnp.float32)),
    mesh=_SC_MESH,
    compiler_params=pltpu.CompilerParams(use_tc_tiling_on_sc=False, needs_layout_passes=False),
    scratch_types=[
        pltpu.VMEM((N,), jnp.float32),
        pltpu.VMEM((N,), jnp.float32),
        pltpu.VMEM((2, 2000), jnp.int32),
        pltpu.VMEM((2, 2000), jnp.int32),
        pltpu.VMEM((2, K1), jnp.float32),
        pltpu.VMEM((2, K1), jnp.int32),
        pltpu.VMEM((2, K1), jnp.int32),
        pltpu.VMEM((2, K1, 128), jnp.float32),
        pltpu.SemaphoreType.DMA((2,)),
        pltpu.SemaphoreType.DMA((2,)),
        pltpu.SemaphoreType.DMA((2,)),
        pltpu.SemaphoreType.DMA((2,)),
        pltpu.VMEM_SHARED((N, 128), jnp.float32),
        pltpu.VMEM_SHARED((NP,), jnp.float32),
    ])

_sc_l2 = functools.partial(
    pl.kernel, _sc_l2_body,
    out_type=(jax.ShapeDtypeStruct((2 * N, 128), jnp.float32),
              jax.ShapeDtypeStruct((2 * NP,), jnp.float32)),
    mesh=_SC_MESH,
    compiler_params=pltpu.CompilerParams(use_tc_tiling_on_sc=False, needs_layout_passes=False),
    scratch_types=[
        pltpu.VMEM((N,), jnp.float32),
        pltpu.VMEM((N,), jnp.float32),
        pltpu.VMEM((2, 2000), jnp.int32),
        pltpu.VMEM((2, 2000), jnp.int32),
        pltpu.VMEM((2, K1), jnp.float32),
        pltpu.VMEM((2, K1), jnp.int32),
        pltpu.VMEM((2, K1), jnp.int32),
        pltpu.VMEM((2, K1, 128), jnp.float32),
        pltpu.SemaphoreType.DMA((2,)),
        pltpu.SemaphoreType.DMA((2,)),
        pltpu.SemaphoreType.DMA((2,)),
        pltpu.SemaphoreType.DMA((2,)),
        pltpu.VMEM_SHARED((N, 128), jnp.float32),
        pltpu.VMEM_SHARED((NP,), jnp.float32),
    ])

_sc_dec = functools.partial(
    pl.kernel, _sc_dec_body,
    out_type=jax.ShapeDtypeStruct((EQ, 2 * OUT), jnp.float32),
    mesh=_SC_MESH,
    compiler_params=pltpu.CompilerParams(use_tc_tiling_on_sc=False, needs_layout_passes=False),
    scratch_types=[
        pltpu.VMEM((EQ // 32,), jnp.int32),
        pltpu.VMEM((EQ // 32,), jnp.int32),
        pltpu.VMEM((KD, 2 * OUT), jnp.float32),
        pltpu.VMEM((KD, 2 * OUT), jnp.float32),
        pltpu.SemaphoreType.DMA,
        pltpu.SemaphoreType.DMA,
    ])



def kernel(x, edge_index, edge_label_index, W1, a1s, a1d, b1, W2, a2s, a2d,
           b2, Wp1, bp1, g1, be1, Wp2, bp2, g2, be2, Wp3, bp3):
    src = edge_index[0].astype(jnp.int32)
    dst = edge_index[1].astype(jnp.int32)
    row = edge_label_index[0].astype(jnp.int32)
    col = edge_label_index[1].astype(jnp.int32)

    eye4 = jnp.eye(HEADS, dtype=jnp.float32)
    asb = (eye4[:, None, :] * a1s[:, :, None]).reshape(HEADS * HID, HEADS)
    adb = (eye4[:, None, :] * a1d[:, :, None]).reshape(HEADS * HID, HEADS)
    acat = jnp.concatenate([asb, adb], axis=1)
    a2cat = jnp.concatenate([a2s, a2d], axis=0).T
    zer = jnp.zeros((RPT, 128), jnp.float32)
    zer1 = jnp.zeros((CPT,), jnp.float32)

    t1, esed1 = pl.pallas_call(
        _tc1_body,
        grid=(N // NBLK,),
        in_specs=[
            pl.BlockSpec((NBLK, F_IN), lambda i: (i, 0)),
            pl.BlockSpec((F_IN, HEADS * HID), lambda i: (0, 0)),
            pl.BlockSpec((HEADS * HID, 8), lambda i: (0, 0)),
        ],
        out_specs=[
            pl.BlockSpec((8, NBLK, 128), lambda i: (0, i, 0)),
            pl.BlockSpec((NBLK, 8), lambda i: (i, 0)),
        ],
        out_shape=[
            jax.ShapeDtypeStruct((8, N, 128), jnp.float32),
            jax.ShapeDtypeStruct((N, 8), jnp.float32),
        ],
    )(x, W1, acat)

    out1p, ssum1 = _sc_l1()(t1.reshape(8 * N, 128), esed1.T.reshape(8 * N),
                            src, dst, zer, zer1)
    ssum1t = ssum1.reshape(4, NP)[:, :N].T

    t2, esed2 = pl.pallas_call(
        _tc2_body,
        grid=(N // NBLK,),
        in_specs=[
            pl.BlockSpec((8, NBLK, 128), lambda i: (0, i, 0)),
            pl.BlockSpec((NBLK, HEADS), lambda i: (i, 0)),
            pl.BlockSpec((1, HEADS * HID), lambda i: (0, 0)),
            pl.BlockSpec((HEADS * HID, OUT), lambda i: (0, 0)),
            pl.BlockSpec((OUT, 2), lambda i: (0, 0)),
        ],
        out_specs=[
            pl.BlockSpec((NBLK, OUT), lambda i: (i, 0)),
            pl.BlockSpec((NBLK, 2), lambda i: (i, 0)),
        ],
        out_shape=[
            jax.ShapeDtypeStruct((N, OUT), jnp.float32),
            jax.ShapeDtypeStruct((N, 2), jnp.float32),
        ],
    )(out1p.reshape(8, N, 128), ssum1t, b1.reshape(1, HEADS * HID), W2,
      a2cat)

    out2p, ssum2 = _sc_l2()(t2, esed2.T.reshape(2 * N), src, dst, zer,
                            zer1)
    ssum2t = ssum2.reshape(2, NP)[:, :N].T

    u, v = pl.pallas_call(
        _tc3_body,
        grid=(N // NBLK,),
        in_specs=[
            pl.BlockSpec((2, NBLK, OUT), lambda i: (0, i, 0)),
            pl.BlockSpec((NBLK, 2), lambda i: (i, 0)),
            pl.BlockSpec((1, OUT), lambda i: (0, 0)),
            pl.BlockSpec((2 * OUT, HID), lambda i: (0, 0)),
        ],
        out_specs=[
            pl.BlockSpec((NBLK, HID), lambda i: (i, 0)),
            pl.BlockSpec((NBLK, HID), lambda i: (i, 0)),
        ],
        out_shape=[
            jax.ShapeDtypeStruct((N, HID), jnp.float32),
            jax.ShapeDtypeStruct((N, HID), jnp.float32),
        ],
    )(out2p.reshape(2, N, 128), ssum2t, b2.reshape(1, OUT), Wp1)

    ef = _sc_dec()(u, v, row, col)

    inv = 1.0 / jnp.sqrt(jnp.float32(1.0 + 1e-5))
    s1 = (g1 * inv).reshape(1, HID)
    s2 = (g2 * inv).reshape(1, 32)
    out = pl.pallas_call(
        _tc4_body,
        grid=(EQ // MLP_BLK,),
        in_specs=[
            pl.BlockSpec((MLP_BLK, 2 * OUT), lambda i: (i, 0)),
            pl.BlockSpec((1, HID), lambda i: (0, 0)),
            pl.BlockSpec((1, HID), lambda i: (0, 0)),
            pl.BlockSpec((1, HID), lambda i: (0, 0)),
            pl.BlockSpec((HID, 32), lambda i: (0, 0)),
            pl.BlockSpec((1, 32), lambda i: (0, 0)),
            pl.BlockSpec((1, 32), lambda i: (0, 0)),
            pl.BlockSpec((1, 32), lambda i: (0, 0)),
            pl.BlockSpec((32, 1), lambda i: (0, 0)),
            pl.BlockSpec((1, 1), lambda i: (0, 0)),
        ],
        out_specs=pl.BlockSpec((MLP_BLK, 1), lambda i: (i, 0)),
        out_shape=jax.ShapeDtypeStruct((EQ, 1), jnp.float32),
    )(ef, bp1.reshape(1, HID), s1, be1.reshape(1, HID), Wp2,
      bp2.reshape(1, 32), s2, be2.reshape(1, 32), Wp3, bp3.reshape(1, 1))
    return out.reshape(EQ)

# --- scband reference (transcript-rebuilt; emitter-appended) ---
"""Pipeline reference for scband-improved-gatedge-predictor-2430951490116 (READ-ONLY COPY).

The authoritative reference and input builder live on the scoring server;
editing this copy changes nothing except your own understanding.
"""

import jax, jax.numpy as jnp
import numpy as np

N = 10000
E = 320000
EQ = 65536
F_IN = 128
HID = 256
OUT = 128
HEADS = 4


def setup_inputs(seed: int = 0) -> dict:
    key = jax.random.key(seed)
    ks = jax.random.split(key, 24)
    s = 0.05
    return {
        "x": jax.random.normal(ks[0], (N, F_IN), dtype=jnp.float32),
        "edge_index": jax.random.randint(ks[1], (2, E), 0, N, dtype=jnp.int64),
        "edge_label_index": jax.random.randint(ks[2], (2, EQ), 0, N, dtype=jnp.int64),
        "W1": jax.random.normal(ks[3], (F_IN, HEADS * HID), dtype=jnp.float32) * s,
        "a1s": jax.random.normal(ks[4], (HEADS, HID), dtype=jnp.float32) * s,
        "a1d": jax.random.normal(ks[5], (HEADS, HID), dtype=jnp.float32) * s,
        "b1": jnp.zeros((HEADS * HID,), dtype=jnp.float32),
        "W2": jax.random.normal(ks[6], (HEADS * HID, OUT), dtype=jnp.float32) * s,
        "a2s": jax.random.normal(ks[7], (1, OUT), dtype=jnp.float32) * s,
        "a2d": jax.random.normal(ks[8], (1, OUT), dtype=jnp.float32) * s,
        "b2": jnp.zeros((OUT,), dtype=jnp.float32),
        "Wp1": jax.random.normal(ks[9], (2 * OUT, HID), dtype=jnp.float32) * s,
        "bp1": jnp.zeros((HID,), dtype=jnp.float32),
        "g1": jnp.ones((HID,), dtype=jnp.float32),
        "be1": jnp.zeros((HID,), dtype=jnp.float32),
        "Wp2": jax.random.normal(ks[10], (HID, 32), dtype=jnp.float32) * s,
        "bp2": jnp.zeros((32,), dtype=jnp.float32),
        "g2": jnp.ones((32,), dtype=jnp.float32),
        "be2": jnp.zeros((32,), dtype=jnp.float32),
        "Wp3": jax.random.normal(ks[11], (32, 1), dtype=jnp.float32) * s,
        "bp3": jnp.zeros((1,), dtype=jnp.float32),
    }


def _gat(x, src, dst, W, a_s, a_d, b, heads, C, concat, n):
    h = (x @ W).reshape(n, heads, C)
    es = jnp.sum(h * a_s[None], axis=-1)
    ed = jnp.sum(h * a_d[None], axis=-1)
    e = jax.nn.leaky_relu(es[src] + ed[dst], 0.2)
    m = jax.lax.stop_gradient(jax.ops.segment_max(e, dst, num_segments=n))
    m = jnp.where(jnp.isfinite(m), m, 0.0)
    p = jnp.exp(e - m[dst])
    ssum = jax.ops.segment_sum(p, dst, num_segments=n)
    alpha = p / (ssum[dst] + 1e-16)
    out = jax.ops.segment_sum(h[src] * alpha[:, :, None], dst, num_segments=n)
    if concat:
        out = out.reshape(n, heads * C)
    else:
        out = out.mean(axis=1)
    return out + b


def _bn_eval(x, g, b):
    # eval-mode BatchNorm1d with running_mean=0, running_var=1, eps=1e-5
    return x / jnp.sqrt(1.0 + 1e-5) * g + b


def reference(x, edge_index, edge_label_index, W1, a1s, a1d, b1, W2, a2s, a2d, b2, Wp1, bp1, g1, be1, Wp2, bp2, g2, be2, Wp3, bp3):
    n = x.shape[0]
    src, dst = edge_index[0], edge_index[1]
    # encode (dropout skipped: eval mode)
    z = _gat(x, src, dst, W1, a1s, a1d, b1, HEADS, HID, True, n)
    z = jax.nn.elu(z)
    z = _gat(z, src, dst, W2, a2s, a2d, b2, 1, OUT, False, n)
    # decode
    row, col = edge_label_index[0], edge_label_index[1]
    ef = jnp.concatenate([z[row], z[col]], axis=-1)
    h = jax.nn.relu(_bn_eval(ef @ Wp1 + bp1, g1, be1))
    h = jax.nn.relu(_bn_eval(h @ Wp2 + bp2, g2, be2))
    out = (h @ Wp3 + bp3).squeeze(-1)
    return out

if __name__ == "__main__":
    import jax
    _d = setup_inputs()
    print(jax.jit(kernel)(*tuple(_d.values())))

</pallas_src>

<mosaic_0001>
#map = affine_map<(d0, d1) -> (0, 0)>
#map1 = affine_map<(d0, d1) -> (0)>
module attributes {stable_mosaic.version = 14 : i64} {
  func.func @_sc_dec_body(%arg0: i32, %arg1: i32, %arg2: memref<10000x256xf32, #tpu.memory_space<hbm>>, %arg3: memref<10000x256xf32, #tpu.memory_space<hbm>>, %arg4: memref<65536xi32, #tpu.memory_space<hbm>>, %arg5: memref<65536xi32, #tpu.memory_space<hbm>>, %arg6: memref<65536x256xf32, #tpu.memory_space<hbm>>, %arg7: memref<2048xi32, #tpu.memory_space<vmem>>, %arg8: memref<2048xi32, #tpu.memory_space<vmem>>, %arg9: memref<64x256xf32, #tpu.memory_space<vmem>>, %arg10: memref<64x256xf32, #tpu.memory_space<vmem>>, %arg11: memref<!tpu.dma_semaphore, #tpu.memory_space<semaphore_mem>>, %arg12: memref<!tpu.dma_semaphore, #tpu.memory_space<semaphore_mem>>) attributes {dimension_semantics = [#tpu.dimension_semantics<core_parallel>, #tpu.dimension_semantics<subcore_parallel>], iteration_bounds = array<i64: 2, 16>, scalar_prefetch = 0 : i64, scratch_operands = 6 : i64, tpu.core_type = #tpu.core_type<sc_vector_subcore>, window_params = [{transform_indices = #map}, {transform_indices = #map}, {transform_indices = #map1}, {transform_indices = #map1}, {transform_indices = #map}]} {
    %mul3A = arith.constant 16 : i32
    %mul3A_0 = arith.muli %arg0, %mul3A : i32
    %add3A = arith.addi %mul3A_0, %arg1 : i32
    %mul3A_1 = arith.constant 2048 : i32
    %mul3A_2 = arith.muli %add3A, %mul3A_1 : i32
    "tpu.region"() ({
      %run_scoped3A = tpu.sem_alloc : memref<!tpu.dma_semaphore, #tpu.memory_space<semaphore_mem>>
      %dma_start3A = tpu.memref_slice %arg4[%mul3A_2] : memref<65536xi32, #tpu.memory_space<hbm>> -> memref<2048xi32, #tpu.memory_space<hbm>>
      %dma_start3A_9 = tpu.memref_slice %arg4[%mul3A_2] : memref<65536xi32, #tpu.memory_space<hbm>> -> memref<2048xi32, #tpu.memory_space<hbm>>
      tpu.enqueue_dma source(%dma_start3A_9 : memref<2048xi32, #tpu.memory_space<hbm>>) target(%arg7 : memref<2048xi32, #tpu.memory_space<vmem>>) target_semaphore(%run_scoped3A : memref<!tpu.dma_semaphore, #tpu.memory_space<semaphore_mem>>)
      %dma_wait3A = tpu.memref_slice %arg4[%mul3A_2] : memref<65536xi32, #tpu.memory_space<hbm>> -> memref<2048xi32, #tpu.memory_space<hbm>>
      %dma_wait3A_10 = tpu.memref_slice %arg4[%mul3A_2] : memref<65536xi32, #tpu.memory_space<hbm>> -> memref<2048xi32, #tpu.memory_space<hbm>>
      tpu.wait_dma2 semaphore(%run_scoped3A : memref<!tpu.dma_semaphore, #tpu.memory_space<semaphore_mem>>) src(%dma_wait3A_10 : memref<2048xi32, #tpu.memory_space<hbm>>) dst(%arg7 : memref<2048xi32, #tpu.memory_space<vmem>>)
      tpu.yield
    }) : () -> ()
    "tpu.region"() ({
      %run_scoped3A = tpu.sem_alloc : memref<!tpu.dma_semaphore, #tpu.memory_space<semaphore_mem>>
      %dma_start3A = tpu.memref_slice %arg5[%mul3A_2] : memref<65536xi32, #tpu.memory_space<hbm>> -> memref<2048xi32, #tpu.memory_space<hbm>>
      %dma_start3A_9 = tpu.memref_slice %arg5[%mul3A_2] : memref<65536xi32, #tpu.memory_space<hbm>> -> memref<2048xi32, #tpu.memory_space<hbm>>
      tpu.enqueue_dma source(%dma_start3A_9 : memref<2048xi32, #tpu.memory_space<hbm>>) target(%arg8 : memref<2048xi32, #tpu.memory_space<vmem>>) target_semaphore(%run_scoped3A : memref<!tpu.dma_semaphore, #tpu.memory_space<semaphore_mem>>)
      %dma_wait3A = tpu.memref_slice %arg5[%mul3A_2] : memref<65536xi32, #tpu.memory_space<hbm>> -> memref<2048xi32, #tpu.memory_space<hbm>>
      %dma_wait3A_10 = tpu.memref_slice %arg5[%mul3A_2] : memref<65536xi32, #tpu.memory_space<hbm>> -> memref<2048xi32, #tpu.memory_space<hbm>>
      tpu.wait_dma2 semaphore(%run_scoped3A : memref<!tpu.dma_semaphore, #tpu.memory_space<semaphore_mem>>) src(%dma_wait3A_10 : memref<2048xi32, #tpu.memory_space<hbm>>) dst(%arg8 : memref<2048xi32, #tpu.memory_space<vmem>>)
      tpu.yield
    }) : () -> ()
    %scan3A = arith.constant 0 : i32
    %scan3A_3 = arith.constant 0 : i32
    %scan3A_4 = arith.constant 32 : i32
    %scan3A_5 = arith.addi %scan3A_3, %scan3A_4 : i32
    %scan3A_6 = arith.constant 1 : i32
    %scan3A_7 = scf.for %scan3A_9 = %scan3A_3 to %scan3A_5 step %scan3A_6 iter_args(%scan3A_10 = %scan3A) -> (i32)  : i32 {
      %mul3A_11 = arith.constant 64 : i32
      %mul3A_12 = arith.muli %scan3A_9, %mul3A_11 : i32
      %dma_start3A = tpu.memref_slice %arg7[%mul3A_12] : memref<2048xi32, #tpu.memory_space<vmem>> -> memref<64xi32, #tpu.memory_space<vmem>>
      %dma_start3A_13 = arith.constant 0 : i32
      %dma_start3A_14 = arith.constant 0 : i32
      %dma_start3A_15 = tpu.memref_slice %arg2[%dma_start3A_13, %dma_start3A_14] : memref<10000x256xf32, #tpu.memory_space<hbm>> -> memref<10000x256xf32, #tpu.memory_space<hbm>>
      tpu.enqueue_indirect_dma source(%dma_start3A_15 : memref<10000x256xf32, #tpu.memory_space<hbm>>) target(%arg9 : memref<64x256xf32, #tpu.memory_space<vmem>>) offsets(%dma_start3A : memref<64xi32, #tpu.memory_space<vmem>>) semaphore(%arg11 : memref<!tpu.dma_semaphore, #tpu.memory_space<semaphore_mem>>)
      %dma_start3A_16 = tpu.memref_slice %arg8[%mul3A_12] : memref<2048xi32, #tpu.memory_space<vmem>> -> memref<64xi32, #tpu.memory_space<vmem>>
      %dma_start3A_17 = arith.constant 0 : i32
      %dma_start3A_18 = arith.constant 0 : i32
      %dma_start3A_19 = tpu.memref_slice %arg3[%dma_start3A_17, %dma_start3A_18] : memref<10000x256xf32, #tpu.memory_space<hbm>> -> memref<10000x256xf32, #tpu.memory_space<hbm>>
      tpu.enqueue_indirect_dma source(%dma_start3A_19 : memref<10000x256xf32, #tpu.memory_space<hbm>>) target(%arg10 : memref<64x256xf32, #tpu.memory_space<vmem>>) offsets(%dma_start3A_16 : memref<64xi32, #tpu.memory_space<vmem>>) semaphore(%arg12 : memref<!tpu.dma_semaphore, #tpu.memory_space<semaphore_mem>>)
      %dma_wait3A = tpu.memref_slice %arg7[%mul3A_12] : memref<2048xi32, #tpu.memory_space<vmem>> -> memref<64xi32, #tpu.memory_space<vmem>>
      %dma_wait3A_20 = arith.constant 0 : i32
      %dma_wait3A_21 = arith.constant 0 : i32
      %dma_wait3A_22 = tpu.memref_slice %arg2[%dma_wait3A_20, %dma_wait3A_21] : memref<10000x256xf32, #tpu.memory_space<hbm>> -> memref<10000x256xf32, #tpu.memory_space<hbm>>
      tpu.wait_indirect_dma semaphore(%arg11 : memref<!tpu.dma_semaphore, #tpu.memory_space<semaphore_mem>>) src(%dma_wait3A_22 : memref<10000x256xf32, #tpu.memory_space<hbm>>) dst(%arg9 : memref<64x256xf32, #tpu.memory_space<vmem>>)
      %dma_wait3A_23 = tpu.memref_slice %arg8[%mul3A_12] : memref<2048xi32, #tpu.memory_space<vmem>> -> memref<64xi32, #tpu.memory_space<vmem>>
      %dma_wait3A_24 = arith.constant 0 : i32
      %dma_wait3A_25 = arith.constant 0 : i32
      %dma_wait3A_26 = tpu.memref_slice %arg3[%dma_wait3A_24, %dma_wait3A_25] : memref<10000x256xf32, #tpu.memory_space<hbm>> -> memref<10000x256xf32, #tpu.memory_space<hbm>>
      tpu.wait_indirect_dma semaphore(%arg12 : memref<!tpu.dma_semaphore, #tpu.memory_space<semaphore_mem>>) src(%dma_wait3A_26 : memref<10000x256xf32, #tpu.memory_space<hbm>>) dst(%arg10 : memref<64x256xf32, #tpu.memory_space<vmem>>)
      %scan3A_27 = arith.constant 0 : i32
      %scan3A_28 = arith.constant 0 : i32
      %scan3A_29 = arith.constant 64 : i32
      %scan3A_30 = arith.addi %scan3A_28, %scan3A_29 : i32
      %scan3A_31 = arith.constant 1 : i32
      %scan3A_32 = scf.for %scan3A_36 = %scan3A_28 to %scan3A_30 step %scan3A_31 iter_args(%scan3A_37 = %scan3A_27) -> (i32)  : i32 {
        %get3A = arith.index_cast %scan3A_36 : i32 to index
        %get3A_38 = arith.constant 0 : index
        %get3A_39 = tpu.vector_load %arg9[%get3A, %get3A_38] {strides = array<i32>} : memref<64x256xf32, #tpu.memory_space<vmem>>, vector<16xf32>,
        %get3A_40 = arith.index_cast %scan3A_36 : i32 to index
        %get3A_41 = arith.constant 0 : index
        %get3A_42 = tpu.vector_load %arg10[%get3A_40, %get3A_41] {strides = array<i32>} : memref<64x256xf32, #tpu.memory_space<vmem>>, vector<16xf32>,
        %add3A_43 = arith.addf %get3A_39, %get3A_42 : vector<16xf32>
        %swap3A = arith.index_cast %scan3A_36 : i32 to index
        %swap3A_44 = arith.constant 0 : index
        %swap3A_45 = tpu.vector_load %arg9[%swap3A, %swap3A_44] {strides = array<i32>} : memref<64x256xf32, #tpu.memory_space<vmem>>, vector<16xf32>,
        tpu.vector_store %arg9[%swap3A, %swap3A_44], %add3A_43 {strides = array<i32>} : memref<64x256xf32, #tpu.memory_space<vmem>>, vector<16xf32>,
        %get3A_46 = arith.index_cast %scan3A_36 : i32 to index
        %get3A_47 = arith.constant 16 : index
        %get3A_48 = tpu.vector_load %arg9[%get3A_46, %get3A_47] {strides = array<i32>} : memref<64x256xf32, #tpu.memory_space<vmem>>, vector<16xf32>,
        %get3A_49 = arith.index_cast %scan3A_36 : i32 to index
        %get3A_50 = arith.constant 16 : index
        %get3A_51 = tpu.vector_load %arg10[%get3A_49, %get3A_50] {strides = array<i32>} : memref<64x256xf32, #tpu.memory_space<vmem>>, vector<16xf32>,
        %add3A_52 = arith.addf %get3A_48, %get3A_51 : vector<16xf32>
        %swap3A_53 = arith.index_cast %scan3A_36 : i32 to index
        %swap3A_54 = arith.constant 16 : index
        %swap3A_55 = tpu.vector_load %arg9[%swap3A_53, %swap3A_54] {strides = array<i32>} : memref<64x256xf32, #tpu.memory_space<vmem>>, vector<16xf32>,
        tpu.vector_store %arg9[%swap3A_53, %swap3A_54], %add3A_52 {strides = array<i32>} : memref<64x256xf32, #tpu.memory_space<vmem>>, vector<16xf32>,
        %get3A_56 = arith.index_cast %scan3A_36 : i32 to index
        %get3A_57 = arith.constant 32 : index
        %get3A_58 = tpu.vector_load %arg9[%get3A_56, %get3A_57] {strides = array<i32>} : memref<64x256xf32, #tpu.memory_space<vmem>>, vector<16xf32>,
        %get3A_59 = arith.index_cast %scan3A_36 : i32 to index
        %get3A_60 = arith.constant 32 : index
        %get3A_61 = tpu.vector_load %arg10[%get3A_59, %get3A_60] {strides = array<i32>} : memref<64x256xf32, #tpu.memory_space<vmem>>, vector<16xf32>,
        %add3A_62 = arith.addf %get3A_58, %get3A_61 : vector<16xf32>
        %swap3A_63 = arith.index_cast %scan3A_36 : i32 to index
        %swap3A_64 = arith.constant 32 : index
        %swap3A_65 = tpu.vector_load %arg9[%swap3A_63, %swap3A_64] {strides = array<i32>} : memref<64x256xf32, #tpu.memory_space<vmem>>, vector<16xf32>,
        tpu.vector_store %arg9[%swap3A_63, %swap3A_64], %add3A_62 {strides = array<i32>} : memref<64x256xf32, #tpu.memory_space<vmem>>, vector<16xf32>,
        %get3A_66 = arith.index_cast %scan3A_36 : i32 to index
        %get3A_67 = arith.constant 48 : index
        %get3A_68 = tpu.vector_load %arg9[%get3A_66, %get3A_67] {strides = array<i32>} : memref<64x256xf32, #tpu.memory_space<vmem>>, vector<16xf32>,
        %get3A_69 = arith.index_cast %scan3A_36 : i32 to index
        %get3A_70 = arith.constant 48 : index
        %get3A_71 = tpu.vector_load %arg10[%get3A_69, %get3A_70] {strides = array<i32>} : memref<64x256xf32, #tpu.memory_space<vmem>>, vector<16xf32>,
        %add3A_72 = arith.addf %get3A_68, %get3A_71 : vector<16xf32>
        %swap3A_73 = arith.index_cast %scan3A_36 : i32 to index
        %swap3A_74 = arith.constant 48 : index
        %swap3A_75 = tpu.vector_load %arg9[%swap3A_73, %swap3A_74] {strides = array<i32>} : memref<64x256xf32, #tpu.memory_space<vmem>>, vector<16xf32>,
        tpu.vector_store %arg9[%swap3A_73, %swap3A_74], %add3A_72 {strides = array<i32>} : memref<64x256xf32, #tpu.memory_space<vmem>>, vector<16xf32>,
        %get3A_76 = arith.index_cast %scan3A_36 : i32 to index
        %get3A_77 = arith.constant 64 : index
        %get3A_78 = tpu.vector_load %arg9[%get3A_76, %get3A_77] {strides = array<i32>} : memref<64x256xf32, #tpu.memory_space<vmem>>, vector<16xf32>,
        %get3A_79 = arith.index_cast %scan3A_36 : i32 to index
        %get3A_80 = arith.constant 64 : index
        %get3A_81 = tpu.vector_load %arg10[%get3A_79, %get3A_80] {strides = array<i32>} : memref<64x256xf32, #tpu.memory_space<vmem>>, vector<16xf32>,
        %add3A_82 = arith.addf %get3A_78, %get3A_81 : vector<16xf32>
        %swap3A_83 = arith.index_cast %scan3A_36 : i32 to index
        %swap3A_84 = arith.constant 64 : index
        %swap3A_85 = tpu.vector_load %arg9[%swap3A_83, %swap3A_84] {strides = array<i32>} : memref<64x256xf32, #tpu.memory_space<vmem>>, vector<16xf32>,
        tpu.vector_store %arg9[%swap3A_83, %swap3A_84], %add3A_82 {strides = array<i32>} : memref<64x256xf32, #tpu.memory_space<vmem>>, vector<16xf32>,
        %get3A_86 = arith.index_cast %scan3A_36 : i32 to index
        %get3A_87 = arith.constant 80 : index
        %get3A_88 = tpu.vector_load %arg9[%get3A_86, %get3A_87] {strides = array<i32>} : memref<64x256xf32, #tpu.memory_space<vmem>>, vector<16xf32>,
        %get3A_89 = arith.index_cast %scan3A_36 : i32 to index
        %get3A_90 = arith.constant 80 : index
        %get3A_91 = tpu.vector_load %arg10[%get3A_89, %get3A_90] {strides = array<i32>} : memref<64x256xf32, #tpu.memory_space<vmem>>, vector<16xf32>,
        %add3A_92 = arith.addf %get3A_88, %get3A_91 : vector<16xf32>
        %swap3A_93 = arith.index_cast %scan3A_36 : i32 to index
        %swap3A_94 = arith.constant 80 : index
        %swap3A_95 = tpu.vector_load %arg9[%swap3A_93, %swap3A_94] {strides = array<i32>} : memref<64x256xf32, #tpu.memory_space<vmem>>, vector<16xf32>,
        tpu.vector_store %arg9[%swap3A_93, %swap3A_94], %add3A_92 {strides = array<i32>} : memref<64x256xf32, #tpu.memory_space<vmem>>, vector<16xf32>,
        %get3A_96 = arith.index_cast %scan3A_36 : i32 to index
        %get3A_97 = arith.constant 96 : index
        %get3A_98 = tpu.vector_load %arg9[%get3A_96, %get3A_97] {strides = array<i32>} : memref<64x256xf32, #tpu.memory_space<vmem>>, vector<16xf32>,
        %get3A_99 = arith.index_cast %scan3A_36 : i32 to index
        %get3A_100 = arith.constant 96 : index
        %get3A_101 = tpu.vector_load %arg10[%get3A_99, %get3A_100] {strides = array<i32>} : memref<64x256xf32, #tpu.memory_space<vmem>>, vector<16xf32>,
        %add3A_102 = arith.addf %get3A_98, %get3A_101 : vector<16xf32>
        %swap3A_103 = arith.index_cast %scan3A_36 : i32 to index
        %swap3A_104 = arith.constant 96 : index
        %swap3A_105 = tpu.vector_load %arg9[%swap3A_103, %swap3A_104] {strides = array<i32>} : memref<64x256xf32, #tpu.memory_space<vmem>>, vector<16xf32>,
        tpu.vector_store %arg9[%swap3A_103, %swap3A_104], %add3A_102 {strides = array<i32>} : memref<64x256xf32, #tpu.memory_space<vmem>>, vector<16xf32>,
        %get3A_106 = arith.index_cast %scan3A_36 : i32 to index
        %get3A_107 = arith.constant 112 : index
        %get3A_108 = tpu.vector_load %arg9[%get3A_106, %get3A_107] {strides = array<i32>} : memref<64x256xf32, #tpu.memory_space<vmem>>, vector<16xf32>,
        %get3A_109 = arith.index_cast %scan3A_36 : i32 to index
        %get3A_110 = arith.constant 112 : index
        %get3A_111 = tpu.vector_load %arg10[%get3A_109, %get3A_110] {strides = array<i32>} : memref<64x256xf32, #tpu.memory_space<vmem>>, vector<16xf32>,
        %add3A_112 = arith.addf %get3A_108, %get3A_111 : vector<16xf32>
        %swap3A_113 = arith.index_cast %scan3A_36 : i32 to index
        %swap3A_114 = arith.constant 112 : index
        %swap3A_115 = tpu.vector_load %arg9[%swap3A_113, %swap3A_114] {strides = array<i32>} : memref<64x256xf32, #tpu.memory_space<vmem>>, vector<16xf32>,
        tpu.vector_store %arg9[%swap3A_113, %swap3A_114], %add3A_112 {strides = array<i32>} : memref<64x256xf32, #tpu.memory_space<vmem>>, vector<16xf32>,
        %get3A_116 = arith.index_cast %scan3A_36 : i32 to index
        %get3A_117 = arith.constant 128 : index
        %get3A_118 = tpu.vector_load %arg9[%get3A_116, %get3A_117] {strides = array<i32>} : memref<64x256xf32, #tpu.memory_space<vmem>>, vector<16xf32>,
        %get3A_119 = arith.index_cast %scan3A_36 : i32 to index
        %get3A_120 = arith.constant 128 : index
        %get3A_121 = tpu.vector_load %arg10[%get3A_119, %get3A_120] {strides = array<i32>} : memref<64x256xf32, #tpu.memory_space<vmem>>, vector<16xf32>,
        %add3A_122 = arith.addf %get3A_118, %get3A_121 : vector<16xf32>
        %swap3A_123 = arith.index_cast %scan3A_36 : i32 to index
        %swap3A_124 = arith.constant 128 : index
        %swap3A_125 = tpu.vector_load %arg9[%swap3A_123, %swap3A_124] {strides = array<i32>} : memref<64x256xf32, #tpu.memory_space<vmem>>, vector<16xf32>,
        tpu.vector_store %arg9[%swap3A_123, %swap3A_124], %add3A_122 {strides = array<i32>} : memref<64x256xf32, #tpu.memory_space<vmem>>, vector<16xf32>,
        %get3A_126 = arith.index_cast %scan3A_36 : i32 to index
        %get3A_127 = arith.constant 144 : index
        %get3A_128 = tpu.vector_load %arg9[%get3A_126, %get3A_127] {strides = array<i32>} : memref<64x256xf32, #tpu.memory_space<vmem>>, vector<16xf32>,
        %get3A_129 = arith.index_cast %scan3A_36 : i32 to index
        %get3A_130 = arith.constant 144 : index
        %get3A_131 = tpu.vector_load %arg10[%get3A_129, %get3A_130] {strides = array<i32>} : memref<64x256xf32, #tpu.memory_space<vmem>>, vector<16xf32>,
        %add3A_132 = arith.addf %get3A_128, %get3A_131 : vector<16xf32>
        %swap3A_133 = arith.index_cast %scan3A_36 : i32 to index
        %swap3A_134 = arith.constant 144 : index
        %swap3A_135 = tpu.vector_load %arg9[%swap3A_133, %swap3A_134] {strides = array<i32>} : memref<64x256xf32, #tpu.memory_space<vmem>>, vector<16xf32>,
        tpu.vector_store %arg9[%swap3A_133, %swap3A_134], %add3A_132 {strides = array<i32>} : memref<64x256xf32, #tpu.memory_space<vmem>>, vector<16xf32>,
        %get3A_136 = arith.index_cast %scan3A_36 : i32 to index
        %get3A_137 = arith.constant 160 : index
        %get3A_138 = tpu.vector_load %arg9[%get3A_136, %get3A_137] {strides = array<i32>} : memref<64x256xf32, #tpu.memory_space<vmem>>, vector<16xf32>,
        %get3A_139 = arith.index_cast %scan3A_36 : i32 to index
        %get3A_140 = arith.constant 160 : index
        %get3A_141 = tpu.vector_load %arg10[%get3A_139, %get3A_140] {strides = array<i32>} : memref<64x256xf32, #tpu.memory_space<vmem>>, vector<16xf32>,
        %add3A_142 = arith.addf %get3A_138, %get3A_141 : vector<16xf32>
        %swap3A_143 = arith.index_cast %scan3A_36 : i32 to index
        %swap3A_144 = arith.constant 160 : index
        %swap3A_145 = tpu.vector_load %arg9[%swap3A_143, %swap3A_144] {strides = array<i32>} : memref<64x256xf32, #tpu.memory_space<vmem>>, vector<16xf32>,
        tpu.vector_store %arg9[%swap3A_143, %swap3A_144], %add3A_142 {strides = array<i32>} : memref<64x256xf32, #tpu.memory_space<vmem>>, vector<16xf32>,
        %get3A_146 = arith.index_cast %scan3A_36 : i32 to index
        %get3A_147 = arith.constant 176 : index
        %get3A_148 = tpu.vector_load %arg9[%get3A_146, %get3A_147] {strides = array<i32>} : memref<64x256xf32, #tpu.memory_space<vmem>>, vector<16xf32>,
        %get3A_149 = arith.index_cast %scan3A_36 : i32 to index
        %get3A_150 = arith.constant 176 : index
        %get3A_151 = tpu.vector_load %arg10[%get3A_149, %get3A_150] {strides = array<i32>} : memref<64x256xf32, #tpu.memory_space<vmem>>, vector<16xf32>,
        %add3A_152 = arith.addf %get3A_148, %get3A_151 : vector<16xf32>
        %swap3A_153 = arith.index_cast %scan3A_36 : i32 to index
        %swap3A_154 = arith.constant 176 : index
        %swap3A_155 = tpu.vector_load %arg9[%swap3A_153, %swap3A_154] {strides = array<i32>} : memref<64x256xf32, #tpu.memory_space<vmem>>, vector<16xf32>,
        tpu.vector_store %arg9[%swap3A_153, %swap3A_154], %add3A_152 {strides = array<i32>} : memref<64x256xf32, #tpu.memory_space<vmem>>, vector<16xf32>,
        %get3A_156 = arith.index_cast %scan3A_36 : i32 to index
        %get3A_157 = arith.constant 192 : index
        %get3A_158 = tpu.vector_load %arg9[%get3A_156, %get3A_157] {strides = array<i32>} : memref<64x256xf32, #tpu.memory_space<vmem>>, vector<16xf32>,
        %get3A_159 = arith.index_cast %scan3A_36 : i32 to index
        %get3A_160 = arith.constant 192 : index
        %get3A_161 = tpu.vector_load %arg10[%get3A_159, %get3A_160] {strides = array<i32>} : memref<64x256xf32, #tpu.memory_space<vmem>>, vector<16xf32>,
        %add3A_162 = arith.addf %get3A_158, %get3A_161 : vector<16xf32>
        %swap3A_163 = arith.index_cast %scan3A_36 : i32 to index
        %swap3A_164 = arith.constant 192 : index
        %swap3A_165 = tpu.vector_load %arg9[%swap3A_163, %swap3A_164] {strides = array<i32>} : memref<64x256xf32, #tpu.memory_space<vmem>>, vector<16xf32>,
        tpu.vector_store %arg9[%swap3A_163, %swap3A_164], %add3A_162 {strides = array<i32>} : memref<64x256xf32, #tpu.memory_space<vmem>>, vector<16xf32>,
        %get3A_166 = arith.index_cast %scan3A_36 : i32 to index
        %get3A_167 = arith.constant 208 : index
        %get3A_168 = tpu.vector_load %arg9[%get3A_166, %get3A_167] {strides = array<i32>} : memref<64x256xf32, #tpu.memory_space<vmem>>, vector<16xf32>,
        %get3A_169 = arith.index_cast %scan3A_36 : i32 to index
        %get3A_170 = arith.constant 208 : index
        %get3A_171 = tpu.vector_load %arg10[%get3A_169, %get3A_170] {strides = array<i32>} : memref<64x256xf32, #tpu.memory_space<vmem>>, vector<16xf32>,
        %add3A_172 = arith.addf %get3A_168, %get3A_171 : vector<16xf32>
        %swap3A_173 = arith.index_cast %scan3A_36 : i32 to index
        %swap3A_174 = arith.constant 208 : index
        %swap3A_175 = tpu.vector_load %arg9[%swap3A_173, %swap3A_174] {strides = array<i32>} : memref<64x256xf32, #tpu.memory_space<vmem>>, vector<16xf32>,
        tpu.vector_store %arg9[%swap3A_173, %swap3A_174], %add3A_172 {strides = array<i32>} : memref<64x256xf32, #tpu.memory_space<vmem>>, vector<16xf32>,
        %get3A_176 = arith.index_cast %scan3A_36 : i32 to index
        %get3A_177 = arith.constant 224 : index
        %get3A_178 = tpu.vector_load %arg9[%get3A_176, %get3A_177] {strides = array<i32>} : memref<64x256xf32, #tpu.memory_space<vmem>>, vector<16xf32>,
        %get3A_179 = arith.index_cast %scan3A_36 : i32 to index
        %get3A_180 = arith.constant 224 : index
        %get3A_181 = tpu.vector_load %arg10[%get3A_179, %get3A_180] {strides = array<i32>} : memref<64x256xf32, #tpu.memory_space<vmem>>, vector<16xf32>,
        %add3A_182 = arith.addf %get3A_178, %get3A_181 : vector<16xf32>
        %swap3A_183 = arith.index_cast %scan3A_36 : i32 to index
        %swap3A_184 = arith.constant 224 : index
        %swap3A_185 = tpu.vector_load %arg9[%swap3A_183, %swap3A_184] {strides = array<i32>} : memref<64x256xf32, #tpu.memory_space<vmem>>, vector<16xf32>,
        tpu.vector_store %arg9[%swap3A_183, %swap3A_184], %add3A_182 {strides = array<i32>} : memref<64x256xf32, #tpu.memory_space<vmem>>, vector<16xf32>,
        %get3A_186 = arith.index_cast %scan3A_36 : i32 to index
        %get3A_187 = arith.constant 240 : index
        %get3A_188 = tpu.vector_load %arg9[%get3A_186, %get3A_187] {strides = array<i32>} : memref<64x256xf32, #tpu.memory_space<vmem>>, vector<16xf32>,
        %get3A_189 = arith.index_cast %scan3A_36 : i32 to index
        %get3A_190 = arith.constant 240 : index
        %get3A_191 = tpu.vector_load %arg10[%get3A_189, %get3A_190] {strides = array<i32>} : memref<64x256xf32, #tpu.memory_space<vmem>>, vector<16xf32>,
        %add3A_192 = arith.addf %get3A_188, %get3A_191 : vector<16xf32>
        %swap3A_193 = arith.index_cast %scan3A_36 : i32 to index
        %swap3A_194 = arith.constant 240 : index
        %swap3A_195 = tpu.vector_load %arg9[%swap3A_193, %swap3A_194] {strides = array<i32>} : memref<64x256xf32, #tpu.memory_space<vmem>>, vector<16xf32>,
        tpu.vector_store %arg9[%swap3A_193, %swap3A_194], %add3A_192 {strides = array<i32>} : memref<64x256xf32, #tpu.memory_space<vmem>>, vector<16xf32>,
        %scan3A_196 = arith.constant 0 : i32
        scf.yield %scan3A_196 : i32
      }
      %scan3A_33 = arith.constant 64 : i32
      %add3A_34 = arith.addi %mul3A_2, %mul3A_12 : i32
      "tpu.region"() ({
        %run_scoped3A = tpu.sem_alloc : memref<!tpu.dma_semaphore, #tpu.memory_space<semaphore_mem>>
        %dma_start3A_36 = arith.constant 0 : i32
        %dma_start3A_37 = tpu.memref_slice %arg6[%add3A_34, %dma_start3A_36] : memref<65536x256xf32, #tpu.memory_space<hbm>> -> memref<64x256xf32, #tpu.memory_space<hbm>>
        %dma_start3A_38 = arith.constant 0 : i32
        %dma_start3A_39 = tpu.memref_slice %arg6[%add3A_34, %dma_start3A_38] : memref<65536x256xf32, #tpu.memory_space<hbm>> -> memref<64x256xf32, #tpu.memory_space<hbm>>
        tpu.enqueue_dma source(%arg9 : memref<64x256xf32, #tpu.memory_space<vmem>>) target(%dma_start3A_39 : memref<64x256xf32, #tpu.memory_space<hbm>>) target_semaphore(%run_scoped3A : memref<!tpu.dma_semaphore, #tpu.memory_space<semaphore_mem>>)
        %dma_wait3A_40 = arith.constant 0 : i32
        %dma_wait3A_41 = tpu.memref_slice %arg6[%add3A_34, %dma_wait3A_40] : memref<65536x256xf32, #tpu.memory_space<hbm>> -> memref<64x256xf32, #tpu.memory_space<hbm>>
        %dma_wait3A_42 = arith.constant 0 : i32
        %dma_wait3A_43 = tpu.memref_slice %arg6[%add3A_34, %dma_wait3A_42] : memref<65536x256xf32, #tpu.memory_space<hbm>> -> memref<64x256xf32, #tpu.memory_space<hbm>>
        tpu.wait_dma2 semaphore(%run_scoped3A : memref<!tpu.dma_semaphore, #tpu.memory_space<semaphore_mem>>) src(%arg9 : memref<64x256xf32, #tpu.memory_space<vmem>>) dst(%dma_wait3A_43 : memref<64x256xf32, #tpu.memory_space<hbm>>)
        tpu.yield
      }) : () -> ()
      %scan3A_35 = arith.constant 0 : i32
      scf.yield %scan3A_35 : i32
    }
    %scan3A_8 = arith.constant 32 : i32
    return
  }
}

#map = affine_map<(d0, d1) -> (0, 0)>
#map1 = affine_map<(d0, d1) -> (0)>
module attributes {stable_mosaic.version = 14 : i64} {
  func.func @_sc_l1_body(%arg0: i32, %arg1: i32, %arg2: memref<80000x128xf32, #tpu.memory_space<hbm>>, %arg3: memref<80000xf32, #tpu.memory_space<hbm>>, %arg4: memref<320000xi32, #tpu.memory_space<hbm>>, %arg5: memref<320000xi32, #tpu.memory_space<hbm>>, %arg6: memref<625x128xf32, #tpu.memory_space<hbm>>, %arg7: memref<640xf32, #tpu.memory_space<hbm>>, %arg8: memref<80000x128xf32, #tpu.memory_space<hbm>>, %arg9: memref<40960xf32, #tpu.memory_space<hbm>>, %arg10: memref<10000xf32, #tpu.memory_space<vmem>>, %arg11: memref<10000xf32, #tpu.memory_space<vmem>>, %arg12: memref<2x2000xi32, #tpu.memory_space<vmem>>, %arg13: memref<2x2000xi32, #tpu.memory_space<vmem>>, %arg14: memref<2x80xf32, #tpu.memory_space<vmem>>, %arg15: memref<2x80xi32, #tpu.memory_space<vmem>>, %arg16: memref<2x80xi32, #tpu.memory_space<vmem>>, %arg17: memref<2x80x128xf32, #tpu.memory_space<vmem>>, %arg18: memref<2x!tpu.dma_semaphore, #tpu.memory_space<semaphore_mem>>, %arg19: memref<2x!tpu.dma_semaphore, #tpu.memory_space<semaphore_mem>>, %arg20: memref<2x!tpu.dma_semaphore, #tpu.memory_space<semaphore_mem>>, %arg21: memref<2x!tpu.dma_semaphore, #tpu.memory_space<semaphore_mem>>, %arg22: memref<10000x128xf32, #tpu.memory_space<vmem_shared>>, %arg23: memref<10240xf32, #tpu.memory_space<vmem_shared>>) attributes {dimension_semantics = [#tpu.dimension_semantics<core_parallel>, #tpu.dimension_semantics<subcore_parallel>], iteration_bounds = array<i64: 2, 16>, scalar_prefetch = 0 : i64, scratch_operands = 14 : i64, tpu.core_type = #tpu.core_type<sc_vector_subcore>, window_params = [{transform_indices = #map}, {transform_indices = #map1}, {transform_indices = #map1}, {transform_indices = #map1}, {transform_indices = #map}, {transform_indices = #map1}, {transform_indices = #map}, {transform_indices = #map1}]} {
    %scan3A = arith.constant 0 : i32
    %scan3A_0 = arith.constant 0 : i32
    %scan3A_1 = arith.constant 4 : i32
    %scan3A_2 = arith.addi %scan3A_0, %scan3A_1 : i32
    %scan3A_3 = arith.constant 1 : i32
    %scan3A_4 = scf.for %scan3A_6 = %scan3A_0 to %scan3A_2 step %scan3A_3 iter_args(%scan3A_7 = %scan3A) -> (i32)  : i32 {
      %mul3A = arith.constant 4 : i32
      %mul3A_8 = arith.muli %arg0, %mul3A : i32
      %add3A = arith.addi %mul3A_8, %scan3A_6 : i32
      %mul3A_9 = arith.constant 2 : i32
      %mul3A_10 = arith.muli %arg0, %mul3A_9 : i32
      %jit3A = arith.constant 2 : i32
      %div3A = arith.divsi %scan3A_6, %jit3A : i32
      %sign3A = arith.constant 0 : i32
      %sign3A_11 = arith.cmpi sgt, %scan3A_6, %sign3A : i32
      %sign3A_12 = arith.extui %sign3A_11 : i1 to i32
      %sign3A_13 = arith.constant 0 : i32
      %sign3A_14 = arith.cmpi slt, %scan3A_6, %sign3A_13 : i32
      %sign3A_15 = arith.extui %sign3A_14 : i1 to i32
      %sign3A_16 = arith.subi %sign3A_12, %sign3A_15 : i32
      %sign3A_17 = arith.constant 0 : i32
      %sign3A_18 = arith.cmpi sgt, %jit3A, %sign3A_17 : i32
      %sign3A_19 = arith.extui %sign3A_18 : i1 to i32
      %sign3A_20 = arith.constant 0 : i32
      %sign3A_21 = arith.cmpi slt, %jit3A, %sign3A_20 : i32
      %sign3A_22 = arith.extui %sign3A_21 : i1 to i32
      %sign3A_23 = arith.subi %sign3A_19, %sign3A_22 : i32
      %ne3A = arith.cmpi ne, %sign3A_16, %sign3A_23 : i32
      %rem3A = arith.remsi %scan3A_6, %jit3A : i32
      %ne3A_24 = arith.constant 0 : i32
      %ne3A_25 = arith.cmpi ne, %rem3A, %ne3A_24 : i32
      %and3A = arith.andi %ne3A, %ne3A_25 : i1
      %sub3A = arith.constant 1 : i32
      %sub3A_26 = arith.subi %div3A, %sub3A : i32
      %select_n3A = arith.select %and3A, %sub3A_26, %div3A : i32
      %add3A_27 = arith.addi %mul3A_10, %select_n3A : i32
      %jit3A_28 = arith.constant 2 : i32
      %eq3A = arith.constant 0 : i32
      %eq3A_29 = arith.cmpi eq, %jit3A_28, %eq3A : i32
      %jit3A_30 = arith.constant 1 : i32
      %select_n3A_31 = arith.select %eq3A_29, %jit3A_30, %jit3A_28 : i32
      %rem3A_32 = arith.remsi %scan3A_6, %select_n3A_31 : i32
      %ne3A_33 = arith.constant 0 : i32
      %ne3A_34 = arith.cmpi ne, %rem3A_32, %ne3A_33 : i32
      %lt3A = arith.constant 0 : i32
      %lt3A_35 = arith.cmpi slt, %rem3A_32, %lt3A : i32
      %lt3A_36 = arith.constant 0 : i32
      %lt3A_37 = arith.cmpi slt, %select_n3A_31, %lt3A_36 : i32
      %ne3A_38 = arith.xori %lt3A_35, %lt3A_37 : i1
      %and3A_39 = arith.andi %ne3A_38, %ne3A_34 : i1
      %add3A_40 = arith.addi %rem3A_32, %select_n3A_31 : i32
      %select_n3A_41 = arith.select %and3A_39, %add3A_40, %rem3A_32 : i32
      %eq3A_42 = arith.constant 0 : i32
      %eq3A_43 = arith.cmpi eq, %select_n3A_41, %eq3A_42 : i32
      %mul3A_44 = arith.constant 10000 : i32
      %mul3A_45 = arith.muli %add3A_27, %mul3A_44 : i32
      "tpu.region"() ({
        %run_scoped3A = tpu.sem_alloc : memref<!tpu.dma_semaphore, #tpu.memory_space<semaphore_mem>>
        %dma_start3A_364 = tpu.memref_slice %arg3[%mul3A_45] : memref<80000xf32, #tpu.memory_space<hbm>> -> memref<10000xf32, #tpu.memory_space<hbm>>
        %dma_start3A_365 = tpu.memref_slice %arg3[%mul3A_45] : memref<80000xf32, #tpu.memory_space<hbm>> -> memref<10000xf32, #tpu.memory_space<hbm>>
        tpu.enqueue_dma source(%dma_start3A_365 : memref<10000xf32, #tpu.memory_space<hbm>>) target(%arg10 : memref<10000xf32, #tpu.memory_space<vmem>>) target_semaphore(%run_scoped3A : memref<!tpu.dma_semaphore, #tpu.memory_space<semaphore_mem>>)
        %dma_wait3A_366 = tpu.memref_slice %arg3[%mul3A_45] : memref<80000xf32, #tpu.memory_space<hbm>> -> memref<10000xf32, #tpu.memory_space<hbm>>
        %dma_wait3A_367 = tpu.memref_slice %arg3[%mul3A_45] : memref<80000xf32, #tpu.memory_space<hbm>> -> memref<10000xf32, #tpu.memory_space<hbm>>
        tpu.wait_dma2 semaphore(%run_scoped3A : memref<!tpu.dma_semaphore, #tpu.memory_space<semaphore_mem>>) src(%dma_wait3A_367 : memref<10000xf32, #tpu.memory_space<hbm>>) dst(%arg10 : memref<10000xf32, #tpu.memory_space<vmem>>)
        tpu.yield
      }) : () -> ()
      %add3A_46 = arith.constant 4 : i32
      %add3A_47 = arith.addi %add3A_46, %add3A_27 : i32
      %mul3A_48 = arith.constant 10000 : i32
      %mul3A_49 = arith.muli %add3A_47, %mul3A_48 : i32
      "tpu.region"() ({
        %run_scoped3A = tpu.sem_alloc : memref<!tpu.dma_semaphore, #tpu.memory_space<semaphore_mem>>
        %dma_start3A_364 = tpu.memref_slice %arg3[%mul3A_49] : memref<80000xf32, #tpu.memory_space<hbm>> -> memref<10000xf32, #tpu.memory_space<hbm>>
        %dma_start3A_365 = tpu.memref_slice %arg3[%mul3A_49] : memref<80000xf32, #tpu.memory_space<hbm>> -> memref<10000xf32, #tpu.memory_space<hbm>>
        tpu.enqueue_dma source(%dma_start3A_365 : memref<10000xf32, #tpu.memory_space<hbm>>) target(%arg11 : memref<10000xf32, #tpu.memory_space<vmem>>) target_semaphore(%run_scoped3A : memref<!tpu.dma_semaphore, #tpu.memory_space<semaphore_mem>>)
        %dma_wait3A_366 = tpu.memref_slice %arg3[%mul3A_49] : memref<80000xf32, #tpu.memory_space<hbm>> -> memref<10000xf32, #tpu.memory_space<hbm>>
        %dma_wait3A_367 = tpu.memref_slice %arg3[%mul3A_49] : memref<80000xf32, #tpu.memory_space<hbm>> -> memref<10000xf32, #tpu.memory_space<hbm>>
        tpu.wait_dma2 semaphore(%run_scoped3A : memref<!tpu.dma_semaphore, #tpu.memory_space<semaphore_mem>>) src(%dma_wait3A_367 : memref<10000xf32, #tpu.memory_space<hbm>>) dst(%arg11 : memref<10000xf32, #tpu.memory_space<vmem>>)
        tpu.yield
      }) : () -> ()
      %mul3A_50 = arith.constant 625 : i32
      %mul3A_51 = arith.muli %arg1, %mul3A_50 : i32
      "tpu.region"() ({
        %run_scoped3A = tpu.sem_alloc : memref<!tpu.dma_semaphore, #tpu.memory_space<semaphore_mem>>
        %dma_start3A_364 = arith.constant 0 : i32
        %dma_start3A_365 = tpu.memref_slice %arg22[%mul3A_51, %dma_start3A_364] : memref<10000x128xf32, #tpu.memory_space<vmem_shared>> -> memref<625x128xf32, #tpu.memory_space<vmem_shared>>
        tpu.enqueue_dma source(%arg6 : memref<625x128xf32, #tpu.memory_space<hbm>>) target(%dma_start3A_365 : memref<625x128xf32, #tpu.memory_space<vmem_shared>>) target_semaphore(%run_scoped3A : memref<!tpu.dma_semaphore, #tpu.memory_space<semaphore_mem>>)
        %dma_wait3A_366 = arith.constant 0 : i32
        %dma_wait3A_367 = tpu.memref_slice %arg22[%mul3A_51, %dma_wait3A_366] : memref<10000x128xf32, #tpu.memory_space<vmem_shared>> -> memref<625x128xf32, #tpu.memory_space<vmem_shared>>
        tpu.wait_dma2 semaphore(%run_scoped3A : memref<!tpu.dma_semaphore, #tpu.memory_space<semaphore_mem>>) src(%arg6 : memref<625x128xf32, #tpu.memory_space<hbm>>) dst(%dma_wait3A_367 : memref<625x128xf32, #tpu.memory_space<vmem_shared>>)
        tpu.yield
      }) : () -> ()
      %convert_element_type3A = arith.extui %eq3A_43 : i1 to i32
      %cond3A = arith.constant 0 : i32
      %cond3A_52 = arith.cmpi ne, %convert_element_type3A, %cond3A : i32
      scf.if %cond3A_52 {
        %mul3A_364 = arith.constant 640 : i32
        %mul3A_365 = arith.muli %arg1, %mul3A_364 : i32
        "tpu.region"() ({
          %run_scoped3A = tpu.sem_alloc : memref<!tpu.dma_semaphore, #tpu.memory_space<semaphore_mem>>
          %dma_start3A_366 = tpu.memref_slice %arg23[%mul3A_365] : memref<10240xf32, #tpu.memory_space<vmem_shared>> -> memref<640xf32, #tpu.memory_space<vmem_shared>>
          tpu.enqueue_dma source(%arg7 : memref<640xf32, #tpu.memory_space<hbm>>) target(%dma_start3A_366 : memref<640xf32, #tpu.memory_space<vmem_shared>>) target_semaphore(%run_scoped3A : memref<!tpu.dma_semaphore, #tpu.memory_space<semaphore_mem>>)
          %dma_wait3A_367 = tpu.memref_slice %arg23[%mul3A_365] : memref<10240xf32, #tpu.memory_space<vmem_shared>> -> memref<640xf32, #tpu.memory_space<vmem_shared>>
          tpu.wait_dma2 semaphore(%run_scoped3A : memref<!tpu.dma_semaphore, #tpu.memory_space<semaphore_mem>>) src(%arg7 : memref<640xf32, #tpu.memory_space<hbm>>) dst(%dma_wait3A_367 : memref<640xf32, #tpu.memory_space<vmem_shared>>)
          tpu.yield
        }) : () -> ()
      } else {
      }
      %barrier3A = arith.constant 0 : index
      tpu.barrier barrier_id(%barrier3A)
      %mul3A_53 = arith.constant 20000 : i32
      %mul3A_54 = arith.muli %arg1, %mul3A_53 : i32
      %mul3A_55 = arith.constant 10000 : i32
      %mul3A_56 = arith.muli %add3A, %mul3A_55 : i32
      %add3A_57 = arith.constant 0 : i32
      %add3A_58 = arith.addi %mul3A_54, %add3A_57 : i32
      %dma_start3A = arith.constant 0 : i32
      %dma_start3A_59 = arith.constant 0 : i32
      %dma_start3A_60 = arith.constant 0 : i32
      %dma_start3A_61 = tpu.memref_slice %arg12[%dma_start3A, %dma_start3A_60] : memref<2x2000xi32, #tpu.memory_space<vmem>> -> memref<1x2000xi32, #tpu.memory_space<vmem>>
      %dma_start3A_62 = tpu.memref_squeeze %dma_start3A_61 : memref<1x2000xi32, #tpu.memory_space<vmem>> -> memref<2000xi32, #tpu.memory_space<vmem>>
      %dma_start3A_63 = tpu.memref_slice %arg4[%add3A_58] : memref<320000xi32, #tpu.memory_space<hbm>> -> memref<2000xi32, #tpu.memory_space<hbm>>
      %dma_start3A_64 = tpu.memref_slice %arg18[%dma_start3A_59] : memref<2x!tpu.dma_semaphore, #tpu.memory_space<semaphore_mem>> -> memref<1x!tpu.dma_semaphore, #tpu.memory_space<semaphore_mem>>
      %dma_start3A_65 = tpu.memref_squeeze %dma_start3A_64 : memref<1x!tpu.dma_semaphore, #tpu.memory_space<semaphore_mem>> -> memref<!tpu.dma_semaphore, #tpu.memory_space<semaphore_mem>>
      %dma_start3A_66 = arith.constant 0 : i32
      %dma_start3A_67 = tpu.memref_slice %arg12[%dma_start3A, %dma_start3A_66] : memref<2x2000xi32, #tpu.memory_space<vmem>> -> memref<1x2000xi32, #tpu.memory_space<vmem>>
      %dma_start3A_68 = tpu.memref_squeeze %dma_start3A_67 : memref<1x2000xi32, #tpu.memory_space<vmem>> -> memref<2000xi32, #tpu.memory_space<vmem>>
      %dma_start3A_69 = tpu.memref_slice %arg4[%add3A_58] : memref<320000xi32, #tpu.memory_space<hbm>> -> memref<2000xi32, #tpu.memory_space<hbm>>
      tpu.enqueue_dma source(%dma_start3A_69 : memref<2000xi32, #tpu.memory_space<hbm>>) target(%dma_start3A_68 : memref<2000xi32, #tpu.memory_space<vmem>>) target_semaphore(%dma_start3A_65 : memref<!tpu.dma_semaphore, #tpu.memory_space<semaphore_mem>>)
      %dma_start3A_70 = arith.constant 0 : i32
      %dma_start3A_71 = arith.constant 0 : i32
      %dma_start3A_72 = arith.constant 0 : i32
      %dma_start3A_73 = tpu.memref_slice %arg13[%dma_start3A_70, %dma_start3A_72] : memref<2x2000xi32, #tpu.memory_space<vmem>> -> memref<1x2000xi32, #tpu.memory_space<vmem>>
      %dma_start3A_74 = tpu.memref_squeeze %dma_start3A_73 : memref<1x2000xi32, #tpu.memory_space<vmem>> -> memref<2000xi32, #tpu.memory_space<vmem>>
      %dma_start3A_75 = tpu.memref_slice %arg5[%add3A_58] : memref<320000xi32, #tpu.memory_space<hbm>> -> memref<2000xi32, #tpu.memory_space<hbm>>
      %dma_start3A_76 = tpu.memref_slice %arg18[%dma_start3A_71] : memref<2x!tpu.dma_semaphore, #tpu.memory_space<semaphore_mem>> -> memref<1x!tpu.dma_semaphore, #tpu.memory_space<semaphore_mem>>
      %dma_start3A_77 = tpu.memref_squeeze %dma_start3A_76 : memref<1x!tpu.dma_semaphore, #tpu.memory_space<semaphore_mem>> -> memref<!tpu.dma_semaphore, #tpu.memory_space<semaphore_mem>>
      %dma_start3A_78 = arith.constant 0 : i32
      %dma_start3A_79 = tpu.memref_slice %arg13[%dma_start3A_70, %dma_start3A_78] : memref<2x2000xi32, #tpu.memory_space<vmem>> -> memref<1x2000xi32, #tpu.memory_space<vmem>>
      %dma_start3A_80 = tpu.memref_squeeze %dma_start3A_79 : memref<1x2000xi32, #tpu.memory_space<vmem>> -> memref<2000xi32, #tpu.memory_space<vmem>>
      %dma_start3A_81 = tpu.memref_slice %arg5[%add3A_58] : memref<320000xi32, #tpu.memory_space<hbm>> -> memref<2000xi32, #tpu.memory_space<hbm>>
      tpu.enqueue_dma source(%dma_start3A_81 : memref<2000xi32, #tpu.memory_space<hbm>>) target(%dma_start3A_80 : memref<2000xi32, #tpu.memory_space<vmem>>) target_semaphore(%dma_start3A_77 : memref<!tpu.dma_semaphore, #tpu.memory_space<semaphore_mem>>)
      %add3A_82 = arith.constant 0 : i32
      %add3A_83 = arith.addi %mul3A_54, %add3A_82 : i32
      %dma_wait3A = arith.constant 0 : i32
      %dma_wait3A_84 = arith.constant 0 : i32
      %dma_wait3A_85 = arith.constant 0 : i32
      %dma_wait3A_86 = tpu.memref_slice %arg12[%dma_wait3A, %dma_wait3A_85] : memref<2x2000xi32, #tpu.memory_space<vmem>> -> memref<1x2000xi32, #tpu.memory_space<vmem>>
      %dma_wait3A_87 = tpu.memref_squeeze %dma_wait3A_86 : memref<1x2000xi32, #tpu.memory_space<vmem>> -> memref<2000xi32, #tpu.memory_space<vmem>>
      %dma_wait3A_88 = tpu.memref_slice %arg4[%add3A_83] : memref<320000xi32, #tpu.memory_space<hbm>> -> memref<2000xi32, #tpu.memory_space<hbm>>
      %dma_wait3A_89 = tpu.memref_slice %arg18[%dma_wait3A_84] : memref<2x!tpu.dma_semaphore, #tpu.memory_space<semaphore_mem>> -> memref<1x!tpu.dma_semaphore, #tpu.memory_space<semaphore_mem>>
      %dma_wait3A_90 = tpu.memref_squeeze %dma_wait3A_89 : memref<1x!tpu.dma_semaphore, #tpu.memory_space<semaphore_mem>> -> memref<!tpu.dma_semaphore, #tpu.memory_space<semaphore_mem>>
      %dma_wait3A_91 = arith.constant 0 : i32
      %dma_wait3A_92 = tpu.memref_slice %arg12[%dma_wait3A, %dma_wait3A_91] : memref<2x2000xi32, #tpu.memory_space<vmem>> -> memref<1x2000xi32, #tpu.memory_space<vmem>>
      %dma_wait3A_93 = tpu.memref_squeeze %dma_wait3A_92 : memref<1x2000xi32, #tpu.memory_space<vmem>> -> memref<2000xi32, #tpu.memory_space<vmem>>
      %dma_wait3A_94 = tpu.memref_slice %arg4[%add3A_83] : memref<320000xi32, #tpu.memory_space<hbm>> -> memref<2000xi32, #tpu.memory_space<hbm>>
      tpu.wait_dma2 semaphore(%dma_wait3A_90 : memref<!tpu.dma_semaphore, #tpu.memory_space<semaphore_mem>>) src(%dma_wait3A_94 : memref<2000xi32, #tpu.memory_space<hbm>>) dst(%dma_wait3A_93 : memref<2000xi32, #tpu.memory_space<vmem>>)
      %dma_wait3A_95 = arith.constant 0 : i32
      %dma_wait3A_96 = arith.constant 0 : i32
      %dma_wait3A_97 = arith.constant 0 : i32
      %dma_wait3A_98 = tpu.memref_slice %arg13[%dma_wait3A_95, %dma_wait3A_97] : memref<2x2000xi32, #tpu.memory_space<vmem>> -> memref<1x2000xi32, #tpu.memory_space<vmem>>
      %dma_wait3A_99 = tpu.memref_squeeze %dma_wait3A_98 : memref<1x2000xi32, #tpu.memory_space<vmem>> -> memref<2000xi32, #tpu.memory_space<vmem>>
      %dma_wait3A_100 = tpu.memref_slice %arg5[%add3A_83] : memref<320000xi32, #tpu.memory_space<hbm>> -> memref<2000xi32, #tpu.memory_space<hbm>>
      %dma_wait3A_101 = tpu.memref_slice %arg18[%dma_wait3A_96] : memref<2x!tpu.dma_semaphore, #tpu.memory_space<semaphore_mem>> -> memref<1x!tpu.dma_semaphore, #tpu.memory_space<semaphore_mem>>
      %dma_wait3A_102 = tpu.memref_squeeze %dma_wait3A_101 : memref<1x!tpu.dma_semaphore, #tpu.memory_space<semaphore_mem>> -> memref<!tpu.dma_semaphore, #tpu.memory_space<semaphore_mem>>
      %dma_wait3A_103 = arith.constant 0 : i32
      %dma_wait3A_104 = tpu.memref_slice %arg13[%dma_wait3A_95, %dma_wait3A_103] : memref<2x2000xi32, #tpu.memory_space<vmem>> -> memref<1x2000xi32, #tpu.memory_space<vmem>>
      %dma_wait3A_105 = tpu.memref_squeeze %dma_wait3A_104 : memref<1x2000xi32, #tpu.memory_space<vmem>> -> memref<2000xi32, #tpu.memory_space<vmem>>
      %dma_wait3A_106 = tpu.memref_slice %arg5[%add3A_83] : memref<320000xi32, #tpu.memory_space<hbm>> -> memref<2000xi32, #tpu.memory_space<hbm>>
      tpu.wait_dma2 semaphore(%dma_wait3A_102 : memref<!tpu.dma_semaphore, #tpu.memory_space<semaphore_mem>>) src(%dma_wait3A_106 : memref<2000xi32, #tpu.memory_space<hbm>>) dst(%dma_wait3A_105 : memref<2000xi32, #tpu.memory_space<vmem>>)
      %add3A_107 = arith.constant 2000 : i32
      %add3A_108 = arith.addi %mul3A_54, %add3A_107 : i32
      %dma_start3A_109 = arith.constant 1 : i32
      %dma_start3A_110 = arith.constant 1 : i32
      %dma_start3A_111 = arith.constant 0 : i32
      %dma_start3A_112 = tpu.memref_slice %arg12[%dma_start3A_109, %dma_start3A_111] : memref<2x2000xi32, #tpu.memory_space<vmem>> -> memref<1x2000xi32, #tpu.memory_space<vmem>>
      %dma_start3A_113 = tpu.memref_squeeze %dma_start3A_112 : memref<1x2000xi32, #tpu.memory_space<vmem>> -> memref<2000xi32, #tpu.memory_space<vmem>>
      %dma_start3A_114 = tpu.memref_slice %arg4[%add3A_108] : memref<320000xi32, #tpu.memory_space<hbm>> -> memref<2000xi32, #tpu.memory_space<hbm>>
      %dma_start3A_115 = tpu.memref_slice %arg18[%dma_start3A_110] : memref<2x!tpu.dma_semaphore, #tpu.memory_space<semaphore_mem>> -> memref<1x!tpu.dma_semaphore, #tpu.memory_space<semaphore_mem>>
      %dma_start3A_116 = tpu.memref_squeeze %dma_start3A_115 : memref<1x!tpu.dma_semaphore, #tpu.memory_space<semaphore_mem>> -> memref<!tpu.dma_semaphore, #tpu.memory_space<semaphore_mem>>
      %dma_start3A_117 = arith.constant 0 : i32
      %dma_start3A_118 = tpu.memref_slice %arg12[%dma_start3A_109, %dma_start3A_117] : memref<2x2000xi32, #tpu.memory_space<vmem>> -> memref<1x2000xi32, #tpu.memory_space<vmem>>
      %dma_start3A_119 = tpu.memref_squeeze %dma_start3A_118 : memref<1x2000xi32, #tpu.memory_space<vmem>> -> memref<2000xi32, #tpu.memory_space<vmem>>
      %dma_start3A_120 = tpu.memref_slice %arg4[%add3A_108] : memref<320000xi32, #tpu.memory_space<hbm>> -> memref<2000xi32, #tpu.memory_space<hbm>>
      tpu.enqueue_dma source(%dma_start3A_120 : memref<2000xi32, #tpu.memory_space<hbm>>) target(%dma_start3A_119 : memref<2000xi32, #tpu.memory_space<vmem>>) target_semaphore(%dma_start3A_116 : memref<!tpu.dma_semaphore, #tpu.memory_space<semaphore_mem>>)
      %dma_start3A_121 = arith.constant 1 : i32
      %dma_start3A_122 = arith.constant 1 : i32
      %dma_start3A_123 = arith.constant 0 : i32
      %dma_start3A_124 = tpu.memref_slice %arg13[%dma_start3A_121, %dma_start3A_123] : memref<2x2000xi32, #tpu.memory_space<vmem>> -> memref<1x2000xi32, #tpu.memory_space<vmem>>
      %dma_start3A_125 = tpu.memref_squeeze %dma_start3A_124 : memref<1x2000xi32, #tpu.memory_space<vmem>> -> memref<2000xi32, #tpu.memory_space<vmem>>
      %dma_start3A_126 = tpu.memref_slice %arg5[%add3A_108] : memref<320000xi32, #tpu.memory_space<hbm>> -> memref<2000xi32, #tpu.memory_space<hbm>>
      %dma_start3A_127 = tpu.memref_slice %arg18[%dma_start3A_122] : memref<2x!tpu.dma_semaphore, #tpu.memory_space<semaphore_mem>> -> memref<1x!tpu.dma_semaphore, #tpu.memory_space<semaphore_mem>>
      %dma_start3A_128 = tpu.memref_squeeze %dma_start3A_127 : memref<1x!tpu.dma_semaphore, #tpu.memory_space<semaphore_mem>> -> memref<!tpu.dma_semaphore, #tpu.memory_space<semaphore_mem>>
      %dma_start3A_129 = arith.constant 0 : i32
      %dma_start3A_130 = tpu.memref_slice %arg13[%dma_start3A_121, %dma_start3A_129] : memref<2x2000xi32, #tpu.memory_space<vmem>> -> memref<1x2000xi32, #tpu.memory_space<vmem>>
      %dma_start3A_131 = tpu.memref_squeeze %dma_start3A_130 : memref<1x2000xi32, #tpu.memory_space<vmem>> -> memref<2000xi32, #tpu.memory_space<vmem>>
      %dma_start3A_132 = tpu.memref_slice %arg5[%add3A_108] : memref<320000xi32, #tpu.memory_space<hbm>> -> memref<2000xi32, #tpu.memory_space<hbm>>
      tpu.enqueue_dma source(%dma_start3A_132 : memref<2000xi32, #tpu.memory_space<hbm>>) target(%dma_start3A_131 : memref<2000xi32, #tpu.memory_space<vmem>>) target_semaphore(%dma_start3A_128 : memref<!tpu.dma_semaphore, #tpu.memory_space<semaphore_mem>>)
      %get3A = arith.constant 0 : i32
      %get3A_133 = arith.index_cast %get3A : i32 to index
      %get3A_134 = arith.constant 0 : index
      %get3A_135 = tpu.vector_load %arg12[%get3A_133, %get3A_134] {strides = array<i32>} : memref<2x2000xi32, #tpu.memory_space<vmem>>, vector<16xi32>,
      %get3A_136 = arith.constant 0 : i32
      %get3A_137 = arith.index_cast %get3A_136 : i32 to index
      %get3A_138 = arith.constant 0 : index
      %get3A_139 = tpu.vector_load %arg13[%get3A_137, %get3A_138] {strides = array<i32>} : memref<2x2000xi32, #tpu.memory_space<vmem>>, vector<16xi32>,
      %add3A_140 = vector.broadcast %mul3A_56 : i32 to vector<16xi32>
      %add3A_141 = arith.addi %get3A_135, %add3A_140 : vector<16xi32>
      %swap3A = arith.constant 0 : i32
      %swap3A_142 = arith.index_cast %swap3A : i32 to index
      %swap3A_143 = arith.constant 0 : index
      %swap3A_144 = tpu.vector_load %arg15[%swap3A_142, %swap3A_143] {strides = array<i32>} : memref<2x80xi32, #tpu.memory_space<vmem>>, vector<16xi32>,
      tpu.vector_store %arg15[%swap3A_142, %swap3A_143], %add3A_141 {strides = array<i32>} : memref<2x80xi32, #tpu.memory_space<vmem>>, vector<16xi32>,
      %swap3A_145 = arith.constant 0 : i32
      %swap3A_146 = arith.index_cast %swap3A_145 : i32 to index
      %swap3A_147 = arith.constant 0 : index
      %swap3A_148 = tpu.vector_load %arg16[%swap3A_146, %swap3A_147] {strides = array<i32>} : memref<2x80xi32, #tpu.memory_space<vmem>>, vector<16xi32>,
      tpu.vector_store %arg16[%swap3A_146, %swap3A_147], %get3A_139 {strides = array<i32>} : memref<2x80xi32, #tpu.memory_space<vmem>>, vector<16xi32>,
      %gather3A = tpu.vector_load_idx %arg10[%get3A_135] : memref<10000xf32, #tpu.memory_space<vmem>>[vector<16xi32>], vector<16xf32>,
      %gather3A_149 = tpu.vector_load_idx %arg11[%get3A_139] : memref<10000xf32, #tpu.memory_space<vmem>>[vector<16xi32>], vector<16xf32>,
      %add3A_150 = arith.addf %gather3A, %gather3A_149 : vector<16xf32>
      %gt3A = arith.constant 0.000000e+00 : f32
      %gt3A_151 = vector.broadcast %gt3A : f32 to vector<16xf32>
      %gt3A_152 = arith.cmpf ogt, %add3A_150, %gt3A_151 : vector<16xf32>
      %mul3A_153 = arith.constant 2.000000e-01 : f32
      %mul3A_154 = vector.broadcast %mul3A_153 : f32 to vector<16xf32>
      %mul3A_155 = arith.mulf %add3A_150, %mul3A_154 : vector<16xf32>
      %select_n3A_156 = arith.select %gt3A_152, %add3A_150, %mul3A_155 : vector<16xi1>, vector<16xf32>
      %exp3A = math.exp %select_n3A_156 : vector<16xf32>
      %swap3A_157 = arith.constant 0 : i32
      %swap3A_158 = arith.index_cast %swap3A_157 : i32 to index
      %swap3A_159 = arith.constant 0 : index
      %swap3A_160 = tpu.vector_load %arg14[%swap3A_158, %swap3A_159] {strides = array<i32>} : memref<2x80xf32, #tpu.memory_space<vmem>>, vector<16xf32>,
      tpu.vector_store %arg14[%swap3A_158, %swap3A_159], %exp3A {strides = array<i32>} : memref<2x80xf32, #tpu.memory_space<vmem>>, vector<16xf32>,
      %get3A_161 = arith.constant 0 : i32
      %get3A_162 = arith.index_cast %get3A_161 : i32 to index
      %get3A_163 = arith.constant 16 : index
      %get3A_164 = tpu.vector_load %arg12[%get3A_162, %get3A_163] {strides = array<i32>} : memref<2x2000xi32, #tpu.memory_space<vmem>>, vector<16xi32>,
      %get3A_165 = arith.constant 0 : i32
      %get3A_166 = arith.index_cast %get3A_165 : i32 to index
      %get3A_167 = arith.constant 16 : index
      %get3A_168 = tpu.vector_load %arg13[%get3A_166, %get3A_167] {strides = array<i32>} : memref<2x2000xi32, #tpu.memory_space<vmem>>, vector<16xi32>,
      %add3A_169 = vector.broadcast %mul3A_56 : i32 to vector<16xi32>
      %add3A_170 = arith.addi %get3A_164, %add3A_169 : vector<16xi32>
      %swap3A_171 = arith.constant 0 : i32
      %swap3A_172 = arith.index_cast %swap3A_171 : i32 to index
      %swap3A_173 = arith.constant 16 : index
      %swap3A_174 = tpu.vector_load %arg15[%swap3A_172, %swap3A_173] {strides = array<i32>} : memref<2x80xi32, #tpu.memory_space<vmem>>, vector<16xi32>,
      tpu.vector_store %arg15[%swap3A_172, %swap3A_173], %add3A_170 {strides = array<i32>} : memref<2x80xi32, #tpu.memory_space<vmem>>, vector<16xi32>,
      %swap3A_175 = arith.constant 0 : i32
      %swap3A_176 = arith.index_cast %swap3A_175 : i32 to index
      %swap3A_177 = arith.constant 16 : index
      %swap3A_178 = tpu.vector_load %arg16[%swap3A_176, %swap3A_177] {strides = array<i32>} : memref<2x80xi32, #tpu.memory_space<vmem>>, vector<16xi32>,
      tpu.vector_store %arg16[%swap3A_176, %swap3A_177], %get3A_168 {strides = array<i32>} : memref<2x80xi32, #tpu.memory_space<vmem>>, vector<16xi32>,
      %gather3A_179 = tpu.vector_load_idx %arg10[%get3A_164] : memref<10000xf32, #tpu.memory_space<vmem>>[vector<16xi32>], vector<16xf32>,
      %gather3A_180 = tpu.vector_load_idx %arg11[%get3A_168] : memref<10000xf32, #tpu.memory_space<vmem>>[vector<16xi32>], vector<16xf32>,
      %add3A_181 = arith.addf %gather3A_179, %gather3A_180 : vector<16xf32>
      %gt3A_182 = arith.constant 0.000000e+00 : f32
      %gt3A_183 = vector.broadcast %gt3A_182 : f32 to vector<16xf32>
      %gt3A_184 = arith.cmpf ogt, %add3A_181, %gt3A_183 : vector<16xf32>
      %mul3A_185 = arith.constant 2.000000e-01 : f32
      %mul3A_186 = vector.broadcast %mul3A_185 : f32 to vector<16xf32>
      %mul3A_187 = arith.mulf %add3A_181, %mul3A_186 : vector<16xf32>
      %select_n3A_188 = arith.select %gt3A_184, %add3A_181, %mul3A_187 : vector<16xi1>, vector<16xf32>
      %exp3A_189 = math.exp %select_n3A_188 : vector<16xf32>
      %swap3A_190 = arith.constant 0 : i32
      %swap3A_191 = arith.index_cast %swap3A_190 : i32 to index
      %swap3A_192 = arith.constant 16 : index
      %swap3A_193 = tpu.vector_load %arg14[%swap3A_191, %swap3A_192] {strides = array<i32>} : memref<2x80xf32, #tpu.memory_space<vmem>>, vector<16xf32>,
      tpu.vector_store %arg14[%swap3A_191, %swap3A_192], %exp3A_189 {strides = array<i32>} : memref<2x80xf32, #tpu.memory_space<vmem>>, vector<16xf32>,
      %get3A_194 = arith.constant 0 : i32
      %get3A_195 = arith.index_cast %get3A_194 : i32 to index
      %get3A_196 = arith.constant 32 : index
      %get3A_197 = tpu.vector_load %arg12[%get3A_195, %get3A_196] {strides = array<i32>} : memref<2x2000xi32, #tpu.memory_space<vmem>>, vector<16xi32>,
      %get3A_198 = arith.constant 0 : i32
      %get3A_199 = arith.index_cast %get3A_198 : i32 to index
      %get3A_200 = arith.constant 32 : index
      %get3A_201 = tpu.vector_load %arg13[%get3A_199, %get3A_200] {strides = array<i32>} : memref<2x2000xi32, #tpu.memory_space<vmem>>, vector<16xi32>,
      %add3A_202 = vector.broadcast %mul3A_56 : i32 to vector<16xi32>
      %add3A_203 = arith.addi %get3A_197, %add3A_202 : vector<16xi32>
      %swap3A_204 = arith.constant 0 : i32
      %swap3A_205 = arith.index_cast %swap3A_204 : i32 to index
      %swap3A_206 = arith.constant 32 : index
      %swap3A_207 = tpu.vector_load %arg15[%swap3A_205, %swap3A_206] {strides = array<i32>} : memref<2x80xi32, #tpu.memory_space<vmem>>, vector<16xi32>,
      tpu.vector_store %arg15[%swap3A_205, %swap3A_206], %add3A_203 {strides = array<i32>} : memref<2x80xi32, #tpu.memory_space<vmem>>, vector<16xi32>,
      %swap3A_208 = arith.constant 0 : i32
      %swap3A_209 = arith.index_cast %swap3A_208 : i32 to index
      %swap3A_210 = arith.constant 32 : index
      %swap3A_211 = tpu.vector_load %arg16[%swap3A_209, %swap3A_210] {strides = array<i32>} : memref<2x80xi32, #tpu.memory_space<vmem>>, vector<16xi32>,
      tpu.vector_store %arg16[%swap3A_209, %swap3A_210], %get3A_201 {strides = array<i32>} : memref<2x80xi32, #tpu.memory_space<vmem>>, vector<16xi32>,
      %gather3A_212 = tpu.vector_load_idx %arg10[%get3A_197] : memref<10000xf32, #tpu.memory_space<vmem>>[vector<16xi32>], vector<16xf32>,
      %gather3A_213 = tpu.vector_load_idx %arg11[%get3A_201] : memref<10000xf32, #tpu.memory_space<vmem>>[vector<16xi32>], vector<16xf32>,
      %add3A_214 = arith.addf %gather3A_212, %gather3A_213 : vector<16xf32>
      %gt3A_215 = arith.constant 0.000000e+00 : f32
      %gt3A_216 = vector.broadcast %gt3A_215 : f32 to vector<16xf32>
      %gt3A_217 = arith.cmpf ogt, %add3A_214, %gt3A_216 : vector<16xf32>
      %mul3A_218 = arith.constant 2.000000e-01 : f32
      %mul3A_219 = vector.broadcast %mul3A_218 : f32 to vector<16xf32>
      %mul3A_220 = arith.mulf %add3A_214, %mul3A_219 : vector<16xf32>
      %select_n3A_221 = arith.select %gt3A_217, %add3A_214, %mul3A_220 : vector<16xi1>, vector<16xf32>
      %exp3A_222 = math.exp %select_n3A_221 : vector<16xf32>
      %swap3A_223 = arith.constant 0 : i32
      %swap3A_224 = arith.index_cast %swap3A_223 : i32 to index
      %swap3A_225 = arith.constant 32 : index
      %swap3A_226 = tpu.vector_load %arg14[%swap3A_224, %swap3A_225] {strides = array<i32>} : memref<2x80xf32, #tpu.memory_space<vmem>>, vector<16xf32>,
      tpu.vector_store %arg14[%swap3A_224, %swap3A_225], %exp3A_222 {strides = array<i32>} : memref<2x80xf32, #tpu.memory_space<vmem>>, vector<16xf32>,
      %get3A_227 = arith.constant 0 : i32
      %get3A_228 = arith.index_cast %get3A_227 : i32 to index
      %get3A_229 = arith.constant 48 : index
      %get3A_230 = tpu.vector_load %arg12[%get3A_228, %get3A_229] {strides = array<i32>} : memref<2x2000xi32, #tpu.memory_space<vmem>>, vector<16xi32>,
      %get3A_231 = arith.constant 0 : i32
      %get3A_232 = arith.index_cast %get3A_231 : i32 to index
      %get3A_233 = arith.constant 48 : index
      %get3A_234 = tpu.vector_load %arg13[%get3A_232, %get3A_233] {strides = array<i32>} : memref<2x2000xi32, #tpu.memory_space<vmem>>, vector<16xi32>,
      %add3A_235 = vector.broadcast %mul3A_56 : i32 to vector<16xi32>
      %add3A_236 = arith.addi %get3A_230, %add3A_235 : vector<16xi32>
      %swap3A_237 = arith.constant 0 : i32
      %swap3A_238 = arith.index_cast %swap3A_237 : i32 to index
      %swap3A_239 = arith.constant 48 : index
      %swap3A_240 = tpu.vector_load %arg15[%swap3A_238, %swap3A_239] {strides = array<i32>} : memref<2x80xi32, #tpu.memory_space<vmem>>, vector<16xi32>,
      tpu.vector_store %arg15[%swap3A_238, %swap3A_239], %add3A_236 {strides = array<i32>} : memref<2x80xi32, #tpu.memory_space<vmem>>, vector<16xi32>,
      %swap3A_241 = arith.constant 0 : i32
      %swap3A_242 = arith.index_cast %swap3A_241 : i32 to index
      %swap3A_243 = arith.constant 48 : index
      %swap3A_244 = tpu.vector_load %arg16[%swap3A_242, %swap3A_243] {strides = array<i32>} : memref<2x80xi32, #tpu.memory_space<vmem>>, vector<16xi32>,
      tpu.vector_store %arg16[%swap3A_242, %swap3A_243], %get3A_234 {strides = array<i32>} : memref<2x80xi32, #tpu.memory_space<vmem>>, vector<16xi32>,
      %gather3A_245 = tpu.vector_load_idx %arg10[%get3A_230] : memref<10000xf32, #tpu.memory_space<vmem>>[vector<16xi32>], vector<16xf32>,
      %gather3A_246 = tpu.vector_load_idx %arg11[%get3A_234] : memref<10000xf32, #tpu.memory_space<vmem>>[vector<16xi32>], vector<16xf32>,
      %add3A_247 = arith.addf %gather3A_245, %gather3A_246 : vector<16xf32>
      %gt3A_248 = arith.constant 0.000000e+00 : f32
      %gt3A_249 = vector.broadcast %gt3A_248 : f32 to vector<16xf32>
      %gt3A_250 = arith.cmpf ogt, %add3A_247, %gt3A_249 : vector<16xf32>
      %mul3A_251 = arith.constant 2.000000e-01 : f32
      %mul3A_252 = vector.broadcast %mul3A_251 : f32 to vector<16xf32>
      %mul3A_253 = arith.mulf %add3A_247, %mul3A_252 : vector<16xf32>
      %select_n3A_254 = arith.select %gt3A_250, %add3A_247, %mul3A_253 : vector<16xi1>, vector<16xf32>
      %exp3A_255 = math.exp %select_n3A_254 : vector<16xf32>
      %swap3A_256 = arith.constant 0 : i32
      %swap3A_257 = arith.index_cast %swap3A_256 : i32 to index
      %swap3A_258 = arith.constant 48 : index
      %swap3A_259 = tpu.vector_load %arg14[%swap3A_257, %swap3A_258] {strides = array<i32>} : memref<2x80xf32, #tpu.memory_space<vmem>>, vector<16xf32>,
      tpu.vector_store %arg14[%swap3A_257, %swap3A_258], %exp3A_255 {strides = array<i32>} : memref<2x80xf32, #tpu.memory_space<vmem>>, vector<16xf32>,
      %get3A_260 = arith.constant 0 : i32
      %get3A_261 = arith.index_cast %get3A_260 : i32 to index
      %get3A_262 = arith.constant 64 : index
      %get3A_263 = tpu.vector_load %arg12[%get3A_261, %get3A_262] {strides = array<i32>} : memref<2x2000xi32, #tpu.memory_space<vmem>>, vector<16xi32>,
      %get3A_264 = arith.constant 0 : i32
      %get3A_265 = arith.index_cast %get3A_264 : i32 to index
      %get3A_266 = arith.constant 64 : index
      %get3A_267 = tpu.vector_load %arg13[%get3A_265, %get3A_266] {strides = array<i32>} : memref<2x2000xi32, #tpu.memory_space<vmem>>, vector<16xi32>,
      %add3A_268 = vector.broadcast %mul3A_56 : i32 to vector<16xi32>
      %add3A_269 = arith.addi %get3A_263, %add3A_268 : vector<16xi32>
      %swap3A_270 = arith.constant 0 : i32
      %swap3A_271 = arith.index_cast %swap3A_270 : i32 to index
      %swap3A_272 = arith.constant 64 : index
      %swap3A_273 = tpu.vector_load %arg15[%swap3A_271, %swap3A_272] {strides = array<i32>} : memref<2x80xi32, #tpu.memory_space<vmem>>, vector<16xi32>,
      tpu.vector_store %arg15[%swap3A_271, %swap3A_272], %add3A_269 {strides = array<i32>} : memref<2x80xi32, #tpu.memory_space<vmem>>, vector<16xi32>,
      %swap3A_274 = arith.constant 0 : i32
      %swap3A_275 = arith.index_cast %swap3A_274 : i32 to index
      %swap3A_276 = arith.constant 64 : index
      %swap3A_277 = tpu.vector_load %arg16[%swap3A_275, %swap3A_276] {strides = array<i32>} : memref<2x80xi32, #tpu.memory_space<vmem>>, vector<16xi32>,
      tpu.vector_store %arg16[%swap3A_275, %swap3A_276], %get3A_267 {strides = array<i32>} : memref<2x80xi32, #tpu.memory_space<vmem>>, vector<16xi32>,
      %gather3A_278 = tpu.vector_load_idx %arg10[%get3A_263] : memref<10000xf32, #tpu.memory_space<vmem>>[vector<16xi32>], vector<16xf32>,
      %gather3A_279 = tpu.vector_load_idx %arg11[%get3A_267] : memref<10000xf32, #tpu.memory_space<vmem>>[vector<16xi32>], vector<16xf32>,
      %add3A_280 = arith.addf %gather3A_278, %gather3A_279 : vector<16xf32>
      %gt3A_281 = arith.constant 0.000000e+00 : f32
      %gt3A_282 = vector.broadcast %gt3A_281 : f32 to vector<16xf32>
      %gt3A_283 = arith.cmpf ogt, %add3A_280, %gt3A_282 : vector<16xf32>
      %mul3A_284 = arith.constant 2.000000e-01 : f32
      %mul3A_285 = vector.broadcast %mul3A_284 : f32 to vector<16xf32>
      %mul3A_286 = arith.mulf %add3A_280, %mul3A_285 : vector<16xf32>
      %select_n3A_287 = arith.select %gt3A_283, %add3A_280, %mul3A_286 : vector<16xi1>, vector<16xf32>
      %exp3A_288 = math.exp %select_n3A_287 : vector<16xf32>
      %swap3A_289 = arith.constant 0 : i32
      %swap3A_290 = arith.index_cast %swap3A_289 : i32 to index
      %swap3A_291 = arith.constant 64 : index
      %swap3A_292 = tpu.vector_load %arg14[%swap3A_290, %swap3A_291] {strides = array<i32>} : memref<2x80xf32, #tpu.memory_space<vmem>>, vector<16xf32>,
      tpu.vector_store %arg14[%swap3A_290, %swap3A_291], %exp3A_288 {strides = array<i32>} : memref<2x80xf32, #tpu.memory_space<vmem>>, vector<16xf32>,
      %dma_start3A_293 = arith.constant 0 : i32
      %dma_start3A_294 = arith.constant 0 : i32
      %dma_start3A_295 = arith.constant 0 : i32
      %dma_start3A_296 = arith.constant 0 : i32
      %dma_start3A_297 = arith.constant 0 : i32
      %dma_start3A_298 = tpu.memref_slice %arg17[%dma_start3A_294, %dma_start3A_296, %dma_start3A_297] : memref<2x80x128xf32, #tpu.memory_space<vmem>> -> memref<1x80x128xf32, #tpu.memory_space<vmem>>
      %dma_start3A_299 = tpu.memref_squeeze %dma_start3A_298 : memref<1x80x128xf32, #tpu.memory_space<vmem>> -> memref<80x128xf32, #tpu.memory_space<vmem>>
      %dma_start3A_300 = arith.constant 0 : i32
      %dma_start3A_301 = tpu.memref_slice %arg15[%dma_start3A_293, %dma_start3A_300] : memref<2x80xi32, #tpu.memory_space<vmem>> -> memref<1x80xi32, #tpu.memory_space<vmem>>
      %dma_start3A_302 = tpu.memref_squeeze %dma_start3A_301 : memref<1x80xi32, #tpu.memory_space<vmem>> -> memref<80xi32, #tpu.memory_space<vmem>>
      %dma_start3A_303 = arith.constant 0 : i32
      %dma_start3A_304 = arith.constant 0 : i32
      %dma_start3A_305 = tpu.memref_slice %arg2[%dma_start3A_303, %dma_start3A_304] : memref<80000x128xf32, #tpu.memory_space<hbm>> -> memref<80000x128xf32, #tpu.memory_space<hbm>>
      %dma_start3A_306 = tpu.memref_slice %arg19[%dma_start3A_295] : memref<2x!tpu.dma_semaphore, #tpu.memory_space<semaphore_mem>> -> memref<1x!tpu.dma_semaphore, #tpu.memory_space<semaphore_mem>>
      %dma_start3A_307 = tpu.memref_squeeze %dma_start3A_306 : memref<1x!tpu.dma_semaphore, #tpu.memory_space<semaphore_mem>> -> memref<!tpu.dma_semaphore, #tpu.memory_space<semaphore_mem>>
      tpu.enqueue_indirect_dma source(%dma_start3A_305 : memref<80000x128xf32, #tpu.memory_space<hbm>>) target(%dma_start3A_299 : memref<80x128xf32, #tpu.memory_space<vmem>>) offsets(%dma_start3A_302 : memref<80xi32, #tpu.memory_space<vmem>>) semaphore(%dma_start3A_307 : memref<!tpu.dma_semaphore, #tpu.memory_space<semaphore_mem>>)
      %scan3A_308 = arith.constant 0 : i32
      %scan3A_309 = arith.constant 0 : i32
      %scan3A_310 = arith.constant 250 : i32
      %scan3A_311 = arith.addi %scan3A_309, %scan3A_310 : i32
      %scan3A_312 = arith.constant 1 : i32
      %scan3A_313 = scf.for %scan3A_364 = %scan3A_309 to %scan3A_311 step %scan3A_312 iter_args(%scan3A_365 = %scan3A_308) -> (i32)  : i32 {
        %jit3A_366 = arith.constant 2 : i32
        %eq3A_367 = arith.constant 0 : i32
        %eq3A_368 = arith.cmpi eq, %jit3A_366, %eq3A_367 : i32
        %jit3A_369 = arith.constant 1 : i32
        %select_n3A_370 = arith.select %eq3A_368, %jit3A_369, %jit3A_366 : i32
        %rem3A_371 = arith.remsi %scan3A_364, %select_n3A_370 : i32
        %ne3A_372 = arith.constant 0 : i32
        %ne3A_373 = arith.cmpi ne, %rem3A_371, %ne3A_372 : i32
        %lt3A_374 = arith.constant 0 : i32
        %lt3A_375 = arith.cmpi slt, %rem3A_371, %lt3A_374 : i32
        %lt3A_376 = arith.constant 0 : i32
        %lt3A_377 = arith.cmpi slt, %select_n3A_370, %lt3A_376 : i32
        %ne3A_378 = arith.xori %lt3A_375, %lt3A_377 : i1
        %and3A_379 = arith.andi %ne3A_378, %ne3A_373 : i1
        %add3A_380 = arith.addi %rem3A_371, %select_n3A_370 : i32
        %select_n3A_381 = arith.select %and3A_379, %add3A_380, %rem3A_371 : i32
        %add3A_382 = arith.constant 1 : i32
        %add3A_383 = arith.addi %scan3A_364, %add3A_382 : i32
        %jit3A_384 = arith.constant 2 : i32
        %eq3A_385 = arith.constant 0 : i32
        %eq3A_386 = arith.cmpi eq, %jit3A_384, %eq3A_385 : i32
        %jit3A_387 = arith.constant 1 : i32
        %select_n3A_388 = arith.select %eq3A_386, %jit3A_387, %jit3A_384 : i32
        %rem3A_389 = arith.remsi %add3A_383, %select_n3A_388 : i32
        %ne3A_390 = arith.constant 0 : i32
        %ne3A_391 = arith.cmpi ne, %rem3A_389, %ne3A_390 : i32
        %lt3A_392 = arith.constant 0 : i32
        %lt3A_393 = arith.cmpi slt, %rem3A_389, %lt3A_392 : i32
        %lt3A_394 = arith.constant 0 : i32
        %lt3A_395 = arith.cmpi slt, %select_n3A_388, %lt3A_394 : i32
        %ne3A_396 = arith.xori %lt3A_393, %lt3A_395 : i1
        %and3A_397 = arith.andi %ne3A_396, %ne3A_391 : i1
        %add3A_398 = arith.addi %rem3A_389, %select_n3A_388 : i32
        %select_n3A_399 = arith.select %and3A_397, %add3A_398, %rem3A_389 : i32
        %dma_wait3A_400 = arith.constant 0 : i32
        %dma_wait3A_401 = arith.constant 0 : i32
        %dma_wait3A_402 = tpu.memref_slice %arg17[%select_n3A_381, %dma_wait3A_400, %dma_wait3A_401] : memref<2x80x128xf32, #tpu.memory_space<vmem>> -> memref<1x80x128xf32, #tpu.memory_space<vmem>>
        %dma_wait3A_403 = tpu.memref_squeeze %dma_wait3A_402 : memref<1x80x128xf32, #tpu.memory_space<vmem>> -> memref<80x128xf32, #tpu.memory_space<vmem>>
        %dma_wait3A_404 = arith.constant 0 : i32
        %dma_wait3A_405 = tpu.memref_slice %arg15[%select_n3A_381, %dma_wait3A_404] : memref<2x80xi32, #tpu.memory_space<vmem>> -> memref<1x80xi32, #tpu.memory_space<vmem>>
        %dma_wait3A_406 = tpu.memref_squeeze %dma_wait3A_405 : memref<1x80xi32, #tpu.memory_space<vmem>> -> memref<80xi32, #tpu.memory_space<vmem>>
        %dma_wait3A_407 = arith.constant 0 : i32
        %dma_wait3A_408 = arith.constant 0 : i32
        %dma_wait3A_409 = tpu.memref_slice %arg2[%dma_wait3A_407, %dma_wait3A_408] : memref<80000x128xf32, #tpu.memory_space<hbm>> -> memref<80000x128xf32, #tpu.memory_space<hbm>>
        %dma_wait3A_410 = tpu.memref_slice %arg19[%select_n3A_381] : memref<2x!tpu.dma_semaphore, #tpu.memory_space<semaphore_mem>> -> memref<1x!tpu.dma_semaphore, #tpu.memory_space<semaphore_mem>>
        %dma_wait3A_411 = tpu.memref_squeeze %dma_wait3A_410 : memref<1x!tpu.dma_semaphore, #tpu.memory_space<semaphore_mem>> -> memref<!tpu.dma_semaphore, #tpu.memory_space<semaphore_mem>>
        tpu.wait_indirect_dma semaphore(%dma_wait3A_411 : memref<!tpu.dma_semaphore, #tpu.memory_space<semaphore_mem>>) src(%dma_wait3A_409 : memref<80000x128xf32, #tpu.memory_space<hbm>>) dst(%dma_wait3A_403 : memref<80x128xf32, #tpu.memory_space<vmem>>)
        %add3A_412 = arith.constant 1 : i32
        %add3A_413 = arith.addi %scan3A_364, %add3A_412 : i32
        %lt3A_414 = arith.constant 250 : i32
        %lt3A_415 = arith.cmpi slt, %add3A_413, %lt3A_414 : i32
        %convert_element_type3A_416 = arith.extui %lt3A_415 : i1 to i32
        %cond3A_417 = arith.constant 0 : i32
        %cond3A_418 = arith.cmpi ne, %convert_element_type3A_416, %cond3A_417 : i32
        scf.if %cond3A_418 {
          %add3A_445 = arith.constant 1 : i32
          %add3A_446 = arith.addi %scan3A_364, %add3A_445 : i32
          %jit3A_447 = arith.constant 25 : i32
          %eq3A_448 = arith.constant 0 : i32
          %eq3A_449 = arith.cmpi eq, %jit3A_447, %eq3A_448 : i32
          %jit3A_450 = arith.constant 1 : i32
          %select_n3A_451 = arith.select %eq3A_449, %jit3A_450, %jit3A_447 : i32
          %rem3A_452 = arith.remsi %add3A_446, %select_n3A_451 : i32
          %ne3A_453 = arith.constant 0 : i32
          %ne3A_454 = arith.cmpi ne, %rem3A_452, %ne3A_453 : i32
          %lt3A_455 = arith.constant 0 : i32
          %lt3A_456 = arith.cmpi slt, %rem3A_452, %lt3A_455 : i32
          %lt3A_457 = arith.constant 0 : i32
          %lt3A_458 = arith.cmpi slt, %select_n3A_451, %lt3A_457 : i32
          %ne3A_459 = arith.xori %lt3A_456, %lt3A_458 : i1
          %and3A_460 = arith.andi %ne3A_459, %ne3A_454 : i1
          %add3A_461 = arith.addi %rem3A_452, %select_n3A_451 : i32
          %select_n3A_462 = arith.select %and3A_460, %add3A_461, %rem3A_452 : i32
          %eq3A_463 = arith.constant 0 : i32
          %eq3A_464 = arith.cmpi eq, %select_n3A_462, %eq3A_463 : i32
          %convert_element_type3A_465 = arith.extui %eq3A_464 : i1 to i32
          %cond3A_466 = arith.constant 0 : i32
          %cond3A_467 = arith.cmpi ne, %convert_element_type3A_465, %cond3A_466 : i32
          scf.if %cond3A_467 {
            %add3A_694 = arith.constant 1 : i32
            %add3A_695 = arith.addi %scan3A_364, %add3A_694 : i32
            %jit3A_696 = arith.constant 25 : i32
            %div3A_697 = arith.divsi %add3A_695, %jit3A_696 : i32
            %sign3A_698 = arith.constant 0 : i32
            %sign3A_699 = arith.cmpi sgt, %add3A_695, %sign3A_698 : i32
            %sign3A_700 = arith.extui %sign3A_699 : i1 to i32
            %sign3A_701 = arith.constant 0 : i32
            %sign3A_702 = arith.cmpi slt, %add3A_695, %sign3A_701 : i32
            %sign3A_703 = arith.extui %sign3A_702 : i1 to i32
            %sign3A_704 = arith.subi %sign3A_700, %sign3A_703 : i32
            %sign3A_705 = arith.constant 0 : i32
            %sign3A_706 = arith.cmpi sgt, %jit3A_696, %sign3A_705 : i32
            %sign3A_707 = arith.extui %sign3A_706 : i1 to i32
            %sign3A_708 = arith.constant 0 : i32
            %sign3A_709 = arith.cmpi slt, %jit3A_696, %sign3A_708 : i32
            %sign3A_710 = arith.extui %sign3A_709 : i1 to i32
            %sign3A_711 = arith.subi %sign3A_707, %sign3A_710 : i32
            %ne3A_712 = arith.cmpi ne, %sign3A_704, %sign3A_711 : i32
            %rem3A_713 = arith.remsi %add3A_695, %jit3A_696 : i32
            %ne3A_714 = arith.constant 0 : i32
            %ne3A_715 = arith.cmpi ne, %rem3A_713, %ne3A_714 : i32
            %and3A_716 = arith.andi %ne3A_712, %ne3A_715 : i1
            %sub3A_717 = arith.constant 1 : i32
            %sub3A_718 = arith.subi %div3A_697, %sub3A_717 : i32
            %select_n3A_719 = arith.select %and3A_716, %sub3A_718, %div3A_697 : i32
            %jit3A_720 = arith.constant 2 : i32
            %eq3A_721 = arith.constant 0 : i32
            %eq3A_722 = arith.cmpi eq, %jit3A_720, %eq3A_721 : i32
            %jit3A_723 = arith.constant 1 : i32
            %select_n3A_724 = arith.select %eq3A_722, %jit3A_723, %jit3A_720 : i32
            %rem3A_725 = arith.remsi %select_n3A_719, %select_n3A_724 : i32
            %ne3A_726 = arith.constant 0 : i32
            %ne3A_727 = arith.cmpi ne, %rem3A_725, %ne3A_726 : i32
            %lt3A_728 = arith.constant 0 : i32
            %lt3A_729 = arith.cmpi slt, %rem3A_725, %lt3A_728 : i32
            %lt3A_730 = arith.constant 0 : i32
            %lt3A_731 = arith.cmpi slt, %select_n3A_724, %lt3A_730 : i32
            %ne3A_732 = arith.xori %lt3A_729, %lt3A_731 : i1
            %and3A_733 = arith.andi %ne3A_732, %ne3A_727 : i1
            %add3A_734 = arith.addi %rem3A_725, %select_n3A_724 : i32
            %select_n3A_735 = arith.select %and3A_733, %add3A_734, %rem3A_725 : i32
            %mul3A_736 = arith.constant 2000 : i32
            %mul3A_737 = arith.muli %select_n3A_719, %mul3A_736 : i32
            %add3A_738 = arith.addi %mul3A_54, %mul3A_737 : i32
            %dma_wait3A_739 = arith.constant 0 : i32
            %dma_wait3A_740 = tpu.memref_slice %arg12[%select_n3A_735, %dma_wait3A_739] : memref<2x2000xi32, #tpu.memory_space<vmem>> -> memref<1x2000xi32, #tpu.memory_space<vmem>>
            %dma_wait3A_741 = tpu.memref_squeeze %dma_wait3A_740 : memref<1x2000xi32, #tpu.memory_space<vmem>> -> memref<2000xi32, #tpu.memory_space<vmem>>
            %dma_wait3A_742 = tpu.memref_slice %arg4[%add3A_738] : memref<320000xi32, #tpu.memory_space<hbm>> -> memref<2000xi32, #tpu.memory_space<hbm>>
            %dma_wait3A_743 = tpu.memref_slice %arg18[%select_n3A_735] : memref<2x!tpu.dma_semaphore, #tpu.memory_space<semaphore_mem>> -> memref<1x!tpu.dma_semaphore, #tpu.memory_space<semaphore_mem>>
            %dma_wait3A_744 = tpu.memref_squeeze %dma_wait3A_743 : memref<1x!tpu.dma_semaphore, #tpu.memory_space<semaphore_mem>> -> memref<!tpu.dma_semaphore, #tpu.memory_space<semaphore_mem>>
            %dma_wait3A_745 = arith.constant 0 : i32
            %dma_wait3A_746 = tpu.memref_slice %arg12[%select_n3A_735, %dma_wait3A_745] : memref<2x2000xi32, #tpu.memory_space<vmem>> -> memref<1x2000xi32, #tpu.memory_space<vmem>>
            %dma_wait3A_747 = tpu.memref_squeeze %dma_wait3A_746 : memref<1x2000xi32, #tpu.memory_space<vmem>> -> memref<2000xi32, #tpu.memory_space<vmem>>
            %dma_wait3A_748 = tpu.memref_slice %arg4[%add3A_738] : memref<320000xi32, #tpu.memory_space<hbm>> -> memref<2000xi32, #tpu.memory_space<hbm>>
            tpu.wait_dma2 semaphore(%dma_wait3A_744 : memref<!tpu.dma_semaphore, #tpu.memory_space<semaphore_mem>>) src(%dma_wait3A_748 : memref<2000xi32, #tpu.memory_space<hbm>>) dst(%dma_wait3A_747 : memref<2000xi32, #tpu.memory_space<vmem>>)
            %dma_wait3A_749 = arith.constant 0 : i32
            %dma_wait3A_750 = tpu.memref_slice %arg13[%select_n3A_735, %dma_wait3A_749] : memref<2x2000xi32, #tpu.memory_space<vmem>> -> memref<1x2000xi32, #tpu.memory_space<vmem>>
            %dma_wait3A_751 = tpu.memref_squeeze %dma_wait3A_750 : memref<1x2000xi32, #tpu.memory_space<vmem>> -> memref<2000xi32, #tpu.memory_space<vmem>>
            %dma_wait3A_752 = tpu.memref_slice %arg5[%add3A_738] : memref<320000xi32, #tpu.memory_space<hbm>> -> memref<2000xi32, #tpu.memory_space<hbm>>
            %dma_wait3A_753 = tpu.memref_slice %arg18[%select_n3A_735] : memref<2x!tpu.dma_semaphore, #tpu.memory_space<semaphore_mem>> -> memref<1x!tpu.dma_semaphore, #tpu.memory_space<semaphore_mem>>
            %dma_wait3A_754 = tpu.memref_squeeze %dma_wait3A_753 : memref<1x!tpu.dma_semaphore, #tpu.memory_space<semaphore_mem>> -> memref<!tpu.dma_semaphore, #tpu.memory_space<semaphore_mem>>
            %dma_wait3A_755 = arith.constant 0 : i32
            %dma_wait3A_756 = tpu.memref_slice %arg13[%select_n3A_735, %dma_wait3A_755] : memref<2x2000xi32, #tpu.memory_space<vmem>> -> memref<1x2000xi32, #tpu.memory_space<vmem>>
            %dma_wait3A_757 = tpu.memref_squeeze %dma_wait3A_756 : memref<1x2000xi32, #tpu.memory_space<vmem>> -> memref<2000xi32, #tpu.memory_space<vmem>>
            %dma_wait3A_758 = tpu.memref_slice %arg5[%add3A_738] : memref<320000xi32, #tpu.memory_space<hbm>> -> memref<2000xi32, #tpu.memory_space<hbm>>
            tpu.wait_dma2 semaphore(%dma_wait3A_754 : memref<!tpu.dma_semaphore, #tpu.memory_space<semaphore_mem>>) src(%dma_wait3A_758 : memref<2000xi32, #tpu.memory_space<hbm>>) dst(%dma_wait3A_757 : memref<2000xi32, #tpu.memory_space<vmem>>)
            %add3A_759 = arith.constant 1 : i32
            %add3A_760 = arith.addi %select_n3A_719, %add3A_759 : i32
            %lt3A_761 = arith.constant 10 : i32
            %lt3A_762 = arith.cmpi slt, %add3A_760, %lt3A_761 : i32
            %convert_element_type3A_763 = arith.extui %lt3A_762 : i1 to i32
            %cond3A_764 = arith.constant 0 : i32
            %cond3A_765 = arith.cmpi ne, %convert_element_type3A_763, %cond3A_764 : i32
            scf.if %cond3A_765 {
              %add3A_766 = arith.constant 1 : i32
              %add3A_767 = arith.addi %select_n3A_719, %add3A_766 : i32
              %add3A_768 = arith.constant 1 : i32
              %add3A_769 = arith.addi %select_n3A_719, %add3A_768 : i32
              %jit3A_770 = arith.constant 2 : i32
              %eq3A_771 = arith.constant 0 : i32
              %eq3A_772 = arith.cmpi eq, %jit3A_770, %eq3A_771 : i32
              %jit3A_773 = arith.constant 1 : i32
              %select_n3A_774 = arith.select %eq3A_772, %jit3A_773, %jit3A_770 : i32
              %rem3A_775 = arith.remsi %add3A_769, %select_n3A_774 : i32
              %ne3A_776 = arith.constant 0 : i32
              %ne3A_777 = arith.cmpi ne, %rem3A_775, %ne3A_776 : i32
              %lt3A_778 = arith.constant 0 : i32
              %lt3A_779 = arith.cmpi slt, %rem3A_775, %lt3A_778 : i32
              %lt3A_780 = arith.constant 0 : i32
              %lt3A_781 = arith.cmpi slt, %select_n3A_774, %lt3A_780 : i32
              %ne3A_782 = arith.xori %lt3A_779, %lt3A_781 : i1
              %and3A_783 = arith.andi %ne3A_782, %ne3A_777 : i1
              %add3A_784 = arith.addi %rem3A_775, %select_n3A_774 : i32
              %select_n3A_785 = arith.select %and3A_783, %add3A_784, %rem3A_775 : i32
              %mul3A_786 = arith.constant 2000 : i32
              %mul3A_787 = arith.muli %add3A_767, %mul3A_786 : i32
              %add3A_788 = arith.addi %mul3A_54, %mul3A_787 : i32
              %dma_start3A_789 = arith.constant 0 : i32
              %dma_start3A_790 = tpu.memref_slice %arg12[%select_n3A_785, %dma_start3A_789] : memref<2x2000xi32, #tpu.memory_space<vmem>> -> memref<1x2000xi32, #tpu.memory_space<vmem>>
              %dma_start3A_791 = tpu.memref_squeeze %dma_start3A_790 : memref<1x2000xi32, #tpu.memory_space<vmem>> -> memref<2000xi32, #tpu.memory_space<vmem>>
              %dma_start3A_792 = tpu.memref_slice %arg4[%add3A_788] : memref<320000xi32, #tpu.memory_space<hbm>> -> memref<2000xi32, #tpu.memory_space<hbm>>
              %dma_start3A_793 = tpu.memref_slice %arg18[%select_n3A_785] : memref<2x!tpu.dma_semaphore, #tpu.memory_space<semaphore_mem>> -> memref<1x!tpu.dma_semaphore, #tpu.memory_space<semaphore_mem>>
              %dma_start3A_794 = tpu.memref_squeeze %dma_start3A_793 : memref<1x!tpu.dma_semaphore, #tpu.memory_space<semaphore_mem>> -> memref<!tpu.dma_semaphore, #tpu.memory_space<semaphore_mem>>
              %dma_start3A_795 = arith.constant 0 : i32
              %dma_start3A_796 = tpu.memref_slice %arg12[%select_n3A_785, %dma_start3A_795] : memref<2x2000xi32, #tpu.memory_space<vmem>> -> memref<1x2000xi32, #tpu.memory_space<vmem>>
              %dma_start3A_797 = tpu.memref_squeeze %dma_start3A_796 : memref<1x2000xi32, #tpu.memory_space<vmem>> -> memref<2000xi32, #tpu.memory_space<vmem>>
              %dma_start3A_798 = tpu.memref_slice %arg4[%add3A_788] : memref<320000xi32, #tpu.memory_space<hbm>> -> memref<2000xi32, #tpu.memory_space<hbm>>
              tpu.enqueue_dma source(%dma_start3A_798 : memref<2000xi32, #tpu.memory_space<hbm>>) target(%dma_start3A_797 : memref<2000xi32, #tpu.memory_space<vmem>>) target_semaphore(%dma_start3A_794 : memref<!tpu.dma_semaphore, #tpu.memory_space<semaphore_mem>>)
              %dma_start3A_799 = arith.constant 0 : i32
              %dma_start3A_800 = tpu.memref_slice %arg13[%select_n3A_785, %dma_start3A_799] : memref<2x2000xi32, #tpu.memory_space<vmem>> -> memref<1x2000xi32, #tpu.memory_space<vmem>>
              %dma_start3A_801 = tpu.memref_squeeze %dma_start3A_800 : memref<1x2000xi32, #tpu.memory_space<vmem>> -> memref<2000xi32, #tpu.memory_space<vmem>>
              %dma_start3A_802 = tpu.memref_slice %arg5[%add3A_788] : memref<320000xi32, #tpu.memory_space<hbm>> -> memref<2000xi32, #tpu.memory_space<hbm>>
              %dma_start3A_803 = tpu.memref_slice %arg18[%select_n3A_785] : memref<2x!tpu.dma_semaphore, #tpu.memory_space<semaphore_mem>> -> memref<1x!tpu.dma_semaphore, #tpu.memory_space<semaphore_mem>>
              %dma_start3A_804 = tpu.memref_squeeze %dma_start3A_803 : memref<1x!tpu.dma_semaphore, #tpu.memory_space<semaphore_mem>> -> memref<!tpu.dma_semaphore, #tpu.memory_space<semaphore_mem>>
              %dma_start3A_805 = arith.constant 0 : i32
              %dma_start3A_806 = tpu.memref_slice %arg13[%select_n3A_785, %dma_start3A_805] : memref<2x2000xi32, #tpu.memory_space<vmem>> -> memref<1x2000xi32, #tpu.memory_space<vmem>>
              %dma_start3A_807 = tpu.memref_squeeze %dma_start3A_806 : memref<1x2000xi32, #tpu.memory_space<vmem>> -> memref<2000xi32, #tpu.memory_space<vmem>>
              %dma_start3A_808 = tpu.memref_slice %arg5[%add3A_788] : memref<320000xi32, #tpu.memory_space<hbm>> -> memref<2000xi32, #tpu.memory_space<hbm>>
              tpu.enqueue_dma source(%dma_start3A_808 : memref<2000xi32, #tpu.memory_space<hbm>>) target(%dma_start3A_807 : memref<2000xi32, #tpu.memory_space<vmem>>) target_semaphore(%dma_start3A_804 : memref<!tpu.dma_semaphore, #tpu.memory_space<semaphore_mem>>)
            } else {
            }
          } else {
          }
          %ge3A = arith.constant 1 : i32
          %ge3A_468 = arith.cmpi sge, %scan3A_364, %ge3A : i32
          %convert_element_type3A_469 = arith.extui %ge3A_468 : i1 to i32
          %cond3A_470 = arith.constant 0 : i32
          %cond3A_471 = arith.cmpi ne, %convert_element_type3A_469, %cond3A_470 : i32
          scf.if %cond3A_471 {
            %dma_wait3A_694 = arith.constant 0 : i32
            %dma_wait3A_695 = arith.constant 0 : i32
            %dma_wait3A_696 = tpu.memref_slice %arg17[%select_n3A_399, %dma_wait3A_694, %dma_wait3A_695] : memref<2x80x128xf32, #tpu.memory_space<vmem>> -> memref<1x80x128xf32, #tpu.memory_space<vmem>>
            %dma_wait3A_697 = tpu.memref_squeeze %dma_wait3A_696 : memref<1x80x128xf32, #tpu.memory_space<vmem>> -> memref<80x128xf32, #tpu.memory_space<vmem>>
            %dma_wait3A_698 = arith.constant 0 : i32
            %dma_wait3A_699 = tpu.memref_slice %arg16[%select_n3A_399, %dma_wait3A_698] : memref<2x80xi32, #tpu.memory_space<vmem>> -> memref<1x80xi32, #tpu.memory_space<vmem>>
            %dma_wait3A_700 = tpu.memref_squeeze %dma_wait3A_699 : memref<1x80xi32, #tpu.memory_space<vmem>> -> memref<80xi32, #tpu.memory_space<vmem>>
            %dma_wait3A_701 = arith.constant 0 : i32
            %dma_wait3A_702 = arith.constant 0 : i32
            %dma_wait3A_703 = tpu.memref_slice %arg22[%dma_wait3A_701, %dma_wait3A_702] : memref<10000x128xf32, #tpu.memory_space<vmem_shared>> -> memref<10000x128xf32, #tpu.memory_space<vmem_shared>>
            %dma_wait3A_704 = tpu.memref_slice %arg20[%select_n3A_399] : memref<2x!tpu.dma_semaphore, #tpu.memory_space<semaphore_mem>> -> memref<1x!tpu.dma_semaphore, #tpu.memory_space<semaphore_mem>>
            %dma_wait3A_705 = tpu.memref_squeeze %dma_wait3A_704 : memref<1x!tpu.dma_semaphore, #tpu.memory_space<semaphore_mem>> -> memref<!tpu.dma_semaphore, #tpu.memory_space<semaphore_mem>>
            tpu.wait_indirect_dma semaphore(%dma_wait3A_705 : memref<!tpu.dma_semaphore, #tpu.memory_space<semaphore_mem>>) src(%dma_wait3A_697 : memref<80x128xf32, #tpu.memory_space<vmem>>) dst(%dma_wait3A_703 : memref<10000x128xf32, #tpu.memory_space<vmem_shared>>)
            %convert_element_type3A_706 = arith.extui %eq3A_43 : i1 to i32
            %cond3A_707 = arith.constant 0 : i32
            %cond3A_708 = arith.cmpi ne, %convert_element_type3A_706, %cond3A_707 : i32
            scf.if %cond3A_708 {
              %dma_wait3A_709 = arith.constant 0 : i32
              %dma_wait3A_710 = tpu.memref_slice %arg14[%select_n3A_399, %dma_wait3A_709] : memref<2x80xf32, #tpu.memory_space<vmem>> -> memref<1x80xf32, #tpu.memory_space<vmem>>
              %dma_wait3A_711 = tpu.memref_squeeze %dma_wait3A_710 : memref<1x80xf32, #tpu.memory_space<vmem>> -> memref<80xf32, #tpu.memory_space<vmem>>
              %dma_wait3A_712 = arith.constant 0 : i32
              %dma_wait3A_713 = tpu.memref_slice %arg16[%select_n3A_399, %dma_wait3A_712] : memref<2x80xi32, #tpu.memory_space<vmem>> -> memref<1x80xi32, #tpu.memory_space<vmem>>
              %dma_wait3A_714 = tpu.memref_squeeze %dma_wait3A_713 : memref<1x80xi32, #tpu.memory_space<vmem>> -> memref<80xi32, #tpu.memory_space<vmem>>
              %dma_wait3A_715 = arith.constant 0 : i32
              %dma_wait3A_716 = tpu.memref_slice %arg23[%dma_wait3A_715] : memref<10240xf32, #tpu.memory_space<vmem_shared>> -> memref<10240xf32, #tpu.memory_space<vmem_shared>>
              %dma_wait3A_717 = tpu.memref_slice %arg21[%select_n3A_399] : memref<2x!tpu.dma_semaphore, #tpu.memory_space<semaphore_mem>> -> memref<1x!tpu.dma_semaphore, #tpu.memory_space<semaphore_mem>>
              %dma_wait3A_718 = tpu.memref_squeeze %dma_wait3A_717 : memref<1x!tpu.dma_semaphore, #tpu.memory_space<semaphore_mem>> -> memref<!tpu.dma_semaphore, #tpu.memory_space<semaphore_mem>>
              tpu.wait_indirect_dma semaphore(%dma_wait3A_718 : memref<!tpu.dma_semaphore, #tpu.memory_space<semaphore_mem>>) src(%dma_wait3A_711 : memref<80xf32, #tpu.memory_space<vmem>>) dst(%dma_wait3A_716 : memref<10240xf32, #tpu.memory_space<vmem_shared>>)
            } else {
            }
          } else {
          }
          %add3A_472 = arith.constant 1 : i32
          %add3A_473 = arith.addi %scan3A_364, %add3A_472 : i32
          %jit3A_474 = arith.constant 25 : i32
          %div3A_475 = arith.divsi %add3A_473, %jit3A_474 : i32
          %sign3A_476 = arith.constant 0 : i32
          %sign3A_477 = arith.cmpi sgt, %add3A_473, %sign3A_476 : i32
          %sign3A_478 = arith.extui %sign3A_477 : i1 to i32
          %sign3A_479 = arith.constant 0 : i32
          %sign3A_480 = arith.cmpi slt, %add3A_473, %sign3A_479 : i32
          %sign3A_481 = arith.extui %sign3A_480 : i1 to i32
          %sign3A_482 = arith.subi %sign3A_478, %sign3A_481 : i32
          %sign3A_483 = arith.constant 0 : i32
          %sign3A_484 = arith.cmpi sgt, %jit3A_474, %sign3A_483 : i32
          %sign3A_485 = arith.extui %sign3A_484 : i1 to i32
          %sign3A_486 = arith.constant 0 : i32
          %sign3A_487 = arith.cmpi slt, %jit3A_474, %sign3A_486 : i32
          %sign3A_488 = arith.extui %sign3A_487 : i1 to i32
          %sign3A_489 = arith.subi %sign3A_485, %sign3A_488 : i32
          %ne3A_490 = arith.cmpi ne, %sign3A_482, %sign3A_489 : i32
          %rem3A_491 = arith.remsi %add3A_473, %jit3A_474 : i32
          %ne3A_492 = arith.constant 0 : i32
          %ne3A_493 = arith.cmpi ne, %rem3A_491, %ne3A_492 : i32
          %and3A_494 = arith.andi %ne3A_490, %ne3A_493 : i1
          %sub3A_495 = arith.constant 1 : i32
          %sub3A_496 = arith.subi %div3A_475, %sub3A_495 : i32
          %select_n3A_497 = arith.select %and3A_494, %sub3A_496, %div3A_475 : i32
          %jit3A_498 = arith.constant 2 : i32
          %eq3A_499 = arith.constant 0 : i32
          %eq3A_500 = arith.cmpi eq, %jit3A_498, %eq3A_499 : i32
          %jit3A_501 = arith.constant 1 : i32
          %select_n3A_502 = arith.select %eq3A_500, %jit3A_501, %jit3A_498 : i32
          %rem3A_503 = arith.remsi %select_n3A_497, %select_n3A_502 : i32
          %ne3A_504 = arith.constant 0 : i32
          %ne3A_505 = arith.cmpi ne, %rem3A_503, %ne3A_504 : i32
          %lt3A_506 = arith.constant 0 : i32
          %lt3A_507 = arith.cmpi slt, %rem3A_503, %lt3A_506 : i32
          %lt3A_508 = arith.constant 0 : i32
          %lt3A_509 = arith.cmpi slt, %select_n3A_502, %lt3A_508 : i32
          %ne3A_510 = arith.xori %lt3A_507, %lt3A_509 : i1
          %and3A_511 = arith.andi %ne3A_510, %ne3A_505 : i1
          %add3A_512 = arith.addi %rem3A_503, %select_n3A_502 : i32
          %select_n3A_513 = arith.select %and3A_511, %add3A_512, %rem3A_503 : i32
          %jit3A_514 = arith.constant 25 : i32
          %eq3A_515 = arith.constant 0 : i32
          %eq3A_516 = arith.cmpi eq, %jit3A_514, %eq3A_515 : i32
          %jit3A_517 = arith.constant 1 : i32
          %select_n3A_518 = arith.select %eq3A_516, %jit3A_517, %jit3A_514 : i32
          %rem3A_519 = arith.remsi %add3A_473, %select_n3A_518 : i32
          %ne3A_520 = arith.constant 0 : i32
          %ne3A_521 = arith.cmpi ne, %rem3A_519, %ne3A_520 : i32
          %lt3A_522 = arith.constant 0 : i32
          %lt3A_523 = arith.cmpi slt, %rem3A_519, %lt3A_522 : i32
          %lt3A_524 = arith.constant 0 : i32
          %lt3A_525 = arith.cmpi slt, %select_n3A_518, %lt3A_524 : i32
          %ne3A_526 = arith.xori %lt3A_523, %lt3A_525 : i1
          %and3A_527 = arith.andi %ne3A_526, %ne3A_521 : i1
          %add3A_528 = arith.addi %rem3A_519, %select_n3A_518 : i32
          %select_n3A_529 = arith.select %and3A_527, %add3A_528, %rem3A_519 : i32
          %mul3A_530 = arith.constant 80 : i32
          %mul3A_531 = arith.muli %select_n3A_529, %mul3A_530 : i32
          %add3A_532 = arith.constant 0 : i32
          %add3A_533 = arith.addi %mul3A_531, %add3A_532 : i32
          %get3A_534 = arith.index_cast %select_n3A_513 : i32 to index
          %get3A_535 = arith.index_cast %add3A_533 : i32 to index
          %get3A_536 = tpu.vector_load %arg12[%get3A_534, %get3A_535] {strides = array<i32>} : memref<2x2000xi32, #tpu.memory_space<vmem>>, vector<16xi32>,
          %get3A_537 = arith.index_cast %select_n3A_513 : i32 to index
          %get3A_538 = arith.index_cast %add3A_533 : i32 to index
          %get3A_539 = tpu.vector_load %arg13[%get3A_537, %get3A_538] {strides = array<i32>} : memref<2x2000xi32, #tpu.memory_space<vmem>>, vector<16xi32>,
          %add3A_540 = vector.broadcast %mul3A_56 : i32 to vector<16xi32>
          %add3A_541 = arith.addi %get3A_536, %add3A_540 : vector<16xi32>
          %swap3A_542 = arith.index_cast %select_n3A_399 : i32 to index
          %swap3A_543 = arith.constant 0 : index
          %swap3A_544 = tpu.vector_load %arg15[%swap3A_542, %swap3A_543] {strides = array<i32>} : memref<2x80xi32, #tpu.memory_space<vmem>>, vector<16xi32>,
          tpu.vector_store %arg15[%swap3A_542, %swap3A_543], %add3A_541 {strides = array<i32>} : memref<2x80xi32, #tpu.memory_space<vmem>>, vector<16xi32>,
          %swap3A_545 = arith.index_cast %select_n3A_399 : i32 to index
          %swap3A_546 = arith.constant 0 : index
          %swap3A_547 = tpu.vector_load %arg16[%swap3A_545, %swap3A_546] {strides = array<i32>} : memref<2x80xi32, #tpu.memory_space<vmem>>, vector<16xi32>,
          tpu.vector_store %arg16[%swap3A_545, %swap3A_546], %get3A_539 {strides = array<i32>} : memref<2x80xi32, #tpu.memory_space<vmem>>, vector<16xi32>,
          %gather3A_548 = tpu.vector_load_idx %arg10[%get3A_536] : memref<10000xf32, #tpu.memory_space<vmem>>[vector<16xi32>], vector<16xf32>,
          %gather3A_549 = tpu.vector_load_idx %arg11[%get3A_539] : memref<10000xf32, #tpu.memory_space<vmem>>[vector<16xi32>], vector<16xf32>,
          %add3A_550 = arith.addf %gather3A_548, %gather3A_549 : vector<16xf32>
          %gt3A_551 = arith.constant 0.000000e+00 : f32
          %gt3A_552 = vector.broadcast %gt3A_551 : f32 to vector<16xf32>
          %gt3A_553 = arith.cmpf ogt, %add3A_550, %gt3A_552 : vector<16xf32>
          %mul3A_554 = arith.constant 2.000000e-01 : f32
          %mul3A_555 = vector.broadcast %mul3A_554 : f32 to vector<16xf32>
          %mul3A_556 = arith.mulf %add3A_550, %mul3A_555 : vector<16xf32>
          %select_n3A_557 = arith.select %gt3A_553, %add3A_550, %mul3A_556 : vector<16xi1>, vector<16xf32>
          %exp3A_558 = math.exp %select_n3A_557 : vector<16xf32>
          %swap3A_559 = arith.index_cast %select_n3A_399 : i32 to index
          %swap3A_560 = arith.constant 0 : index
          %swap3A_561 = tpu.vector_load %arg14[%swap3A_559, %swap3A_560] {strides = array<i32>} : memref<2x80xf32, #tpu.memory_space<vmem>>, vector<16xf32>,
          tpu.vector_store %arg14[%swap3A_559, %swap3A_560], %exp3A_558 {strides = array<i32>} : memref<2x80xf32, #tpu.memory_space<vmem>>, vector<16xf32>,
          %add3A_562 = arith.constant 16 : i32
          %add3A_563 = arith.addi %mul3A_531, %add3A_562 : i32
          %get3A_564 = arith.index_cast %select_n3A_513 : i32 to index
          %get3A_565 = arith.index_cast %add3A_563 : i32 to index
          %get3A_566 = tpu.vector_load %arg12[%get3A_564, %get3A_565] {strides = array<i32>} : memref<2x2000xi32, #tpu.memory_space<vmem>>, vector<16xi32>,
          %get3A_567 = arith.index_cast %select_n3A_513 : i32 to index
          %get3A_568 = arith.index_cast %add3A_563 : i32 to index
          %get3A_569 = tpu.vector_load %arg13[%get3A_567, %get3A_568] {strides = array<i32>} : memref<2x2000xi32, #tpu.memory_space<vmem>>, vector<16xi32>,
          %add3A_570 = vector.broadcast %mul3A_56 : i32 to vector<16xi32>
          %add3A_571 = arith.addi %get3A_566, %add3A_570 : vector<16xi32>
          %swap3A_572 = arith.index_cast %select_n3A_399 : i32 to index
          %swap3A_573 = arith.constant 16 : index
          %swap3A_574 = tpu.vector_load %arg15[%swap3A_572, %swap3A_573] {strides = array<i32>} : memref<2x80xi32, #tpu.memory_space<vmem>>, vector<16xi32>,
          tpu.vector_store %arg15[%swap3A_572, %swap3A_573], %add3A_571 {strides = array<i32>} : memref<2x80xi32, #tpu.memory_space<vmem>>, vector<16xi32>,
          %swap3A_575 = arith.index_cast %select_n3A_399 : i32 to index
          %swap3A_576 = arith.constant 16 : index
          %swap3A_577 = tpu.vector_load %arg16[%swap3A_575, %swap3A_576] {strides = array<i32>} : memref<2x80xi32, #tpu.memory_space<vmem>>, vector<16xi32>,
          tpu.vector_store %arg16[%swap3A_575, %swap3A_576], %get3A_569 {strides = array<i32>} : memref<2x80xi32, #tpu.memory_space<vmem>>, vector<16xi32>,
          %gather3A_578 = tpu.vector_load_idx %arg10[%get3A_566] : memref<10000xf32, #tpu.memory_space<vmem>>[vector<16xi32>], vector<16xf32>,
          %gather3A_579 = tpu.vector_load_idx %arg11[%get3A_569] : memref<10000xf32, #tpu.memory_space<vmem>>[vector<16xi32>], vector<16xf32>,
          %add3A_580 = arith.addf %gather3A_578, %gather3A_579 : vector<16xf32>
          %gt3A_581 = arith.constant 0.000000e+00 : f32
          %gt3A_582 = vector.broadcast %gt3A_581 : f32 to vector<16xf32>
          %gt3A_583 = arith.cmpf ogt, %add3A_580, %gt3A_582 : vector<16xf32>
          %mul3A_584 = arith.constant 2.000000e-01 : f32
          %mul3A_585 = vector.broadcast %mul3A_584 : f32 to vector<16xf32>
          %mul3A_586 = arith.mulf %add3A_580, %mul3A_585 : vector<16xf32>
          %select_n3A_587 = arith.select %gt3A_583, %add3A_580, %mul3A_586 : vector<16xi1>, vector<16xf32>
          %exp3A_588 = math.exp %select_n3A_587 : vector<16xf32>
          %swap3A_589 = arith.index_cast %select_n3A_399 : i32 to index
          %swap3A_590 = arith.constant 16 : index
          %swap3A_591 = tpu.vector_load %arg14[%swap3A_589, %swap3A_590] {strides = array<i32>} : memref<2x80xf32, #tpu.memory_space<vmem>>, vector<16xf32>,
          tpu.vector_store %arg14[%swap3A_589, %swap3A_590], %exp3A_588 {strides = array<i32>} : memref<2x80xf32, #tpu.memory_space<vmem>>, vector<16xf32>,
          %add3A_592 = arith.constant 32 : i32
          %add3A_593 = arith.addi %mul3A_531, %add3A_592 : i32
          %get3A_594 = arith.index_cast %select_n3A_513 : i32 to index
          %get3A_595 = arith.index_cast %add3A_593 : i32 to index
          %get3A_596 = tpu.vector_load %arg12[%get3A_594, %get3A_595] {strides = array<i32>} : memref<2x2000xi32, #tpu.memory_space<vmem>>, vector<16xi32>,
          %get3A_597 = arith.index_cast %select_n3A_513 : i32 to index
          %get3A_598 = arith.index_cast %add3A_593 : i32 to index
          %get3A_599 = tpu.vector_load %arg13[%get3A_597, %get3A_598] {strides = array<i32>} : memref<2x2000xi32, #tpu.memory_space<vmem>>, vector<16xi32>,
          %add3A_600 = vector.broadcast %mul3A_56 : i32 to vector<16xi32>
          %add3A_601 = arith.addi %get3A_596, %add3A_600 : vector<16xi32>
          %swap3A_602 = arith.index_cast %select_n3A_399 : i32 to index
          %swap3A_603 = arith.constant 32 : index
          %swap3A_604 = tpu.vector_load %arg15[%swap3A_602, %swap3A_603] {strides = array<i32>} : memref<2x80xi32, #tpu.memory_space<vmem>>, vector<16xi32>,
          tpu.vector_store %arg15[%swap3A_602, %swap3A_603], %add3A_601 {strides = array<i32>} : memref<2x80xi32, #tpu.memory_space<vmem>>, vector<16xi32>,
          %swap3A_605 = arith.index_cast %select_n3A_399 : i32 to index
          %swap3A_606 = arith.constant 32 : index
          %swap3A_607 = tpu.vector_load %arg16[%swap3A_605, %swap3A_606] {strides = array<i32>} : memref<2x80xi32, #tpu.memory_space<vmem>>, vector<16xi32>,
          tpu.vector_store %arg16[%swap3A_605, %swap3A_606], %get3A_599 {strides = array<i32>} : memref<2x80xi32, #tpu.memory_space<vmem>>, vector<16xi32>,
          %gather3A_608 = tpu.vector_load_idx %arg10[%get3A_596] : memref<10000xf32, #tpu.memory_space<vmem>>[vector<16xi32>], vector<16xf32>,
          %gather3A_609 = tpu.vector_load_idx %arg11[%get3A_599] : memref<10000xf32, #tpu.memory_space<vmem>>[vector<16xi32>], vector<16xf32>,
          %add3A_610 = arith.addf %gather3A_608, %gather3A_609 : vector<16xf32>
          %gt3A_611 = arith.constant 0.000000e+00 : f32
          %gt3A_612 = vector.broadcast %gt3A_611 : f32 to vector<16xf32>
          %gt3A_613 = arith.cmpf ogt, %add3A_610, %gt3A_612 : vector<16xf32>
          %mul3A_614 = arith.constant 2.000000e-01 : f32
          %mul3A_615 = vector.broadcast %mul3A_614 : f32 to vector<16xf32>
          %mul3A_616 = arith.mulf %add3A_610, %mul3A_615 : vector<16xf32>
          %select_n3A_617 = arith.select %gt3A_613, %add3A_610, %mul3A_616 : vector<16xi1>, vector<16xf32>
          %exp3A_618 = math.exp %select_n3A_617 : vector<16xf32>
          %swap3A_619 = arith.index_cast %select_n3A_399 : i32 to index
          %swap3A_620 = arith.constant 32 : index
          %swap3A_621 = tpu.vector_load %arg14[%swap3A_619, %swap3A_620] {strides = array<i32>} : memref<2x80xf32, #tpu.memory_space<vmem>>, vector<16xf32>,
          tpu.vector_store %arg14[%swap3A_619, %swap3A_620], %exp3A_618 {strides = array<i32>} : memref<2x80xf32, #tpu.memory_space<vmem>>, vector<16xf32>,
          %add3A_622 = arith.constant 48 : i32
          %add3A_623 = arith.addi %mul3A_531, %add3A_622 : i32
          %get3A_624 = arith.index_cast %select_n3A_513 : i32 to index
          %get3A_625 = arith.index_cast %add3A_623 : i32 to index
          %get3A_626 = tpu.vector_load %arg12[%get3A_624, %get3A_625] {strides = array<i32>} : memref<2x2000xi32, #tpu.memory_space<vmem>>, vector<16xi32>,
          %get3A_627 = arith.index_cast %select_n3A_513 : i32 to index
          %get3A_628 = arith.index_cast %add3A_623 : i32 to index
          %get3A_629 = tpu.vector_load %arg13[%get3A_627, %get3A_628] {strides = array<i32>} : memref<2x2000xi32, #tpu.memory_space<vmem>>, vector<16xi32>,
          %add3A_630 = vector.broadcast %mul3A_56 : i32 to vector<16xi32>
          %add3A_631 = arith.addi %get3A_626, %add3A_630 : vector<16xi32>
          %swap3A_632 = arith.index_cast %select_n3A_399 : i32 to index
          %swap3A_633 = arith.constant 48 : index
          %swap3A_634 = tpu.vector_load %arg15[%swap3A_632, %swap3A_633] {strides = array<i32>} : memref<2x80xi32, #tpu.memory_space<vmem>>, vector<16xi32>,
          tpu.vector_store %arg15[%swap3A_632, %swap3A_633], %add3A_631 {strides = array<i32>} : memref<2x80xi32, #tpu.memory_space<vmem>>, vector<16xi32>,
          %swap3A_635 = arith.index_cast %select_n3A_399 : i32 to index
          %swap3A_636 = arith.constant 48 : index
          %swap3A_637 = tpu.vector_load %arg16[%swap3A_635, %swap3A_636] {strides = array<i32>} : memref<2x80xi32, #tpu.memory_space<vmem>>, vector<16xi32>,
          tpu.vector_store %arg16[%swap3A_635, %swap3A_636], %get3A_629 {strides = array<i32>} : memref<2x80xi32, #tpu.memory_space<vmem>>, vector<16xi32>,
          %gather3A_638 = tpu.vector_load_idx %arg10[%get3A_626] : memref<10000xf32, #tpu.memory_space<vmem>>[vector<16xi32>], vector<16xf32>,
          %gather3A_639 = tpu.vector_load_idx %arg11[%get3A_629] : memref<10000xf32, #tpu.memory_space<vmem>>[vector<16xi32>], vector<16xf32>,
          %add3A_640 = arith.addf %gather3A_638, %gather3A_639 : vector<16xf32>
          %gt3A_641 = arith.constant 0.000000e+00 : f32
          %gt3A_642 = vector.broadcast %gt3A_641 : f32 to vector<16xf32>
          %gt3A_643 = arith.cmpf ogt, %add3A_640, %gt3A_642 : vector<16xf32>
          %mul3A_644 = arith.constant 2.000000e-01 : f32
          %mul3A_645 = vector.broadcast %mul3A_644 : f32 to vector<16xf32>
          %mul3A_646 = arith.mulf %add3A_640, %mul3A_645 : vector<16xf32>
          %select_n3A_647 = arith.select %gt3A_643, %add3A_640, %mul3A_646 : vector<16xi1>, vector<16xf32>
          %exp3A_648 = math.exp %select_n3A_647 : vector<16xf32>
          %swap3A_649 = arith.index_cast %select_n3A_399 : i32 to index
          %swap3A_650 = arith.constant 48 : index
          %swap3A_651 = tpu.vector_load %arg14[%swap3A_649, %swap3A_650] {strides = array<i32>} : memref<2x80xf32, #tpu.memory_space<vmem>>, vector<16xf32>,
          tpu.vector_store %arg14[%swap3A_649, %swap3A_650], %exp3A_648 {strides = array<i32>} : memref<2x80xf32, #tpu.memory_space<vmem>>, vector<16xf32>,
          %add3A_652 = arith.constant 64 : i32
          %add3A_653 = arith.addi %mul3A_531, %add3A_652 : i32
          %get3A_654 = arith.index_cast %select_n3A_513 : i32 to index
          %get3A_655 = arith.index_cast %add3A_653 : i32 to index
          %get3A_656 = tpu.vector_load %arg12[%get3A_654, %get3A_655] {strides = array<i32>} : memref<2x2000xi32, #tpu.memory_space<vmem>>, vector<16xi32>,
          %get3A_657 = arith.index_cast %select_n3A_513 : i32 to index
          %get3A_658 = arith.index_cast %add3A_653 : i32 to index
          %get3A_659 = tpu.vector_load %arg13[%get3A_657, %get3A_658] {strides = array<i32>} : memref<2x2000xi32, #tpu.memory_space<vmem>>, vector<16xi32>,
          %add3A_660 = vector.broadcast %mul3A_56 : i32 to vector<16xi32>
          %add3A_661 = arith.addi %get3A_656, %add3A_660 : vector<16xi32>
          %swap3A_662 = arith.index_cast %select_n3A_399 : i32 to index
          %swap3A_663 = arith.constant 64 : index
          %swap3A_664 = tpu.vector_load %arg15[%swap3A_662, %swap3A_663] {strides = array<i32>} : memref<2x80xi32, #tpu.memory_space<vmem>>, vector<16xi32>,
          tpu.vector_store %arg15[%swap3A_662, %swap3A_663], %add3A_661 {strides = array<i32>} : memref<2x80xi32, #tpu.memory_space<vmem>>, vector<16xi32>,
          %swap3A_665 = arith.index_cast %select_n3A_399 : i32 to index
          %swap3A_666 = arith.constant 64 : index
          %swap3A_667 = tpu.vector_load %arg16[%swap3A_665, %swap3A_666] {strides = array<i32>} : memref<2x80xi32, #tpu.memory_space<vmem>>, vector<16xi32>,
          tpu.vector_store %arg16[%swap3A_665, %swap3A_666], %get3A_659 {strides = array<i32>} : memref<2x80xi32, #tpu.memory_space<vmem>>, vector<16xi32>,
          %gather3A_668 = tpu.vector_load_idx %arg10[%get3A_656] : memref<10000xf32, #tpu.memory_space<vmem>>[vector<16xi32>], vector<16xf32>,
          %gather3A_669 = tpu.vector_load_idx %arg11[%get3A_659] : memref<10000xf32, #tpu.memory_space<vmem>>[vector<16xi32>], vector<16xf32>,
          %add3A_670 = arith.addf %gather3A_668, %gather3A_669 : vector<16xf32>
          %gt3A_671 = arith.constant 0.000000e+00 : f32
          %gt3A_672 = vector.broadcast %gt3A_671 : f32 to vector<16xf32>
          %gt3A_673 = arith.cmpf ogt, %add3A_670, %gt3A_672 : vector<16xf32>
          %mul3A_674 = arith.constant 2.000000e-01 : f32
          %mul3A_675 = vector.broadcast %mul3A_674 : f32 to vector<16xf32>
          %mul3A_676 = arith.mulf %add3A_670, %mul3A_675 : vector<16xf32>
          %select_n3A_677 = arith.select %gt3A_673, %add3A_670, %mul3A_676 : vector<16xi1>, vector<16xf32>
          %exp3A_678 = math.exp %select_n3A_677 : vector<16xf32>
          %swap3A_679 = arith.index_cast %select_n3A_399 : i32 to index
          %swap3A_680 = arith.constant 64 : index
          %swap3A_681 = tpu.vector_load %arg14[%swap3A_679, %swap3A_680] {strides = array<i32>} : memref<2x80xf32, #tpu.memory_space<vmem>>, vector<16xf32>,
          tpu.vector_store %arg14[%swap3A_679, %swap3A_680], %exp3A_678 {strides = array<i32>} : memref<2x80xf32, #tpu.memory_space<vmem>>, vector<16xf32>,
          %dma_start3A_682 = arith.constant 0 : i32
          %dma_start3A_683 = arith.constant 0 : i32
          %dma_start3A_684 = tpu.memref_slice %arg17[%select_n3A_399, %dma_start3A_682, %dma_start3A_683] : memref<2x80x128xf32, #tpu.memory_space<vmem>> -> memref<1x80x128xf32, #tpu.memory_space<vmem>>
          %dma_start3A_685 = tpu.memref_squeeze %dma_start3A_684 : memref<1x80x128xf32, #tpu.memory_space<vmem>> -> memref<80x128xf32, #tpu.memory_space<vmem>>
          %dma_start3A_686 = arith.constant 0 : i32
          %dma_start3A_687 = tpu.memref_slice %arg15[%select_n3A_399, %dma_start3A_686] : memref<2x80xi32, #tpu.memory_space<vmem>> -> memref<1x80xi32, #tpu.memory_space<vmem>>
          %dma_start3A_688 = tpu.memref_squeeze %dma_start3A_687 : memref<1x80xi32, #tpu.memory_space<vmem>> -> memref<80xi32, #tpu.memory_space<vmem>>
          %dma_start3A_689 = arith.constant 0 : i32
          %dma_start3A_690 = arith.constant 0 : i32
          %dma_start3A_691 = tpu.memref_slice %arg2[%dma_start3A_689, %dma_start3A_690] : memref<80000x128xf32, #tpu.memory_space<hbm>> -> memref<80000x128xf32, #tpu.memory_space<hbm>>
          %dma_start3A_692 = tpu.memref_slice %arg19[%select_n3A_399] : memref<2x!tpu.dma_semaphore, #tpu.memory_space<semaphore_mem>> -> memref<1x!tpu.dma_semaphore, #tpu.memory_space<semaphore_mem>>
          %dma_start3A_693 = tpu.memref_squeeze %dma_start3A_692 : memref<1x!tpu.dma_semaphore, #tpu.memory_space<semaphore_mem>> -> memref<!tpu.dma_semaphore, #tpu.memory_space<semaphore_mem>>
          tpu.enqueue_indirect_dma source(%dma_start3A_691 : memref<80000x128xf32, #tpu.memory_space<hbm>>) target(%dma_start3A_685 : memref<80x128xf32, #tpu.memory_space<vmem>>) offsets(%dma_start3A_688 : memref<80xi32, #tpu.memory_space<vmem>>) semaphore(%dma_start3A_693 : memref<!tpu.dma_semaphore, #tpu.memory_space<semaphore_mem>>)
        } else {
        }
        %broadcast_in_dim3A = arith.constant 0 : i32
        %broadcast_in_dim3A_419 = vector.broadcast %broadcast_in_dim3A : i32 to vector<16xi32>
        %add3A_420 = vector.broadcast %select_n3A_381 : i32 to vector<16xi32>
        %add3A_421 = arith.addi %broadcast_in_dim3A_419, %add3A_420 : vector<16xi32>
        %scan3A_422 = arith.constant 0 : i32
        %scan3A_423 = arith.constant 0 : i32
        %scan3A_424 = arith.constant 20 : i32
        %scan3A_425 = arith.addi %scan3A_423, %scan3A_424 : i32
        %scan3A_426 = arith.constant 1 : i32
        %scan3A_427 = scf.for %scan3A_445 = %scan3A_423 to %scan3A_425 step %scan3A_426 iter_args(%scan3A_446 = %scan3A_422) -> (i32)  : i32 {
          %mul3A_447 = arith.constant 4 : i32
          %mul3A_448 = arith.muli %scan3A_445, %mul3A_447 : i32
          %add3A_449 = arith.constant 0 : i32
          %add3A_450 = arith.addi %mul3A_448, %add3A_449 : i32
          %broadcast_in_dim3A_451 = arith.constant 0 : i32
          %broadcast_in_dim3A_452 = vector.broadcast %broadcast_in_dim3A_451 : i32 to vector<16xi32>
          %add3A_453 = vector.broadcast %add3A_450 : i32 to vector<16xi32>
          %add3A_454 = arith.addi %broadcast_in_dim3A_452, %add3A_453 : vector<16xi32>
          %gather3A_455 = tpu.vector_load_idx %arg14[%add3A_421, %add3A_454] : memref<2x80xf32, #tpu.memory_space<vmem>>[vector<16xi32>, vector<16xi32>], vector<16xf32>,
          %get3A_456 = arith.index_cast %select_n3A_381 : i32 to index
          %get3A_457 = arith.index_cast %add3A_450 : i32 to index
          %get3A_458 = arith.constant 0 : index
          %get3A_459 = tpu.vector_load %arg17[%get3A_456, %get3A_457, %get3A_458] {strides = array<i32>} : memref<2x80x128xf32, #tpu.memory_space<vmem>>, vector<16xf32>,
          %mul3A_460 = arith.mulf %get3A_459, %gather3A_455 : vector<16xf32>
          %swap3A_461 = arith.index_cast %select_n3A_381 : i32 to index
          %swap3A_462 = arith.index_cast %add3A_450 : i32 to index
          %swap3A_463 = arith.constant 0 : index
          %swap3A_464 = tpu.vector_load %arg17[%swap3A_461, %swap3A_462, %swap3A_463] {strides = array<i32>} : memref<2x80x128xf32, #tpu.memory_space<vmem>>, vector<16xf32>,
          tpu.vector_store %arg17[%swap3A_461, %swap3A_462, %swap3A_463], %mul3A_460 {strides = array<i32>} : memref<2x80x128xf32, #tpu.memory_space<vmem>>, vector<16xf32>,
          %get3A_465 = arith.index_cast %select_n3A_381 : i32 to index
          %get3A_466 = arith.index_cast %add3A_450 : i32 to index
          %get3A_467 = arith.constant 16 : index
          %get3A_468 = tpu.vector_load %arg17[%get3A_465, %get3A_466, %get3A_467] {strides = array<i32>} : memref<2x80x128xf32, #tpu.memory_space<vmem>>, vector<16xf32>,
          %mul3A_469 = arith.mulf %get3A_468, %gather3A_455 : vector<16xf32>
          %swap3A_470 = arith.index_cast %select_n3A_381 : i32 to index
          %swap3A_471 = arith.index_cast %add3A_450 : i32 to index
          %swap3A_472 = arith.constant 16 : index
          %swap3A_473 = tpu.vector_load %arg17[%swap3A_470, %swap3A_471, %swap3A_472] {strides = array<i32>} : memref<2x80x128xf32, #tpu.memory_space<vmem>>, vector<16xf32>,
          tpu.vector_store %arg17[%swap3A_470, %swap3A_471, %swap3A_472], %mul3A_469 {strides = array<i32>} : memref<2x80x128xf32, #tpu.memory_space<vmem>>, vector<16xf32>,
          %get3A_474 = arith.index_cast %select_n3A_381 : i32 to index
          %get3A_475 = arith.index_cast %add3A_450 : i32 to index
          %get3A_476 = arith.constant 32 : index
          %get3A_477 = tpu.vector_load %arg17[%get3A_474, %get3A_475, %get3A_476] {strides = array<i32>} : memref<2x80x128xf32, #tpu.memory_space<vmem>>, vector<16xf32>,
          %mul3A_478 = arith.mulf %get3A_477, %gather3A_455 : vector<16xf32>
          %swap3A_479 = arith.index_cast %select_n3A_381 : i32 to index
          %swap3A_480 = arith.index_cast %add3A_450 : i32 to index
          %swap3A_481 = arith.constant 32 : index
          %swap3A_482 = tpu.vector_load %arg17[%swap3A_479, %swap3A_480, %swap3A_481] {strides = array<i32>} : memref<2x80x128xf32, #tpu.memory_space<vmem>>, vector<16xf32>,
          tpu.vector_store %arg17[%swap3A_479, %swap3A_480, %swap3A_481], %mul3A_478 {strides = array<i32>} : memref<2x80x128xf32, #tpu.memory_space<vmem>>, vector<16xf32>,
          %get3A_483 = arith.index_cast %select_n3A_381 : i32 to index
          %get3A_484 = arith.index_cast %add3A_450 : i32 to index
          %get3A_485 = arith.constant 48 : index
          %get3A_486 = tpu.vector_load %arg17[%get3A_483, %get3A_484, %get3A_485] {strides = array<i32>} : memref<2x80x128xf32, #tpu.memory_space<vmem>>, vector<16xf32>,
          %mul3A_487 = arith.mulf %get3A_486, %gather3A_455 : vector<16xf32>
          %swap3A_488 = arith.index_cast %select_n3A_381 : i32 to index
          %swap3A_489 = arith.index_cast %add3A_450 : i32 to index
          %swap3A_490 = arith.constant 48 : index
          %swap3A_491 = tpu.vector_load %arg17[%swap3A_488, %swap3A_489, %swap3A_490] {strides = array<i32>} : memref<2x80x128xf32, #tpu.memory_space<vmem>>, vector<16xf32>,
          tpu.vector_store %arg17[%swap3A_488, %swap3A_489, %swap3A_490], %mul3A_487 {strides = array<i32>} : memref<2x80x128xf32, #tpu.memory_space<vmem>>, vector<16xf32>,
          %get3A_492 = arith.index_cast %select_n3A_381 : i32 to index
          %get3A_493 = arith.index_cast %add3A_450 : i32 to index
          %get3A_494 = arith.constant 64 : index
          %get3A_495 = tpu.vector_load %arg17[%get3A_492, %get3A_493, %get3A_494] {strides = array<i32>} : memref<2x80x128xf32, #tpu.memory_space<vmem>>, vector<16xf32>,
          %mul3A_496 = arith.mulf %get3A_495, %gather3A_455 : vector<16xf32>
          %swap3A_497 = arith.index_cast %select_n3A_381 : i32 to index
          %swap3A_498 = arith.index_cast %add3A_450 : i32 to index
          %swap3A_499 = arith.constant 64 : index
          %swap3A_500 = tpu.vector_load %arg17[%swap3A_497, %swap3A_498, %swap3A_499] {strides = array<i32>} : memref<2x80x128xf32, #tpu.memory_space<vmem>>, vector<16xf32>,
          tpu.vector_store %arg17[%swap3A_497, %swap3A_498, %swap3A_499], %mul3A_496 {strides = array<i32>} : memref<2x80x128xf32, #tpu.memory_space<vmem>>, vector<16xf32>,
          %get3A_501 = arith.index_cast %select_n3A_381 : i32 to index
          %get3A_502 = arith.index_cast %add3A_450 : i32 to index
          %get3A_503 = arith.constant 80 : index
          %get3A_504 = tpu.vector_load %arg17[%get3A_501, %get3A_502, %get3A_503] {strides = array<i32>} : memref<2x80x128xf32, #tpu.memory_space<vmem>>, vector<16xf32>,
          %mul3A_505 = arith.mulf %get3A_504, %gather3A_455 : vector<16xf32>
          %swap3A_506 = arith.index_cast %select_n3A_381 : i32 to index
          %swap3A_507 = arith.index_cast %add3A_450 : i32 to index
          %swap3A_508 = arith.constant 80 : index
          %swap3A_509 = tpu.vector_load %arg17[%swap3A_506, %swap3A_507, %swap3A_508] {strides = array<i32>} : memref<2x80x128xf32, #tpu.memory_space<vmem>>, vector<16xf32>,
          tpu.vector_store %arg17[%swap3A_506, %swap3A_507, %swap3A_508], %mul3A_505 {strides = array<i32>} : memref<2x80x128xf32, #tpu.memory_space<vmem>>, vector<16xf32>,
          %get3A_510 = arith.index_cast %select_n3A_381 : i32 to index
          %get3A_511 = arith.index_cast %add3A_450 : i32 to index
          %get3A_512 = arith.constant 96 : index
          %get3A_513 = tpu.vector_load %arg17[%get3A_510, %get3A_511, %get3A_512] {strides = array<i32>} : memref<2x80x128xf32, #tpu.memory_space<vmem>>, vector<16xf32>,
          %mul3A_514 = arith.mulf %get3A_513, %gather3A_455 : vector<16xf32>
          %swap3A_515 = arith.index_cast %select_n3A_381 : i32 to index
          %swap3A_516 = arith.index_cast %add3A_450 : i32 to index
          %swap3A_517 = arith.constant 96 : index
          %swap3A_518 = tpu.vector_load %arg17[%swap3A_515, %swap3A_516, %swap3A_517] {strides = array<i32>} : memref<2x80x128xf32, #tpu.memory_space<vmem>>, vector<16xf32>,
          tpu.vector_store %arg17[%swap3A_515, %swap3A_516, %swap3A_517], %mul3A_514 {strides = array<i32>} : memref<2x80x128xf32, #tpu.memory_space<vmem>>, vector<16xf32>,
          %get3A_519 = arith.index_cast %select_n3A_381 : i32 to index
          %get3A_520 = arith.index_cast %add3A_450 : i32 to index
          %get3A_521 = arith.constant 112 : index
          %get3A_522 = tpu.vector_load %arg17[%get3A_519, %get3A_520, %get3A_521] {strides = array<i32>} : memref<2x80x128xf32, #tpu.memory_space<vmem>>, vector<16xf32>,
          %mul3A_523 = arith.mulf %get3A_522, %gather3A_455 : vector<16xf32>
          %swap3A_524 = arith.index_cast %select_n3A_381 : i32 to index
          %swap3A_525 = arith.index_cast %add3A_450 : i32 to index
          %swap3A_526 = arith.constant 112 : index
          %swap3A_527 = tpu.vector_load %arg17[%swap3A_524, %swap3A_525, %swap3A_526] {strides = array<i32>} : memref<2x80x128xf32, #tpu.memory_space<vmem>>, vector<16xf32>,
          tpu.vector_store %arg17[%swap3A_524, %swap3A_525, %swap3A_526], %mul3A_523 {strides = array<i32>} : memref<2x80x128xf32, #tpu.memory_space<vmem>>, vector<16xf32>,
          %mul3A_528 = arith.constant 4 : i32
          %mul3A_529 = arith.muli %scan3A_445, %mul3A_528 : i32
          %add3A_530 = arith.constant 1 : i32
          %add3A_531 = arith.addi %mul3A_529, %add3A_530 : i32
          %broadcast_in_dim3A_532 = arith.constant 0 : i32
          %broadcast_in_dim3A_533 = vector.broadcast %broadcast_in_dim3A_532 : i32 to vector<16xi32>
          %add3A_534 = vector.broadcast %add3A_531 : i32 to vector<16xi32>
          %add3A_535 = arith.addi %broadcast_in_dim3A_533, %add3A_534 : vector<16xi32>
          %gather3A_536 = tpu.vector_load_idx %arg14[%add3A_421, %add3A_535] : memref<2x80xf32, #tpu.memory_space<vmem>>[vector<16xi32>, vector<16xi32>], vector<16xf32>,
          %get3A_537 = arith.index_cast %select_n3A_381 : i32 to index
          %get3A_538 = arith.index_cast %add3A_531 : i32 to index
          %get3A_539 = arith.constant 0 : index
          %get3A_540 = tpu.vector_load %arg17[%get3A_537, %get3A_538, %get3A_539] {strides = array<i32>} : memref<2x80x128xf32, #tpu.memory_space<vmem>>, vector<16xf32>,
          %mul3A_541 = arith.mulf %get3A_540, %gather3A_536 : vector<16xf32>
          %swap3A_542 = arith.index_cast %select_n3A_381 : i32 to index
          %swap3A_543 = arith.index_cast %add3A_531 : i32 to index
          %swap3A_544 = arith.constant 0 : index
          %swap3A_545 = tpu.vector_load %arg17[%swap3A_542, %swap3A_543, %swap3A_544] {strides = array<i32>} : memref<2x80x128xf32, #tpu.memory_space<vmem>>, vector<16xf32>,
          tpu.vector_store %arg17[%swap3A_542, %swap3A_543, %swap3A_544], %mul3A_541 {strides = array<i32>} : memref<2x80x128xf32, #tpu.memory_space<vmem>>, vector<16xf32>,
          %get3A_546 = arith.index_cast %select_n3A_381 : i32 to index
          %get3A_547 = arith.index_cast %add3A_531 : i32 to index
          %get3A_548 = arith.constant 16 : index
          %get3A_549 = tpu.vector_load %arg17[%get3A_546, %get3A_547, %get3A_548] {strides = array<i32>} : memref<2x80x128xf32, #tpu.memory_space<vmem>>, vector<16xf32>,
          %mul3A_550 = arith.mulf %get3A_549, %gather3A_536 : vector<16xf32>
          %swap3A_551 = arith.index_cast %select_n3A_381 : i32 to index
          %swap3A_552 = arith.index_cast %add3A_531 : i32 to index
          %swap3A_553 = arith.constant 16 : index
          %swap3A_554 = tpu.vector_load %arg17[%swap3A_551, %swap3A_552, %swap3A_553] {strides = array<i32>} : memref<2x80x128xf32, #tpu.memory_space<vmem>>, vector<16xf32>,
          tpu.vector_store %arg17[%swap3A_551, %swap3A_552, %swap3A_553], %mul3A_550 {strides = array<i32>} : memref<2x80x128xf32, #tpu.memory_space<vmem>>, vector<16xf32>,
          %get3A_555 = arith.index_cast %select_n3A_381 : i32 to index
          %get3A_556 = arith.index_cast %add3A_531 : i32 to index
          %get3A_557 = arith.constant 32 : index
          %get3A_558 = tpu.vector_load %arg17[%get3A_555, %get3A_556, %get3A_557] {strides = array<i32>} : memref<2x80x128xf32, #tpu.memory_space<vmem>>, vector<16xf32>,
          %mul3A_559 = arith.mulf %get3A_558, %gather3A_536 : vector<16xf32>
          %swap3A_560 = arith.index_cast %select_n3A_381 : i32 to index
          %swap3A_561 = arith.index_cast %add3A_531 : i32 to index
          %swap3A_562 = arith.constant 32 : index
          %swap3A_563 = tpu.vector_load %arg17[%swap3A_560, %swap3A_561, %swap3A_562] {strides = array<i32>} : memref<2x80x128xf32, #tpu.memory_space<vmem>>, vector<16xf32>,
          tpu.vector_store %arg17[%swap3A_560, %swap3A_561, %swap3A_562], %mul3A_559 {strides = array<i32>} : memref<2x80x128xf32, #tpu.memory_space<vmem>>, vector<16xf32>,
          %get3A_564 = arith.index_cast %select_n3A_381 : i32 to index
          %get3A_565 = arith.index_cast %add3A_531 : i32 to index
          %get3A_566 = arith.constant 48 : index
          %get3A_567 = tpu.vector_load %arg17[%get3A_564, %get3A_565, %get3A_566] {strides = array<i32>} : memref<2x80x128xf32, #tpu.memory_space<vmem>>, vector<16xf32>,
          %mul3A_568 = arith.mulf %get3A_567, %gather3A_536 : vector<16xf32>
          %swap3A_569 = arith.index_cast %select_n3A_381 : i32 to index
          %swap3A_570 = arith.index_cast %add3A_531 : i32 to index
          %swap3A_571 = arith.constant 48 : index
          %swap3A_572 = tpu.vector_load %arg17[%swap3A_569, %swap3A_570, %swap3A_571] {strides = array<i32>} : memref<2x80x128xf32, #tpu.memory_space<vmem>>, vector<16xf32>,
          tpu.vector_store %arg17[%swap3A_569, %swap3A_570, %swap3A_571], %mul3A_568 {strides = array<i32>} : memref<2x80x128xf32, #tpu.memory_space<vmem>>, vector<16xf32>,
          %get3A_573 = arith.index_cast %select_n3A_381 : i32 to index
          %get3A_574 = arith.index_cast %add3A_531 : i32 to index
          %get3A_575 = arith.constant 64 : index
          %get3A_576 = tpu.vector_load %arg17[%get3A_573, %get3A_574, %get3A_575] {strides = array<i32>} : memref<2x80x128xf32, #tpu.memory_space<vmem>>, vector<16xf32>,
          %mul3A_577 = arith.mulf %get3A_576, %gather3A_536 : vector<16xf32>
          %swap3A_578 = arith.index_cast %select_n3A_381 : i32 to index
          %swap3A_579 = arith.index_cast %add3A_531 : i32 to index
          %swap3A_580 = arith.constant 64 : index
          %swap3A_581 = tpu.vector_load %arg17[%swap3A_578, %swap3A_579, %swap3A_580] {strides = array<i32>} : memref<2x80x128xf32, #tpu.memory_space<vmem>>, vector<16xf32>,
          tpu.vector_store %arg17[%swap3A_578, %swap3A_579, %swap3A_580], %mul3A_577 {strides = array<i32>} : memref<2x80x128xf32, #tpu.memory_space<vmem>>, vector<16xf32>,
          %get3A_582 = arith.index_cast %select_n3A_381 : i32 to index
          %get3A_583 = arith.index_cast %add3A_531 : i32 to index
          %get3A_584 = arith.constant 80 : index
          %get3A_585 = tpu.vector_load %arg17[%get3A_582, %get3A_583, %get3A_584] {strides = array<i32>} : memref<2x80x128xf32, #tpu.memory_space<vmem>>, vector<16xf32>,
          %mul3A_586 = arith.mulf %get3A_585, %gather3A_536 : vector<16xf32>
          %swap3A_587 = arith.index_cast %select_n3A_381 : i32 to index
          %swap3A_588 = arith.index_cast %add3A_531 : i32 to index
          %swap3A_589 = arith.constant 80 : index
          %swap3A_590 = tpu.vector_load %arg17[%swap3A_587, %swap3A_588, %swap3A_589] {strides = array<i32>} : memref<2x80x128xf32, #tpu.memory_space<vmem>>, vector<16xf32>,
          tpu.vector_store %arg17[%swap3A_587, %swap3A_588, %swap3A_589], %mul3A_586 {strides = array<i32>} : memref<2x80x128xf32, #tpu.memory_space<vmem>>, vector<16xf32>,
          %get3A_591 = arith.index_cast %select_n3A_381 : i32 to index
          %get3A_592 = arith.index_cast %add3A_531 : i32 to index
          %get3A_593 = arith.constant 96 : index
          %get3A_594 = tpu.vector_load %arg17[%get3A_591, %get3A_592, %get3A_593] {strides = array<i32>} : memref<2x80x128xf32, #tpu.memory_space<vmem>>, vector<16xf32>,
          %mul3A_595 = arith.mulf %get3A_594, %gather3A_536 : vector<16xf32>
          %swap3A_596 = arith.index_cast %select_n3A_381 : i32 to index
          %swap3A_597 = arith.index_cast %add3A_531 : i32 to index
          %swap3A_598 = arith.constant 96 : index
          %swap3A_599 = tpu.vector_load %arg17[%swap3A_596, %swap3A_597, %swap3A_598] {strides = array<i32>} : memref<2x80x128xf32, #tpu.memory_space<vmem>>, vector<16xf32>,
          tpu.vector_store %arg17[%swap3A_596, %swap3A_597, %swap3A_598], %mul3A_595 {strides = array<i32>} : memref<2x80x128xf32, #tpu.memory_space<vmem>>, vector<16xf32>,
          %get3A_600 = arith.index_cast %select_n3A_381 : i32 to index
          %get3A_601 = arith.index_cast %add3A_531 : i32 to index
          %get3A_602 = arith.constant 112 : index
          %get3A_603 = tpu.vector_load %arg17[%get3A_600, %get3A_601, %get3A_602] {strides = array<i32>} : memref<2x80x128xf32, #tpu.memory_space<vmem>>, vector<16xf32>,
          %mul3A_604 = arith.mulf %get3A_603, %gather3A_536 : vector<16xf32>
          %swap3A_605 = arith.index_cast %select_n3A_381 : i32 to index
          %swap3A_606 = arith.index_cast %add3A_531 : i32 to index
          %swap3A_607 = arith.constant 112 : index
          %swap3A_608 = tpu.vector_load %arg17[%swap3A_605, %swap3A_606, %swap3A_607] {strides = array<i32>} : memref<2x80x128xf32, #tpu.memory_space<vmem>>, vector<16xf32>,
          tpu.vector_store %arg17[%swap3A_605, %swap3A_606, %swap3A_607], %mul3A_604 {strides = array<i32>} : memref<2x80x128xf32, #tpu.memory_space<vmem>>, vector<16xf32>,
          %mul3A_609 = arith.constant 4 : i32
          %mul3A_610 = arith.muli %scan3A_445, %mul3A_609 : i32
          %add3A_611 = arith.constant 2 : i32
          %add3A_612 = arith.addi %mul3A_610, %add3A_611 : i32
          %broadcast_in_dim3A_613 = arith.constant 0 : i32
          %broadcast_in_dim3A_614 = vector.broadcast %broadcast_in_dim3A_613 : i32 to vector<16xi32>
          %add3A_615 = vector.broadcast %add3A_612 : i32 to vector<16xi32>
          %add3A_616 = arith.addi %broadcast_in_dim3A_614, %add3A_615 : vector<16xi32>
          %gather3A_617 = tpu.vector_load_idx %arg14[%add3A_421, %add3A_616] : memref<2x80xf32, #tpu.memory_space<vmem>>[vector<16xi32>, vector<16xi32>], vector<16xf32>,
          %get3A_618 = arith.index_cast %select_n3A_381 : i32 to index
          %get3A_619 = arith.index_cast %add3A_612 : i32 to index
          %get3A_620 = arith.constant 0 : index
          %get3A_621 = tpu.vector_load %arg17[%get3A_618, %get3A_619, %get3A_620] {strides = array<i32>} : memref<2x80x128xf32, #tpu.memory_space<vmem>>, vector<16xf32>,
          %mul3A_622 = arith.mulf %get3A_621, %gather3A_617 : vector<16xf32>
          %swap3A_623 = arith.index_cast %select_n3A_381 : i32 to index
          %swap3A_624 = arith.index_cast %add3A_612 : i32 to index
          %swap3A_625 = arith.constant 0 : index
          %swap3A_626 = tpu.vector_load %arg17[%swap3A_623, %swap3A_624, %swap3A_625] {strides = array<i32>} : memref<2x80x128xf32, #tpu.memory_space<vmem>>, vector<16xf32>,
          tpu.vector_store %arg17[%swap3A_623, %swap3A_624, %swap3A_625], %mul3A_622 {strides = array<i32>} : memref<2x80x128xf32, #tpu.memory_space<vmem>>, vector<16xf32>,
          %get3A_627 = arith.index_cast %select_n3A_381 : i32 to index
          %get3A_628 = arith.index_cast %add3A_612 : i32 to index
          %get3A_629 = arith.constant 16 : index
          %get3A_630 = tpu.vector_load %arg17[%get3A_627, %get3A_628, %get3A_629] {strides = array<i32>} : memref<2x80x128xf32, #tpu.memory_space<vmem>>, vector<16xf32>,
          %mul3A_631 = arith.mulf %get3A_630, %gather3A_617 : vector<16xf32>
          %swap3A_632 = arith.index_cast %select_n3A_381 : i32 to index
          %swap3A_633 = arith.index_cast %add3A_612 : i32 to index
          %swap3A_634 = arith.constant 16 : index
          %swap3A_635 = tpu.vector_load %arg17[%swap3A_632, %swap3A_633, %swap3A_634] {strides = array<i32>} : memref<2x80x128xf32, #tpu.memory_space<vmem>>, vector<16xf32>,
          tpu.vector_store %arg17[%swap3A_632, %swap3A_633, %swap3A_634], %mul3A_631 {strides = array<i32>} : memref<2x80x128xf32, #tpu.memory_space<vmem>>, vector<16xf32>,
          %get3A_636 = arith.index_cast %select_n3A_381 : i32 to index
          %get3A_637 = arith.index_cast %add3A_612 : i32 to index
          %get3A_638 = arith.constant 32 : index
          %get3A_639 = tpu.vector_load %arg17[%get3A_636, %get3A_637, %get3A_638] {strides = array<i32>} : memref<2x80x128xf32, #tpu.memory_space<vmem>>, vector<16xf32>,
          %mul3A_640 = arith.mulf %get3A_639, %gather3A_617 : vector<16xf32>
          %swap3A_641 = arith.index_cast %select_n3A_381 : i32 to index
          %swap3A_642 = arith.index_cast %add3A_612 : i32 to index
          %swap3A_643 = arith.constant 32 : index
          %swap3A_644 = tpu.vector_load %arg17[%swap3A_641, %swap3A_642, %swap3A_643] {strides = array<i32>} : memref<2x80x128xf32, #tpu.memory_space<vmem>>, vector<16xf32>,
          tpu.vector_store %arg17[%swap3A_641, %swap3A_642, %swap3A_643], %mul3A_640 {strides = array<i32>} : memref<2x80x128xf32, #tpu.memory_space<vmem>>, vector<16xf32>,
          %get3A_645 = arith.index_cast %select_n3A_381 : i32 to index
          %get3A_646 = arith.index_cast %add3A_612 : i32 to index
          %get3A_647 = arith.constant 48 : index
          %get3A_648 = tpu.vector_load %arg17[%get3A_645, %get3A_646, %get3A_647] {strides = array<i32>} : memref<2x80x128xf32, #tpu.memory_space<vmem>>, vector<16xf32>,
          %mul3A_649 = arith.mulf %get3A_648, %gather3A_617 : vector<16xf32>
          %swap3A_650 = arith.index_cast %select_n3A_381 : i32 to index
          %swap3A_651 = arith.index_cast %add3A_612 : i32 to index
          %swap3A_652 = arith.constant 48 : index
          %swap3A_653 = tpu.vector_load %arg17[%swap3A_650, %swap3A_651, %swap3A_652] {strides = array<i32>} : memref<2x80x128xf32, #tpu.memory_space<vmem>>, vector<16xf32>,
          tpu.vector_store %arg17[%swap3A_650, %swap3A_651, %swap3A_652], %mul3A_649 {strides = array<i32>} : memref<2x80x128xf32, #tpu.memory_space<vmem>>, vector<16xf32>,
          %get3A_654 = arith.index_cast %select_n3A_381 : i32 to index
          %get3A_655 = arith.index_cast %add3A_612 : i32 to index
          %get3A_656 = arith.constant 64 : index
          %get3A_657 = tpu.vector_load %arg17[%get3A_654, %get3A_655, %get3A_656] {strides = array<i32>} : memref<2x80x128xf32, #tpu.memory_space<vmem>>, vector<16xf32>,
          %mul3A_658 = arith.mulf %get3A_657, %gather3A_617 : vector<16xf32>
          %swap3A_659 = arith.index_cast %select_n3A_381 : i32 to index
          %swap3A_660 = arith.index_cast %add3A_612 : i32 to index
          %swap3A_661 = arith.constant 64 : index
          %swap3A_662 = tpu.vector_load %arg17[%swap3A_659, %swap3A_660, %swap3A_661] {strides = array<i32>} : memref<2x80x128xf32, #tpu.memory_space<vmem>>, vector<16xf32>,
          tpu.vector_store %arg17[%swap3A_659, %swap3A_660, %swap3A_661], %mul3A_658 {strides = array<i32>} : memref<2x80x128xf32, #tpu.memory_space<vmem>>, vector<16xf32>,
          %get3A_663 = arith.index_cast %select_n3A_381 : i32 to index
          %get3A_664 = arith.index_cast %add3A_612 : i32 to index
          %get3A_665 = arith.constant 80 : index
          %get3A_666 = tpu.vector_load %arg17[%get3A_663, %get3A_664, %get3A_665] {strides = array<i32>} : memref<2x80x128xf32, #tpu.memory_space<vmem>>, vector<16xf32>,
          %mul3A_667 = arith.mulf %get3A_666, %gather3A_617 : vector<16xf32>
          %swap3A_668 = arith.index_cast %select_n3A_381 : i32 to index
          %swap3A_669 = arith.index_cast %add3A_612 : i32 to index
          %swap3A_670 = arith.constant 80 : index
          %swap3A_671 = tpu.vector_load %arg17[%swap3A_668, %swap3A_669, %swap3A_670] {strides = array<i32>} : memref<2x80x128xf32, #tpu.memory_space<vmem>>, vector<16xf32>,
          tpu.vector_store %arg17[%swap3A_668, %swap3A_669, %swap3A_670], %mul3A_667 {strides = array<i32>} : memref<2x80x128xf32, #tpu.memory_space<vmem>>, vector<16xf32>,
          %get3A_672 = arith.index_cast %select_n3A_381 : i32 to index
          %get3A_673 = arith.index_cast %add3A_612 : i32 to index
          %get3A_674 = arith.constant 96 : index
          %get3A_675 = tpu.vector_load %arg17[%get3A_672, %get3A_673, %get3A_674] {strides = array<i32>} : memref<2x80x128xf32, #tpu.memory_space<vmem>>, vector<16xf32>,
          %mul3A_676 = arith.mulf %get3A_675, %gather3A_617 : vector<16xf32>
          %swap3A_677 = arith.index_cast %select_n3A_381 : i32 to index
          %swap3A_678 = arith.index_cast %add3A_612 : i32 to index
          %swap3A_679 = arith.constant 96 : index
          %swap3A_680 = tpu.vector_load %arg17[%swap3A_677, %swap3A_678, %swap3A_679] {strides = array<i32>} : memref<2x80x128xf32, #tpu.memory_space<vmem>>, vector<16xf32>,
          tpu.vector_store %arg17[%swap3A_677, %swap3A_678, %swap3A_679], %mul3A_676 {strides = array<i32>} : memref<2x80x128xf32, #tpu.memory_space<vmem>>, vector<16xf32>,
          %get3A_681 = arith.index_cast %select_n3A_381 : i32 to index
          %get3A_682 = arith.index_cast %add3A_612 : i32 to index
          %get3A_683 = arith.constant 112 : index
          %get3A_684 = tpu.vector_load %arg17[%get3A_681, %get3A_682, %get3A_683] {strides = array<i32>} : memref<2x80x128xf32, #tpu.memory_space<vmem>>, vector<16xf32>,
          %mul3A_685 = arith.mulf %get3A_684, %gather3A_617 : vector<16xf32>
          %swap3A_686 = arith.index_cast %select_n3A_381 : i32 to index
          %swap3A_687 = arith.index_cast %add3A_612 : i32 to index
          %swap3A_688 = arith.constant 112 : index
          %swap3A_689 = tpu.vector_load %arg17[%swap3A_686, %swap3A_687, %swap3A_688] {strides = array<i32>} : memref<2x80x128xf32, #tpu.memory_space<vmem>>, vector<16xf32>,
          tpu.vector_store %arg17[%swap3A_686, %swap3A_687, %swap3A_688], %mul3A_685 {strides = array<i32>} : memref<2x80x128xf32, #tpu.memory_space<vmem>>, vector<16xf32>,
          %mul3A_690 = arith.constant 4 : i32
          %mul3A_691 = arith.muli %scan3A_445, %mul3A_690 : i32
          %add3A_692 = arith.constant 3 : i32
          %add3A_693 = arith.addi %mul3A_691, %add3A_692 : i32
          %broadcast_in_dim3A_694 = arith.constant 0 : i32
          %broadcast_in_dim3A_695 = vector.broadcast %broadcast_in_dim3A_694 : i32 to vector<16xi32>
          %add3A_696 = vector.broadcast %add3A_693 : i32 to vector<16xi32>
          %add3A_697 = arith.addi %broadcast_in_dim3A_695, %add3A_696 : vector<16xi32>
          %gather3A_698 = tpu.vector_load_idx %arg14[%add3A_421, %add3A_697] : memref<2x80xf32, #tpu.memory_space<vmem>>[vector<16xi32>, vector<16xi32>], vector<16xf32>,
          %get3A_699 = arith.index_cast %select_n3A_381 : i32 to index
          %get3A_700 = arith.index_cast %add3A_693 : i32 to index
          %get3A_701 = arith.constant 0 : index
          %get3A_702 = tpu.vector_load %arg17[%get3A_699, %get3A_700, %get3A_701] {strides = array<i32>} : memref<2x80x128xf32, #tpu.memory_space<vmem>>, vector<16xf32>,
          %mul3A_703 = arith.mulf %get3A_702, %gather3A_698 : vector<16xf32>
          %swap3A_704 = arith.index_cast %select_n3A_381 : i32 to index
          %swap3A_705 = arith.index_cast %add3A_693 : i32 to index
          %swap3A_706 = arith.constant 0 : index
          %swap3A_707 = tpu.vector_load %arg17[%swap3A_704, %swap3A_705, %swap3A_706] {strides = array<i32>} : memref<2x80x128xf32, #tpu.memory_space<vmem>>, vector<16xf32>,
          tpu.vector_store %arg17[%swap3A_704, %swap3A_705, %swap3A_706], %mul3A_703 {strides = array<i32>} : memref<2x80x128xf32, #tpu.memory_space<vmem>>, vector<16xf32>,
          %get3A_708 = arith.index_cast %select_n3A_381 : i32 to index
          %get3A_709 = arith.index_cast %add3A_693 : i32 to index
          %get3A_710 = arith.constant 16 : index
          %get3A_711 = tpu.vector_load %arg17[%get3A_708, %get3A_709, %get3A_710] {strides = array<i32>} : memref<2x80x128xf32, #tpu.memory_space<vmem>>, vector<16xf32>,
          %mul3A_712 = arith.mulf %get3A_711, %gather3A_698 : vector<16xf32>
          %swap3A_713 = arith.index_cast %select_n3A_381 : i32 to index
          %swap3A_714 = arith.index_cast %add3A_693 : i32 to index
          %swap3A_715 = arith.constant 16 : index
          %swap3A_716 = tpu.vector_load %arg17[%swap3A_713, %swap3A_714, %swap3A_715] {strides = array<i32>} : memref<2x80x128xf32, #tpu.memory_space<vmem>>, vector<16xf32>,
          tpu.vector_store %arg17[%swap3A_713, %swap3A_714, %swap3A_715], %mul3A_712 {strides = array<i32>} : memref<2x80x128xf32, #tpu.memory_space<vmem>>, vector<16xf32>,
          %get3A_717 = arith.index_cast %select_n3A_381 : i32 to index
          %get3A_718 = arith.index_cast %add3A_693 : i32 to index
          %get3A_719 = arith.constant 32 : index
          %get3A_720 = tpu.vector_load %arg17[%get3A_717, %get3A_718, %get3A_719] {strides = array<i32>} : memref<2x80x128xf32, #tpu.memory_space<vmem>>, vector<16xf32>,
          %mul3A_721 = arith.mulf %get3A_720, %gather3A_698 : vector<16xf32>
          %swap3A_722 = arith.index_cast %select_n3A_381 : i32 to index
          %swap3A_723 = arith.index_cast %add3A_693 : i32 to index
          %swap3A_724 = arith.constant 32 : index
          %swap3A_725 = tpu.vector_load %arg17[%swap3A_722, %swap3A_723, %swap3A_724] {strides = array<i32>} : memref<2x80x128xf32, #tpu.memory_space<vmem>>, vector<16xf32>,
          tpu.vector_store %arg17[%swap3A_722, %swap3A_723, %swap3A_724], %mul3A_721 {strides = array<i32>} : memref<2x80x128xf32, #tpu.memory_space<vmem>>, vector<16xf32>,
          %get3A_726 = arith.index_cast %select_n3A_381 : i32 to index
          %get3A_727 = arith.index_cast %add3A_693 : i32 to index
          %get3A_728 = arith.constant 48 : index
          %get3A_729 = tpu.vector_load %arg17[%get3A_726, %get3A_727, %get3A_728] {strides = array<i32>} : memref<2x80x128xf32, #tpu.memory_space<vmem>>, vector<16xf32>,
          %mul3A_730 = arith.mulf %get3A_729, %gather3A_698 : vector<16xf32>
          %swap3A_731 = arith.index_cast %select_n3A_381 : i32 to index
          %swap3A_732 = arith.index_cast %add3A_693 : i32 to index
          %swap3A_733 = arith.constant 48 : index
          %swap3A_734 = tpu.vector_load %arg17[%swap3A_731, %swap3A_732, %swap3A_733] {strides = array<i32>} : memref<2x80x128xf32, #tpu.memory_space<vmem>>, vector<16xf32>,
          tpu.vector_store %arg17[%swap3A_731, %swap3A_732, %swap3A_733], %mul3A_730 {strides = array<i32>} : memref<2x80x128xf32, #tpu.memory_space<vmem>>, vector<16xf32>,
          %get3A_735 = arith.index_cast %select_n3A_381 : i32 to index
          %get3A_736 = arith.index_cast %add3A_693 : i32 to index
          %get3A_737 = arith.constant 64 : index
          %get3A_738 = tpu.vector_load %arg17[%get3A_735, %get3A_736, %get3A_737] {strides = array<i32>} : memref<2x80x128xf32, #tpu.memory_space<vmem>>, vector<16xf32>,
          %mul3A_739 = arith.mulf %get3A_738, %gather3A_698 : vector<16xf32>
          %swap3A_740 = arith.index_cast %select_n3A_381 : i32 to index
          %swap3A_741 = arith.index_cast %add3A_693 : i32 to index
          %swap3A_742 = arith.constant 64 : index
          %swap3A_743 = tpu.vector_load %arg17[%swap3A_740, %swap3A_741, %swap3A_742] {strides = array<i32>} : memref<2x80x128xf32, #tpu.memory_space<vmem>>, vector<16xf32>,
          tpu.vector_store %arg17[%swap3A_740, %swap3A_741, %swap3A_742], %mul3A_739 {strides = array<i32>} : memref<2x80x128xf32, #tpu.memory_space<vmem>>, vector<16xf32>,
          %get3A_744 = arith.index_cast %select_n3A_381 : i32 to index
          %get3A_745 = arith.index_cast %add3A_693 : i32 to index
          %get3A_746 = arith.constant 80 : index
          %get3A_747 = tpu.vector_load %arg17[%get3A_744, %get3A_745, %get3A_746] {strides = array<i32>} : memref<2x80x128xf32, #tpu.memory_space<vmem>>, vector<16xf32>,
          %mul3A_748 = arith.mulf %get3A_747, %gather3A_698 : vector<16xf32>
          %swap3A_749 = arith.index_cast %select_n3A_381 : i32 to index
          %swap3A_750 = arith.index_cast %add3A_693 : i32 to index
          %swap3A_751 = arith.constant 80 : index
          %swap3A_752 = tpu.vector_load %arg17[%swap3A_749, %swap3A_750, %swap3A_751] {strides = array<i32>} : memref<2x80x128xf32, #tpu.memory_space<vmem>>, vector<16xf32>,
          tpu.vector_store %arg17[%swap3A_749, %swap3A_750, %swap3A_751], %mul3A_748 {strides = array<i32>} : memref<2x80x128xf32, #tpu.memory_space<vmem>>, vector<16xf32>,
          %get3A_753 = arith.index_cast %select_n3A_381 : i32 to index
          %get3A_754 = arith.index_cast %add3A_693 : i32 to index
          %get3A_755 = arith.constant 96 : index
          %get3A_756 = tpu.vector_load %arg17[%get3A_753, %get3A_754, %get3A_755] {strides = array<i32>} : memref<2x80x128xf32, #tpu.memory_space<vmem>>, vector<16xf32>,
          %mul3A_757 = arith.mulf %get3A_756, %gather3A_698 : vector<16xf32>
          %swap3A_758 = arith.index_cast %select_n3A_381 : i32 to index
          %swap3A_759 = arith.index_cast %add3A_693 : i32 to index
          %swap3A_760 = arith.constant 96 : index
          %swap3A_761 = tpu.vector_load %arg17[%swap3A_758, %swap3A_759, %swap3A_760] {strides = array<i32>} : memref<2x80x128xf32, #tpu.memory_space<vmem>>, vector<16xf32>,
          tpu.vector_store %arg17[%swap3A_758, %swap3A_759, %swap3A_760], %mul3A_757 {strides = array<i32>} : memref<2x80x128xf32, #tpu.memory_space<vmem>>, vector<16xf32>,
          %get3A_762 = arith.index_cast %select_n3A_381 : i32 to index
          %get3A_763 = arith.index_cast %add3A_693 : i32 to index
          %get3A_764 = arith.constant 112 : index
          %get3A_765 = tpu.vector_load %arg17[%get3A_762, %get3A_763, %get3A_764] {strides = array<i32>} : memref<2x80x128xf32, #tpu.memory_space<vmem>>, vector<16xf32>,
          %mul3A_766 = arith.mulf %get3A_765, %gather3A_698 : vector<16xf32>
          %swap3A_767 = arith.index_cast %select_n3A_381 : i32 to index
          %swap3A_768 = arith.index_cast %add3A_693 : i32 to index
          %swap3A_769 = arith.constant 112 : index
          %swap3A_770 = tpu.vector_load %arg17[%swap3A_767, %swap3A_768, %swap3A_769] {strides = array<i32>} : memref<2x80x128xf32, #tpu.memory_space<vmem>>, vector<16xf32>,
          tpu.vector_store %arg17[%swap3A_767, %swap3A_768, %swap3A_769], %mul3A_766 {strides = array<i32>} : memref<2x80x128xf32, #tpu.memory_space<vmem>>, vector<16xf32>,
          %scan3A_771 = arith.constant 0 : i32
          scf.yield %scan3A_771 : i32
        }
        %scan3A_428 = arith.constant 20 : i32
        %dma_start3A_429 = arith.constant 0 : i32
        %dma_start3A_430 = arith.constant 0 : i32
        %dma_start3A_431 = tpu.memref_slice %arg17[%select_n3A_381, %dma_start3A_429, %dma_start3A_430] : memref<2x80x128xf32, #tpu.memory_space<vmem>> -> memref<1x80x128xf32, #tpu.memory_space<vmem>>
        %dma_start3A_432 = tpu.memref_squeeze %dma_start3A_431 : memref<1x80x128xf32, #tpu.memory_space<vmem>> -> memref<80x128xf32, #tpu.memory_space<vmem>>
        %dma_start3A_433 = arith.constant 0 : i32
        %dma_start3A_434 = tpu.memref_slice %arg16[%select_n3A_381, %dma_start3A_433] : memref<2x80xi32, #tpu.memory_space<vmem>> -> memref<1x80xi32, #tpu.memory_space<vmem>>
        %dma_start3A_435 = tpu.memref_squeeze %dma_start3A_434 : memref<1x80xi32, #tpu.memory_space<vmem>> -> memref<80xi32, #tpu.memory_space<vmem>>
        %dma_start3A_436 = arith.constant 0 : i32
        %dma_start3A_437 = arith.constant 0 : i32
        %dma_start3A_438 = tpu.memref_slice %arg22[%dma_start3A_436, %dma_start3A_437] : memref<10000x128xf32, #tpu.memory_space<vmem_shared>> -> memref<10000x128xf32, #tpu.memory_space<vmem_shared>>
        %dma_start3A_439 = tpu.memref_slice %arg20[%select_n3A_381] : memref<2x!tpu.dma_semaphore, #tpu.memory_space<semaphore_mem>> -> memref<1x!tpu.dma_semaphore, #tpu.memory_space<semaphore_mem>>
        %dma_start3A_440 = tpu.memref_squeeze %dma_start3A_439 : memref<1x!tpu.dma_semaphore, #tpu.memory_space<semaphore_mem>> -> memref<!tpu.dma_semaphore, #tpu.memory_space<semaphore_mem>>
        tpu.enqueue_indirect_dma source(%dma_start3A_432 : memref<80x128xf32, #tpu.memory_space<vmem>>) target(%dma_start3A_438 : memref<10000x128xf32, #tpu.memory_space<vmem_shared>>) offsets(%dma_start3A_435 : memref<80xi32, #tpu.memory_space<vmem>>) semaphore(%dma_start3A_440 : memref<!tpu.dma_semaphore, #tpu.memory_space<semaphore_mem>>) {add = true}
        %convert_element_type3A_441 = arith.extui %eq3A_43 : i1 to i32
        %cond3A_442 = arith.constant 0 : i32
        %cond3A_443 = arith.cmpi ne, %convert_element_type3A_441, %cond3A_442 : i32
        scf.if %cond3A_443 {
          %dma_start3A_445 = arith.constant 0 : i32
          %dma_start3A_446 = tpu.memref_slice %arg14[%select_n3A_381, %dma_start3A_445] : memref<2x80xf32, #tpu.memory_space<vmem>> -> memref<1x80xf32, #tpu.memory_space<vmem>>
          %dma_start3A_447 = tpu.memref_squeeze %dma_start3A_446 : memref<1x80xf32, #tpu.memory_space<vmem>> -> memref<80xf32, #tpu.memory_space<vmem>>
          %dma_start3A_448 = arith.constant 0 : i32
          %dma_start3A_449 = tpu.memref_slice %arg16[%select_n3A_381, %dma_start3A_448] : memref<2x80xi32, #tpu.memory_space<vmem>> -> memref<1x80xi32, #tpu.memory_space<vmem>>
          %dma_start3A_450 = tpu.memref_squeeze %dma_start3A_449 : memref<1x80xi32, #tpu.memory_space<vmem>> -> memref<80xi32, #tpu.memory_space<vmem>>
          %dma_start3A_451 = arith.constant 0 : i32
          %dma_start3A_452 = tpu.memref_slice %arg23[%dma_start3A_451] : memref<10240xf32, #tpu.memory_space<vmem_shared>> -> memref<10240xf32, #tpu.memory_space<vmem_shared>>
          %dma_start3A_453 = tpu.memref_slice %arg21[%select_n3A_381] : memref<2x!tpu.dma_semaphore, #tpu.memory_space<semaphore_mem>> -> memref<1x!tpu.dma_semaphore, #tpu.memory_space<semaphore_mem>>
          %dma_start3A_454 = tpu.memref_squeeze %dma_start3A_453 : memref<1x!tpu.dma_semaphore, #tpu.memory_space<semaphore_mem>> -> memref<!tpu.dma_semaphore, #tpu.memory_space<semaphore_mem>>
          tpu.enqueue_indirect_dma source(%dma_start3A_447 : memref<80xf32, #tpu.memory_space<vmem>>) target(%dma_start3A_452 : memref<10240xf32, #tpu.memory_space<vmem_shared>>) offsets(%dma_start3A_450 : memref<80xi32, #tpu.memory_space<vmem>>) semaphore(%dma_start3A_454 : memref<!tpu.dma_semaphore, #tpu.memory_space<semaphore_mem>>) {add = true}
        } else {
        }
        %scan3A_444 = arith.constant 0 : i32
        scf.yield %scan3A_444 : i32
      }
      %scan3A_314 = arith.constant 250 : i32
      %dma_wait3A_315 = arith.constant 0 : i32
      %dma_wait3A_316 = arith.constant 0 : i32
      %dma_wait3A_317 = arith.constant 0 : i32
      %dma_wait3A_318 = arith.constant 0 : i32
      %dma_wait3A_319 = arith.constant 0 : i32
      %dma_wait3A_320 = tpu.memref_slice %arg17[%dma_wait3A_315, %dma_wait3A_318, %dma_wait3A_319] : memref<2x80x128xf32, #tpu.memory_space<vmem>> -> memref<1x80x128xf32, #tpu.memory_space<vmem>>
      %dma_wait3A_321 = tpu.memref_squeeze %dma_wait3A_320 : memref<1x80x128xf32, #tpu.memory_space<vmem>> -> memref<80x128xf32, #tpu.memory_space<vmem>>
      %dma_wait3A_322 = arith.constant 0 : i32
      %dma_wait3A_323 = tpu.memref_slice %arg16[%dma_wait3A_316, %dma_wait3A_322] : memref<2x80xi32, #tpu.memory_space<vmem>> -> memref<1x80xi32, #tpu.memory_space<vmem>>
      %dma_wait3A_324 = tpu.memref_squeeze %dma_wait3A_323 : memref<1x80xi32, #tpu.memory_space<vmem>> -> memref<80xi32, #tpu.memory_space<vmem>>
      %dma_wait3A_325 = arith.constant 0 : i32
      %dma_wait3A_326 = arith.constant 0 : i32
      %dma_wait3A_327 = tpu.memref_slice %arg22[%dma_wait3A_325, %dma_wait3A_326] : memref<10000x128xf32, #tpu.memory_space<vmem_shared>> -> memref<10000x128xf32, #tpu.memory_space<vmem_shared>>
      %dma_wait3A_328 = tpu.memref_slice %arg20[%dma_wait3A_317] : memref<2x!tpu.dma_semaphore, #tpu.memory_space<semaphore_mem>> -> memref<1x!tpu.dma_semaphore, #tpu.memory_space<semaphore_mem>>
      %dma_wait3A_329 = tpu.memref_squeeze %dma_wait3A_328 : memref<1x!tpu.dma_semaphore, #tpu.memory_space<semaphore_mem>> -> memref<!tpu.dma_semaphore, #tpu.memory_space<semaphore_mem>>
      tpu.wait_indirect_dma semaphore(%dma_wait3A_329 : memref<!tpu.dma_semaphore, #tpu.memory_space<semaphore_mem>>) src(%dma_wait3A_321 : memref<80x128xf32, #tpu.memory_space<vmem>>) dst(%dma_wait3A_327 : memref<10000x128xf32, #tpu.memory_space<vmem_shared>>)
      %convert_element_type3A_330 = arith.extui %eq3A_43 : i1 to i32
      %cond3A_331 = arith.constant 0 : i32
      %cond3A_332 = arith.cmpi ne, %convert_element_type3A_330, %cond3A_331 : i32
      scf.if %cond3A_332 {
        %dma_wait3A_364 = arith.constant 0 : i32
        %dma_wait3A_365 = arith.constant 0 : i32
        %dma_wait3A_366 = arith.constant 0 : i32
        %dma_wait3A_367 = arith.constant 0 : i32
        %dma_wait3A_368 = tpu.memref_slice %arg14[%dma_wait3A_364, %dma_wait3A_367] : memref<2x80xf32, #tpu.memory_space<vmem>> -> memref<1x80xf32, #tpu.memory_space<vmem>>
        %dma_wait3A_369 = tpu.memref_squeeze %dma_wait3A_368 : memref<1x80xf32, #tpu.memory_space<vmem>> -> memref<80xf32, #tpu.memory_space<vmem>>
        %dma_wait3A_370 = arith.constant 0 : i32
        %dma_wait3A_371 = tpu.memref_slice %arg16[%dma_wait3A_365, %dma_wait3A_370] : memref<2x80xi32, #tpu.memory_space<vmem>> -> memref<1x80xi32, #tpu.memory_space<vmem>>
        %dma_wait3A_372 = tpu.memref_squeeze %dma_wait3A_371 : memref<1x80xi32, #tpu.memory_space<vmem>> -> memref<80xi32, #tpu.memory_space<vmem>>
        %dma_wait3A_373 = arith.constant 0 : i32
        %dma_wait3A_374 = tpu.memref_slice %arg23[%dma_wait3A_373] : memref<10240xf32, #tpu.memory_space<vmem_shared>> -> memref<10240xf32, #tpu.memory_space<vmem_shared>>
        %dma_wait3A_375 = tpu.memref_slice %arg21[%dma_wait3A_366] : memref<2x!tpu.dma_semaphore, #tpu.memory_space<semaphore_mem>> -> memref<1x!tpu.dma_semaphore, #tpu.memory_space<semaphore_mem>>
        %dma_wait3A_376 = tpu.memref_squeeze %dma_wait3A_375 : memref<1x!tpu.dma_semaphore, #tpu.memory_space<semaphore_mem>> -> memref<!tpu.dma_semaphore, #tpu.memory_space<semaphore_mem>>
        tpu.wait_indirect_dma semaphore(%dma_wait3A_376 : memref<!tpu.dma_semaphore, #tpu.memory_space<semaphore_mem>>) src(%dma_wait3A_369 : memref<80xf32, #tpu.memory_space<vmem>>) dst(%dma_wait3A_374 : memref<10240xf32, #tpu.memory_space<vmem_shared>>)
      } else {
      }
      %dma_wait3A_333 = arith.constant 1 : i32
      %dma_wait3A_334 = arith.constant 1 : i32
      %dma_wait3A_335 = arith.constant 1 : i32
      %dma_wait3A_336 = arith.constant 0 : i32
      %dma_wait3A_337 = arith.constant 0 : i32
      %dma_wait3A_338 = tpu.memref_slice %arg17[%dma_wait3A_333, %dma_wait3A_336, %dma_wait3A_337] : memref<2x80x128xf32, #tpu.memory_space<vmem>> -> memref<1x80x128xf32, #tpu.memory_space<vmem>>
      %dma_wait3A_339 = tpu.memref_squeeze %dma_wait3A_338 : memref<1x80x128xf32, #tpu.memory_space<vmem>> -> memref<80x128xf32, #tpu.memory_space<vmem>>
      %dma_wait3A_340 = arith.constant 0 : i32
      %dma_wait3A_341 = tpu.memref_slice %arg16[%dma_wait3A_334, %dma_wait3A_340] : memref<2x80xi32, #tpu.memory_space<vmem>> -> memref<1x80xi32, #tpu.memory_space<vmem>>
      %dma_wait3A_342 = tpu.memref_squeeze %dma_wait3A_341 : memref<1x80xi32, #tpu.memory_space<vmem>> -> memref<80xi32, #tpu.memory_space<vmem>>
      %dma_wait3A_343 = arith.constant 0 : i32
      %dma_wait3A_344 = arith.constant 0 : i32
      %dma_wait3A_345 = tpu.memref_slice %arg22[%dma_wait3A_343, %dma_wait3A_344] : memref<10000x128xf32, #tpu.memory_space<vmem_shared>> -> memref<10000x128xf32, #tpu.memory_space<vmem_shared>>
      %dma_wait3A_346 = tpu.memref_slice %arg20[%dma_wait3A_335] : memref<2x!tpu.dma_semaphore, #tpu.memory_space<semaphore_mem>> -> memref<1x!tpu.dma_semaphore, #tpu.memory_space<semaphore_mem>>
      %dma_wait3A_347 = tpu.memref_squeeze %dma_wait3A_346 : memref<1x!tpu.dma_semaphore, #tpu.memory_space<semaphore_mem>> -> memref<!tpu.dma_semaphore, #tpu.memory_space<semaphore_mem>>
      tpu.wait_indirect_dma semaphore(%dma_wait3A_347 : memref<!tpu.dma_semaphore, #tpu.memory_space<semaphore_mem>>) src(%dma_wait3A_339 : memref<80x128xf32, #tpu.memory_space<vmem>>) dst(%dma_wait3A_345 : memref<10000x128xf32, #tpu.memory_space<vmem_shared>>)
      %convert_element_type3A_348 = arith.extui %eq3A_43 : i1 to i32
      %cond3A_349 = arith.constant 0 : i32
      %cond3A_350 = arith.cmpi ne, %convert_element_type3A_348, %cond3A_349 : i32
      scf.if %cond3A_350 {
        %dma_wait3A_364 = arith.constant 1 : i32
        %dma_wait3A_365 = arith.constant 1 : i32
        %dma_wait3A_366 = arith.constant 1 : i32
        %dma_wait3A_367 = arith.constant 0 : i32
        %dma_wait3A_368 = tpu.memref_slice %arg14[%dma_wait3A_364, %dma_wait3A_367] : memref<2x80xf32, #tpu.memory_space<vmem>> -> memref<1x80xf32, #tpu.memory_space<vmem>>
        %dma_wait3A_369 = tpu.memref_squeeze %dma_wait3A_368 : memref<1x80xf32, #tpu.memory_space<vmem>> -> memref<80xf32, #tpu.memory_space<vmem>>
        %dma_wait3A_370 = arith.constant 0 : i32
        %dma_wait3A_371 = tpu.memref_slice %arg16[%dma_wait3A_365, %dma_wait3A_370] : memref<2x80xi32, #tpu.memory_space<vmem>> -> memref<1x80xi32, #tpu.memory_space<vmem>>
        %dma_wait3A_372 = tpu.memref_squeeze %dma_wait3A_371 : memref<1x80xi32, #tpu.memory_space<vmem>> -> memref<80xi32, #tpu.memory_space<vmem>>
        %dma_wait3A_373 = arith.constant 0 : i32
        %dma_wait3A_374 = tpu.memref_slice %arg23[%dma_wait3A_373] : memref<10240xf32, #tpu.memory_space<vmem_shared>> -> memref<10240xf32, #tpu.memory_space<vmem_shared>>
        %dma_wait3A_375 = tpu.memref_slice %arg21[%dma_wait3A_366] : memref<2x!tpu.dma_semaphore, #tpu.memory_space<semaphore_mem>> -> memref<1x!tpu.dma_semaphore, #tpu.memory_space<semaphore_mem>>
        %dma_wait3A_376 = tpu.memref_squeeze %dma_wait3A_375 : memref<1x!tpu.dma_semaphore, #tpu.memory_space<semaphore_mem>> -> memref<!tpu.dma_semaphore, #tpu.memory_space<semaphore_mem>>
        tpu.wait_indirect_dma semaphore(%dma_wait3A_376 : memref<!tpu.dma_semaphore, #tpu.memory_space<semaphore_mem>>) src(%dma_wait3A_369 : memref<80xf32, #tpu.memory_space<vmem>>) dst(%dma_wait3A_374 : memref<10240xf32, #tpu.memory_space<vmem_shared>>)
      } else {
      }
      %barrier3A_351 = arith.constant 0 : index
      tpu.barrier barrier_id(%barrier3A_351)
      %mul3A_352 = arith.constant 625 : i32
      %mul3A_353 = arith.muli %arg1, %mul3A_352 : i32
      %mul3A_354 = arith.constant 10000 : i32
      %mul3A_355 = arith.muli %add3A, %mul3A_354 : i32
      %mul3A_356 = arith.constant 625 : i32
      %mul3A_357 = arith.muli %arg1, %mul3A_356 : i32
      %add3A_358 = arith.addi %mul3A_355, %mul3A_357 : i32
      "tpu.region"() ({
        %run_scoped3A = tpu.sem_alloc : memref<!tpu.dma_semaphore, #tpu.memory_space<semaphore_mem>>
        %dma_start3A_364 = arith.constant 0 : i32
        %dma_start3A_365 = tpu.memref_slice %arg8[%add3A_358, %dma_start3A_364] : memref<80000x128xf32, #tpu.memory_space<hbm>> -> memref<625x128xf32, #tpu.memory_space<hbm>>
        %dma_start3A_366 = arith.constant 0 : i32
        %dma_start3A_367 = tpu.memref_slice %arg22[%mul3A_353, %dma_start3A_366] : memref<10000x128xf32, #tpu.memory_space<vmem_shared>> -> memref<625x128xf32, #tpu.memory_space<vmem_shared>>
        tpu.enqueue_dma source(%dma_start3A_367 : memref<625x128xf32, #tpu.memory_space<vmem_shared>>) target(%dma_start3A_365 : memref<625x128xf32, #tpu.memory_space<hbm>>) target_semaphore(%run_scoped3A : memref<!tpu.dma_semaphore, #tpu.memory_space<semaphore_mem>>)
        %dma_wait3A_368 = arith.constant 0 : i32
        %dma_wait3A_369 = tpu.memref_slice %arg8[%add3A_358, %dma_wait3A_368] : memref<80000x128xf32, #tpu.memory_space<hbm>> -> memref<625x128xf32, #tpu.memory_space<hbm>>
        %dma_wait3A_370 = arith.constant 0 : i32
        %dma_wait3A_371 = tpu.memref_slice %arg22[%mul3A_353, %dma_wait3A_370] : memref<10000x128xf32, #tpu.memory_space<vmem_shared>> -> memref<625x128xf32, #tpu.memory_space<vmem_shared>>
        tpu.wait_dma2 semaphore(%run_scoped3A : memref<!tpu.dma_semaphore, #tpu.memory_space<semaphore_mem>>) src(%dma_wait3A_371 : memref<625x128xf32, #tpu.memory_space<vmem_shared>>) dst(%dma_wait3A_369 : memref<625x128xf32, #tpu.memory_space<hbm>>)
        tpu.yield
      }) : () -> ()
      %convert_element_type3A_359 = arith.extui %eq3A_43 : i1 to i32
      %cond3A_360 = arith.constant 0 : i32
      %cond3A_361 = arith.cmpi ne, %convert_element_type3A_359, %cond3A_360 : i32
      scf.if %cond3A_361 {
        %mul3A_364 = arith.constant 640 : i32
        %mul3A_365 = arith.muli %arg1, %mul3A_364 : i32
        %mul3A_366 = arith.constant 10240 : i32
        %mul3A_367 = arith.muli %add3A_27, %mul3A_366 : i32
        %mul3A_368 = arith.constant 640 : i32
        %mul3A_369 = arith.muli %arg1, %mul3A_368 : i32
        %add3A_370 = arith.addi %mul3A_367, %mul3A_369 : i32
        "tpu.region"() ({
          %run_scoped3A = tpu.sem_alloc : memref<!tpu.dma_semaphore, #tpu.memory_space<semaphore_mem>>
          %dma_start3A_371 = tpu.memref_slice %arg9[%add3A_370] : memref<40960xf32, #tpu.memory_space<hbm>> -> memref<640xf32, #tpu.memory_space<hbm>>
          %dma_start3A_372 = tpu.memref_slice %arg23[%mul3A_365] : memref<10240xf32, #tpu.memory_space<vmem_shared>> -> memref<640xf32, #tpu.memory_space<vmem_shared>>
          tpu.enqueue_dma source(%dma_start3A_372 : memref<640xf32, #tpu.memory_space<vmem_shared>>) target(%dma_start3A_371 : memref<640xf32, #tpu.memory_space<hbm>>) target_semaphore(%run_scoped3A : memref<!tpu.dma_semaphore, #tpu.memory_space<semaphore_mem>>)
          %dma_wait3A_373 = tpu.memref_slice %arg9[%add3A_370] : memref<40960xf32, #tpu.memory_space<hbm>> -> memref<640xf32, #tpu.memory_space<hbm>>
          %dma_wait3A_374 = tpu.memref_slice %arg23[%mul3A_365] : memref<10240xf32, #tpu.memory_space<vmem_shared>> -> memref<640xf32, #tpu.memory_space<vmem_shared>>
          tpu.wait_dma2 semaphore(%run_scoped3A : memref<!tpu.dma_semaphore, #tpu.memory_space<semaphore_mem>>) src(%dma_wait3A_374 : memref<640xf32, #tpu.memory_space<vmem_shared>>) dst(%dma_wait3A_373 : memref<640xf32, #tpu.memory_space<hbm>>)
          tpu.yield
        }) : () -> ()
      } else {
      }
      %barrier3A_362 = arith.constant 0 : index
      tpu.barrier barrier_id(%barrier3A_362)
      %scan3A_363 = arith.constant 0 : i32
      scf.yield %scan3A_363 : i32
    }
    %scan3A_5 = arith.constant 4 : i32
    return
  }
}

#map = affine_map<(d0, d1) -> (0, 0)>
#map1 = affine_map<(d0, d1) -> (0)>
module attributes {stable_mosaic.version = 14 : i64} {
  func.func @_sc_l2_body(%arg0: i32, %arg1: i32, %arg2: memref<10000x128xf32, #tpu.memory_space<hbm>>, %arg3: memref<20000xf32, #tpu.memory_space<hbm>>, %arg4: memref<320000xi32, #tpu.memory_space<hbm>>, %arg5: memref<320000xi32, #tpu.memory_space<hbm>>, %arg6: memref<625x128xf32, #tpu.memory_space<hbm>>, %arg7: memref<640xf32, #tpu.memory_space<hbm>>, %arg8: memref<20000x128xf32, #tpu.memory_space<hbm>>, %arg9: memref<20480xf32, #tpu.memory_space<hbm>>, %arg10: memref<10000xf32, #tpu.memory_space<vmem>>, %arg11: memref<10000xf32, #tpu.memory_space<vmem>>, %arg12: memref<2x2000xi32, #tpu.memory_space<vmem>>, %arg13: memref<2x2000xi32, #tpu.memory_space<vmem>>, %arg14: memref<2x80xf32, #tpu.memory_space<vmem>>, %arg15: memref<2x80xi32, #tpu.memory_space<vmem>>, %arg16: memref<2x80xi32, #tpu.memory_space<vmem>>, %arg17: memref<2x80x128xf32, #tpu.memory_space<vmem>>, %arg18: memref<2x!tpu.dma_semaphore, #tpu.memory_space<semaphore_mem>>, %arg19: memref<2x!tpu.dma_semaphore, #tpu.memory_space<semaphore_mem>>, %arg20: memref<2x!tpu.dma_semaphore, #tpu.memory_space<semaphore_mem>>, %arg21: memref<2x!tpu.dma_semaphore, #tpu.memory_space<semaphore_mem>>, %arg22: memref<10000x128xf32, #tpu.memory_space<vmem_shared>>, %arg23: memref<10240xf32, #tpu.memory_space<vmem_shared>>) attributes {dimension_semantics = [#tpu.dimension_semantics<core_parallel>, #tpu.dimension_semantics<subcore_parallel>], iteration_bounds = array<i64: 2, 16>, scalar_prefetch = 0 : i64, scratch_operands = 14 : i64, tpu.core_type = #tpu.core_type<sc_vector_subcore>, window_params = [{transform_indices = #map}, {transform_indices = #map1}, {transform_indices = #map1}, {transform_indices = #map1}, {transform_indices = #map}, {transform_indices = #map1}, {transform_indices = #map}, {transform_indices = #map1}]} {
    "tpu.region"() ({
      %run_scoped3A = tpu.sem_alloc : memref<!tpu.dma_semaphore, #tpu.memory_space<semaphore_mem>>
      %dma_start3A_318 = arith.constant 0 : i32
      %dma_start3A_319 = tpu.memref_slice %arg3[%dma_start3A_318] : memref<20000xf32, #tpu.memory_space<hbm>> -> memref<10000xf32, #tpu.memory_space<hbm>>
      %dma_start3A_320 = arith.constant 0 : i32
      %dma_start3A_321 = tpu.memref_slice %arg3[%dma_start3A_320] : memref<20000xf32, #tpu.memory_space<hbm>> -> memref<10000xf32, #tpu.memory_space<hbm>>
      tpu.enqueue_dma source(%dma_start3A_321 : memref<10000xf32, #tpu.memory_space<hbm>>) target(%arg10 : memref<10000xf32, #tpu.memory_space<vmem>>) target_semaphore(%run_scoped3A : memref<!tpu.dma_semaphore, #tpu.memory_space<semaphore_mem>>)
      %dma_wait3A_322 = arith.constant 0 : i32
      %dma_wait3A_323 = tpu.memref_slice %arg3[%dma_wait3A_322] : memref<20000xf32, #tpu.memory_space<hbm>> -> memref<10000xf32, #tpu.memory_space<hbm>>
      %dma_wait3A_324 = arith.constant 0 : i32
      %dma_wait3A_325 = tpu.memref_slice %arg3[%dma_wait3A_324] : memref<20000xf32, #tpu.memory_space<hbm>> -> memref<10000xf32, #tpu.memory_space<hbm>>
      tpu.wait_dma2 semaphore(%run_scoped3A : memref<!tpu.dma_semaphore, #tpu.memory_space<semaphore_mem>>) src(%dma_wait3A_325 : memref<10000xf32, #tpu.memory_space<hbm>>) dst(%arg10 : memref<10000xf32, #tpu.memory_space<vmem>>)
      tpu.yield
    }) : () -> ()
    "tpu.region"() ({
      %run_scoped3A = tpu.sem_alloc : memref<!tpu.dma_semaphore, #tpu.memory_space<semaphore_mem>>
      %dma_start3A_318 = arith.constant 10000 : i32
      %dma_start3A_319 = tpu.memref_slice %arg3[%dma_start3A_318] : memref<20000xf32, #tpu.memory_space<hbm>> -> memref<10000xf32, #tpu.memory_space<hbm>>
      %dma_start3A_320 = arith.constant 10000 : i32
      %dma_start3A_321 = tpu.memref_slice %arg3[%dma_start3A_320] : memref<20000xf32, #tpu.memory_space<hbm>> -> memref<10000xf32, #tpu.memory_space<hbm>>
      tpu.enqueue_dma source(%dma_start3A_321 : memref<10000xf32, #tpu.memory_space<hbm>>) target(%arg11 : memref<10000xf32, #tpu.memory_space<vmem>>) target_semaphore(%run_scoped3A : memref<!tpu.dma_semaphore, #tpu.memory_space<semaphore_mem>>)
      %dma_wait3A_322 = arith.constant 10000 : i32
      %dma_wait3A_323 = tpu.memref_slice %arg3[%dma_wait3A_322] : memref<20000xf32, #tpu.memory_space<hbm>> -> memref<10000xf32, #tpu.memory_space<hbm>>
      %dma_wait3A_324 = arith.constant 10000 : i32
      %dma_wait3A_325 = tpu.memref_slice %arg3[%dma_wait3A_324] : memref<20000xf32, #tpu.memory_space<hbm>> -> memref<10000xf32, #tpu.memory_space<hbm>>
      tpu.wait_dma2 semaphore(%run_scoped3A : memref<!tpu.dma_semaphore, #tpu.memory_space<semaphore_mem>>) src(%dma_wait3A_325 : memref<10000xf32, #tpu.memory_space<hbm>>) dst(%arg11 : memref<10000xf32, #tpu.memory_space<vmem>>)
      tpu.yield
    }) : () -> ()
    %mul3A = arith.constant 625 : i32
    %mul3A_0 = arith.muli %arg1, %mul3A : i32
    "tpu.region"() ({
      %run_scoped3A = tpu.sem_alloc : memref<!tpu.dma_semaphore, #tpu.memory_space<semaphore_mem>>
      %dma_start3A_318 = arith.constant 0 : i32
      %dma_start3A_319 = tpu.memref_slice %arg22[%mul3A_0, %dma_start3A_318] : memref<10000x128xf32, #tpu.memory_space<vmem_shared>> -> memref<625x128xf32, #tpu.memory_space<vmem_shared>>
      tpu.enqueue_dma source(%arg6 : memref<625x128xf32, #tpu.memory_space<hbm>>) target(%dma_start3A_319 : memref<625x128xf32, #tpu.memory_space<vmem_shared>>) target_semaphore(%run_scoped3A : memref<!tpu.dma_semaphore, #tpu.memory_space<semaphore_mem>>)
      %dma_wait3A_320 = arith.constant 0 : i32
      %dma_wait3A_321 = tpu.memref_slice %arg22[%mul3A_0, %dma_wait3A_320] : memref<10000x128xf32, #tpu.memory_space<vmem_shared>> -> memref<625x128xf32, #tpu.memory_space<vmem_shared>>
      tpu.wait_dma2 semaphore(%run_scoped3A : memref<!tpu.dma_semaphore, #tpu.memory_space<semaphore_mem>>) src(%arg6 : memref<625x128xf32, #tpu.memory_space<hbm>>) dst(%dma_wait3A_321 : memref<625x128xf32, #tpu.memory_space<vmem_shared>>)
      tpu.yield
    }) : () -> ()
    %mul3A_1 = arith.constant 640 : i32
    %mul3A_2 = arith.muli %arg1, %mul3A_1 : i32
    "tpu.region"() ({
      %run_scoped3A = tpu.sem_alloc : memref<!tpu.dma_semaphore, #tpu.memory_space<semaphore_mem>>
      %dma_start3A_318 = tpu.memref_slice %arg23[%mul3A_2] : memref<10240xf32, #tpu.memory_space<vmem_shared>> -> memref<640xf32, #tpu.memory_space<vmem_shared>>
      tpu.enqueue_dma source(%arg7 : memref<640xf32, #tpu.memory_space<hbm>>) target(%dma_start3A_318 : memref<640xf32, #tpu.memory_space<vmem_shared>>) target_semaphore(%run_scoped3A : memref<!tpu.dma_semaphore, #tpu.memory_space<semaphore_mem>>)
      %dma_wait3A_319 = tpu.memref_slice %arg23[%mul3A_2] : memref<10240xf32, #tpu.memory_space<vmem_shared>> -> memref<640xf32, #tpu.memory_space<vmem_shared>>
      tpu.wait_dma2 semaphore(%run_scoped3A : memref<!tpu.dma_semaphore, #tpu.memory_space<semaphore_mem>>) src(%arg7 : memref<640xf32, #tpu.memory_space<hbm>>) dst(%dma_wait3A_319 : memref<640xf32, #tpu.memory_space<vmem_shared>>)
      tpu.yield
    }) : () -> ()
    %barrier3A = arith.constant 0 : index
    tpu.barrier barrier_id(%barrier3A)
    %ge3A = arith.constant 0 : i32
    %ge3A_3 = arith.cmpi sge, %arg1, %ge3A : i32
    %mul3A_4 = arith.constant 16 : i32
    %mul3A_5 = arith.muli %arg0, %mul3A_4 : i32
    %add3A = arith.addi %mul3A_5, %arg1 : i32
    %mul3A_6 = arith.constant 10000 : i32
    %mul3A_7 = arith.muli %add3A, %mul3A_6 : i32
    %add3A_8 = arith.constant 0 : i32
    %add3A_9 = arith.addi %mul3A_7, %add3A_8 : i32
    %dma_start3A = arith.constant 0 : i32
    %dma_start3A_10 = arith.constant 0 : i32
    %dma_start3A_11 = arith.constant 0 : i32
    %dma_start3A_12 = tpu.memref_slice %arg12[%dma_start3A, %dma_start3A_11] : memref<2x2000xi32, #tpu.memory_space<vmem>> -> memref<1x2000xi32, #tpu.memory_space<vmem>>
    %dma_start3A_13 = tpu.memref_squeeze %dma_start3A_12 : memref<1x2000xi32, #tpu.memory_space<vmem>> -> memref<2000xi32, #tpu.memory_space<vmem>>
    %dma_start3A_14 = tpu.memref_slice %arg4[%add3A_9] : memref<320000xi32, #tpu.memory_space<hbm>> -> memref<2000xi32, #tpu.memory_space<hbm>>
    %dma_start3A_15 = tpu.memref_slice %arg18[%dma_start3A_10] : memref<2x!tpu.dma_semaphore, #tpu.memory_space<semaphore_mem>> -> memref<1x!tpu.dma_semaphore, #tpu.memory_space<semaphore_mem>>
    %dma_start3A_16 = tpu.memref_squeeze %dma_start3A_15 : memref<1x!tpu.dma_semaphore, #tpu.memory_space<semaphore_mem>> -> memref<!tpu.dma_semaphore, #tpu.memory_space<semaphore_mem>>
    %dma_start3A_17 = arith.constant 0 : i32
    %dma_start3A_18 = tpu.memref_slice %arg12[%dma_start3A, %dma_start3A_17] : memref<2x2000xi32, #tpu.memory_space<vmem>> -> memref<1x2000xi32, #tpu.memory_space<vmem>>
    %dma_start3A_19 = tpu.memref_squeeze %dma_start3A_18 : memref<1x2000xi32, #tpu.memory_space<vmem>> -> memref<2000xi32, #tpu.memory_space<vmem>>
    %dma_start3A_20 = tpu.memref_slice %arg4[%add3A_9] : memref<320000xi32, #tpu.memory_space<hbm>> -> memref<2000xi32, #tpu.memory_space<hbm>>
    tpu.enqueue_dma source(%dma_start3A_20 : memref<2000xi32, #tpu.memory_space<hbm>>) target(%dma_start3A_19 : memref<2000xi32, #tpu.memory_space<vmem>>) target_semaphore(%dma_start3A_16 : memref<!tpu.dma_semaphore, #tpu.memory_space<semaphore_mem>>)
    %dma_start3A_21 = arith.constant 0 : i32
    %dma_start3A_22 = arith.constant 0 : i32
    %dma_start3A_23 = arith.constant 0 : i32
    %dma_start3A_24 = tpu.memref_slice %arg13[%dma_start3A_21, %dma_start3A_23] : memref<2x2000xi32, #tpu.memory_space<vmem>> -> memref<1x2000xi32, #tpu.memory_space<vmem>>
    %dma_start3A_25 = tpu.memref_squeeze %dma_start3A_24 : memref<1x2000xi32, #tpu.memory_space<vmem>> -> memref<2000xi32, #tpu.memory_space<vmem>>
    %dma_start3A_26 = tpu.memref_slice %arg5[%add3A_9] : memref<320000xi32, #tpu.memory_space<hbm>> -> memref<2000xi32, #tpu.memory_space<hbm>>
    %dma_start3A_27 = tpu.memref_slice %arg18[%dma_start3A_22] : memref<2x!tpu.dma_semaphore, #tpu.memory_space<semaphore_mem>> -> memref<1x!tpu.dma_semaphore, #tpu.memory_space<semaphore_mem>>
    %dma_start3A_28 = tpu.memref_squeeze %dma_start3A_27 : memref<1x!tpu.dma_semaphore, #tpu.memory_space<semaphore_mem>> -> memref<!tpu.dma_semaphore, #tpu.memory_space<semaphore_mem>>
    %dma_start3A_29 = arith.constant 0 : i32
    %dma_start3A_30 = tpu.memref_slice %arg13[%dma_start3A_21, %dma_start3A_29] : memref<2x2000xi32, #tpu.memory_space<vmem>> -> memref<1x2000xi32, #tpu.memory_space<vmem>>
    %dma_start3A_31 = tpu.memref_squeeze %dma_start3A_30 : memref<1x2000xi32, #tpu.memory_space<vmem>> -> memref<2000xi32, #tpu.memory_space<vmem>>
    %dma_start3A_32 = tpu.memref_slice %arg5[%add3A_9] : memref<320000xi32, #tpu.memory_space<hbm>> -> memref<2000xi32, #tpu.memory_space<hbm>>
    tpu.enqueue_dma source(%dma_start3A_32 : memref<2000xi32, #tpu.memory_space<hbm>>) target(%dma_start3A_31 : memref<2000xi32, #tpu.memory_space<vmem>>) target_semaphore(%dma_start3A_28 : memref<!tpu.dma_semaphore, #tpu.memory_space<semaphore_mem>>)
    %add3A_33 = arith.constant 0 : i32
    %add3A_34 = arith.addi %mul3A_7, %add3A_33 : i32
    %dma_wait3A = arith.constant 0 : i32
    %dma_wait3A_35 = arith.constant 0 : i32
    %dma_wait3A_36 = arith.constant 0 : i32
    %dma_wait3A_37 = tpu.memref_slice %arg12[%dma_wait3A, %dma_wait3A_36] : memref<2x2000xi32, #tpu.memory_space<vmem>> -> memref<1x2000xi32, #tpu.memory_space<vmem>>
    %dma_wait3A_38 = tpu.memref_squeeze %dma_wait3A_37 : memref<1x2000xi32, #tpu.memory_space<vmem>> -> memref<2000xi32, #tpu.memory_space<vmem>>
    %dma_wait3A_39 = tpu.memref_slice %arg4[%add3A_34] : memref<320000xi32, #tpu.memory_space<hbm>> -> memref<2000xi32, #tpu.memory_space<hbm>>
    %dma_wait3A_40 = tpu.memref_slice %arg18[%dma_wait3A_35] : memref<2x!tpu.dma_semaphore, #tpu.memory_space<semaphore_mem>> -> memref<1x!tpu.dma_semaphore, #tpu.memory_space<semaphore_mem>>
    %dma_wait3A_41 = tpu.memref_squeeze %dma_wait3A_40 : memref<1x!tpu.dma_semaphore, #tpu.memory_space<semaphore_mem>> -> memref<!tpu.dma_semaphore, #tpu.memory_space<semaphore_mem>>
    %dma_wait3A_42 = arith.constant 0 : i32
    %dma_wait3A_43 = tpu.memref_slice %arg12[%dma_wait3A, %dma_wait3A_42] : memref<2x2000xi32, #tpu.memory_space<vmem>> -> memref<1x2000xi32, #tpu.memory_space<vmem>>
    %dma_wait3A_44 = tpu.memref_squeeze %dma_wait3A_43 : memref<1x2000xi32, #tpu.memory_space<vmem>> -> memref<2000xi32, #tpu.memory_space<vmem>>
    %dma_wait3A_45 = tpu.memref_slice %arg4[%add3A_34] : memref<320000xi32, #tpu.memory_space<hbm>> -> memref<2000xi32, #tpu.memory_space<hbm>>
    tpu.wait_dma2 semaphore(%dma_wait3A_41 : memref<!tpu.dma_semaphore, #tpu.memory_space<semaphore_mem>>) src(%dma_wait3A_45 : memref<2000xi32, #tpu.memory_space<hbm>>) dst(%dma_wait3A_44 : memref<2000xi32, #tpu.memory_space<vmem>>)
    %dma_wait3A_46 = arith.constant 0 : i32
    %dma_wait3A_47 = arith.constant 0 : i32
    %dma_wait3A_48 = arith.constant 0 : i32
    %dma_wait3A_49 = tpu.memref_slice %arg13[%dma_wait3A_46, %dma_wait3A_48] : memref<2x2000xi32, #tpu.memory_space<vmem>> -> memref<1x2000xi32, #tpu.memory_space<vmem>>
    %dma_wait3A_50 = tpu.memref_squeeze %dma_wait3A_49 : memref<1x2000xi32, #tpu.memory_space<vmem>> -> memref<2000xi32, #tpu.memory_space<vmem>>
    %dma_wait3A_51 = tpu.memref_slice %arg5[%add3A_34] : memref<320000xi32, #tpu.memory_space<hbm>> -> memref<2000xi32, #tpu.memory_space<hbm>>
    %dma_wait3A_52 = tpu.memref_slice %arg18[%dma_wait3A_47] : memref<2x!tpu.dma_semaphore, #tpu.memory_space<semaphore_mem>> -> memref<1x!tpu.dma_semaphore, #tpu.memory_space<semaphore_mem>>
    %dma_wait3A_53 = tpu.memref_squeeze %dma_wait3A_52 : memref<1x!tpu.dma_semaphore, #tpu.memory_space<semaphore_mem>> -> memref<!tpu.dma_semaphore, #tpu.memory_space<semaphore_mem>>
    %dma_wait3A_54 = arith.constant 0 : i32
    %dma_wait3A_55 = tpu.memref_slice %arg13[%dma_wait3A_46, %dma_wait3A_54] : memref<2x2000xi32, #tpu.memory_space<vmem>> -> memref<1x2000xi32, #tpu.memory_space<vmem>>
    %dma_wait3A_56 = tpu.memref_squeeze %dma_wait3A_55 : memref<1x2000xi32, #tpu.memory_space<vmem>> -> memref<2000xi32, #tpu.memory_space<vmem>>
    %dma_wait3A_57 = tpu.memref_slice %arg5[%add3A_34] : memref<320000xi32, #tpu.memory_space<hbm>> -> memref<2000xi32, #tpu.memory_space<hbm>>
    tpu.wait_dma2 semaphore(%dma_wait3A_53 : memref<!tpu.dma_semaphore, #tpu.memory_space<semaphore_mem>>) src(%dma_wait3A_57 : memref<2000xi32, #tpu.memory_space<hbm>>) dst(%dma_wait3A_56 : memref<2000xi32, #tpu.memory_space<vmem>>)
    %add3A_58 = arith.constant 2000 : i32
    %add3A_59 = arith.addi %mul3A_7, %add3A_58 : i32
    %dma_start3A_60 = arith.constant 1 : i32
    %dma_start3A_61 = arith.constant 1 : i32
    %dma_start3A_62 = arith.constant 0 : i32
    %dma_start3A_63 = tpu.memref_slice %arg12[%dma_start3A_60, %dma_start3A_62] : memref<2x2000xi32, #tpu.memory_space<vmem>> -> memref<1x2000xi32, #tpu.memory_space<vmem>>
    %dma_start3A_64 = tpu.memref_squeeze %dma_start3A_63 : memref<1x2000xi32, #tpu.memory_space<vmem>> -> memref<2000xi32, #tpu.memory_space<vmem>>
    %dma_start3A_65 = tpu.memref_slice %arg4[%add3A_59] : memref<320000xi32, #tpu.memory_space<hbm>> -> memref<2000xi32, #tpu.memory_space<hbm>>
    %dma_start3A_66 = tpu.memref_slice %arg18[%dma_start3A_61] : memref<2x!tpu.dma_semaphore, #tpu.memory_space<semaphore_mem>> -> memref<1x!tpu.dma_semaphore, #tpu.memory_space<semaphore_mem>>
    %dma_start3A_67 = tpu.memref_squeeze %dma_start3A_66 : memref<1x!tpu.dma_semaphore, #tpu.memory_space<semaphore_mem>> -> memref<!tpu.dma_semaphore, #tpu.memory_space<semaphore_mem>>
    %dma_start3A_68 = arith.constant 0 : i32
    %dma_start3A_69 = tpu.memref_slice %arg12[%dma_start3A_60, %dma_start3A_68] : memref<2x2000xi32, #tpu.memory_space<vmem>> -> memref<1x2000xi32, #tpu.memory_space<vmem>>
    %dma_start3A_70 = tpu.memref_squeeze %dma_start3A_69 : memref<1x2000xi32, #tpu.memory_space<vmem>> -> memref<2000xi32, #tpu.memory_space<vmem>>
    %dma_start3A_71 = tpu.memref_slice %arg4[%add3A_59] : memref<320000xi32, #tpu.memory_space<hbm>> -> memref<2000xi32, #tpu.memory_space<hbm>>
    tpu.enqueue_dma source(%dma_start3A_71 : memref<2000xi32, #tpu.memory_space<hbm>>) target(%dma_start3A_70 : memref<2000xi32, #tpu.memory_space<vmem>>) target_semaphore(%dma_start3A_67 : memref<!tpu.dma_semaphore, #tpu.memory_space<semaphore_mem>>)
    %dma_start3A_72 = arith.constant 1 : i32
    %dma_start3A_73 = arith.constant 1 : i32
    %dma_start3A_74 = arith.constant 0 : i32
    %dma_start3A_75 = tpu.memref_slice %arg13[%dma_start3A_72, %dma_start3A_74] : memref<2x2000xi32, #tpu.memory_space<vmem>> -> memref<1x2000xi32, #tpu.memory_space<vmem>>
    %dma_start3A_76 = tpu.memref_squeeze %dma_start3A_75 : memref<1x2000xi32, #tpu.memory_space<vmem>> -> memref<2000xi32, #tpu.memory_space<vmem>>
    %dma_start3A_77 = tpu.memref_slice %arg5[%add3A_59] : memref<320000xi32, #tpu.memory_space<hbm>> -> memref<2000xi32, #tpu.memory_space<hbm>>
    %dma_start3A_78 = tpu.memref_slice %arg18[%dma_start3A_73] : memref<2x!tpu.dma_semaphore, #tpu.memory_space<semaphore_mem>> -> memref<1x!tpu.dma_semaphore, #tpu.memory_space<semaphore_mem>>
    %dma_start3A_79 = tpu.memref_squeeze %dma_start3A_78 : memref<1x!tpu.dma_semaphore, #tpu.memory_space<semaphore_mem>> -> memref<!tpu.dma_semaphore, #tpu.memory_space<semaphore_mem>>
    %dma_start3A_80 = arith.constant 0 : i32
    %dma_start3A_81 = tpu.memref_slice %arg13[%dma_start3A_72, %dma_start3A_80] : memref<2x2000xi32, #tpu.memory_space<vmem>> -> memref<1x2000xi32, #tpu.memory_space<vmem>>
    %dma_start3A_82 = tpu.memref_squeeze %dma_start3A_81 : memref<1x2000xi32, #tpu.memory_space<vmem>> -> memref<2000xi32, #tpu.memory_space<vmem>>
    %dma_start3A_83 = tpu.memref_slice %arg5[%add3A_59] : memref<320000xi32, #tpu.memory_space<hbm>> -> memref<2000xi32, #tpu.memory_space<hbm>>
    tpu.enqueue_dma source(%dma_start3A_83 : memref<2000xi32, #tpu.memory_space<hbm>>) target(%dma_start3A_82 : memref<2000xi32, #tpu.memory_space<vmem>>) target_semaphore(%dma_start3A_79 : memref<!tpu.dma_semaphore, #tpu.memory_space<semaphore_mem>>)
    %get3A = arith.constant 0 : i32
    %get3A_84 = arith.index_cast %get3A : i32 to index
    %get3A_85 = arith.constant 0 : index
    %get3A_86 = tpu.vector_load %arg12[%get3A_84, %get3A_85] {strides = array<i32>} : memref<2x2000xi32, #tpu.memory_space<vmem>>, vector<16xi32>,
    %get3A_87 = arith.constant 0 : i32
    %get3A_88 = arith.index_cast %get3A_87 : i32 to index
    %get3A_89 = arith.constant 0 : index
    %get3A_90 = tpu.vector_load %arg13[%get3A_88, %get3A_89] {strides = array<i32>} : memref<2x2000xi32, #tpu.memory_space<vmem>>, vector<16xi32>,
    %add3A_91 = arith.constant 0 : i32
    %add3A_92 = vector.broadcast %add3A_91 : i32 to vector<16xi32>
    %add3A_93 = arith.addi %get3A_86, %add3A_92 : vector<16xi32>
    %swap3A = arith.constant 0 : i32
    %swap3A_94 = arith.index_cast %swap3A : i32 to index
    %swap3A_95 = arith.constant 0 : index
    %swap3A_96 = tpu.vector_load %arg15[%swap3A_94, %swap3A_95] {strides = array<i32>} : memref<2x80xi32, #tpu.memory_space<vmem>>, vector<16xi32>,
    tpu.vector_store %arg15[%swap3A_94, %swap3A_95], %add3A_93 {strides = array<i32>} : memref<2x80xi32, #tpu.memory_space<vmem>>, vector<16xi32>,
    %swap3A_97 = arith.constant 0 : i32
    %swap3A_98 = arith.index_cast %swap3A_97 : i32 to index
    %swap3A_99 = arith.constant 0 : index
    %swap3A_100 = tpu.vector_load %arg16[%swap3A_98, %swap3A_99] {strides = array<i32>} : memref<2x80xi32, #tpu.memory_space<vmem>>, vector<16xi32>,
    tpu.vector_store %arg16[%swap3A_98, %swap3A_99], %get3A_90 {strides = array<i32>} : memref<2x80xi32, #tpu.memory_space<vmem>>, vector<16xi32>,
    %gather3A = tpu.vector_load_idx %arg10[%get3A_86] : memref<10000xf32, #tpu.memory_space<vmem>>[vector<16xi32>], vector<16xf32>,
    %gather3A_101 = tpu.vector_load_idx %arg11[%get3A_90] : memref<10000xf32, #tpu.memory_space<vmem>>[vector<16xi32>], vector<16xf32>,
    %add3A_102 = arith.addf %gather3A, %gather3A_101 : vector<16xf32>
    %gt3A = arith.constant 0.000000e+00 : f32
    %gt3A_103 = vector.broadcast %gt3A : f32 to vector<16xf32>
    %gt3A_104 = arith.cmpf ogt, %add3A_102, %gt3A_103 : vector<16xf32>
    %mul3A_105 = arith.constant 2.000000e-01 : f32
    %mul3A_106 = vector.broadcast %mul3A_105 : f32 to vector<16xf32>
    %mul3A_107 = arith.mulf %add3A_102, %mul3A_106 : vector<16xf32>
    %select_n3A = arith.select %gt3A_104, %add3A_102, %mul3A_107 : vector<16xi1>, vector<16xf32>
    %exp3A = math.exp %select_n3A : vector<16xf32>
    %swap3A_108 = arith.constant 0 : i32
    %swap3A_109 = arith.index_cast %swap3A_108 : i32 to index
    %swap3A_110 = arith.constant 0 : index
    %swap3A_111 = tpu.vector_load %arg14[%swap3A_109, %swap3A_110] {strides = array<i32>} : memref<2x80xf32, #tpu.memory_space<vmem>>, vector<16xf32>,
    tpu.vector_store %arg14[%swap3A_109, %swap3A_110], %exp3A {strides = array<i32>} : memref<2x80xf32, #tpu.memory_space<vmem>>, vector<16xf32>,
    %get3A_112 = arith.constant 0 : i32
    %get3A_113 = arith.index_cast %get3A_112 : i32 to index
    %get3A_114 = arith.constant 16 : index
    %get3A_115 = tpu.vector_load %arg12[%get3A_113, %get3A_114] {strides = array<i32>} : memref<2x2000xi32, #tpu.memory_space<vmem>>, vector<16xi32>,
    %get3A_116 = arith.constant 0 : i32
    %get3A_117 = arith.index_cast %get3A_116 : i32 to index
    %get3A_118 = arith.constant 16 : index
    %get3A_119 = tpu.vector_load %arg13[%get3A_117, %get3A_118] {strides = array<i32>} : memref<2x2000xi32, #tpu.memory_space<vmem>>, vector<16xi32>,
    %add3A_120 = arith.constant 0 : i32
    %add3A_121 = vector.broadcast %add3A_120 : i32 to vector<16xi32>
    %add3A_122 = arith.addi %get3A_115, %add3A_121 : vector<16xi32>
    %swap3A_123 = arith.constant 0 : i32
    %swap3A_124 = arith.index_cast %swap3A_123 : i32 to index
    %swap3A_125 = arith.constant 16 : index
    %swap3A_126 = tpu.vector_load %arg15[%swap3A_124, %swap3A_125] {strides = array<i32>} : memref<2x80xi32, #tpu.memory_space<vmem>>, vector<16xi32>,
    tpu.vector_store %arg15[%swap3A_124, %swap3A_125], %add3A_122 {strides = array<i32>} : memref<2x80xi32, #tpu.memory_space<vmem>>, vector<16xi32>,
    %swap3A_127 = arith.constant 0 : i32
    %swap3A_128 = arith.index_cast %swap3A_127 : i32 to index
    %swap3A_129 = arith.constant 16 : index
    %swap3A_130 = tpu.vector_load %arg16[%swap3A_128, %swap3A_129] {strides = array<i32>} : memref<2x80xi32, #tpu.memory_space<vmem>>, vector<16xi32>,
    tpu.vector_store %arg16[%swap3A_128, %swap3A_129], %get3A_119 {strides = array<i32>} : memref<2x80xi32, #tpu.memory_space<vmem>>, vector<16xi32>,
    %gather3A_131 = tpu.vector_load_idx %arg10[%get3A_115] : memref<10000xf32, #tpu.memory_space<vmem>>[vector<16xi32>], vector<16xf32>,
    %gather3A_132 = tpu.vector_load_idx %arg11[%get3A_119] : memref<10000xf32, #tpu.memory_space<vmem>>[vector<16xi32>], vector<16xf32>,
    %add3A_133 = arith.addf %gather3A_131, %gather3A_132 : vector<16xf32>
    %gt3A_134 = arith.constant 0.000000e+00 : f32
    %gt3A_135 = vector.broadcast %gt3A_134 : f32 to vector<16xf32>
    %gt3A_136 = arith.cmpf ogt, %add3A_133, %gt3A_135 : vector<16xf32>
    %mul3A_137 = arith.constant 2.000000e-01 : f32
    %mul3A_138 = vector.broadcast %mul3A_137 : f32 to vector<16xf32>
    %mul3A_139 = arith.mulf %add3A_133, %mul3A_138 : vector<16xf32>
    %select_n3A_140 = arith.select %gt3A_136, %add3A_133, %mul3A_139 : vector<16xi1>, vector<16xf32>
    %exp3A_141 = math.exp %select_n3A_140 : vector<16xf32>
    %swap3A_142 = arith.constant 0 : i32
    %swap3A_143 = arith.index_cast %swap3A_142 : i32 to index
    %swap3A_144 = arith.constant 16 : index
    %swap3A_145 = tpu.vector_load %arg14[%swap3A_143, %swap3A_144] {strides = array<i32>} : memref<2x80xf32, #tpu.memory_space<vmem>>, vector<16xf32>,
    tpu.vector_store %arg14[%swap3A_143, %swap3A_144], %exp3A_141 {strides = array<i32>} : memref<2x80xf32, #tpu.memory_space<vmem>>, vector<16xf32>,
    %get3A_146 = arith.constant 0 : i32
    %get3A_147 = arith.index_cast %get3A_146 : i32 to index
    %get3A_148 = arith.constant 32 : index
    %get3A_149 = tpu.vector_load %arg12[%get3A_147, %get3A_148] {strides = array<i32>} : memref<2x2000xi32, #tpu.memory_space<vmem>>, vector<16xi32>,
    %get3A_150 = arith.constant 0 : i32
    %get3A_151 = arith.index_cast %get3A_150 : i32 to index
    %get3A_152 = arith.constant 32 : index
    %get3A_153 = tpu.vector_load %arg13[%get3A_151, %get3A_152] {strides = array<i32>} : memref<2x2000xi32, #tpu.memory_space<vmem>>, vector<16xi32>,
    %add3A_154 = arith.constant 0 : i32
    %add3A_155 = vector.broadcast %add3A_154 : i32 to vector<16xi32>
    %add3A_156 = arith.addi %get3A_149, %add3A_155 : vector<16xi32>
    %swap3A_157 = arith.constant 0 : i32
    %swap3A_158 = arith.index_cast %swap3A_157 : i32 to index
    %swap3A_159 = arith.constant 32 : index
    %swap3A_160 = tpu.vector_load %arg15[%swap3A_158, %swap3A_159] {strides = array<i32>} : memref<2x80xi32, #tpu.memory_space<vmem>>, vector<16xi32>,
    tpu.vector_store %arg15[%swap3A_158, %swap3A_159], %add3A_156 {strides = array<i32>} : memref<2x80xi32, #tpu.memory_space<vmem>>, vector<16xi32>,
    %swap3A_161 = arith.constant 0 : i32
    %swap3A_162 = arith.index_cast %swap3A_161 : i32 to index
    %swap3A_163 = arith.constant 32 : index
    %swap3A_164 = tpu.vector_load %arg16[%swap3A_162, %swap3A_163] {strides = array<i32>} : memref<2x80xi32, #tpu.memory_space<vmem>>, vector<16xi32>,
    tpu.vector_store %arg16[%swap3A_162, %swap3A_163], %get3A_153 {strides = array<i32>} : memref<2x80xi32, #tpu.memory_space<vmem>>, vector<16xi32>,
    %gather3A_165 = tpu.vector_load_idx %arg10[%get3A_149] : memref<10000xf32, #tpu.memory_space<vmem>>[vector<16xi32>], vector<16xf32>,
    %gather3A_166 = tpu.vector_load_idx %arg11[%get3A_153] : memref<10000xf32, #tpu.memory_space<vmem>>[vector<16xi32>], vector<16xf32>,
    %add3A_167 = arith.addf %gather3A_165, %gather3A_166 : vector<16xf32>
    %gt3A_168 = arith.constant 0.000000e+00 : f32
    %gt3A_169 = vector.broadcast %gt3A_168 : f32 to vector<16xf32>
    %gt3A_170 = arith.cmpf ogt, %add3A_167, %gt3A_169 : vector<16xf32>
    %mul3A_171 = arith.constant 2.000000e-01 : f32
    %mul3A_172 = vector.broadcast %mul3A_171 : f32 to vector<16xf32>
    %mul3A_173 = arith.mulf %add3A_167, %mul3A_172 : vector<16xf32>
    %select_n3A_174 = arith.select %gt3A_170, %add3A_167, %mul3A_173 : vector<16xi1>, vector<16xf32>
    %exp3A_175 = math.exp %select_n3A_174 : vector<16xf32>
    %swap3A_176 = arith.constant 0 : i32
    %swap3A_177 = arith.index_cast %swap3A_176 : i32 to index
    %swap3A_178 = arith.constant 32 : index
    %swap3A_179 = tpu.vector_load %arg14[%swap3A_177, %swap3A_178] {strides = array<i32>} : memref<2x80xf32, #tpu.memory_space<vmem>>, vector<16xf32>,
    tpu.vector_store %arg14[%swap3A_177, %swap3A_178], %exp3A_175 {strides = array<i32>} : memref<2x80xf32, #tpu.memory_space<vmem>>, vector<16xf32>,
    %get3A_180 = arith.constant 0 : i32
    %get3A_181 = arith.index_cast %get3A_180 : i32 to index
    %get3A_182 = arith.constant 48 : index
    %get3A_183 = tpu.vector_load %arg12[%get3A_181, %get3A_182] {strides = array<i32>} : memref<2x2000xi32, #tpu.memory_space<vmem>>, vector<16xi32>,
    %get3A_184 = arith.constant 0 : i32
    %get3A_185 = arith.index_cast %get3A_184 : i32 to index
    %get3A_186 = arith.constant 48 : index
    %get3A_187 = tpu.vector_load %arg13[%get3A_185, %get3A_186] {strides = array<i32>} : memref<2x2000xi32, #tpu.memory_space<vmem>>, vector<16xi32>,
    %add3A_188 = arith.constant 0 : i32
    %add3A_189 = vector.broadcast %add3A_188 : i32 to vector<16xi32>
    %add3A_190 = arith.addi %get3A_183, %add3A_189 : vector<16xi32>
    %swap3A_191 = arith.constant 0 : i32
    %swap3A_192 = arith.index_cast %swap3A_191 : i32 to index
    %swap3A_193 = arith.constant 48 : index
    %swap3A_194 = tpu.vector_load %arg15[%swap3A_192, %swap3A_193] {strides = array<i32>} : memref<2x80xi32, #tpu.memory_space<vmem>>, vector<16xi32>,
    tpu.vector_store %arg15[%swap3A_192, %swap3A_193], %add3A_190 {strides = array<i32>} : memref<2x80xi32, #tpu.memory_space<vmem>>, vector<16xi32>,
    %swap3A_195 = arith.constant 0 : i32
    %swap3A_196 = arith.index_cast %swap3A_195 : i32 to index
    %swap3A_197 = arith.constant 48 : index
    %swap3A_198 = tpu.vector_load %arg16[%swap3A_196, %swap3A_197] {strides = array<i32>} : memref<2x80xi32, #tpu.memory_space<vmem>>, vector<16xi32>,
    tpu.vector_store %arg16[%swap3A_196, %swap3A_197], %get3A_187 {strides = array<i32>} : memref<2x80xi32, #tpu.memory_space<vmem>>, vector<16xi32>,
    %gather3A_199 = tpu.vector_load_idx %arg10[%get3A_183] : memref<10000xf32, #tpu.memory_space<vmem>>[vector<16xi32>], vector<16xf32>,
    %gather3A_200 = tpu.vector_load_idx %arg11[%get3A_187] : memref<10000xf32, #tpu.memory_space<vmem>>[vector<16xi32>], vector<16xf32>,
    %add3A_201 = arith.addf %gather3A_199, %gather3A_200 : vector<16xf32>
    %gt3A_202 = arith.constant 0.000000e+00 : f32
    %gt3A_203 = vector.broadcast %gt3A_202 : f32 to vector<16xf32>
    %gt3A_204 = arith.cmpf ogt, %add3A_201, %gt3A_203 : vector<16xf32>
    %mul3A_205 = arith.constant 2.000000e-01 : f32
    %mul3A_206 = vector.broadcast %mul3A_205 : f32 to vector<16xf32>
    %mul3A_207 = arith.mulf %add3A_201, %mul3A_206 : vector<16xf32>
    %select_n3A_208 = arith.select %gt3A_204, %add3A_201, %mul3A_207 : vector<16xi1>, vector<16xf32>
    %exp3A_209 = math.exp %select_n3A_208 : vector<16xf32>
    %swap3A_210 = arith.constant 0 : i32
    %swap3A_211 = arith.index_cast %swap3A_210 : i32 to index
    %swap3A_212 = arith.constant 48 : index
    %swap3A_213 = tpu.vector_load %arg14[%swap3A_211, %swap3A_212] {strides = array<i32>} : memref<2x80xf32, #tpu.memory_space<vmem>>, vector<16xf32>,
    tpu.vector_store %arg14[%swap3A_211, %swap3A_212], %exp3A_209 {strides = array<i32>} : memref<2x80xf32, #tpu.memory_space<vmem>>, vector<16xf32>,
    %get3A_214 = arith.constant 0 : i32
    %get3A_215 = arith.index_cast %get3A_214 : i32 to index
    %get3A_216 = arith.constant 64 : index
    %get3A_217 = tpu.vector_load %arg12[%get3A_215, %get3A_216] {strides = array<i32>} : memref<2x2000xi32, #tpu.memory_space<vmem>>, vector<16xi32>,
    %get3A_218 = arith.constant 0 : i32
    %get3A_219 = arith.index_cast %get3A_218 : i32 to index
    %get3A_220 = arith.constant 64 : index
    %get3A_221 = tpu.vector_load %arg13[%get3A_219, %get3A_220] {strides = array<i32>} : memref<2x2000xi32, #tpu.memory_space<vmem>>, vector<16xi32>,
    %add3A_222 = arith.constant 0 : i32
    %add3A_223 = vector.broadcast %add3A_222 : i32 to vector<16xi32>
    %add3A_224 = arith.addi %get3A_217, %add3A_223 : vector<16xi32>
    %swap3A_225 = arith.constant 0 : i32
    %swap3A_226 = arith.index_cast %swap3A_225 : i32 to index
    %swap3A_227 = arith.constant 64 : index
    %swap3A_228 = tpu.vector_load %arg15[%swap3A_226, %swap3A_227] {strides = array<i32>} : memref<2x80xi32, #tpu.memory_space<vmem>>, vector<16xi32>,
    tpu.vector_store %arg15[%swap3A_226, %swap3A_227], %add3A_224 {strides = array<i32>} : memref<2x80xi32, #tpu.memory_space<vmem>>, vector<16xi32>,
    %swap3A_229 = arith.constant 0 : i32
    %swap3A_230 = arith.index_cast %swap3A_229 : i32 to index
    %swap3A_231 = arith.constant 64 : index
    %swap3A_232 = tpu.vector_load %arg16[%swap3A_230, %swap3A_231] {strides = array<i32>} : memref<2x80xi32, #tpu.memory_space<vmem>>, vector<16xi32>,
    tpu.vector_store %arg16[%swap3A_230, %swap3A_231], %get3A_221 {strides = array<i32>} : memref<2x80xi32, #tpu.memory_space<vmem>>, vector<16xi32>,
    %gather3A_233 = tpu.vector_load_idx %arg10[%get3A_217] : memref<10000xf32, #tpu.memory_space<vmem>>[vector<16xi32>], vector<16xf32>,
    %gather3A_234 = tpu.vector_load_idx %arg11[%get3A_221] : memref<10000xf32, #tpu.memory_space<vmem>>[vector<16xi32>], vector<16xf32>,
    %add3A_235 = arith.addf %gather3A_233, %gather3A_234 : vector<16xf32>
    %gt3A_236 = arith.constant 0.000000e+00 : f32
    %gt3A_237 = vector.broadcast %gt3A_236 : f32 to vector<16xf32>
    %gt3A_238 = arith.cmpf ogt, %add3A_235, %gt3A_237 : vector<16xf32>
    %mul3A_239 = arith.constant 2.000000e-01 : f32
    %mul3A_240 = vector.broadcast %mul3A_239 : f32 to vector<16xf32>
    %mul3A_241 = arith.mulf %add3A_235, %mul3A_240 : vector<16xf32>
    %select_n3A_242 = arith.select %gt3A_238, %add3A_235, %mul3A_241 : vector<16xi1>, vector<16xf32>
    %exp3A_243 = math.exp %select_n3A_242 : vector<16xf32>
    %swap3A_244 = arith.constant 0 : i32
    %swap3A_245 = arith.index_cast %swap3A_244 : i32 to index
    %swap3A_246 = arith.constant 64 : index
    %swap3A_247 = tpu.vector_load %arg14[%swap3A_245, %swap3A_246] {strides = array<i32>} : memref<2x80xf32, #tpu.memory_space<vmem>>, vector<16xf32>,
    tpu.vector_store %arg14[%swap3A_245, %swap3A_246], %exp3A_243 {strides = array<i32>} : memref<2x80xf32, #tpu.memory_space<vmem>>, vector<16xf32>,
    %dma_start3A_248 = arith.constant 0 : i32
    %dma_start3A_249 = arith.constant 0 : i32
    %dma_start3A_250 = arith.constant 0 : i32
    %dma_start3A_251 = arith.constant 0 : i32
    %dma_start3A_252 = arith.constant 0 : i32
    %dma_start3A_253 = tpu.memref_slice %arg17[%dma_start3A_249, %dma_start3A_251, %dma_start3A_252] : memref<2x80x128xf32, #tpu.memory_space<vmem>> -> memref<1x80x128xf32, #tpu.memory_space<vmem>>
    %dma_start3A_254 = tpu.memref_squeeze %dma_start3A_253 : memref<1x80x128xf32, #tpu.memory_space<vmem>> -> memref<80x128xf32, #tpu.memory_space<vmem>>
    %dma_start3A_255 = arith.constant 0 : i32
    %dma_start3A_256 = tpu.memref_slice %arg15[%dma_start3A_248, %dma_start3A_255] : memref<2x80xi32, #tpu.memory_space<vmem>> -> memref<1x80xi32, #tpu.memory_space<vmem>>
    %dma_start3A_257 = tpu.memref_squeeze %dma_start3A_256 : memref<1x80xi32, #tpu.memory_space<vmem>> -> memref<80xi32, #tpu.memory_space<vmem>>
    %dma_start3A_258 = arith.constant 0 : i32
    %dma_start3A_259 = arith.constant 0 : i32
    %dma_start3A_260 = tpu.memref_slice %arg2[%dma_start3A_258, %dma_start3A_259] : memref<10000x128xf32, #tpu.memory_space<hbm>> -> memref<10000x128xf32, #tpu.memory_space<hbm>>
    %dma_start3A_261 = tpu.memref_slice %arg19[%dma_start3A_250] : memref<2x!tpu.dma_semaphore, #tpu.memory_space<semaphore_mem>> -> memref<1x!tpu.dma_semaphore, #tpu.memory_space<semaphore_mem>>
    %dma_start3A_262 = tpu.memref_squeeze %dma_start3A_261 : memref<1x!tpu.dma_semaphore, #tpu.memory_space<semaphore_mem>> -> memref<!tpu.dma_semaphore, #tpu.memory_space<semaphore_mem>>
    tpu.enqueue_indirect_dma source(%dma_start3A_260 : memref<10000x128xf32, #tpu.memory_space<hbm>>) target(%dma_start3A_254 : memref<80x128xf32, #tpu.memory_space<vmem>>) offsets(%dma_start3A_257 : memref<80xi32, #tpu.memory_space<vmem>>) semaphore(%dma_start3A_262 : memref<!tpu.dma_semaphore, #tpu.memory_space<semaphore_mem>>)
    %scan3A = arith.constant 0 : i32
    %scan3A_263 = arith.constant 0 : i32
    %scan3A_264 = arith.constant 125 : i32
    %scan3A_265 = arith.addi %scan3A_263, %scan3A_264 : i32
    %scan3A_266 = arith.constant 1 : i32
    %scan3A_267 = scf.for %scan3A_318 = %scan3A_263 to %scan3A_265 step %scan3A_266 iter_args(%scan3A_319 = %scan3A) -> (i32)  : i32 {
      %jit3A = arith.constant 2 : i32
      %eq3A = arith.constant 0 : i32
      %eq3A_320 = arith.cmpi eq, %jit3A, %eq3A : i32
      %jit3A_321 = arith.constant 1 : i32
      %select_n3A_322 = arith.select %eq3A_320, %jit3A_321, %jit3A : i32
      %rem3A = arith.remsi %scan3A_318, %select_n3A_322 : i32
      %ne3A = arith.constant 0 : i32
      %ne3A_323 = arith.cmpi ne, %rem3A, %ne3A : i32
      %lt3A = arith.constant 0 : i32
      %lt3A_324 = arith.cmpi slt, %rem3A, %lt3A : i32
      %lt3A_325 = arith.constant 0 : i32
      %lt3A_326 = arith.cmpi slt, %select_n3A_322, %lt3A_325 : i32
      %ne3A_327 = arith.xori %lt3A_324, %lt3A_326 : i1
      %and3A = arith.andi %ne3A_327, %ne3A_323 : i1
      %add3A_328 = arith.addi %rem3A, %select_n3A_322 : i32
      %select_n3A_329 = arith.select %and3A, %add3A_328, %rem3A : i32
      %add3A_330 = arith.constant 1 : i32
      %add3A_331 = arith.addi %scan3A_318, %add3A_330 : i32
      %jit3A_332 = arith.constant 2 : i32
      %eq3A_333 = arith.constant 0 : i32
      %eq3A_334 = arith.cmpi eq, %jit3A_332, %eq3A_333 : i32
      %jit3A_335 = arith.constant 1 : i32
      %select_n3A_336 = arith.select %eq3A_334, %jit3A_335, %jit3A_332 : i32
      %rem3A_337 = arith.remsi %add3A_331, %select_n3A_336 : i32
      %ne3A_338 = arith.constant 0 : i32
      %ne3A_339 = arith.cmpi ne, %rem3A_337, %ne3A_338 : i32
      %lt3A_340 = arith.constant 0 : i32
      %lt3A_341 = arith.cmpi slt, %rem3A_337, %lt3A_340 : i32
      %lt3A_342 = arith.constant 0 : i32
      %lt3A_343 = arith.cmpi slt, %select_n3A_336, %lt3A_342 : i32
      %ne3A_344 = arith.xori %lt3A_341, %lt3A_343 : i1
      %and3A_345 = arith.andi %ne3A_344, %ne3A_339 : i1
      %add3A_346 = arith.addi %rem3A_337, %select_n3A_336 : i32
      %select_n3A_347 = arith.select %and3A_345, %add3A_346, %rem3A_337 : i32
      %dma_wait3A_348 = arith.constant 0 : i32
      %dma_wait3A_349 = arith.constant 0 : i32
      %dma_wait3A_350 = tpu.memref_slice %arg17[%select_n3A_329, %dma_wait3A_348, %dma_wait3A_349] : memref<2x80x128xf32, #tpu.memory_space<vmem>> -> memref<1x80x128xf32, #tpu.memory_space<vmem>>
      %dma_wait3A_351 = tpu.memref_squeeze %dma_wait3A_350 : memref<1x80x128xf32, #tpu.memory_space<vmem>> -> memref<80x128xf32, #tpu.memory_space<vmem>>
      %dma_wait3A_352 = arith.constant 0 : i32
      %dma_wait3A_353 = tpu.memref_slice %arg15[%select_n3A_329, %dma_wait3A_352] : memref<2x80xi32, #tpu.memory_space<vmem>> -> memref<1x80xi32, #tpu.memory_space<vmem>>
      %dma_wait3A_354 = tpu.memref_squeeze %dma_wait3A_353 : memref<1x80xi32, #tpu.memory_space<vmem>> -> memref<80xi32, #tpu.memory_space<vmem>>
      %dma_wait3A_355 = arith.constant 0 : i32
      %dma_wait3A_356 = arith.constant 0 : i32
      %dma_wait3A_357 = tpu.memref_slice %arg2[%dma_wait3A_355, %dma_wait3A_356] : memref<10000x128xf32, #tpu.memory_space<hbm>> -> memref<10000x128xf32, #tpu.memory_space<hbm>>
      %dma_wait3A_358 = tpu.memref_slice %arg19[%select_n3A_329] : memref<2x!tpu.dma_semaphore, #tpu.memory_space<semaphore_mem>> -> memref<1x!tpu.dma_semaphore, #tpu.memory_space<semaphore_mem>>
      %dma_wait3A_359 = tpu.memref_squeeze %dma_wait3A_358 : memref<1x!tpu.dma_semaphore, #tpu.memory_space<semaphore_mem>> -> memref<!tpu.dma_semaphore, #tpu.memory_space<semaphore_mem>>
      tpu.wait_indirect_dma semaphore(%dma_wait3A_359 : memref<!tpu.dma_semaphore, #tpu.memory_space<semaphore_mem>>) src(%dma_wait3A_357 : memref<10000x128xf32, #tpu.memory_space<hbm>>) dst(%dma_wait3A_351 : memref<80x128xf32, #tpu.memory_space<vmem>>)
      %add3A_360 = arith.constant 1 : i32
      %add3A_361 = arith.addi %scan3A_318, %add3A_360 : i32
      %lt3A_362 = arith.constant 125 : i32
      %lt3A_363 = arith.cmpi slt, %add3A_361, %lt3A_362 : i32
      %convert_element_type3A_364 = arith.extui %lt3A_363 : i1 to i32
      %cond3A_365 = arith.constant 0 : i32
      %cond3A_366 = arith.cmpi ne, %convert_element_type3A_364, %cond3A_365 : i32
      scf.if %cond3A_366 {
        %add3A_393 = arith.constant 1 : i32
        %add3A_394 = arith.addi %scan3A_318, %add3A_393 : i32
        %jit3A_395 = arith.constant 25 : i32
        %eq3A_396 = arith.constant 0 : i32
        %eq3A_397 = arith.cmpi eq, %jit3A_395, %eq3A_396 : i32
        %jit3A_398 = arith.constant 1 : i32
        %select_n3A_399 = arith.select %eq3A_397, %jit3A_398, %jit3A_395 : i32
        %rem3A_400 = arith.remsi %add3A_394, %select_n3A_399 : i32
        %ne3A_401 = arith.constant 0 : i32
        %ne3A_402 = arith.cmpi ne, %rem3A_400, %ne3A_401 : i32
        %lt3A_403 = arith.constant 0 : i32
        %lt3A_404 = arith.cmpi slt, %rem3A_400, %lt3A_403 : i32
        %lt3A_405 = arith.constant 0 : i32
        %lt3A_406 = arith.cmpi slt, %select_n3A_399, %lt3A_405 : i32
        %ne3A_407 = arith.xori %lt3A_404, %lt3A_406 : i1
        %and3A_408 = arith.andi %ne3A_407, %ne3A_402 : i1
        %add3A_409 = arith.addi %rem3A_400, %select_n3A_399 : i32
        %select_n3A_410 = arith.select %and3A_408, %add3A_409, %rem3A_400 : i32
        %eq3A_411 = arith.constant 0 : i32
        %eq3A_412 = arith.cmpi eq, %select_n3A_410, %eq3A_411 : i32
        %convert_element_type3A_413 = arith.extui %eq3A_412 : i1 to i32
        %cond3A_414 = arith.constant 0 : i32
        %cond3A_415 = arith.cmpi ne, %convert_element_type3A_413, %cond3A_414 : i32
        scf.if %cond3A_415 {
          %add3A_645 = arith.constant 1 : i32
          %add3A_646 = arith.addi %scan3A_318, %add3A_645 : i32
          %jit3A_647 = arith.constant 25 : i32
          %div3A_648 = arith.divsi %add3A_646, %jit3A_647 : i32
          %sign3A_649 = arith.constant 0 : i32
          %sign3A_650 = arith.cmpi sgt, %add3A_646, %sign3A_649 : i32
          %sign3A_651 = arith.extui %sign3A_650 : i1 to i32
          %sign3A_652 = arith.constant 0 : i32
          %sign3A_653 = arith.cmpi slt, %add3A_646, %sign3A_652 : i32
          %sign3A_654 = arith.extui %sign3A_653 : i1 to i32
          %sign3A_655 = arith.subi %sign3A_651, %sign3A_654 : i32
          %sign3A_656 = arith.constant 0 : i32
          %sign3A_657 = arith.cmpi sgt, %jit3A_647, %sign3A_656 : i32
          %sign3A_658 = arith.extui %sign3A_657 : i1 to i32
          %sign3A_659 = arith.constant 0 : i32
          %sign3A_660 = arith.cmpi slt, %jit3A_647, %sign3A_659 : i32
          %sign3A_661 = arith.extui %sign3A_660 : i1 to i32
          %sign3A_662 = arith.subi %sign3A_658, %sign3A_661 : i32
          %ne3A_663 = arith.cmpi ne, %sign3A_655, %sign3A_662 : i32
          %rem3A_664 = arith.remsi %add3A_646, %jit3A_647 : i32
          %ne3A_665 = arith.constant 0 : i32
          %ne3A_666 = arith.cmpi ne, %rem3A_664, %ne3A_665 : i32
          %and3A_667 = arith.andi %ne3A_663, %ne3A_666 : i1
          %sub3A_668 = arith.constant 1 : i32
          %sub3A_669 = arith.subi %div3A_648, %sub3A_668 : i32
          %select_n3A_670 = arith.select %and3A_667, %sub3A_669, %div3A_648 : i32
          %jit3A_671 = arith.constant 2 : i32
          %eq3A_672 = arith.constant 0 : i32
          %eq3A_673 = arith.cmpi eq, %jit3A_671, %eq3A_672 : i32
          %jit3A_674 = arith.constant 1 : i32
          %select_n3A_675 = arith.select %eq3A_673, %jit3A_674, %jit3A_671 : i32
          %rem3A_676 = arith.remsi %select_n3A_670, %select_n3A_675 : i32
          %ne3A_677 = arith.constant 0 : i32
          %ne3A_678 = arith.cmpi ne, %rem3A_676, %ne3A_677 : i32
          %lt3A_679 = arith.constant 0 : i32
          %lt3A_680 = arith.cmpi slt, %rem3A_676, %lt3A_679 : i32
          %lt3A_681 = arith.constant 0 : i32
          %lt3A_682 = arith.cmpi slt, %select_n3A_675, %lt3A_681 : i32
          %ne3A_683 = arith.xori %lt3A_680, %lt3A_682 : i1
          %and3A_684 = arith.andi %ne3A_683, %ne3A_678 : i1
          %add3A_685 = arith.addi %rem3A_676, %select_n3A_675 : i32
          %select_n3A_686 = arith.select %and3A_684, %add3A_685, %rem3A_676 : i32
          %mul3A_687 = arith.constant 2000 : i32
          %mul3A_688 = arith.muli %select_n3A_670, %mul3A_687 : i32
          %add3A_689 = arith.addi %mul3A_7, %mul3A_688 : i32
          %dma_wait3A_690 = arith.constant 0 : i32
          %dma_wait3A_691 = tpu.memref_slice %arg12[%select_n3A_686, %dma_wait3A_690] : memref<2x2000xi32, #tpu.memory_space<vmem>> -> memref<1x2000xi32, #tpu.memory_space<vmem>>
          %dma_wait3A_692 = tpu.memref_squeeze %dma_wait3A_691 : memref<1x2000xi32, #tpu.memory_space<vmem>> -> memref<2000xi32, #tpu.memory_space<vmem>>
          %dma_wait3A_693 = tpu.memref_slice %arg4[%add3A_689] : memref<320000xi32, #tpu.memory_space<hbm>> -> memref<2000xi32, #tpu.memory_space<hbm>>
          %dma_wait3A_694 = tpu.memref_slice %arg18[%select_n3A_686] : memref<2x!tpu.dma_semaphore, #tpu.memory_space<semaphore_mem>> -> memref<1x!tpu.dma_semaphore, #tpu.memory_space<semaphore_mem>>
          %dma_wait3A_695 = tpu.memref_squeeze %dma_wait3A_694 : memref<1x!tpu.dma_semaphore, #tpu.memory_space<semaphore_mem>> -> memref<!tpu.dma_semaphore, #tpu.memory_space<semaphore_mem>>
          %dma_wait3A_696 = arith.constant 0 : i32
          %dma_wait3A_697 = tpu.memref_slice %arg12[%select_n3A_686, %dma_wait3A_696] : memref<2x2000xi32, #tpu.memory_space<vmem>> -> memref<1x2000xi32, #tpu.memory_space<vmem>>
          %dma_wait3A_698 = tpu.memref_squeeze %dma_wait3A_697 : memref<1x2000xi32, #tpu.memory_space<vmem>> -> memref<2000xi32, #tpu.memory_space<vmem>>
          %dma_wait3A_699 = tpu.memref_slice %arg4[%add3A_689] : memref<320000xi32, #tpu.memory_space<hbm>> -> memref<2000xi32, #tpu.memory_space<hbm>>
          tpu.wait_dma2 semaphore(%dma_wait3A_695 : memref<!tpu.dma_semaphore, #tpu.memory_space<semaphore_mem>>) src(%dma_wait3A_699 : memref<2000xi32, #tpu.memory_space<hbm>>) dst(%dma_wait3A_698 : memref<2000xi32, #tpu.memory_space<vmem>>)
          %dma_wait3A_700 = arith.constant 0 : i32
          %dma_wait3A_701 = tpu.memref_slice %arg13[%select_n3A_686, %dma_wait3A_700] : memref<2x2000xi32, #tpu.memory_space<vmem>> -> memref<1x2000xi32, #tpu.memory_space<vmem>>
          %dma_wait3A_702 = tpu.memref_squeeze %dma_wait3A_701 : memref<1x2000xi32, #tpu.memory_space<vmem>> -> memref<2000xi32, #tpu.memory_space<vmem>>
          %dma_wait3A_703 = tpu.memref_slice %arg5[%add3A_689] : memref<320000xi32, #tpu.memory_space<hbm>> -> memref<2000xi32, #tpu.memory_space<hbm>>
          %dma_wait3A_704 = tpu.memref_slice %arg18[%select_n3A_686] : memref<2x!tpu.dma_semaphore, #tpu.memory_space<semaphore_mem>> -> memref<1x!tpu.dma_semaphore, #tpu.memory_space<semaphore_mem>>
          %dma_wait3A_705 = tpu.memref_squeeze %dma_wait3A_704 : memref<1x!tpu.dma_semaphore, #tpu.memory_space<semaphore_mem>> -> memref<!tpu.dma_semaphore, #tpu.memory_space<semaphore_mem>>
          %dma_wait3A_706 = arith.constant 0 : i32
          %dma_wait3A_707 = tpu.memref_slice %arg13[%select_n3A_686, %dma_wait3A_706] : memref<2x2000xi32, #tpu.memory_space<vmem>> -> memref<1x2000xi32, #tpu.memory_space<vmem>>
          %dma_wait3A_708 = tpu.memref_squeeze %dma_wait3A_707 : memref<1x2000xi32, #tpu.memory_space<vmem>> -> memref<2000xi32, #tpu.memory_space<vmem>>
          %dma_wait3A_709 = tpu.memref_slice %arg5[%add3A_689] : memref<320000xi32, #tpu.memory_space<hbm>> -> memref<2000xi32, #tpu.memory_space<hbm>>
          tpu.wait_dma2 semaphore(%dma_wait3A_705 : memref<!tpu.dma_semaphore, #tpu.memory_space<semaphore_mem>>) src(%dma_wait3A_709 : memref<2000xi32, #tpu.memory_space<hbm>>) dst(%dma_wait3A_708 : memref<2000xi32, #tpu.memory_space<vmem>>)
          %add3A_710 = arith.constant 1 : i32
          %add3A_711 = arith.addi %select_n3A_670, %add3A_710 : i32
          %lt3A_712 = arith.constant 5 : i32
          %lt3A_713 = arith.cmpi slt, %add3A_711, %lt3A_712 : i32
          %convert_element_type3A_714 = arith.extui %lt3A_713 : i1 to i32
          %cond3A_715 = arith.constant 0 : i32
          %cond3A_716 = arith.cmpi ne, %convert_element_type3A_714, %cond3A_715 : i32
          scf.if %cond3A_716 {
            %add3A_717 = arith.constant 1 : i32
            %add3A_718 = arith.addi %select_n3A_670, %add3A_717 : i32
            %add3A_719 = arith.constant 1 : i32
            %add3A_720 = arith.addi %select_n3A_670, %add3A_719 : i32
            %jit3A_721 = arith.constant 2 : i32
            %eq3A_722 = arith.constant 0 : i32
            %eq3A_723 = arith.cmpi eq, %jit3A_721, %eq3A_722 : i32
            %jit3A_724 = arith.constant 1 : i32
            %select_n3A_725 = arith.select %eq3A_723, %jit3A_724, %jit3A_721 : i32
            %rem3A_726 = arith.remsi %add3A_720, %select_n3A_725 : i32
            %ne3A_727 = arith.constant 0 : i32
            %ne3A_728 = arith.cmpi ne, %rem3A_726, %ne3A_727 : i32
            %lt3A_729 = arith.constant 0 : i32
            %lt3A_730 = arith.cmpi slt, %rem3A_726, %lt3A_729 : i32
            %lt3A_731 = arith.constant 0 : i32
            %lt3A_732 = arith.cmpi slt, %select_n3A_725, %lt3A_731 : i32
            %ne3A_733 = arith.xori %lt3A_730, %lt3A_732 : i1
            %and3A_734 = arith.andi %ne3A_733, %ne3A_728 : i1
            %add3A_735 = arith.addi %rem3A_726, %select_n3A_725 : i32
            %select_n3A_736 = arith.select %and3A_734, %add3A_735, %rem3A_726 : i32
            %mul3A_737 = arith.constant 2000 : i32
            %mul3A_738 = arith.muli %add3A_718, %mul3A_737 : i32
            %add3A_739 = arith.addi %mul3A_7, %mul3A_738 : i32
            %dma_start3A_740 = arith.constant 0 : i32
            %dma_start3A_741 = tpu.memref_slice %arg12[%select_n3A_736, %dma_start3A_740] : memref<2x2000xi32, #tpu.memory_space<vmem>> -> memref<1x2000xi32, #tpu.memory_space<vmem>>
            %dma_start3A_742 = tpu.memref_squeeze %dma_start3A_741 : memref<1x2000xi32, #tpu.memory_space<vmem>> -> memref<2000xi32, #tpu.memory_space<vmem>>
            %dma_start3A_743 = tpu.memref_slice %arg4[%add3A_739] : memref<320000xi32, #tpu.memory_space<hbm>> -> memref<2000xi32, #tpu.memory_space<hbm>>
            %dma_start3A_744 = tpu.memref_slice %arg18[%select_n3A_736] : memref<2x!tpu.dma_semaphore, #tpu.memory_space<semaphore_mem>> -> memref<1x!tpu.dma_semaphore, #tpu.memory_space<semaphore_mem>>
            %dma_start3A_745 = tpu.memref_squeeze %dma_start3A_744 : memref<1x!tpu.dma_semaphore, #tpu.memory_space<semaphore_mem>> -> memref<!tpu.dma_semaphore, #tpu.memory_space<semaphore_mem>>
            %dma_start3A_746 = arith.constant 0 : i32
            %dma_start3A_747 = tpu.memref_slice %arg12[%select_n3A_736, %dma_start3A_746] : memref<2x2000xi32, #tpu.memory_space<vmem>> -> memref<1x2000xi32, #tpu.memory_space<vmem>>
            %dma_start3A_748 = tpu.memref_squeeze %dma_start3A_747 : memref<1x2000xi32, #tpu.memory_space<vmem>> -> memref<2000xi32, #tpu.memory_space<vmem>>
            %dma_start3A_749 = tpu.memref_slice %arg4[%add3A_739] : memref<320000xi32, #tpu.memory_space<hbm>> -> memref<2000xi32, #tpu.memory_space<hbm>>
            tpu.enqueue_dma source(%dma_start3A_749 : memref<2000xi32, #tpu.memory_space<hbm>>) target(%dma_start3A_748 : memref<2000xi32, #tpu.memory_space<vmem>>) target_semaphore(%dma_start3A_745 : memref<!tpu.dma_semaphore, #tpu.memory_space<semaphore_mem>>)
            %dma_start3A_750 = arith.constant 0 : i32
            %dma_start3A_751 = tpu.memref_slice %arg13[%select_n3A_736, %dma_start3A_750] : memref<2x2000xi32, #tpu.memory_space<vmem>> -> memref<1x2000xi32, #tpu.memory_space<vmem>>
            %dma_start3A_752 = tpu.memref_squeeze %dma_start3A_751 : memref<1x2000xi32, #tpu.memory_space<vmem>> -> memref<2000xi32, #tpu.memory_space<vmem>>
            %dma_start3A_753 = tpu.memref_slice %arg5[%add3A_739] : memref<320000xi32, #tpu.memory_space<hbm>> -> memref<2000xi32, #tpu.memory_space<hbm>>
            %dma_start3A_754 = tpu.memref_slice %arg18[%select_n3A_736] : memref<2x!tpu.dma_semaphore, #tpu.memory_space<semaphore_mem>> -> memref<1x!tpu.dma_semaphore, #tpu.memory_space<semaphore_mem>>
            %dma_start3A_755 = tpu.memref_squeeze %dma_start3A_754 : memref<1x!tpu.dma_semaphore, #tpu.memory_space<semaphore_mem>> -> memref<!tpu.dma_semaphore, #tpu.memory_space<semaphore_mem>>
            %dma_start3A_756 = arith.constant 0 : i32
            %dma_start3A_757 = tpu.memref_slice %arg13[%select_n3A_736, %dma_start3A_756] : memref<2x2000xi32, #tpu.memory_space<vmem>> -> memref<1x2000xi32, #tpu.memory_space<vmem>>
            %dma_start3A_758 = tpu.memref_squeeze %dma_start3A_757 : memref<1x2000xi32, #tpu.memory_space<vmem>> -> memref<2000xi32, #tpu.memory_space<vmem>>
            %dma_start3A_759 = tpu.memref_slice %arg5[%add3A_739] : memref<320000xi32, #tpu.memory_space<hbm>> -> memref<2000xi32, #tpu.memory_space<hbm>>
            tpu.enqueue_dma source(%dma_start3A_759 : memref<2000xi32, #tpu.memory_space<hbm>>) target(%dma_start3A_758 : memref<2000xi32, #tpu.memory_space<vmem>>) target_semaphore(%dma_start3A_755 : memref<!tpu.dma_semaphore, #tpu.memory_space<semaphore_mem>>)
          } else {
          }
        } else {
        }
        %ge3A_416 = arith.constant 1 : i32
        %ge3A_417 = arith.cmpi sge, %scan3A_318, %ge3A_416 : i32
        %convert_element_type3A_418 = arith.extui %ge3A_417 : i1 to i32
        %cond3A_419 = arith.constant 0 : i32
        %cond3A_420 = arith.cmpi ne, %convert_element_type3A_418, %cond3A_419 : i32
        scf.if %cond3A_420 {
          %dma_wait3A_645 = arith.constant 0 : i32
          %dma_wait3A_646 = arith.constant 0 : i32
          %dma_wait3A_647 = tpu.memref_slice %arg17[%select_n3A_347, %dma_wait3A_645, %dma_wait3A_646] : memref<2x80x128xf32, #tpu.memory_space<vmem>> -> memref<1x80x128xf32, #tpu.memory_space<vmem>>
          %dma_wait3A_648 = tpu.memref_squeeze %dma_wait3A_647 : memref<1x80x128xf32, #tpu.memory_space<vmem>> -> memref<80x128xf32, #tpu.memory_space<vmem>>
          %dma_wait3A_649 = arith.constant 0 : i32
          %dma_wait3A_650 = tpu.memref_slice %arg16[%select_n3A_347, %dma_wait3A_649] : memref<2x80xi32, #tpu.memory_space<vmem>> -> memref<1x80xi32, #tpu.memory_space<vmem>>
          %dma_wait3A_651 = tpu.memref_squeeze %dma_wait3A_650 : memref<1x80xi32, #tpu.memory_space<vmem>> -> memref<80xi32, #tpu.memory_space<vmem>>
          %dma_wait3A_652 = arith.constant 0 : i32
          %dma_wait3A_653 = arith.constant 0 : i32
          %dma_wait3A_654 = tpu.memref_slice %arg22[%dma_wait3A_652, %dma_wait3A_653] : memref<10000x128xf32, #tpu.memory_space<vmem_shared>> -> memref<10000x128xf32, #tpu.memory_space<vmem_shared>>
          %dma_wait3A_655 = tpu.memref_slice %arg20[%select_n3A_347] : memref<2x!tpu.dma_semaphore, #tpu.memory_space<semaphore_mem>> -> memref<1x!tpu.dma_semaphore, #tpu.memory_space<semaphore_mem>>
          %dma_wait3A_656 = tpu.memref_squeeze %dma_wait3A_655 : memref<1x!tpu.dma_semaphore, #tpu.memory_space<semaphore_mem>> -> memref<!tpu.dma_semaphore, #tpu.memory_space<semaphore_mem>>
          tpu.wait_indirect_dma semaphore(%dma_wait3A_656 : memref<!tpu.dma_semaphore, #tpu.memory_space<semaphore_mem>>) src(%dma_wait3A_648 : memref<80x128xf32, #tpu.memory_space<vmem>>) dst(%dma_wait3A_654 : memref<10000x128xf32, #tpu.memory_space<vmem_shared>>)
          %convert_element_type3A_657 = arith.extui %ge3A_3 : i1 to i32
          %cond3A_658 = arith.constant 0 : i32
          %cond3A_659 = arith.cmpi ne, %convert_element_type3A_657, %cond3A_658 : i32
          scf.if %cond3A_659 {
            %dma_wait3A_660 = arith.constant 0 : i32
            %dma_wait3A_661 = tpu.memref_slice %arg14[%select_n3A_347, %dma_wait3A_660] : memref<2x80xf32, #tpu.memory_space<vmem>> -> memref<1x80xf32, #tpu.memory_space<vmem>>
            %dma_wait3A_662 = tpu.memref_squeeze %dma_wait3A_661 : memref<1x80xf32, #tpu.memory_space<vmem>> -> memref<80xf32, #tpu.memory_space<vmem>>
            %dma_wait3A_663 = arith.constant 0 : i32
            %dma_wait3A_664 = tpu.memref_slice %arg16[%select_n3A_347, %dma_wait3A_663] : memref<2x80xi32, #tpu.memory_space<vmem>> -> memref<1x80xi32, #tpu.memory_space<vmem>>
            %dma_wait3A_665 = tpu.memref_squeeze %dma_wait3A_664 : memref<1x80xi32, #tpu.memory_space<vmem>> -> memref<80xi32, #tpu.memory_space<vmem>>
            %dma_wait3A_666 = arith.constant 0 : i32
            %dma_wait3A_667 = tpu.memref_slice %arg23[%dma_wait3A_666] : memref<10240xf32, #tpu.memory_space<vmem_shared>> -> memref<10240xf32, #tpu.memory_space<vmem_shared>>
            %dma_wait3A_668 = tpu.memref_slice %arg21[%select_n3A_347] : memref<2x!tpu.dma_semaphore, #tpu.memory_space<semaphore_mem>> -> memref<1x!tpu.dma_semaphore, #tpu.memory_space<semaphore_mem>>
            %dma_wait3A_669 = tpu.memref_squeeze %dma_wait3A_668 : memref<1x!tpu.dma_semaphore, #tpu.memory_space<semaphore_mem>> -> memref<!tpu.dma_semaphore, #tpu.memory_space<semaphore_mem>>
            tpu.wait_indirect_dma semaphore(%dma_wait3A_669 : memref<!tpu.dma_semaphore, #tpu.memory_space<semaphore_mem>>) src(%dma_wait3A_662 : memref<80xf32, #tpu.memory_space<vmem>>) dst(%dma_wait3A_667 : memref<10240xf32, #tpu.memory_space<vmem_shared>>)
          } else {
          }
        } else {
        }
        %add3A_421 = arith.constant 1 : i32
        %add3A_422 = arith.addi %scan3A_318, %add3A_421 : i32
        %jit3A_423 = arith.constant 25 : i32
        %div3A = arith.divsi %add3A_422, %jit3A_423 : i32
        %sign3A = arith.constant 0 : i32
        %sign3A_424 = arith.cmpi sgt, %add3A_422, %sign3A : i32
        %sign3A_425 = arith.extui %sign3A_424 : i1 to i32
        %sign3A_426 = arith.constant 0 : i32
        %sign3A_427 = arith.cmpi slt, %add3A_422, %sign3A_426 : i32
        %sign3A_428 = arith.extui %sign3A_427 : i1 to i32
        %sign3A_429 = arith.subi %sign3A_425, %sign3A_428 : i32
        %sign3A_430 = arith.constant 0 : i32
        %sign3A_431 = arith.cmpi sgt, %jit3A_423, %sign3A_430 : i32
        %sign3A_432 = arith.extui %sign3A_431 : i1 to i32
        %sign3A_433 = arith.constant 0 : i32
        %sign3A_434 = arith.cmpi slt, %jit3A_423, %sign3A_433 : i32
        %sign3A_435 = arith.extui %sign3A_434 : i1 to i32
        %sign3A_436 = arith.subi %sign3A_432, %sign3A_435 : i32
        %ne3A_437 = arith.cmpi ne, %sign3A_429, %sign3A_436 : i32
        %rem3A_438 = arith.remsi %add3A_422, %jit3A_423 : i32
        %ne3A_439 = arith.constant 0 : i32
        %ne3A_440 = arith.cmpi ne, %rem3A_438, %ne3A_439 : i32
        %and3A_441 = arith.andi %ne3A_437, %ne3A_440 : i1
        %sub3A = arith.constant 1 : i32
        %sub3A_442 = arith.subi %div3A, %sub3A : i32
        %select_n3A_443 = arith.select %and3A_441, %sub3A_442, %div3A : i32
        %jit3A_444 = arith.constant 2 : i32
        %eq3A_445 = arith.constant 0 : i32
        %eq3A_446 = arith.cmpi eq, %jit3A_444, %eq3A_445 : i32
        %jit3A_447 = arith.constant 1 : i32
        %select_n3A_448 = arith.select %eq3A_446, %jit3A_447, %jit3A_444 : i32
        %rem3A_449 = arith.remsi %select_n3A_443, %select_n3A_448 : i32
        %ne3A_450 = arith.constant 0 : i32
        %ne3A_451 = arith.cmpi ne, %rem3A_449, %ne3A_450 : i32
        %lt3A_452 = arith.constant 0 : i32
        %lt3A_453 = arith.cmpi slt, %rem3A_449, %lt3A_452 : i32
        %lt3A_454 = arith.constant 0 : i32
        %lt3A_455 = arith.cmpi slt, %select_n3A_448, %lt3A_454 : i32
        %ne3A_456 = arith.xori %lt3A_453, %lt3A_455 : i1
        %and3A_457 = arith.andi %ne3A_456, %ne3A_451 : i1
        %add3A_458 = arith.addi %rem3A_449, %select_n3A_448 : i32
        %select_n3A_459 = arith.select %and3A_457, %add3A_458, %rem3A_449 : i32
        %jit3A_460 = arith.constant 25 : i32
        %eq3A_461 = arith.constant 0 : i32
        %eq3A_462 = arith.cmpi eq, %jit3A_460, %eq3A_461 : i32
        %jit3A_463 = arith.constant 1 : i32
        %select_n3A_464 = arith.select %eq3A_462, %jit3A_463, %jit3A_460 : i32
        %rem3A_465 = arith.remsi %add3A_422, %select_n3A_464 : i32
        %ne3A_466 = arith.constant 0 : i32
        %ne3A_467 = arith.cmpi ne, %rem3A_465, %ne3A_466 : i32
        %lt3A_468 = arith.constant 0 : i32
        %lt3A_469 = arith.cmpi slt, %rem3A_465, %lt3A_468 : i32
        %lt3A_470 = arith.constant 0 : i32
        %lt3A_471 = arith.cmpi slt, %select_n3A_464, %lt3A_470 : i32
        %ne3A_472 = arith.xori %lt3A_469, %lt3A_471 : i1
        %and3A_473 = arith.andi %ne3A_472, %ne3A_467 : i1
        %add3A_474 = arith.addi %rem3A_465, %select_n3A_464 : i32
        %select_n3A_475 = arith.select %and3A_473, %add3A_474, %rem3A_465 : i32
        %mul3A_476 = arith.constant 80 : i32
        %mul3A_477 = arith.muli %select_n3A_475, %mul3A_476 : i32
        %add3A_478 = arith.constant 0 : i32
        %add3A_479 = arith.addi %mul3A_477, %add3A_478 : i32
        %get3A_480 = arith.index_cast %select_n3A_459 : i32 to index
        %get3A_481 = arith.index_cast %add3A_479 : i32 to index
        %get3A_482 = tpu.vector_load %arg12[%get3A_480, %get3A_481] {strides = array<i32>} : memref<2x2000xi32, #tpu.memory_space<vmem>>, vector<16xi32>,
        %get3A_483 = arith.index_cast %select_n3A_459 : i32 to index
        %get3A_484 = arith.index_cast %add3A_479 : i32 to index
        %get3A_485 = tpu.vector_load %arg13[%get3A_483, %get3A_484] {strides = array<i32>} : memref<2x2000xi32, #tpu.memory_space<vmem>>, vector<16xi32>,
        %add3A_486 = arith.constant 0 : i32
        %add3A_487 = vector.broadcast %add3A_486 : i32 to vector<16xi32>
        %add3A_488 = arith.addi %get3A_482, %add3A_487 : vector<16xi32>
        %swap3A_489 = arith.index_cast %select_n3A_347 : i32 to index
        %swap3A_490 = arith.constant 0 : index
        %swap3A_491 = tpu.vector_load %arg15[%swap3A_489, %swap3A_490] {strides = array<i32>} : memref<2x80xi32, #tpu.memory_space<vmem>>, vector<16xi32>,
        tpu.vector_store %arg15[%swap3A_489, %swap3A_490], %add3A_488 {strides = array<i32>} : memref<2x80xi32, #tpu.memory_space<vmem>>, vector<16xi32>,
        %swap3A_492 = arith.index_cast %select_n3A_347 : i32 to index
        %swap3A_493 = arith.constant 0 : index
        %swap3A_494 = tpu.vector_load %arg16[%swap3A_492, %swap3A_493] {strides = array<i32>} : memref<2x80xi32, #tpu.memory_space<vmem>>, vector<16xi32>,
        tpu.vector_store %arg16[%swap3A_492, %swap3A_493], %get3A_485 {strides = array<i32>} : memref<2x80xi32, #tpu.memory_space<vmem>>, vector<16xi32>,
        %gather3A_495 = tpu.vector_load_idx %arg10[%get3A_482] : memref<10000xf32, #tpu.memory_space<vmem>>[vector<16xi32>], vector<16xf32>,
        %gather3A_496 = tpu.vector_load_idx %arg11[%get3A_485] : memref<10000xf32, #tpu.memory_space<vmem>>[vector<16xi32>], vector<16xf32>,
        %add3A_497 = arith.addf %gather3A_495, %gather3A_496 : vector<16xf32>
        %gt3A_498 = arith.constant 0.000000e+00 : f32
        %gt3A_499 = vector.broadcast %gt3A_498 : f32 to vector<16xf32>
        %gt3A_500 = arith.cmpf ogt, %add3A_497, %gt3A_499 : vector<16xf32>
        %mul3A_501 = arith.constant 2.000000e-01 : f32
        %mul3A_502 = vector.broadcast %mul3A_501 : f32 to vector<16xf32>
        %mul3A_503 = arith.mulf %add3A_497, %mul3A_502 : vector<16xf32>
        %select_n3A_504 = arith.select %gt3A_500, %add3A_497, %mul3A_503 : vector<16xi1>, vector<16xf32>
        %exp3A_505 = math.exp %select_n3A_504 : vector<16xf32>
        %swap3A_506 = arith.index_cast %select_n3A_347 : i32 to index
        %swap3A_507 = arith.constant 0 : index
        %swap3A_508 = tpu.vector_load %arg14[%swap3A_506, %swap3A_507] {strides = array<i32>} : memref<2x80xf32, #tpu.memory_space<vmem>>, vector<16xf32>,
        tpu.vector_store %arg14[%swap3A_506, %swap3A_507], %exp3A_505 {strides = array<i32>} : memref<2x80xf32, #tpu.memory_space<vmem>>, vector<16xf32>,
        %add3A_509 = arith.constant 16 : i32
        %add3A_510 = arith.addi %mul3A_477, %add3A_509 : i32
        %get3A_511 = arith.index_cast %select_n3A_459 : i32 to index
        %get3A_512 = arith.index_cast %add3A_510 : i32 to index
        %get3A_513 = tpu.vector_load %arg12[%get3A_511, %get3A_512] {strides = array<i32>} : memref<2x2000xi32, #tpu.memory_space<vmem>>, vector<16xi32>,
        %get3A_514 = arith.index_cast %select_n3A_459 : i32 to index
        %get3A_515 = arith.index_cast %add3A_510 : i32 to index
        %get3A_516 = tpu.vector_load %arg13[%get3A_514, %get3A_515] {strides = array<i32>} : memref<2x2000xi32, #tpu.memory_space<vmem>>, vector<16xi32>,
        %add3A_517 = arith.constant 0 : i32
        %add3A_518 = vector.broadcast %add3A_517 : i32 to vector<16xi32>
        %add3A_519 = arith.addi %get3A_513, %add3A_518 : vector<16xi32>
        %swap3A_520 = arith.index_cast %select_n3A_347 : i32 to index
        %swap3A_521 = arith.constant 16 : index
        %swap3A_522 = tpu.vector_load %arg15[%swap3A_520, %swap3A_521] {strides = array<i32>} : memref<2x80xi32, #tpu.memory_space<vmem>>, vector<16xi32>,
        tpu.vector_store %arg15[%swap3A_520, %swap3A_521], %add3A_519 {strides = array<i32>} : memref<2x80xi32, #tpu.memory_space<vmem>>, vector<16xi32>,
        %swap3A_523 = arith.index_cast %select_n3A_347 : i32 to index
        %swap3A_524 = arith.constant 16 : index
        %swap3A_525 = tpu.vector_load %arg16[%swap3A_523, %swap3A_524] {strides = array<i32>} : memref<2x80xi32, #tpu.memory_space<vmem>>, vector<16xi32>,
        tpu.vector_store %arg16[%swap3A_523, %swap3A_524], %get3A_516 {strides = array<i32>} : memref<2x80xi32, #tpu.memory_space<vmem>>, vector<16xi32>,
        %gather3A_526 = tpu.vector_load_idx %arg10[%get3A_513] : memref<10000xf32, #tpu.memory_space<vmem>>[vector<16xi32>], vector<16xf32>,
        %gather3A_527 = tpu.vector_load_idx %arg11[%get3A_516] : memref<10000xf32, #tpu.memory_space<vmem>>[vector<16xi32>], vector<16xf32>,
        %add3A_528 = arith.addf %gather3A_526, %gather3A_527 : vector<16xf32>
        %gt3A_529 = arith.constant 0.000000e+00 : f32
        %gt3A_530 = vector.broadcast %gt3A_529 : f32 to vector<16xf32>
        %gt3A_531 = arith.cmpf ogt, %add3A_528, %gt3A_530 : vector<16xf32>
        %mul3A_532 = arith.constant 2.000000e-01 : f32
        %mul3A_533 = vector.broadcast %mul3A_532 : f32 to vector<16xf32>
        %mul3A_534 = arith.mulf %add3A_528, %mul3A_533 : vector<16xf32>
        %select_n3A_535 = arith.select %gt3A_531, %add3A_528, %mul3A_534 : vector<16xi1>, vector<16xf32>
        %exp3A_536 = math.exp %select_n3A_535 : vector<16xf32>
        %swap3A_537 = arith.index_cast %select_n3A_347 : i32 to index
        %swap3A_538 = arith.constant 16 : index
        %swap3A_539 = tpu.vector_load %arg14[%swap3A_537, %swap3A_538] {strides = array<i32>} : memref<2x80xf32, #tpu.memory_space<vmem>>, vector<16xf32>,
        tpu.vector_store %arg14[%swap3A_537, %swap3A_538], %exp3A_536 {strides = array<i32>} : memref<2x80xf32, #tpu.memory_space<vmem>>, vector<16xf32>,
        %add3A_540 = arith.constant 32 : i32
        %add3A_541 = arith.addi %mul3A_477, %add3A_540 : i32
        %get3A_542 = arith.index_cast %select_n3A_459 : i32 to index
        %get3A_543 = arith.index_cast %add3A_541 : i32 to index
        %get3A_544 = tpu.vector_load %arg12[%get3A_542, %get3A_543] {strides = array<i32>} : memref<2x2000xi32, #tpu.memory_space<vmem>>, vector<16xi32>,
        %get3A_545 = arith.index_cast %select_n3A_459 : i32 to index
        %get3A_546 = arith.index_cast %add3A_541 : i32 to index
        %get3A_547 = tpu.vector_load %arg13[%get3A_545, %get3A_546] {strides = array<i32>} : memref<2x2000xi32, #tpu.memory_space<vmem>>, vector<16xi32>,
        %add3A_548 = arith.constant 0 : i32
        %add3A_549 = vector.broadcast %add3A_548 : i32 to vector<16xi32>
        %add3A_550 = arith.addi %get3A_544, %add3A_549 : vector<16xi32>
        %swap3A_551 = arith.index_cast %select_n3A_347 : i32 to index
        %swap3A_552 = arith.constant 32 : index
        %swap3A_553 = tpu.vector_load %arg15[%swap3A_551, %swap3A_552] {strides = array<i32>} : memref<2x80xi32, #tpu.memory_space<vmem>>, vector<16xi32>,
        tpu.vector_store %arg15[%swap3A_551, %swap3A_552], %add3A_550 {strides = array<i32>} : memref<2x80xi32, #tpu.memory_space<vmem>>, vector<16xi32>,
        %swap3A_554 = arith.index_cast %select_n3A_347 : i32 to index
        %swap3A_555 = arith.constant 32 : index
        %swap3A_556 = tpu.vector_load %arg16[%swap3A_554, %swap3A_555] {strides = array<i32>} : memref<2x80xi32, #tpu.memory_space<vmem>>, vector<16xi32>,
        tpu.vector_store %arg16[%swap3A_554, %swap3A_555], %get3A_547 {strides = array<i32>} : memref<2x80xi32, #tpu.memory_space<vmem>>, vector<16xi32>,
        %gather3A_557 = tpu.vector_load_idx %arg10[%get3A_544] : memref<10000xf32, #tpu.memory_space<vmem>>[vector<16xi32>], vector<16xf32>,
        %gather3A_558 = tpu.vector_load_idx %arg11[%get3A_547] : memref<10000xf32, #tpu.memory_space<vmem>>[vector<16xi32>], vector<16xf32>,
        %add3A_559 = arith.addf %gather3A_557, %gather3A_558 : vector<16xf32>
        %gt3A_560 = arith.constant 0.000000e+00 : f32
        %gt3A_561 = vector.broadcast %gt3A_560 : f32 to vector<16xf32>
        %gt3A_562 = arith.cmpf ogt, %add3A_559, %gt3A_561 : vector<16xf32>
        %mul3A_563 = arith.constant 2.000000e-01 : f32
        %mul3A_564 = vector.broadcast %mul3A_563 : f32 to vector<16xf32>
        %mul3A_565 = arith.mulf %add3A_559, %mul3A_564 : vector<16xf32>
        %select_n3A_566 = arith.select %gt3A_562, %add3A_559, %mul3A_565 : vector<16xi1>, vector<16xf32>
        %exp3A_567 = math.exp %select_n3A_566 : vector<16xf32>
        %swap3A_568 = arith.index_cast %select_n3A_347 : i32 to index
        %swap3A_569 = arith.constant 32 : index
        %swap3A_570 = tpu.vector_load %arg14[%swap3A_568, %swap3A_569] {strides = array<i32>} : memref<2x80xf32, #tpu.memory_space<vmem>>, vector<16xf32>,
        tpu.vector_store %arg14[%swap3A_568, %swap3A_569], %exp3A_567 {strides = array<i32>} : memref<2x80xf32, #tpu.memory_space<vmem>>, vector<16xf32>,
        %add3A_571 = arith.constant 48 : i32
        %add3A_572 = arith.addi %mul3A_477, %add3A_571 : i32
        %get3A_573 = arith.index_cast %select_n3A_459 : i32 to index
        %get3A_574 = arith.index_cast %add3A_572 : i32 to index
        %get3A_575 = tpu.vector_load %arg12[%get3A_573, %get3A_574] {strides = array<i32>} : memref<2x2000xi32, #tpu.memory_space<vmem>>, vector<16xi32>,
        %get3A_576 = arith.index_cast %select_n3A_459 : i32 to index
        %get3A_577 = arith.index_cast %add3A_572 : i32 to index
        %get3A_578 = tpu.vector_load %arg13[%get3A_576, %get3A_577] {strides = array<i32>} : memref<2x2000xi32, #tpu.memory_space<vmem>>, vector<16xi32>,
        %add3A_579 = arith.constant 0 : i32
        %add3A_580 = vector.broadcast %add3A_579 : i32 to vector<16xi32>
        %add3A_581 = arith.addi %get3A_575, %add3A_580 : vector<16xi32>
        %swap3A_582 = arith.index_cast %select_n3A_347 : i32 to index
        %swap3A_583 = arith.constant 48 : index
        %swap3A_584 = tpu.vector_load %arg15[%swap3A_582, %swap3A_583] {strides = array<i32>} : memref<2x80xi32, #tpu.memory_space<vmem>>, vector<16xi32>,
        tpu.vector_store %arg15[%swap3A_582, %swap3A_583], %add3A_581 {strides = array<i32>} : memref<2x80xi32, #tpu.memory_space<vmem>>, vector<16xi32>,
        %swap3A_585 = arith.index_cast %select_n3A_347 : i32 to index
        %swap3A_586 = arith.constant 48 : index
        %swap3A_587 = tpu.vector_load %arg16[%swap3A_585, %swap3A_586] {strides = array<i32>} : memref<2x80xi32, #tpu.memory_space<vmem>>, vector<16xi32>,
        tpu.vector_store %arg16[%swap3A_585, %swap3A_586], %get3A_578 {strides = array<i32>} : memref<2x80xi32, #tpu.memory_space<vmem>>, vector<16xi32>,
        %gather3A_588 = tpu.vector_load_idx %arg10[%get3A_575] : memref<10000xf32, #tpu.memory_space<vmem>>[vector<16xi32>], vector<16xf32>,
        %gather3A_589 = tpu.vector_load_idx %arg11[%get3A_578] : memref<10000xf32, #tpu.memory_space<vmem>>[vector<16xi32>], vector<16xf32>,
        %add3A_590 = arith.addf %gather3A_588, %gather3A_589 : vector<16xf32>
        %gt3A_591 = arith.constant 0.000000e+00 : f32
        %gt3A_592 = vector.broadcast %gt3A_591 : f32 to vector<16xf32>
        %gt3A_593 = arith.cmpf ogt, %add3A_590, %gt3A_592 : vector<16xf32>
        %mul3A_594 = arith.constant 2.000000e-01 : f32
        %mul3A_595 = vector.broadcast %mul3A_594 : f32 to vector<16xf32>
        %mul3A_596 = arith.mulf %add3A_590, %mul3A_595 : vector<16xf32>
        %select_n3A_597 = arith.select %gt3A_593, %add3A_590, %mul3A_596 : vector<16xi1>, vector<16xf32>
        %exp3A_598 = math.exp %select_n3A_597 : vector<16xf32>
        %swap3A_599 = arith.index_cast %select_n3A_347 : i32 to index
        %swap3A_600 = arith.constant 48 : index
        %swap3A_601 = tpu.vector_load %arg14[%swap3A_599, %swap3A_600] {strides = array<i32>} : memref<2x80xf32, #tpu.memory_space<vmem>>, vector<16xf32>,
        tpu.vector_store %arg14[%swap3A_599, %swap3A_600], %exp3A_598 {strides = array<i32>} : memref<2x80xf32, #tpu.memory_space<vmem>>, vector<16xf32>,
        %add3A_602 = arith.constant 64 : i32
        %add3A_603 = arith.addi %mul3A_477, %add3A_602 : i32
        %get3A_604 = arith.index_cast %select_n3A_459 : i32 to index
        %get3A_605 = arith.index_cast %add3A_603 : i32 to index
        %get3A_606 = tpu.vector_load %arg12[%get3A_604, %get3A_605] {strides = array<i32>} : memref<2x2000xi32, #tpu.memory_space<vmem>>, vector<16xi32>,
        %get3A_607 = arith.index_cast %select_n3A_459 : i32 to index
        %get3A_608 = arith.index_cast %add3A_603 : i32 to index
        %get3A_609 = tpu.vector_load %arg13[%get3A_607, %get3A_608] {strides = array<i32>} : memref<2x2000xi32, #tpu.memory_space<vmem>>, vector<16xi32>,
        %add3A_610 = arith.constant 0 : i32
        %add3A_611 = vector.broadcast %add3A_610 : i32 to vector<16xi32>
        %add3A_612 = arith.addi %get3A_606, %add3A_611 : vector<16xi32>
        %swap3A_613 = arith.index_cast %select_n3A_347 : i32 to index
        %swap3A_614 = arith.constant 64 : index
        %swap3A_615 = tpu.vector_load %arg15[%swap3A_613, %swap3A_614] {strides = array<i32>} : memref<2x80xi32, #tpu.memory_space<vmem>>, vector<16xi32>,
        tpu.vector_store %arg15[%swap3A_613, %swap3A_614], %add3A_612 {strides = array<i32>} : memref<2x80xi32, #tpu.memory_space<vmem>>, vector<16xi32>,
        %swap3A_616 = arith.index_cast %select_n3A_347 : i32 to index
        %swap3A_617 = arith.constant 64 : index
        %swap3A_618 = tpu.vector_load %arg16[%swap3A_616, %swap3A_617] {strides = array<i32>} : memref<2x80xi32, #tpu.memory_space<vmem>>, vector<16xi32>,
        tpu.vector_store %arg16[%swap3A_616, %swap3A_617], %get3A_609 {strides = array<i32>} : memref<2x80xi32, #tpu.memory_space<vmem>>, vector<16xi32>,
        %gather3A_619 = tpu.vector_load_idx %arg10[%get3A_606] : memref<10000xf32, #tpu.memory_space<vmem>>[vector<16xi32>], vector<16xf32>,
        %gather3A_620 = tpu.vector_load_idx %arg11[%get3A_609] : memref<10000xf32, #tpu.memory_space<vmem>>[vector<16xi32>], vector<16xf32>,
        %add3A_621 = arith.addf %gather3A_619, %gather3A_620 : vector<16xf32>
        %gt3A_622 = arith.constant 0.000000e+00 : f32
        %gt3A_623 = vector.broadcast %gt3A_622 : f32 to vector<16xf32>
        %gt3A_624 = arith.cmpf ogt, %add3A_621, %gt3A_623 : vector<16xf32>
        %mul3A_625 = arith.constant 2.000000e-01 : f32
        %mul3A_626 = vector.broadcast %mul3A_625 : f32 to vector<16xf32>
        %mul3A_627 = arith.mulf %add3A_621, %mul3A_626 : vector<16xf32>
        %select_n3A_628 = arith.select %gt3A_624, %add3A_621, %mul3A_627 : vector<16xi1>, vector<16xf32>
        %exp3A_629 = math.exp %select_n3A_628 : vector<16xf32>
        %swap3A_630 = arith.index_cast %select_n3A_347 : i32 to index
        %swap3A_631 = arith.constant 64 : index
        %swap3A_632 = tpu.vector_load %arg14[%swap3A_630, %swap3A_631] {strides = array<i32>} : memref<2x80xf32, #tpu.memory_space<vmem>>, vector<16xf32>,
        tpu.vector_store %arg14[%swap3A_630, %swap3A_631], %exp3A_629 {strides = array<i32>} : memref<2x80xf32, #tpu.memory_space<vmem>>, vector<16xf32>,
        %dma_start3A_633 = arith.constant 0 : i32
        %dma_start3A_634 = arith.constant 0 : i32
        %dma_start3A_635 = tpu.memref_slice %arg17[%select_n3A_347, %dma_start3A_633, %dma_start3A_634] : memref<2x80x128xf32, #tpu.memory_space<vmem>> -> memref<1x80x128xf32, #tpu.memory_space<vmem>>
        %dma_start3A_636 = tpu.memref_squeeze %dma_start3A_635 : memref<1x80x128xf32, #tpu.memory_space<vmem>> -> memref<80x128xf32, #tpu.memory_space<vmem>>
        %dma_start3A_637 = arith.constant 0 : i32
        %dma_start3A_638 = tpu.memref_slice %arg15[%select_n3A_347, %dma_start3A_637] : memref<2x80xi32, #tpu.memory_space<vmem>> -> memref<1x80xi32, #tpu.memory_space<vmem>>
        %dma_start3A_639 = tpu.memref_squeeze %dma_start3A_638 : memref<1x80xi32, #tpu.memory_space<vmem>> -> memref<80xi32, #tpu.memory_space<vmem>>
        %dma_start3A_640 = arith.constant 0 : i32
        %dma_start3A_641 = arith.constant 0 : i32
        %dma_start3A_642 = tpu.memref_slice %arg2[%dma_start3A_640, %dma_start3A_641] : memref<10000x128xf32, #tpu.memory_space<hbm>> -> memref<10000x128xf32, #tpu.memory_space<hbm>>
        %dma_start3A_643 = tpu.memref_slice %arg19[%select_n3A_347] : memref<2x!tpu.dma_semaphore, #tpu.memory_space<semaphore_mem>> -> memref<1x!tpu.dma_semaphore, #tpu.memory_space<semaphore_mem>>
        %dma_start3A_644 = tpu.memref_squeeze %dma_start3A_643 : memref<1x!tpu.dma_semaphore, #tpu.memory_space<semaphore_mem>> -> memref<!tpu.dma_semaphore, #tpu.memory_space<semaphore_mem>>
        tpu.enqueue_indirect_dma source(%dma_start3A_642 : memref<10000x128xf32, #tpu.memory_space<hbm>>) target(%dma_start3A_636 : memref<80x128xf32, #tpu.memory_space<vmem>>) offsets(%dma_start3A_639 : memref<80xi32, #tpu.memory_space<vmem>>) semaphore(%dma_start3A_644 : memref<!tpu.dma_semaphore, #tpu.memory_space<semaphore_mem>>)
      } else {
      }
      %broadcast_in_dim3A = arith.constant 0 : i32
      %broadcast_in_dim3A_367 = vector.broadcast %broadcast_in_dim3A : i32 to vector<16xi32>
      %add3A_368 = vector.broadcast %select_n3A_329 : i32 to vector<16xi32>
      %add3A_369 = arith.addi %broadcast_in_dim3A_367, %add3A_368 : vector<16xi32>
      %scan3A_370 = arith.constant 0 : i32
      %scan3A_371 = arith.constant 0 : i32
      %scan3A_372 = arith.constant 20 : i32
      %scan3A_373 = arith.addi %scan3A_371, %scan3A_372 : i32
      %scan3A_374 = arith.constant 1 : i32
      %scan3A_375 = scf.for %scan3A_393 = %scan3A_371 to %scan3A_373 step %scan3A_374 iter_args(%scan3A_394 = %scan3A_370) -> (i32)  : i32 {
        %mul3A_395 = arith.constant 4 : i32
        %mul3A_396 = arith.muli %scan3A_393, %mul3A_395 : i32
        %add3A_397 = arith.constant 0 : i32
        %add3A_398 = arith.addi %mul3A_396, %add3A_397 : i32
        %broadcast_in_dim3A_399 = arith.constant 0 : i32
        %broadcast_in_dim3A_400 = vector.broadcast %broadcast_in_dim3A_399 : i32 to vector<16xi32>
        %add3A_401 = vector.broadcast %add3A_398 : i32 to vector<16xi32>
        %add3A_402 = arith.addi %broadcast_in_dim3A_400, %add3A_401 : vector<16xi32>
        %gather3A_403 = tpu.vector_load_idx %arg14[%add3A_369, %add3A_402] : memref<2x80xf32, #tpu.memory_space<vmem>>[vector<16xi32>, vector<16xi32>], vector<16xf32>,
        %get3A_404 = arith.index_cast %select_n3A_329 : i32 to index
        %get3A_405 = arith.index_cast %add3A_398 : i32 to index
        %get3A_406 = arith.constant 0 : index
        %get3A_407 = tpu.vector_load %arg17[%get3A_404, %get3A_405, %get3A_406] {strides = array<i32>} : memref<2x80x128xf32, #tpu.memory_space<vmem>>, vector<16xf32>,
        %mul3A_408 = arith.mulf %get3A_407, %gather3A_403 : vector<16xf32>
        %swap3A_409 = arith.index_cast %select_n3A_329 : i32 to index
        %swap3A_410 = arith.index_cast %add3A_398 : i32 to index
        %swap3A_411 = arith.constant 0 : index
        %swap3A_412 = tpu.vector_load %arg17[%swap3A_409, %swap3A_410, %swap3A_411] {strides = array<i32>} : memref<2x80x128xf32, #tpu.memory_space<vmem>>, vector<16xf32>,
        tpu.vector_store %arg17[%swap3A_409, %swap3A_410, %swap3A_411], %mul3A_408 {strides = array<i32>} : memref<2x80x128xf32, #tpu.memory_space<vmem>>, vector<16xf32>,
        %get3A_413 = arith.index_cast %select_n3A_329 : i32 to index
        %get3A_414 = arith.index_cast %add3A_398 : i32 to index
        %get3A_415 = arith.constant 16 : index
        %get3A_416 = tpu.vector_load %arg17[%get3A_413, %get3A_414, %get3A_415] {strides = array<i32>} : memref<2x80x128xf32, #tpu.memory_space<vmem>>, vector<16xf32>,
        %mul3A_417 = arith.mulf %get3A_416, %gather3A_403 : vector<16xf32>
        %swap3A_418 = arith.index_cast %select_n3A_329 : i32 to index
        %swap3A_419 = arith.index_cast %add3A_398 : i32 to index
        %swap3A_420 = arith.constant 16 : index
        %swap3A_421 = tpu.vector_load %arg17[%swap3A_418, %swap3A_419, %swap3A_420] {strides = array<i32>} : memref<2x80x128xf32, #tpu.memory_space<vmem>>, vector<16xf32>,
        tpu.vector_store %arg17[%swap3A_418, %swap3A_419, %swap3A_420], %mul3A_417 {strides = array<i32>} : memref<2x80x128xf32, #tpu.memory_space<vmem>>, vector<16xf32>,
        %get3A_422 = arith.index_cast %select_n3A_329 : i32 to index
        %get3A_423 = arith.index_cast %add3A_398 : i32 to index
        %get3A_424 = arith.constant 32 : index
        %get3A_425 = tpu.vector_load %arg17[%get3A_422, %get3A_423, %get3A_424] {strides = array<i32>} : memref<2x80x128xf32, #tpu.memory_space<vmem>>, vector<16xf32>,
        %mul3A_426 = arith.mulf %get3A_425, %gather3A_403 : vector<16xf32>
        %swap3A_427 = arith.index_cast %select_n3A_329 : i32 to index
        %swap3A_428 = arith.index_cast %add3A_398 : i32 to index
        %swap3A_429 = arith.constant 32 : index
        %swap3A_430 = tpu.vector_load %arg17[%swap3A_427, %swap3A_428, %swap3A_429] {strides = array<i32>} : memref<2x80x128xf32, #tpu.memory_space<vmem>>, vector<16xf32>,
        tpu.vector_store %arg17[%swap3A_427, %swap3A_428, %swap3A_429], %mul3A_426 {strides = array<i32>} : memref<2x80x128xf32, #tpu.memory_space<vmem>>, vector<16xf32>,
        %get3A_431 = arith.index_cast %select_n3A_329 : i32 to index
        %get3A_432 = arith.index_cast %add3A_398 : i32 to index
        %get3A_433 = arith.constant 48 : index
        %get3A_434 = tpu.vector_load %arg17[%get3A_431, %get3A_432, %get3A_433] {strides = array<i32>} : memref<2x80x128xf32, #tpu.memory_space<vmem>>, vector<16xf32>,
        %mul3A_435 = arith.mulf %get3A_434, %gather3A_403 : vector<16xf32>
        %swap3A_436 = arith.index_cast %select_n3A_329 : i32 to index
        %swap3A_437 = arith.index_cast %add3A_398 : i32 to index
        %swap3A_438 = arith.constant 48 : index
        %swap3A_439 = tpu.vector_load %arg17[%swap3A_436, %swap3A_437, %swap3A_438] {strides = array<i32>} : memref<2x80x128xf32, #tpu.memory_space<vmem>>, vector<16xf32>,
        tpu.vector_store %arg17[%swap3A_436, %swap3A_437, %swap3A_438], %mul3A_435 {strides = array<i32>} : memref<2x80x128xf32, #tpu.memory_space<vmem>>, vector<16xf32>,
        %get3A_440 = arith.index_cast %select_n3A_329 : i32 to index
        %get3A_441 = arith.index_cast %add3A_398 : i32 to index
        %get3A_442 = arith.constant 64 : index
        %get3A_443 = tpu.vector_load %arg17[%get3A_440, %get3A_441, %get3A_442] {strides = array<i32>} : memref<2x80x128xf32, #tpu.memory_space<vmem>>, vector<16xf32>,
        %mul3A_444 = arith.mulf %get3A_443, %gather3A_403 : vector<16xf32>
        %swap3A_445 = arith.index_cast %select_n3A_329 : i32 to index
        %swap3A_446 = arith.index_cast %add3A_398 : i32 to index
        %swap3A_447 = arith.constant 64 : index
        %swap3A_448 = tpu.vector_load %arg17[%swap3A_445, %swap3A_446, %swap3A_447] {strides = array<i32>} : memref<2x80x128xf32, #tpu.memory_space<vmem>>, vector<16xf32>,
        tpu.vector_store %arg17[%swap3A_445, %swap3A_446, %swap3A_447], %mul3A_444 {strides = array<i32>} : memref<2x80x128xf32, #tpu.memory_space<vmem>>, vector<16xf32>,
        %get3A_449 = arith.index_cast %select_n3A_329 : i32 to index
        %get3A_450 = arith.index_cast %add3A_398 : i32 to index
        %get3A_451 = arith.constant 80 : index
        %get3A_452 = tpu.vector_load %arg17[%get3A_449, %get3A_450, %get3A_451] {strides = array<i32>} : memref<2x80x128xf32, #tpu.memory_space<vmem>>, vector<16xf32>,
        %mul3A_453 = arith.mulf %get3A_452, %gather3A_403 : vector<16xf32>
        %swap3A_454 = arith.index_cast %select_n3A_329 : i32 to index
        %swap3A_455 = arith.index_cast %add3A_398 : i32 to index
        %swap3A_456 = arith.constant 80 : index
        %swap3A_457 = tpu.vector_load %arg17[%swap3A_454, %swap3A_455, %swap3A_456] {strides = array<i32>} : memref<2x80x128xf32, #tpu.memory_space<vmem>>, vector<16xf32>,
        tpu.vector_store %arg17[%swap3A_454, %swap3A_455, %swap3A_456], %mul3A_453 {strides = array<i32>} : memref<2x80x128xf32, #tpu.memory_space<vmem>>, vector<16xf32>,
        %get3A_458 = arith.index_cast %select_n3A_329 : i32 to index
        %get3A_459 = arith.index_cast %add3A_398 : i32 to index
        %get3A_460 = arith.constant 96 : index
        %get3A_461 = tpu.vector_load %arg17[%get3A_458, %get3A_459, %get3A_460] {strides = array<i32>} : memref<2x80x128xf32, #tpu.memory_space<vmem>>, vector<16xf32>,
        %mul3A_462 = arith.mulf %get3A_461, %gather3A_403 : vector<16xf32>
        %swap3A_463 = arith.index_cast %select_n3A_329 : i32 to index
        %swap3A_464 = arith.index_cast %add3A_398 : i32 to index
        %swap3A_465 = arith.constant 96 : index
        %swap3A_466 = tpu.vector_load %arg17[%swap3A_463, %swap3A_464, %swap3A_465] {strides = array<i32>} : memref<2x80x128xf32, #tpu.memory_space<vmem>>, vector<16xf32>,
        tpu.vector_store %arg17[%swap3A_463, %swap3A_464, %swap3A_465], %mul3A_462 {strides = array<i32>} : memref<2x80x128xf32, #tpu.memory_space<vmem>>, vector<16xf32>,
        %get3A_467 = arith.index_cast %select_n3A_329 : i32 to index
        %get3A_468 = arith.index_cast %add3A_398 : i32 to index
        %get3A_469 = arith.constant 112 : index
        %get3A_470 = tpu.vector_load %arg17[%get3A_467, %get3A_468, %get3A_469] {strides = array<i32>} : memref<2x80x128xf32, #tpu.memory_space<vmem>>, vector<16xf32>,
        %mul3A_471 = arith.mulf %get3A_470, %gather3A_403 : vector<16xf32>
        %swap3A_472 = arith.index_cast %select_n3A_329 : i32 to index
        %swap3A_473 = arith.index_cast %add3A_398 : i32 to index
        %swap3A_474 = arith.constant 112 : index
        %swap3A_475 = tpu.vector_load %arg17[%swap3A_472, %swap3A_473, %swap3A_474] {strides = array<i32>} : memref<2x80x128xf32, #tpu.memory_space<vmem>>, vector<16xf32>,
        tpu.vector_store %arg17[%swap3A_472, %swap3A_473, %swap3A_474], %mul3A_471 {strides = array<i32>} : memref<2x80x128xf32, #tpu.memory_space<vmem>>, vector<16xf32>,
        %mul3A_476 = arith.constant 4 : i32
        %mul3A_477 = arith.muli %scan3A_393, %mul3A_476 : i32
        %add3A_478 = arith.constant 1 : i32
        %add3A_479 = arith.addi %mul3A_477, %add3A_478 : i32
        %broadcast_in_dim3A_480 = arith.constant 0 : i32
        %broadcast_in_dim3A_481 = vector.broadcast %broadcast_in_dim3A_480 : i32 to vector<16xi32>
        %add3A_482 = vector.broadcast %add3A_479 : i32 to vector<16xi32>
        %add3A_483 = arith.addi %broadcast_in_dim3A_481, %add3A_482 : vector<16xi32>
        %gather3A_484 = tpu.vector_load_idx %arg14[%add3A_369, %add3A_483] : memref<2x80xf32, #tpu.memory_space<vmem>>[vector<16xi32>, vector<16xi32>], vector<16xf32>,
        %get3A_485 = arith.index_cast %select_n3A_329 : i32 to index
        %get3A_486 = arith.index_cast %add3A_479 : i32 to index
        %get3A_487 = arith.constant 0 : index
        %get3A_488 = tpu.vector_load %arg17[%get3A_485, %get3A_486, %get3A_487] {strides = array<i32>} : memref<2x80x128xf32, #tpu.memory_space<vmem>>, vector<16xf32>,
        %mul3A_489 = arith.mulf %get3A_488, %gather3A_484 : vector<16xf32>
        %swap3A_490 = arith.index_cast %select_n3A_329 : i32 to index
        %swap3A_491 = arith.index_cast %add3A_479 : i32 to index
        %swap3A_492 = arith.constant 0 : index
        %swap3A_493 = tpu.vector_load %arg17[%swap3A_490, %swap3A_491, %swap3A_492] {strides = array<i32>} : memref<2x80x128xf32, #tpu.memory_space<vmem>>, vector<16xf32>,
        tpu.vector_store %arg17[%swap3A_490, %swap3A_491, %swap3A_492], %mul3A_489 {strides = array<i32>} : memref<2x80x128xf32, #tpu.memory_space<vmem>>, vector<16xf32>,
        %get3A_494 = arith.index_cast %select_n3A_329 : i32 to index
        %get3A_495 = arith.index_cast %add3A_479 : i32 to index
        %get3A_496 = arith.constant 16 : index
        %get3A_497 = tpu.vector_load %arg17[%get3A_494, %get3A_495, %get3A_496] {strides = array<i32>} : memref<2x80x128xf32, #tpu.memory_space<vmem>>, vector<16xf32>,
        %mul3A_498 = arith.mulf %get3A_497, %gather3A_484 : vector<16xf32>
        %swap3A_499 = arith.index_cast %select_n3A_329 : i32 to index
        %swap3A_500 = arith.index_cast %add3A_479 : i32 to index
        %swap3A_501 = arith.constant 16 : index
        %swap3A_502 = tpu.vector_load %arg17[%swap3A_499, %swap3A_500, %swap3A_501] {strides = array<i32>} : memref<2x80x128xf32, #tpu.memory_space<vmem>>, vector<16xf32>,
        tpu.vector_store %arg17[%swap3A_499, %swap3A_500, %swap3A_501], %mul3A_498 {strides = array<i32>} : memref<2x80x128xf32, #tpu.memory_space<vmem>>, vector<16xf32>,
        %get3A_503 = arith.index_cast %select_n3A_329 : i32 to index
        %get3A_504 = arith.index_cast %add3A_479 : i32 to index
        %get3A_505 = arith.constant 32 : index
        %get3A_506 = tpu.vector_load %arg17[%get3A_503, %get3A_504, %get3A_505] {strides = array<i32>} : memref<2x80x128xf32, #tpu.memory_space<vmem>>, vector<16xf32>,
        %mul3A_507 = arith.mulf %get3A_506, %gather3A_484 : vector<16xf32>
        %swap3A_508 = arith.index_cast %select_n3A_329 : i32 to index
        %swap3A_509 = arith.index_cast %add3A_479 : i32 to index
        %swap3A_510 = arith.constant 32 : index
        %swap3A_511 = tpu.vector_load %arg17[%swap3A_508, %swap3A_509, %swap3A_510] {strides = array<i32>} : memref<2x80x128xf32, #tpu.memory_space<vmem>>, vector<16xf32>,
        tpu.vector_store %arg17[%swap3A_508, %swap3A_509, %swap3A_510], %mul3A_507 {strides = array<i32>} : memref<2x80x128xf32, #tpu.memory_space<vmem>>, vector<16xf32>,
        %get3A_512 = arith.index_cast %select_n3A_329 : i32 to index
        %get3A_513 = arith.index_cast %add3A_479 : i32 to index
        %get3A_514 = arith.constant 48 : index
        %get3A_515 = tpu.vector_load %arg17[%get3A_512, %get3A_513, %get3A_514] {strides = array<i32>} : memref<2x80x128xf32, #tpu.memory_space<vmem>>, vector<16xf32>,
        %mul3A_516 = arith.mulf %get3A_515, %gather3A_484 : vector<16xf32>
        %swap3A_517 = arith.index_cast %select_n3A_329 : i32 to index
        %swap3A_518 = arith.index_cast %add3A_479 : i32 to index
        %swap3A_519 = arith.constant 48 : index
        %swap3A_520 = tpu.vector_load %arg17[%swap3A_517, %swap3A_518, %swap3A_519] {strides = array<i32>} : memref<2x80x128xf32, #tpu.memory_space<vmem>>, vector<16xf32>,
        tpu.vector_store %arg17[%swap3A_517, %swap3A_518, %swap3A_519], %mul3A_516 {strides = array<i32>} : memref<2x80x128xf32, #tpu.memory_space<vmem>>, vector<16xf32>,
        %get3A_521 = arith.index_cast %select_n3A_329 : i32 to index
        %get3A_522 = arith.index_cast %add3A_479 : i32 to index
        %get3A_523 = arith.constant 64 : index
        %get3A_524 = tpu.vector_load %arg17[%get3A_521, %get3A_522, %get3A_523] {strides = array<i32>} : memref<2x80x128xf32, #tpu.memory_space<vmem>>, vector<16xf32>,
        %mul3A_525 = arith.mulf %get3A_524, %gather3A_484 : vector<16xf32>
        %swap3A_526 = arith.index_cast %select_n3A_329 : i32 to index
        %swap3A_527 = arith.index_cast %add3A_479 : i32 to index
        %swap3A_528 = arith.constant 64 : index
        %swap3A_529 = tpu.vector_load %arg17[%swap3A_526, %swap3A_527, %swap3A_528] {strides = array<i32>} : memref<2x80x128xf32, #tpu.memory_space<vmem>>, vector<16xf32>,
        tpu.vector_store %arg17[%swap3A_526, %swap3A_527, %swap3A_528], %mul3A_525 {strides = array<i32>} : memref<2x80x128xf32, #tpu.memory_space<vmem>>, vector<16xf32>,
        %get3A_530 = arith.index_cast %select_n3A_329 : i32 to index
        %get3A_531 = arith.index_cast %add3A_479 : i32 to index
        %get3A_532 = arith.constant 80 : index
        %get3A_533 = tpu.vector_load %arg17[%get3A_530, %get3A_531, %get3A_532] {strides = array<i32>} : memref<2x80x128xf32, #tpu.memory_space<vmem>>, vector<16xf32>,
        %mul3A_534 = arith.mulf %get3A_533, %gather3A_484 : vector<16xf32>
        %swap3A_535 = arith.index_cast %select_n3A_329 : i32 to index
        %swap3A_536 = arith.index_cast %add3A_479 : i32 to index
        %swap3A_537 = arith.constant 80 : index
        %swap3A_538 = tpu.vector_load %arg17[%swap3A_535, %swap3A_536, %swap3A_537] {strides = array<i32>} : memref<2x80x128xf32, #tpu.memory_space<vmem>>, vector<16xf32>,
        tpu.vector_store %arg17[%swap3A_535, %swap3A_536, %swap3A_537], %mul3A_534 {strides = array<i32>} : memref<2x80x128xf32, #tpu.memory_space<vmem>>, vector<16xf32>,
        %get3A_539 = arith.index_cast %select_n3A_329 : i32 to index
        %get3A_540 = arith.index_cast %add3A_479 : i32 to index
        %get3A_541 = arith.constant 96 : index
        %get3A_542 = tpu.vector_load %arg17[%get3A_539, %get3A_540, %get3A_541] {strides = array<i32>} : memref<2x80x128xf32, #tpu.memory_space<vmem>>, vector<16xf32>,
        %mul3A_543 = arith.mulf %get3A_542, %gather3A_484 : vector<16xf32>
        %swap3A_544 = arith.index_cast %select_n3A_329 : i32 to index
        %swap3A_545 = arith.index_cast %add3A_479 : i32 to index
        %swap3A_546 = arith.constant 96 : index
        %swap3A_547 = tpu.vector_load %arg17[%swap3A_544, %swap3A_545, %swap3A_546] {strides = array<i32>} : memref<2x80x128xf32, #tpu.memory_space<vmem>>, vector<16xf32>,
        tpu.vector_store %arg17[%swap3A_544, %swap3A_545, %swap3A_546], %mul3A_543 {strides = array<i32>} : memref<2x80x128xf32, #tpu.memory_space<vmem>>, vector<16xf32>,
        %get3A_548 = arith.index_cast %select_n3A_329 : i32 to index
        %get3A_549 = arith.index_cast %add3A_479 : i32 to index
        %get3A_550 = arith.constant 112 : index
        %get3A_551 = tpu.vector_load %arg17[%get3A_548, %get3A_549, %get3A_550] {strides = array<i32>} : memref<2x80x128xf32, #tpu.memory_space<vmem>>, vector<16xf32>,
        %mul3A_552 = arith.mulf %get3A_551, %gather3A_484 : vector<16xf32>
        %swap3A_553 = arith.index_cast %select_n3A_329 : i32 to index
        %swap3A_554 = arith.index_cast %add3A_479 : i32 to index
        %swap3A_555 = arith.constant 112 : index
        %swap3A_556 = tpu.vector_load %arg17[%swap3A_553, %swap3A_554, %swap3A_555] {strides = array<i32>} : memref<2x80x128xf32, #tpu.memory_space<vmem>>, vector<16xf32>,
        tpu.vector_store %arg17[%swap3A_553, %swap3A_554, %swap3A_555], %mul3A_552 {strides = array<i32>} : memref<2x80x128xf32, #tpu.memory_space<vmem>>, vector<16xf32>,
        %mul3A_557 = arith.constant 4 : i32
        %mul3A_558 = arith.muli %scan3A_393, %mul3A_557 : i32
        %add3A_559 = arith.constant 2 : i32
        %add3A_560 = arith.addi %mul3A_558, %add3A_559 : i32
        %broadcast_in_dim3A_561 = arith.constant 0 : i32
        %broadcast_in_dim3A_562 = vector.broadcast %broadcast_in_dim3A_561 : i32 to vector<16xi32>
        %add3A_563 = vector.broadcast %add3A_560 : i32 to vector<16xi32>
        %add3A_564 = arith.addi %broadcast_in_dim3A_562, %add3A_563 : vector<16xi32>
        %gather3A_565 = tpu.vector_load_idx %arg14[%add3A_369, %add3A_564] : memref<2x80xf32, #tpu.memory_space<vmem>>[vector<16xi32>, vector<16xi32>], vector<16xf32>,
        %get3A_566 = arith.index_cast %select_n3A_329 : i32 to index
        %get3A_567 = arith.index_cast %add3A_560 : i32 to index
        %get3A_568 = arith.constant 0 : index
        %get3A_569 = tpu.vector_load %arg17[%get3A_566, %get3A_567, %get3A_568] {strides = array<i32>} : memref<2x80x128xf32, #tpu.memory_space<vmem>>, vector<16xf32>,
        %mul3A_570 = arith.mulf %get3A_569, %gather3A_565 : vector<16xf32>
        %swap3A_571 = arith.index_cast %select_n3A_329 : i32 to index
        %swap3A_572 = arith.index_cast %add3A_560 : i32 to index
        %swap3A_573 = arith.constant 0 : index
        %swap3A_574 = tpu.vector_load %arg17[%swap3A_571, %swap3A_572, %swap3A_573] {strides = array<i32>} : memref<2x80x128xf32, #tpu.memory_space<vmem>>, vector<16xf32>,
        tpu.vector_store %arg17[%swap3A_571, %swap3A_572, %swap3A_573], %mul3A_570 {strides = array<i32>} : memref<2x80x128xf32, #tpu.memory_space<vmem>>, vector<16xf32>,
        %get3A_575 = arith.index_cast %select_n3A_329 : i32 to index
        %get3A_576 = arith.index_cast %add3A_560 : i32 to index
        %get3A_577 = arith.constant 16 : index
        %get3A_578 = tpu.vector_load %arg17[%get3A_575, %get3A_576, %get3A_577] {strides = array<i32>} : memref<2x80x128xf32, #tpu.memory_space<vmem>>, vector<16xf32>,
        %mul3A_579 = arith.mulf %get3A_578, %gather3A_565 : vector<16xf32>
        %swap3A_580 = arith.index_cast %select_n3A_329 : i32 to index
        %swap3A_581 = arith.index_cast %add3A_560 : i32 to index
        %swap3A_582 = arith.constant 16 : index
        %swap3A_583 = tpu.vector_load %arg17[%swap3A_580, %swap3A_581, %swap3A_582] {strides = array<i32>} : memref<2x80x128xf32, #tpu.memory_space<vmem>>, vector<16xf32>,
        tpu.vector_store %arg17[%swap3A_580, %swap3A_581, %swap3A_582], %mul3A_579 {strides = array<i32>} : memref<2x80x128xf32, #tpu.memory_space<vmem>>, vector<16xf32>,
        %get3A_584 = arith.index_cast %select_n3A_329 : i32 to index
        %get3A_585 = arith.index_cast %add3A_560 : i32 to index
        %get3A_586 = arith.constant 32 : index
        %get3A_587 = tpu.vector_load %arg17[%get3A_584, %get3A_585, %get3A_586] {strides = array<i32>} : memref<2x80x128xf32, #tpu.memory_space<vmem>>, vector<16xf32>,
        %mul3A_588 = arith.mulf %get3A_587, %gather3A_565 : vector<16xf32>
        %swap3A_589 = arith.index_cast %select_n3A_329 : i32 to index
        %swap3A_590 = arith.index_cast %add3A_560 : i32 to index
        %swap3A_591 = arith.constant 32 : index
        %swap3A_592 = tpu.vector_load %arg17[%swap3A_589, %swap3A_590, %swap3A_591] {strides = array<i32>} : memref<2x80x128xf32, #tpu.memory_space<vmem>>, vector<16xf32>,
        tpu.vector_store %arg17[%swap3A_589, %swap3A_590, %swap3A_591], %mul3A_588 {strides = array<i32>} : memref<2x80x128xf32, #tpu.memory_space<vmem>>, vector<16xf32>,
        %get3A_593 = arith.index_cast %select_n3A_329 : i32 to index
        %get3A_594 = arith.index_cast %add3A_560 : i32 to index
        %get3A_595 = arith.constant 48 : index
        %get3A_596 = tpu.vector_load %arg17[%get3A_593, %get3A_594, %get3A_595] {strides = array<i32>} : memref<2x80x128xf32, #tpu.memory_space<vmem>>, vector<16xf32>,
        %mul3A_597 = arith.mulf %get3A_596, %gather3A_565 : vector<16xf32>
        %swap3A_598 = arith.index_cast %select_n3A_329 : i32 to index
        %swap3A_599 = arith.index_cast %add3A_560 : i32 to index
        %swap3A_600 = arith.constant 48 : index
        %swap3A_601 = tpu.vector_load %arg17[%swap3A_598, %swap3A_599, %swap3A_600] {strides = array<i32>} : memref<2x80x128xf32, #tpu.memory_space<vmem>>, vector<16xf32>,
        tpu.vector_store %arg17[%swap3A_598, %swap3A_599, %swap3A_600], %mul3A_597 {strides = array<i32>} : memref<2x80x128xf32, #tpu.memory_space<vmem>>, vector<16xf32>,
        %get3A_602 = arith.index_cast %select_n3A_329 : i32 to index
        %get3A_603 = arith.index_cast %add3A_560 : i32 to index
        %get3A_604 = arith.constant 64 : index
        %get3A_605 = tpu.vector_load %arg17[%get3A_602, %get3A_603, %get3A_604] {strides = array<i32>} : memref<2x80x128xf32, #tpu.memory_space<vmem>>, vector<16xf32>,
        %mul3A_606 = arith.mulf %get3A_605, %gather3A_565 : vector<16xf32>
        %swap3A_607 = arith.index_cast %select_n3A_329 : i32 to index
        %swap3A_608 = arith.index_cast %add3A_560 : i32 to index
        %swap3A_609 = arith.constant 64 : index
        %swap3A_610 = tpu.vector_load %arg17[%swap3A_607, %swap3A_608, %swap3A_609] {strides = array<i32>} : memref<2x80x128xf32, #tpu.memory_space<vmem>>, vector<16xf32>,
        tpu.vector_store %arg17[%swap3A_607, %swap3A_608, %swap3A_609], %mul3A_606 {strides = array<i32>} : memref<2x80x128xf32, #tpu.memory_space<vmem>>, vector<16xf32>,
        %get3A_611 = arith.index_cast %select_n3A_329 : i32 to index
        %get3A_612 = arith.index_cast %add3A_560 : i32 to index
        %get3A_613 = arith.constant 80 : index
        %get3A_614 = tpu.vector_load %arg17[%get3A_611, %get3A_612, %get3A_613] {strides = array<i32>} : memref<2x80x128xf32, #tpu.memory_space<vmem>>, vector<16xf32>,
        %mul3A_615 = arith.mulf %get3A_614, %gather3A_565 : vector<16xf32>
        %swap3A_616 = arith.index_cast %select_n3A_329 : i32 to index
        %swap3A_617 = arith.index_cast %add3A_560 : i32 to index
        %swap3A_618 = arith.constant 80 : index
        %swap3A_619 = tpu.vector_load %arg17[%swap3A_616, %swap3A_617, %swap3A_618] {strides = array<i32>} : memref<2x80x128xf32, #tpu.memory_space<vmem>>, vector<16xf32>,
        tpu.vector_store %arg17[%swap3A_616, %swap3A_617, %swap3A_618], %mul3A_615 {strides = array<i32>} : memref<2x80x128xf32, #tpu.memory_space<vmem>>, vector<16xf32>,
        %get3A_620 = arith.index_cast %select_n3A_329 : i32 to index
        %get3A_621 = arith.index_cast %add3A_560 : i32 to index
        %get3A_622 = arith.constant 96 : index
        %get3A_623 = tpu.vector_load %arg17[%get3A_620, %get3A_621, %get3A_622] {strides = array<i32>} : memref<2x80x128xf32, #tpu.memory_space<vmem>>, vector<16xf32>,
        %mul3A_624 = arith.mulf %get3A_623, %gather3A_565 : vector<16xf32>
        %swap3A_625 = arith.index_cast %select_n3A_329 : i32 to index
        %swap3A_626 = arith.index_cast %add3A_560 : i32 to index
        %swap3A_627 = arith.constant 96 : index
        %swap3A_628 = tpu.vector_load %arg17[%swap3A_625, %swap3A_626, %swap3A_627] {strides = array<i32>} : memref<2x80x128xf32, #tpu.memory_space<vmem>>, vector<16xf32>,
        tpu.vector_store %arg17[%swap3A_625, %swap3A_626, %swap3A_627], %mul3A_624 {strides = array<i32>} : memref<2x80x128xf32, #tpu.memory_space<vmem>>, vector<16xf32>,
        %get3A_629 = arith.index_cast %select_n3A_329 : i32 to index
        %get3A_630 = arith.index_cast %add3A_560 : i32 to index
        %get3A_631 = arith.constant 112 : index
        %get3A_632 = tpu.vector_load %arg17[%get3A_629, %get3A_630, %get3A_631] {strides = array<i32>} : memref<2x80x128xf32, #tpu.memory_space<vmem>>, vector<16xf32>,
        %mul3A_633 = arith.mulf %get3A_632, %gather3A_565 : vector<16xf32>
        %swap3A_634 = arith.index_cast %select_n3A_329 : i32 to index
        %swap3A_635 = arith.index_cast %add3A_560 : i32 to index
        %swap3A_636 = arith.constant 112 : index
        %swap3A_637 = tpu.vector_load %arg17[%swap3A_634, %swap3A_635, %swap3A_636] {strides = array<i32>} : memref<2x80x128xf32, #tpu.memory_space<vmem>>, vector<16xf32>,
        tpu.vector_store %arg17[%swap3A_634, %swap3A_635, %swap3A_636], %mul3A_633 {strides = array<i32>} : memref<2x80x128xf32, #tpu.memory_space<vmem>>, vector<16xf32>,
        %mul3A_638 = arith.constant 4 : i32
        %mul3A_639 = arith.muli %scan3A_393, %mul3A_638 : i32
        %add3A_640 = arith.constant 3 : i32
        %add3A_641 = arith.addi %mul3A_639, %add3A_640 : i32
        %broadcast_in_dim3A_642 = arith.constant 0 : i32
        %broadcast_in_dim3A_643 = vector.broadcast %broadcast_in_dim3A_642 : i32 to vector<16xi32>
        %add3A_644 = vector.broadcast %add3A_641 : i32 to vector<16xi32>
        %add3A_645 = arith.addi %broadcast_in_dim3A_643, %add3A_644 : vector<16xi32>
        %gather3A_646 = tpu.vector_load_idx %arg14[%add3A_369, %add3A_645] : memref<2x80xf32, #tpu.memory_space<vmem>>[vector<16xi32>, vector<16xi32>], vector<16xf32>,
        %get3A_647 = arith.index_cast %select_n3A_329 : i32 to index
        %get3A_648 = arith.index_cast %add3A_641 : i32 to index
        %get3A_649 = arith.constant 0 : index
        %get3A_650 = tpu.vector_load %arg17[%get3A_647, %get3A_648, %get3A_649] {strides = array<i32>} : memref<2x80x128xf32, #tpu.memory_space<vmem>>, vector<16xf32>,
        %mul3A_651 = arith.mulf %get3A_650, %gather3A_646 : vector<16xf32>
        %swap3A_652 = arith.index_cast %select_n3A_329 : i32 to index
        %swap3A_653 = arith.index_cast %add3A_641 : i32 to index
        %swap3A_654 = arith.constant 0 : index
        %swap3A_655 = tpu.vector_load %arg17[%swap3A_652, %swap3A_653, %swap3A_654] {strides = array<i32>} : memref<2x80x128xf32, #tpu.memory_space<vmem>>, vector<16xf32>,
        tpu.vector_store %arg17[%swap3A_652, %swap3A_653, %swap3A_654], %mul3A_651 {strides = array<i32>} : memref<2x80x128xf32, #tpu.memory_space<vmem>>, vector<16xf32>,
        %get3A_656 = arith.index_cast %select_n3A_329 : i32 to index
        %get3A_657 = arith.index_cast %add3A_641 : i32 to index
        %get3A_658 = arith.constant 16 : index
        %get3A_659 = tpu.vector_load %arg17[%get3A_656, %get3A_657, %get3A_658] {strides = array<i32>} : memref<2x80x128xf32, #tpu.memory_space<vmem>>, vector<16xf32>,
        %mul3A_660 = arith.mulf %get3A_659, %gather3A_646 : vector<16xf32>
        %swap3A_661 = arith.index_cast %select_n3A_329 : i32 to index
        %swap3A_662 = arith.index_cast %add3A_641 : i32 to index
        %swap3A_663 = arith.constant 16 : index
        %swap3A_664 = tpu.vector_load %arg17[%swap3A_661, %swap3A_662, %swap3A_663] {strides = array<i32>} : memref<2x80x128xf32, #tpu.memory_space<vmem>>, vector<16xf32>,
        tpu.vector_store %arg17[%swap3A_661, %swap3A_662, %swap3A_663], %mul3A_660 {strides = array<i32>} : memref<2x80x128xf32, #tpu.memory_space<vmem>>, vector<16xf32>,
        %get3A_665 = arith.index_cast %select_n3A_329 : i32 to index
        %get3A_666 = arith.index_cast %add3A_641 : i32 to index
        %get3A_667 = arith.constant 32 : index
        %get3A_668 = tpu.vector_load %arg17[%get3A_665, %get3A_666, %get3A_667] {strides = array<i32>} : memref<2x80x128xf32, #tpu.memory_space<vmem>>, vector<16xf32>,
        %mul3A_669 = arith.mulf %get3A_668, %gather3A_646 : vector<16xf32>
        %swap3A_670 = arith.index_cast %select_n3A_329 : i32 to index
        %swap3A_671 = arith.index_cast %add3A_641 : i32 to index
        %swap3A_672 = arith.constant 32 : index
        %swap3A_673 = tpu.vector_load %arg17[%swap3A_670, %swap3A_671, %swap3A_672] {strides = array<i32>} : memref<2x80x128xf32, #tpu.memory_space<vmem>>, vector<16xf32>,
        tpu.vector_store %arg17[%swap3A_670, %swap3A_671, %swap3A_672], %mul3A_669 {strides = array<i32>} : memref<2x80x128xf32, #tpu.memory_space<vmem>>, vector<16xf32>,
        %get3A_674 = arith.index_cast %select_n3A_329 : i32 to index
        %get3A_675 = arith.index_cast %add3A_641 : i32 to index
        %get3A_676 = arith.constant 48 : index
        %get3A_677 = tpu.vector_load %arg17[%get3A_674, %get3A_675, %get3A_676] {strides = array<i32>} : memref<2x80x128xf32, #tpu.memory_space<vmem>>, vector<16xf32>,
        %mul3A_678 = arith.mulf %get3A_677, %gather3A_646 : vector<16xf32>
        %swap3A_679 = arith.index_cast %select_n3A_329 : i32 to index
        %swap3A_680 = arith.index_cast %add3A_641 : i32 to index
        %swap3A_681 = arith.constant 48 : index
        %swap3A_682 = tpu.vector_load %arg17[%swap3A_679, %swap3A_680, %swap3A_681] {strides = array<i32>} : memref<2x80x128xf32, #tpu.memory_space<vmem>>, vector<16xf32>,
        tpu.vector_store %arg17[%swap3A_679, %swap3A_680, %swap3A_681], %mul3A_678 {strides = array<i32>} : memref<2x80x128xf32, #tpu.memory_space<vmem>>, vector<16xf32>,
        %get3A_683 = arith.index_cast %select_n3A_329 : i32 to index
        %get3A_684 = arith.index_cast %add3A_641 : i32 to index
        %get3A_685 = arith.constant 64 : index
        %get3A_686 = tpu.vector_load %arg17[%get3A_683, %get3A_684, %get3A_685] {strides = array<i32>} : memref<2x80x128xf32, #tpu.memory_space<vmem>>, vector<16xf32>,
        %mul3A_687 = arith.mulf %get3A_686, %gather3A_646 : vector<16xf32>
        %swap3A_688 = arith.index_cast %select_n3A_329 : i32 to index
        %swap3A_689 = arith.index_cast %add3A_641 : i32 to index
        %swap3A_690 = arith.constant 64 : index
        %swap3A_691 = tpu.vector_load %arg17[%swap3A_688, %swap3A_689, %swap3A_690] {strides = array<i32>} : memref<2x80x128xf32, #tpu.memory_space<vmem>>, vector<16xf32>,
        tpu.vector_store %arg17[%swap3A_688, %swap3A_689, %swap3A_690], %mul3A_687 {strides = array<i32>} : memref<2x80x128xf32, #tpu.memory_space<vmem>>, vector<16xf32>,
        %get3A_692 = arith.index_cast %select_n3A_329 : i32 to index
        %get3A_693 = arith.index_cast %add3A_641 : i32 to index
        %get3A_694 = arith.constant 80 : index
        %get3A_695 = tpu.vector_load %arg17[%get3A_692, %get3A_693, %get3A_694] {strides = array<i32>} : memref<2x80x128xf32, #tpu.memory_space<vmem>>, vector<16xf32>,
        %mul3A_696 = arith.mulf %get3A_695, %gather3A_646 : vector<16xf32>
        %swap3A_697 = arith.index_cast %select_n3A_329 : i32 to index
        %swap3A_698 = arith.index_cast %add3A_641 : i32 to index
        %swap3A_699 = arith.constant 80 : index
        %swap3A_700 = tpu.vector_load %arg17[%swap3A_697, %swap3A_698, %swap3A_699] {strides = array<i32>} : memref<2x80x128xf32, #tpu.memory_space<vmem>>, vector<16xf32>,
        tpu.vector_store %arg17[%swap3A_697, %swap3A_698, %swap3A_699], %mul3A_696 {strides = array<i32>} : memref<2x80x128xf32, #tpu.memory_space<vmem>>, vector<16xf32>,
        %get3A_701 = arith.index_cast %select_n3A_329 : i32 to index
        %get3A_702 = arith.index_cast %add3A_641 : i32 to index
        %get3A_703 = arith.constant 96 : index
        %get3A_704 = tpu.vector_load %arg17[%get3A_701, %get3A_702, %get3A_703] {strides = array<i32>} : memref<2x80x128xf32, #tpu.memory_space<vmem>>, vector<16xf32>,
        %mul3A_705 = arith.mulf %get3A_704, %gather3A_646 : vector<16xf32>
        %swap3A_706 = arith.index_cast %select_n3A_329 : i32 to index
        %swap3A_707 = arith.index_cast %add3A_641 : i32 to index
        %swap3A_708 = arith.constant 96 : index
        %swap3A_709 = tpu.vector_load %arg17[%swap3A_706, %swap3A_707, %swap3A_708] {strides = array<i32>} : memref<2x80x128xf32, #tpu.memory_space<vmem>>, vector<16xf32>,
        tpu.vector_store %arg17[%swap3A_706, %swap3A_707, %swap3A_708], %mul3A_705 {strides = array<i32>} : memref<2x80x128xf32, #tpu.memory_space<vmem>>, vector<16xf32>,
        %get3A_710 = arith.index_cast %select_n3A_329 : i32 to index
        %get3A_711 = arith.index_cast %add3A_641 : i32 to index
        %get3A_712 = arith.constant 112 : index
        %get3A_713 = tpu.vector_load %arg17[%get3A_710, %get3A_711, %get3A_712] {strides = array<i32>} : memref<2x80x128xf32, #tpu.memory_space<vmem>>, vector<16xf32>,
        %mul3A_714 = arith.mulf %get3A_713, %gather3A_646 : vector<16xf32>
        %swap3A_715 = arith.index_cast %select_n3A_329 : i32 to index
        %swap3A_716 = arith.index_cast %add3A_641 : i32 to index
        %swap3A_717 = arith.constant 112 : index
        %swap3A_718 = tpu.vector_load %arg17[%swap3A_715, %swap3A_716, %swap3A_717] {strides = array<i32>} : memref<2x80x128xf32, #tpu.memory_space<vmem>>, vector<16xf32>,
        tpu.vector_store %arg17[%swap3A_715, %swap3A_716, %swap3A_717], %mul3A_714 {strides = array<i32>} : memref<2x80x128xf32, #tpu.memory_space<vmem>>, vector<16xf32>,
        %scan3A_719 = arith.constant 0 : i32
        scf.yield %scan3A_719 : i32
      }
      %scan3A_376 = arith.constant 20 : i32
      %dma_start3A_377 = arith.constant 0 : i32
      %dma_start3A_378 = arith.constant 0 : i32
      %dma_start3A_379 = tpu.memref_slice %arg17[%select_n3A_329, %dma_start3A_377, %dma_start3A_378] : memref<2x80x128xf32, #tpu.memory_space<vmem>> -> memref<1x80x128xf32, #tpu.memory_space<vmem>>
      %dma_start3A_380 = tpu.memref_squeeze %dma_start3A_379 : memref<1x80x128xf32, #tpu.memory_space<vmem>> -> memref<80x128xf32, #tpu.memory_space<vmem>>
      %dma_start3A_381 = arith.constant 0 : i32
      %dma_start3A_382 = tpu.memref_slice %arg16[%select_n3A_329, %dma_start3A_381] : memref<2x80xi32, #tpu.memory_space<vmem>> -> memref<1x80xi32, #tpu.memory_space<vmem>>
      %dma_start3A_383 = tpu.memref_squeeze %dma_start3A_382 : memref<1x80xi32, #tpu.memory_space<vmem>> -> memref<80xi32, #tpu.memory_space<vmem>>
      %dma_start3A_384 = arith.constant 0 : i32
      %dma_start3A_385 = arith.constant 0 : i32
      %dma_start3A_386 = tpu.memref_slice %arg22[%dma_start3A_384, %dma_start3A_385] : memref<10000x128xf32, #tpu.memory_space<vmem_shared>> -> memref<10000x128xf32, #tpu.memory_space<vmem_shared>>
      %dma_start3A_387 = tpu.memref_slice %arg20[%select_n3A_329] : memref<2x!tpu.dma_semaphore, #tpu.memory_space<semaphore_mem>> -> memref<1x!tpu.dma_semaphore, #tpu.memory_space<semaphore_mem>>
      %dma_start3A_388 = tpu.memref_squeeze %dma_start3A_387 : memref<1x!tpu.dma_semaphore, #tpu.memory_space<semaphore_mem>> -> memref<!tpu.dma_semaphore, #tpu.memory_space<semaphore_mem>>
      tpu.enqueue_indirect_dma source(%dma_start3A_380 : memref<80x128xf32, #tpu.memory_space<vmem>>) target(%dma_start3A_386 : memref<10000x128xf32, #tpu.memory_space<vmem_shared>>) offsets(%dma_start3A_383 : memref<80xi32, #tpu.memory_space<vmem>>) semaphore(%dma_start3A_388 : memref<!tpu.dma_semaphore, #tpu.memory_space<semaphore_mem>>) {add = true}
      %convert_element_type3A_389 = arith.extui %ge3A_3 : i1 to i32
      %cond3A_390 = arith.constant 0 : i32
      %cond3A_391 = arith.cmpi ne, %convert_element_type3A_389, %cond3A_390 : i32
      scf.if %cond3A_391 {
        %dma_start3A_393 = arith.constant 0 : i32
        %dma_start3A_394 = tpu.memref_slice %arg14[%select_n3A_329, %dma_start3A_393] : memref<2x80xf32, #tpu.memory_space<vmem>> -> memref<1x80xf32, #tpu.memory_space<vmem>>
        %dma_start3A_395 = tpu.memref_squeeze %dma_start3A_394 : memref<1x80xf32, #tpu.memory_space<vmem>> -> memref<80xf32, #tpu.memory_space<vmem>>
        %dma_start3A_396 = arith.constant 0 : i32
        %dma_start3A_397 = tpu.memref_slice %arg16[%select_n3A_329, %dma_start3A_396] : memref<2x80xi32, #tpu.memory_space<vmem>> -> memref<1x80xi32, #tpu.memory_space<vmem>>
        %dma_start3A_398 = tpu.memref_squeeze %dma_start3A_397 : memref<1x80xi32, #tpu.memory_space<vmem>> -> memref<80xi32, #tpu.memory_space<vmem>>
        %dma_start3A_399 = arith.constant 0 : i32
        %dma_start3A_400 = tpu.memref_slice %arg23[%dma_start3A_399] : memref<10240xf32, #tpu.memory_space<vmem_shared>> -> memref<10240xf32, #tpu.memory_space<vmem_shared>>
        %dma_start3A_401 = tpu.memref_slice %arg21[%select_n3A_329] : memref<2x!tpu.dma_semaphore, #tpu.memory_space<semaphore_mem>> -> memref<1x!tpu.dma_semaphore, #tpu.memory_space<semaphore_mem>>
        %dma_start3A_402 = tpu.memref_squeeze %dma_start3A_401 : memref<1x!tpu.dma_semaphore, #tpu.memory_space<semaphore_mem>> -> memref<!tpu.dma_semaphore, #tpu.memory_space<semaphore_mem>>
        tpu.enqueue_indirect_dma source(%dma_start3A_395 : memref<80xf32, #tpu.memory_space<vmem>>) target(%dma_start3A_400 : memref<10240xf32, #tpu.memory_space<vmem_shared>>) offsets(%dma_start3A_398 : memref<80xi32, #tpu.memory_space<vmem>>) semaphore(%dma_start3A_402 : memref<!tpu.dma_semaphore, #tpu.memory_space<semaphore_mem>>) {add = true}
      } else {
      }
      %scan3A_392 = arith.constant 0 : i32
      scf.yield %scan3A_392 : i32
    }
    %scan3A_268 = arith.constant 125 : i32
    %dma_wait3A_269 = arith.constant 0 : i32
    %dma_wait3A_270 = arith.constant 0 : i32
    %dma_wait3A_271 = arith.constant 0 : i32
    %dma_wait3A_272 = arith.constant 0 : i32
    %dma_wait3A_273 = arith.constant 0 : i32
    %dma_wait3A_274 = tpu.memref_slice %arg17[%dma_wait3A_269, %dma_wait3A_272, %dma_wait3A_273] : memref<2x80x128xf32, #tpu.memory_space<vmem>> -> memref<1x80x128xf32, #tpu.memory_space<vmem>>
    %dma_wait3A_275 = tpu.memref_squeeze %dma_wait3A_274 : memref<1x80x128xf32, #tpu.memory_space<vmem>> -> memref<80x128xf32, #tpu.memory_space<vmem>>
    %dma_wait3A_276 = arith.constant 0 : i32
    %dma_wait3A_277 = tpu.memref_slice %arg16[%dma_wait3A_270, %dma_wait3A_276] : memref<2x80xi32, #tpu.memory_space<vmem>> -> memref<1x80xi32, #tpu.memory_space<vmem>>
    %dma_wait3A_278 = tpu.memref_squeeze %dma_wait3A_277 : memref<1x80xi32, #tpu.memory_space<vmem>> -> memref<80xi32, #tpu.memory_space<vmem>>
    %dma_wait3A_279 = arith.constant 0 : i32
    %dma_wait3A_280 = arith.constant 0 : i32
    %dma_wait3A_281 = tpu.memref_slice %arg22[%dma_wait3A_279, %dma_wait3A_280] : memref<10000x128xf32, #tpu.memory_space<vmem_shared>> -> memref<10000x128xf32, #tpu.memory_space<vmem_shared>>
    %dma_wait3A_282 = tpu.memref_slice %arg20[%dma_wait3A_271] : memref<2x!tpu.dma_semaphore, #tpu.memory_space<semaphore_mem>> -> memref<1x!tpu.dma_semaphore, #tpu.memory_space<semaphore_mem>>
    %dma_wait3A_283 = tpu.memref_squeeze %dma_wait3A_282 : memref<1x!tpu.dma_semaphore, #tpu.memory_space<semaphore_mem>> -> memref<!tpu.dma_semaphore, #tpu.memory_space<semaphore_mem>>
    tpu.wait_indirect_dma semaphore(%dma_wait3A_283 : memref<!tpu.dma_semaphore, #tpu.memory_space<semaphore_mem>>) src(%dma_wait3A_275 : memref<80x128xf32, #tpu.memory_space<vmem>>) dst(%dma_wait3A_281 : memref<10000x128xf32, #tpu.memory_space<vmem_shared>>)
    %convert_element_type3A = arith.extui %ge3A_3 : i1 to i32
    %cond3A = arith.constant 0 : i32
    %cond3A_284 = arith.cmpi ne, %convert_element_type3A, %cond3A : i32
    scf.if %cond3A_284 {
      %dma_wait3A_318 = arith.constant 0 : i32
      %dma_wait3A_319 = arith.constant 0 : i32
      %dma_wait3A_320 = arith.constant 0 : i32
      %dma_wait3A_321 = arith.constant 0 : i32
      %dma_wait3A_322 = tpu.memref_slice %arg14[%dma_wait3A_318, %dma_wait3A_321] : memref<2x80xf32, #tpu.memory_space<vmem>> -> memref<1x80xf32, #tpu.memory_space<vmem>>
      %dma_wait3A_323 = tpu.memref_squeeze %dma_wait3A_322 : memref<1x80xf32, #tpu.memory_space<vmem>> -> memref<80xf32, #tpu.memory_space<vmem>>
      %dma_wait3A_324 = arith.constant 0 : i32
      %dma_wait3A_325 = tpu.memref_slice %arg16[%dma_wait3A_319, %dma_wait3A_324] : memref<2x80xi32, #tpu.memory_space<vmem>> -> memref<1x80xi32, #tpu.memory_space<vmem>>
      %dma_wait3A_326 = tpu.memref_squeeze %dma_wait3A_325 : memref<1x80xi32, #tpu.memory_space<vmem>> -> memref<80xi32, #tpu.memory_space<vmem>>
      %dma_wait3A_327 = arith.constant 0 : i32
      %dma_wait3A_328 = tpu.memref_slice %arg23[%dma_wait3A_327] : memref<10240xf32, #tpu.memory_space<vmem_shared>> -> memref<10240xf32, #tpu.memory_space<vmem_shared>>
      %dma_wait3A_329 = tpu.memref_slice %arg21[%dma_wait3A_320] : memref<2x!tpu.dma_semaphore, #tpu.memory_space<semaphore_mem>> -> memref<1x!tpu.dma_semaphore, #tpu.memory_space<semaphore_mem>>
      %dma_wait3A_330 = tpu.memref_squeeze %dma_wait3A_329 : memref<1x!tpu.dma_semaphore, #tpu.memory_space<semaphore_mem>> -> memref<!tpu.dma_semaphore, #tpu.memory_space<semaphore_mem>>
      tpu.wait_indirect_dma semaphore(%dma_wait3A_330 : memref<!tpu.dma_semaphore, #tpu.memory_space<semaphore_mem>>) src(%dma_wait3A_323 : memref<80xf32, #tpu.memory_space<vmem>>) dst(%dma_wait3A_328 : memref<10240xf32, #tpu.memory_space<vmem_shared>>)
    } else {
    }
    %dma_wait3A_285 = arith.constant 1 : i32
    %dma_wait3A_286 = arith.constant 1 : i32
    %dma_wait3A_287 = arith.constant 1 : i32
    %dma_wait3A_288 = arith.constant 0 : i32
    %dma_wait3A_289 = arith.constant 0 : i32
    %dma_wait3A_290 = tpu.memref_slice %arg17[%dma_wait3A_285, %dma_wait3A_288, %dma_wait3A_289] : memref<2x80x128xf32, #tpu.memory_space<vmem>> -> memref<1x80x128xf32, #tpu.memory_space<vmem>>
    %dma_wait3A_291 = tpu.memref_squeeze %dma_wait3A_290 : memref<1x80x128xf32, #tpu.memory_space<vmem>> -> memref<80x128xf32, #tpu.memory_space<vmem>>
    %dma_wait3A_292 = arith.constant 0 : i32
    %dma_wait3A_293 = tpu.memref_slice %arg16[%dma_wait3A_286, %dma_wait3A_292] : memref<2x80xi32, #tpu.memory_space<vmem>> -> memref<1x80xi32, #tpu.memory_space<vmem>>
    %dma_wait3A_294 = tpu.memref_squeeze %dma_wait3A_293 : memref<1x80xi32, #tpu.memory_space<vmem>> -> memref<80xi32, #tpu.memory_space<vmem>>
    %dma_wait3A_295 = arith.constant 0 : i32
    %dma_wait3A_296 = arith.constant 0 : i32
    %dma_wait3A_297 = tpu.memref_slice %arg22[%dma_wait3A_295, %dma_wait3A_296] : memref<10000x128xf32, #tpu.memory_space<vmem_shared>> -> memref<10000x128xf32, #tpu.memory_space<vmem_shared>>
    %dma_wait3A_298 = tpu.memref_slice %arg20[%dma_wait3A_287] : memref<2x!tpu.dma_semaphore, #tpu.memory_space<semaphore_mem>> -> memref<1x!tpu.dma_semaphore, #tpu.memory_space<semaphore_mem>>
    %dma_wait3A_299 = tpu.memref_squeeze %dma_wait3A_298 : memref<1x!tpu.dma_semaphore, #tpu.memory_space<semaphore_mem>> -> memref<!tpu.dma_semaphore, #tpu.memory_space<semaphore_mem>>
    tpu.wait_indirect_dma semaphore(%dma_wait3A_299 : memref<!tpu.dma_semaphore, #tpu.memory_space<semaphore_mem>>) src(%dma_wait3A_291 : memref<80x128xf32, #tpu.memory_space<vmem>>) dst(%dma_wait3A_297 : memref<10000x128xf32, #tpu.memory_space<vmem_shared>>)
    %convert_element_type3A_300 = arith.extui %ge3A_3 : i1 to i32
    %cond3A_301 = arith.constant 0 : i32
    %cond3A_302 = arith.cmpi ne, %convert_element_type3A_300, %cond3A_301 : i32
    scf.if %cond3A_302 {
      %dma_wait3A_318 = arith.constant 1 : i32
      %dma_wait3A_319 = arith.constant 1 : i32
      %dma_wait3A_320 = arith.constant 1 : i32
      %dma_wait3A_321 = arith.constant 0 : i32
      %dma_wait3A_322 = tpu.memref_slice %arg14[%dma_wait3A_318, %dma_wait3A_321] : memref<2x80xf32, #tpu.memory_space<vmem>> -> memref<1x80xf32, #tpu.memory_space<vmem>>
      %dma_wait3A_323 = tpu.memref_squeeze %dma_wait3A_322 : memref<1x80xf32, #tpu.memory_space<vmem>> -> memref<80xf32, #tpu.memory_space<vmem>>
      %dma_wait3A_324 = arith.constant 0 : i32
      %dma_wait3A_325 = tpu.memref_slice %arg16[%dma_wait3A_319, %dma_wait3A_324] : memref<2x80xi32, #tpu.memory_space<vmem>> -> memref<1x80xi32, #tpu.memory_space<vmem>>
      %dma_wait3A_326 = tpu.memref_squeeze %dma_wait3A_325 : memref<1x80xi32, #tpu.memory_space<vmem>> -> memref<80xi32, #tpu.memory_space<vmem>>
      %dma_wait3A_327 = arith.constant 0 : i32
      %dma_wait3A_328 = tpu.memref_slice %arg23[%dma_wait3A_327] : memref<10240xf32, #tpu.memory_space<vmem_shared>> -> memref<10240xf32, #tpu.memory_space<vmem_shared>>
      %dma_wait3A_329 = tpu.memref_slice %arg21[%dma_wait3A_320] : memref<2x!tpu.dma_semaphore, #tpu.memory_space<semaphore_mem>> -> memref<1x!tpu.dma_semaphore, #tpu.memory_space<semaphore_mem>>
      %dma_wait3A_330 = tpu.memref_squeeze %dma_wait3A_329 : memref<1x!tpu.dma_semaphore, #tpu.memory_space<semaphore_mem>> -> memref<!tpu.dma_semaphore, #tpu.memory_space<semaphore_mem>>
      tpu.wait_indirect_dma semaphore(%dma_wait3A_330 : memref<!tpu.dma_semaphore, #tpu.memory_space<semaphore_mem>>) src(%dma_wait3A_323 : memref<80xf32, #tpu.memory_space<vmem>>) dst(%dma_wait3A_328 : memref<10240xf32, #tpu.memory_space<vmem_shared>>)
    } else {
    }
    %barrier3A_303 = arith.constant 0 : index
    tpu.barrier barrier_id(%barrier3A_303)
    %mul3A_304 = arith.constant 625 : i32
    %mul3A_305 = arith.muli %arg1, %mul3A_304 : i32
    %mul3A_306 = arith.constant 10000 : i32
    %mul3A_307 = arith.muli %arg0, %mul3A_306 : i32
    %mul3A_308 = arith.constant 625 : i32
    %mul3A_309 = arith.muli %arg1, %mul3A_308 : i32
    %add3A_310 = arith.addi %mul3A_307, %mul3A_309 : i32
    "tpu.region"() ({
      %run_scoped3A = tpu.sem_alloc : memref<!tpu.dma_semaphore, #tpu.memory_space<semaphore_mem>>
      %dma_start3A_318 = arith.constant 0 : i32
      %dma_start3A_319 = tpu.memref_slice %arg8[%add3A_310, %dma_start3A_318] : memref<20000x128xf32, #tpu.memory_space<hbm>> -> memref<625x128xf32, #tpu.memory_space<hbm>>
      %dma_start3A_320 = arith.constant 0 : i32
      %dma_start3A_321 = tpu.memref_slice %arg22[%mul3A_305, %dma_start3A_320] : memref<10000x128xf32, #tpu.memory_space<vmem_shared>> -> memref<625x128xf32, #tpu.memory_space<vmem_shared>>
      tpu.enqueue_dma source(%dma_start3A_321 : memref<625x128xf32, #tpu.memory_space<vmem_shared>>) target(%dma_start3A_319 : memref<625x128xf32, #tpu.memory_space<hbm>>) target_semaphore(%run_scoped3A : memref<!tpu.dma_semaphore, #tpu.memory_space<semaphore_mem>>)
      %dma_wait3A_322 = arith.constant 0 : i32
      %dma_wait3A_323 = tpu.memref_slice %arg8[%add3A_310, %dma_wait3A_322] : memref<20000x128xf32, #tpu.memory_space<hbm>> -> memref<625x128xf32, #tpu.memory_space<hbm>>
      %dma_wait3A_324 = arith.constant 0 : i32
      %dma_wait3A_325 = tpu.memref_slice %arg22[%mul3A_305, %dma_wait3A_324] : memref<10000x128xf32, #tpu.memory_space<vmem_shared>> -> memref<625x128xf32, #tpu.memory_space<vmem_shared>>
      tpu.wait_dma2 semaphore(%run_scoped3A : memref<!tpu.dma_semaphore, #tpu.memory_space<semaphore_mem>>) src(%dma_wait3A_325 : memref<625x128xf32, #tpu.memory_space<vmem_shared>>) dst(%dma_wait3A_323 : memref<625x128xf32, #tpu.memory_space<hbm>>)
      tpu.yield
    }) : () -> ()
    %mul3A_311 = arith.constant 640 : i32
    %mul3A_312 = arith.muli %arg1, %mul3A_311 : i32
    %mul3A_313 = arith.constant 10240 : i32
    %mul3A_314 = arith.muli %arg0, %mul3A_313 : i32
    %mul3A_315 = arith.constant 640 : i32
    %mul3A_316 = arith.muli %arg1, %mul3A_315 : i32
    %add3A_317 = arith.addi %mul3A_314, %mul3A_316 : i32
    "tpu.region"() ({
      %run_scoped3A = tpu.sem_alloc : memref<!tpu.dma_semaphore, #tpu.memory_space<semaphore_mem>>
      %dma_start3A_318 = tpu.memref_slice %arg9[%add3A_317] : memref<20480xf32, #tpu.memory_space<hbm>> -> memref<640xf32, #tpu.memory_space<hbm>>
      %dma_start3A_319 = tpu.memref_slice %arg23[%mul3A_312] : memref<10240xf32, #tpu.memory_space<vmem_shared>> -> memref<640xf32, #tpu.memory_space<vmem_shared>>
      tpu.enqueue_dma source(%dma_start3A_319 : memref<640xf32, #tpu.memory_space<vmem_shared>>) target(%dma_start3A_318 : memref<640xf32, #tpu.memory_space<hbm>>) target_semaphore(%run_scoped3A : memref<!tpu.dma_semaphore, #tpu.memory_space<semaphore_mem>>)
      %dma_wait3A_320 = tpu.memref_slice %arg9[%add3A_317] : memref<20480xf32, #tpu.memory_space<hbm>> -> memref<640xf32, #tpu.memory_space<hbm>>
      %dma_wait3A_321 = tpu.memref_slice %arg23[%mul3A_312] : memref<10240xf32, #tpu.memory_space<vmem_shared>> -> memref<640xf32, #tpu.memory_space<vmem_shared>>
      tpu.wait_dma2 semaphore(%run_scoped3A : memref<!tpu.dma_semaphore, #tpu.memory_space<semaphore_mem>>) src(%dma_wait3A_321 : memref<640xf32, #tpu.memory_space<vmem_shared>>) dst(%dma_wait3A_320 : memref<640xf32, #tpu.memory_space<hbm>>)
      tpu.yield
    }) : () -> ()
    return
  }
}

module attributes {stable_mosaic.version = 14 : i64} {
  func.func @_tc1_body(%arg0: i32, %arg1: memref<400x128xf32, #tpu.memory_space<vmem>>, %arg2: memref<128x1024xf32, #tpu.memory_space<vmem>>, %arg3: memref<1024x8xf32, #tpu.memory_space<vmem>>, %arg4: memref<8x400x128xf32, #tpu.memory_space<vmem>>, %arg5: memref<400x8xf32, #tpu.memory_space<vmem>>) attributes {dimension_semantics = [#tpu.dimension_semantics<arbitrary>], iteration_bounds = array<i64: 25>, scalar_prefetch = 0 : i64, scratch_operands = 0 : i64, tpu.core_type = #tpu.core_type<tc>, window_params = [{transform_indices = @transform_0, window_bounds = array<i64: 400, 128>}, {pipeline_mode = #tpu.pipeline_mode<synchronous>, transform_indices = @transform_1, window_bounds = array<i64: 128, 1024>}, {pipeline_mode = #tpu.pipeline_mode<synchronous>, transform_indices = @transform_2, window_bounds = array<i64: 1024, 8>}, {transform_indices = @transform_3, window_bounds = array<i64: 8, 400, 128>}, {transform_indices = @transform_4, window_bounds = array<i64: 400, 8>}]} {
    %get3A = arith.constant 0 : index
    %get3A_0 = arith.constant 0 : index
    %get3A_1 = vector.load %arg1[%get3A, %get3A_0] : memref<400x128xf32, #tpu.memory_space<vmem>>, vector<400x128xf32>
    %get3A_2 = arith.constant 0 : index
    %get3A_3 = arith.constant 0 : index
    %get3A_4 = vector.load %arg2[%get3A_2, %get3A_3] : memref<128x1024xf32, #tpu.memory_space<vmem>>, vector<128x1024xf32>
    %dot_general3A = arith.constant dense<0.000000e+00> : vector<400x1024xf32>
    %dot_general3A_5 = tpu.matmul %get3A_1, %get3A_4, %dot_general3A {dimension_numbers = #tpu.dot_dimension_numbers<[1], [0], [0], [1], [0, 0, 1, 1], [], []>, transpose_lhs_hint = false} : vector<400x128xf32>, vector<128x1024xf32>, vector<400x1024xf32> -> vector<400x1024xf32>
    %slice3A = vector.extract_strided_slice %dot_general3A_5 {offsets = [0, 0], sizes = [400, 128], strides = [1, 1]} : vector<400x1024xf32> to vector<400x128xf32>
    %swap3A = arith.constant 0 : index
    %swap3A_6 = arith.constant 0 : index
    %swap3A_7 = arith.constant 0 : index
    %swap3A_8 = vector.load %arg4[%swap3A, %swap3A_6, %swap3A_7] : memref<8x400x128xf32, #tpu.memory_space<vmem>>, vector<1x400x128xf32>
    %swap3A_9 = vector.shape_cast %swap3A_8 : vector<1x400x128xf32> to vector<400x128xf32>
    %swap3A_10 = vector.shape_cast %slice3A : vector<400x128xf32> to vector<1x400x128xf32>
    tpu.vector_store %arg4[%swap3A, %swap3A_6, %swap3A_7], %swap3A_10 {strides = array<i32>} : memref<8x400x128xf32, #tpu.memory_space<vmem>>, vector<1x400x128xf32>,
    %slice3A_11 = vector.extract_strided_slice %dot_general3A_5 {offsets = [0, 128], sizes = [400, 128], strides = [1, 1]} : vector<400x1024xf32> to vector<400x128xf32>
    %swap3A_12 = arith.constant 1 : index
    %swap3A_13 = arith.constant 0 : index
    %swap3A_14 = arith.constant 0 : index
    %swap3A_15 = vector.load %arg4[%swap3A_12, %swap3A_13, %swap3A_14] : memref<8x400x128xf32, #tpu.memory_space<vmem>>, vector<1x400x128xf32>
    %swap3A_16 = vector.shape_cast %swap3A_15 : vector<1x400x128xf32> to vector<400x128xf32>
    %swap3A_17 = vector.shape_cast %slice3A_11 : vector<400x128xf32> to vector<1x400x128xf32>
    tpu.vector_store %arg4[%swap3A_12, %swap3A_13, %swap3A_14], %swap3A_17 {strides = array<i32>} : memref<8x400x128xf32, #tpu.memory_space<vmem>>, vector<1x400x128xf32>,
    %slice3A_18 = vector.extract_strided_slice %dot_general3A_5 {offsets = [0, 256], sizes = [400, 128], strides = [1, 1]} : vector<400x1024xf32> to vector<400x128xf32>
    %swap3A_19 = arith.constant 2 : index
    %swap3A_20 = arith.constant 0 : index
    %swap3A_21 = arith.constant 0 : index
    %swap3A_22 = vector.load %arg4[%swap3A_19, %swap3A_20, %swap3A_21] : memref<8x400x128xf32, #tpu.memory_space<vmem>>, vector<1x400x128xf32>
    %swap3A_23 = vector.shape_cast %swap3A_22 : vector<1x400x128xf32> to vector<400x128xf32>
    %swap3A_24 = vector.shape_cast %slice3A_18 : vector<400x128xf32> to vector<1x400x128xf32>
    tpu.vector_store %arg4[%swap3A_19, %swap3A_20, %swap3A_21], %swap3A_24 {strides = array<i32>} : memref<8x400x128xf32, #tpu.memory_space<vmem>>, vector<1x400x128xf32>,
    %slice3A_25 = vector.extract_strided_slice %dot_general3A_5 {offsets = [0, 384], sizes = [400, 128], strides = [1, 1]} : vector<400x1024xf32> to vector<400x128xf32>
    %swap3A_26 = arith.constant 3 : index
    %swap3A_27 = arith.constant 0 : index
    %swap3A_28 = arith.constant 0 : index
    %swap3A_29 = vector.load %arg4[%swap3A_26, %swap3A_27, %swap3A_28] : memref<8x400x128xf32, #tpu.memory_space<vmem>>, vector<1x400x128xf32>
    %swap3A_30 = vector.shape_cast %swap3A_29 : vector<1x400x128xf32> to vector<400x128xf32>
    %swap3A_31 = vector.shape_cast %slice3A_25 : vector<400x128xf32> to vector<1x400x128xf32>
    tpu.vector_store %arg4[%swap3A_26, %swap3A_27, %swap3A_28], %swap3A_31 {strides = array<i32>} : memref<8x400x128xf32, #tpu.memory_space<vmem>>, vector<1x400x128xf32>,
    %slice3A_32 = vector.extract_strided_slice %dot_general3A_5 {offsets = [0, 512], sizes = [400, 128], strides = [1, 1]} : vector<400x1024xf32> to vector<400x128xf32>
    %swap3A_33 = arith.constant 4 : index
    %swap3A_34 = arith.constant 0 : index
    %swap3A_35 = arith.constant 0 : index
    %swap3A_36 = vector.load %arg4[%swap3A_33, %swap3A_34, %swap3A_35] : memref<8x400x128xf32, #tpu.memory_space<vmem>>, vector<1x400x128xf32>
    %swap3A_37 = vector.shape_cast %swap3A_36 : vector<1x400x128xf32> to vector<400x128xf32>
    %swap3A_38 = vector.shape_cast %slice3A_32 : vector<400x128xf32> to vector<1x400x128xf32>
    tpu.vector_store %arg4[%swap3A_33, %swap3A_34, %swap3A_35], %swap3A_38 {strides = array<i32>} : memref<8x400x128xf32, #tpu.memory_space<vmem>>, vector<1x400x128xf32>,
    %slice3A_39 = vector.extract_strided_slice %dot_general3A_5 {offsets = [0, 640], sizes = [400, 128], strides = [1, 1]} : vector<400x1024xf32> to vector<400x128xf32>
    %swap3A_40 = arith.constant 5 : index
    %swap3A_41 = arith.constant 0 : index
    %swap3A_42 = arith.constant 0 : index
    %swap3A_43 = vector.load %arg4[%swap3A_40, %swap3A_41, %swap3A_42] : memref<8x400x128xf32, #tpu.memory_space<vmem>>, vector<1x400x128xf32>
    %swap3A_44 = vector.shape_cast %swap3A_43 : vector<1x400x128xf32> to vector<400x128xf32>
    %swap3A_45 = vector.shape_cast %slice3A_39 : vector<400x128xf32> to vector<1x400x128xf32>
    tpu.vector_store %arg4[%swap3A_40, %swap3A_41, %swap3A_42], %swap3A_45 {strides = array<i32>} : memref<8x400x128xf32, #tpu.memory_space<vmem>>, vector<1x400x128xf32>,
    %slice3A_46 = vector.extract_strided_slice %dot_general3A_5 {offsets = [0, 768], sizes = [400, 128], strides = [1, 1]} : vector<400x1024xf32> to vector<400x128xf32>
    %swap3A_47 = arith.constant 6 : index
    %swap3A_48 = arith.constant 0 : index
    %swap3A_49 = arith.constant 0 : index
    %swap3A_50 = vector.load %arg4[%swap3A_47, %swap3A_48, %swap3A_49] : memref<8x400x128xf32, #tpu.memory_space<vmem>>, vector<1x400x128xf32>
    %swap3A_51 = vector.shape_cast %swap3A_50 : vector<1x400x128xf32> to vector<400x128xf32>
    %swap3A_52 = vector.shape_cast %slice3A_46 : vector<400x128xf32> to vector<1x400x128xf32>
    tpu.vector_store %arg4[%swap3A_47, %swap3A_48, %swap3A_49], %swap3A_52 {strides = array<i32>} : memref<8x400x128xf32, #tpu.memory_space<vmem>>, vector<1x400x128xf32>,
    %slice3A_53 = vector.extract_strided_slice %dot_general3A_5 {offsets = [0, 896], sizes = [400, 128], strides = [1, 1]} : vector<400x1024xf32> to vector<400x128xf32>
    %swap3A_54 = arith.constant 7 : index
    %swap3A_55 = arith.constant 0 : index
    %swap3A_56 = arith.constant 0 : index
    %swap3A_57 = vector.load %arg4[%swap3A_54, %swap3A_55, %swap3A_56] : memref<8x400x128xf32, #tpu.memory_space<vmem>>, vector<1x400x128xf32>
    %swap3A_58 = vector.shape_cast %swap3A_57 : vector<1x400x128xf32> to vector<400x128xf32>
    %swap3A_59 = vector.shape_cast %slice3A_53 : vector<400x128xf32> to vector<1x400x128xf32>
    tpu.vector_store %arg4[%swap3A_54, %swap3A_55, %swap3A_56], %swap3A_59 {strides = array<i32>} : memref<8x400x128xf32, #tpu.memory_space<vmem>>, vector<1x400x128xf32>,
    %get3A_60 = arith.constant 0 : index
    %get3A_61 = arith.constant 0 : index
    %get3A_62 = vector.load %arg3[%get3A_60, %get3A_61] : memref<1024x8xf32, #tpu.memory_space<vmem>>, vector<1024x8xf32>
    %dot_general3A_63 = arith.constant dense<0.000000e+00> : vector<400x8xf32>
    %dot_general3A_64 = tpu.matmul %dot_general3A_5, %get3A_62, %dot_general3A_63 {dimension_numbers = #tpu.dot_dimension_numbers<[1], [0], [0], [1], [0, 0, 1, 1], [], []>, transpose_lhs_hint = false} : vector<400x1024xf32>, vector<1024x8xf32>, vector<400x8xf32> -> vector<400x8xf32>
    %swap3A_65 = arith.constant 0 : index
    %swap3A_66 = arith.constant 0 : index
    %swap3A_67 = vector.load %arg5[%swap3A_65, %swap3A_66] : memref<400x8xf32, #tpu.memory_space<vmem>>, vector<400x8xf32>
    tpu.vector_store %arg5[%swap3A_65, %swap3A_66], %dot_general3A_64 {strides = array<i32>} : memref<400x8xf32, #tpu.memory_space<vmem>>, vector<400x8xf32>,
    return
  }
  func.func @transform_0(%arg0: i32) -> (i32, i32) {
    %c0_i32 = arith.constant 0 : i32
    %c0_i32_0 = arith.constant 0 : i32
    return %arg0, %c0_i32 : i32, i32
  }
  func.func @transform_1(%arg0: i32) -> (i32, i32) {
    %c0_i32 = arith.constant 0 : i32
    %c0_i32_0 = arith.constant 0 : i32
    %c0_i32_1 = arith.constant 0 : i32
    return %c0_i32, %c0_i32_0 : i32, i32
  }
  func.func @transform_2(%arg0: i32) -> (i32, i32) {
    %c0_i32 = arith.constant 0 : i32
    %c0_i32_0 = arith.constant 0 : i32
    %c0_i32_1 = arith.constant 0 : i32
    return %c0_i32, %c0_i32_0 : i32, i32
  }
  func.func @transform_3(%arg0: i32) -> (i32, i32, i32) {
    %c0_i32 = arith.constant 0 : i32
    %c0_i32_0 = arith.constant 0 : i32
    %c0_i32_1 = arith.constant 0 : i32
    return %c0_i32, %arg0, %c0_i32_0 : i32, i32, i32
  }
  func.func @transform_4(%arg0: i32) -> (i32, i32) {
    %c0_i32 = arith.constant 0 : i32
    %c0_i32_0 = arith.constant 0 : i32
    return %arg0, %c0_i32 : i32, i32
  }
}

module attributes {stable_mosaic.version = 14 : i64} {
  func.func @_tc2_body(%arg0: i32, %arg1: memref<8x400x128xf32, #tpu.memory_space<vmem>>, %arg2: memref<400x4xf32, #tpu.memory_space<vmem>>, %arg3: memref<1x1024xf32, #tpu.memory_space<vmem>>, %arg4: memref<1024x128xf32, #tpu.memory_space<vmem>>, %arg5: memref<128x2xf32, #tpu.memory_space<vmem>>, %arg6: memref<400x128xf32, #tpu.memory_space<vmem>>, %arg7: memref<400x2xf32, #tpu.memory_space<vmem>>) attributes {dimension_semantics = [#tpu.dimension_semantics<arbitrary>], iteration_bounds = array<i64: 25>, scalar_prefetch = 0 : i64, scratch_operands = 0 : i64, tpu.core_type = #tpu.core_type<tc>, window_params = [{transform_indices = @transform_0, window_bounds = array<i64: 8, 400, 128>}, {transform_indices = @transform_1, window_bounds = array<i64: 400, 4>}, {pipeline_mode = #tpu.pipeline_mode<synchronous>, transform_indices = @transform_2, window_bounds = array<i64: 1, 1024>}, {pipeline_mode = #tpu.pipeline_mode<synchronous>, transform_indices = @transform_3, window_bounds = array<i64: 1024, 128>}, {pipeline_mode = #tpu.pipeline_mode<synchronous>, transform_indices = @transform_4, window_bounds = array<i64: 128, 2>}, {transform_indices = @transform_5, window_bounds = array<i64: 400, 128>}, {transform_indices = @transform_6, window_bounds = array<i64: 400, 2>}]} {
    %broadcast_in_dim3A = arith.constant 0.000000e+00 : f32
    %broadcast_in_dim3A_0 = vector.broadcast %broadcast_in_dim3A : f32 to vector<400x128xf32>
    %get3A = arith.constant 0 : index
    %get3A_1 = arith.constant 0 : index
    %get3A_2 = vector.load %arg2[%get3A, %get3A_1] : memref<400x4xf32, #tpu.memory_space<vmem>>, vector<400x1xf32>
    %add3A = arith.constant 1.000000e-16 : f32
    %add3A_3 = vector.broadcast %add3A : f32 to vector<400x1xf32>
    %add3A_4 = arith.addf %get3A_2, %add3A_3 : vector<400x1xf32>
    %get3A_5 = arith.constant 0 : index
    %get3A_6 = arith.constant 0 : index
    %get3A_7 = arith.constant 0 : index
    %get3A_8 = vector.load %arg1[%get3A_5, %get3A_6, %get3A_7] : memref<8x400x128xf32, #tpu.memory_space<vmem>>, vector<1x400x128xf32>
    %get3A_9 = vector.shape_cast %get3A_8 : vector<1x400x128xf32> to vector<400x128xf32>
    %div3A = vector.broadcast %add3A_4 : vector<400x1xf32> to vector<400x128xf32>
    %div3A_10 = arith.divf %get3A_9, %div3A : vector<400x128xf32>
    %get3A_11 = arith.constant 0 : index
    %get3A_12 = arith.constant 0 : index
    %get3A_13 = vector.load %arg3[%get3A_11, %get3A_12] : memref<1x1024xf32, #tpu.memory_space<vmem>>, vector<1x128xf32>
    %add3A_14 = vector.broadcast %get3A_13 : vector<1x128xf32> to vector<400x128xf32>
    %add3A_15 = arith.addf %div3A_10, %add3A_14 : vector<400x128xf32>
    %gt3A = arith.constant 0.000000e+00 : f32
    %gt3A_16 = vector.broadcast %gt3A : f32 to vector<400x128xf32>
    %gt3A_17 = arith.cmpf ogt, %add3A_15, %gt3A_16 : vector<400x128xf32>
    %min3A = arith.constant 0.000000e+00 : f32
    %min3A_18 = vector.broadcast %min3A : f32 to vector<400x128xf32>
    %min3A_19 = arith.minimumf %add3A_15, %min3A_18 : vector<400x128xf32>
    %exp3A = math.exp %min3A_19 : vector<400x128xf32>
    %sub3A = arith.constant 1.000000e+00 : f32
    %sub3A_20 = vector.broadcast %sub3A : f32 to vector<400x128xf32>
    %sub3A_21 = arith.subf %exp3A, %sub3A_20 : vector<400x128xf32>
    %select_n3A = arith.select %gt3A_17, %add3A_15, %sub3A_21 : vector<400x128xi1>, vector<400x128xf32>
    %get3A_22 = arith.constant 0 : index
    %get3A_23 = arith.constant 0 : index
    %get3A_24 = vector.load %arg4[%get3A_22, %get3A_23] : memref<1024x128xf32, #tpu.memory_space<vmem>>, vector<128x128xf32>
    %dot_general3A = arith.constant dense<0.000000e+00> : vector<400x128xf32>
    %dot_general3A_25 = tpu.matmul %select_n3A, %get3A_24, %dot_general3A {dimension_numbers = #tpu.dot_dimension_numbers<[1], [0], [0], [1], [0, 0, 1, 1], [], []>, transpose_lhs_hint = false} : vector<400x128xf32>, vector<128x128xf32>, vector<400x128xf32> -> vector<400x128xf32>
    %add3A_26 = arith.addf %broadcast_in_dim3A_0, %dot_general3A_25 : vector<400x128xf32>
    %get3A_27 = arith.constant 0 : index
    %get3A_28 = arith.constant 0 : index
    %get3A_29 = vector.load %arg2[%get3A_27, %get3A_28] : memref<400x4xf32, #tpu.memory_space<vmem>>, vector<400x1xf32>
    %add3A_30 = arith.constant 1.000000e-16 : f32
    %add3A_31 = vector.broadcast %add3A_30 : f32 to vector<400x1xf32>
    %add3A_32 = arith.addf %get3A_29, %add3A_31 : vector<400x1xf32>
    %get3A_33 = arith.constant 1 : index
    %get3A_34 = arith.constant 0 : index
    %get3A_35 = arith.constant 0 : index
    %get3A_36 = vector.load %arg1[%get3A_33, %get3A_34, %get3A_35] : memref<8x400x128xf32, #tpu.memory_space<vmem>>, vector<1x400x128xf32>
    %get3A_37 = vector.shape_cast %get3A_36 : vector<1x400x128xf32> to vector<400x128xf32>
    %div3A_38 = vector.broadcast %add3A_32 : vector<400x1xf32> to vector<400x128xf32>
    %div3A_39 = arith.divf %get3A_37, %div3A_38 : vector<400x128xf32>
    %get3A_40 = arith.constant 0 : index
    %get3A_41 = arith.constant 128 : index
    %get3A_42 = vector.load %arg3[%get3A_40, %get3A_41] : memref<1x1024xf32, #tpu.memory_space<vmem>>, vector<1x128xf32>
    %add3A_43 = vector.broadcast %get3A_42 : vector<1x128xf32> to vector<400x128xf32>
    %add3A_44 = arith.addf %div3A_39, %add3A_43 : vector<400x128xf32>
    %gt3A_45 = arith.constant 0.000000e+00 : f32
    %gt3A_46 = vector.broadcast %gt3A_45 : f32 to vector<400x128xf32>
    %gt3A_47 = arith.cmpf ogt, %add3A_44, %gt3A_46 : vector<400x128xf32>
    %min3A_48 = arith.constant 0.000000e+00 : f32
    %min3A_49 = vector.broadcast %min3A_48 : f32 to vector<400x128xf32>
    %min3A_50 = arith.minimumf %add3A_44, %min3A_49 : vector<400x128xf32>
    %exp3A_51 = math.exp %min3A_50 : vector<400x128xf32>
    %sub3A_52 = arith.constant 1.000000e+00 : f32
    %sub3A_53 = vector.broadcast %sub3A_52 : f32 to vector<400x128xf32>
    %sub3A_54 = arith.subf %exp3A_51, %sub3A_53 : vector<400x128xf32>
    %select_n3A_55 = arith.select %gt3A_47, %add3A_44, %sub3A_54 : vector<400x128xi1>, vector<400x128xf32>
    %get3A_56 = arith.constant 128 : index
    %get3A_57 = arith.constant 0 : index
    %get3A_58 = vector.load %arg4[%get3A_56, %get3A_57] : memref<1024x128xf32, #tpu.memory_space<vmem>>, vector<128x128xf32>
    %dot_general3A_59 = arith.constant dense<0.000000e+00> : vector<400x128xf32>
    %dot_general3A_60 = tpu.matmul %select_n3A_55, %get3A_58, %dot_general3A_59 {dimension_numbers = #tpu.dot_dimension_numbers<[1], [0], [0], [1], [0, 0, 1, 1], [], []>, transpose_lhs_hint = false} : vector<400x128xf32>, vector<128x128xf32>, vector<400x128xf32> -> vector<400x128xf32>
    %add3A_61 = arith.addf %add3A_26, %dot_general3A_60 : vector<400x128xf32>
    %get3A_62 = arith.constant 0 : index
    %get3A_63 = arith.constant 1 : index
    %get3A_64 = vector.load %arg2[%get3A_62, %get3A_63] : memref<400x4xf32, #tpu.memory_space<vmem>>, vector<400x1xf32>
    %add3A_65 = arith.constant 1.000000e-16 : f32
    %add3A_66 = vector.broadcast %add3A_65 : f32 to vector<400x1xf32>
    %add3A_67 = arith.addf %get3A_64, %add3A_66 : vector<400x1xf32>
    %get3A_68 = arith.constant 2 : index
    %get3A_69 = arith.constant 0 : index
    %get3A_70 = arith.constant 0 : index
    %get3A_71 = vector.load %arg1[%get3A_68, %get3A_69, %get3A_70] : memref<8x400x128xf32, #tpu.memory_space<vmem>>, vector<1x400x128xf32>
    %get3A_72 = vector.shape_cast %get3A_71 : vector<1x400x128xf32> to vector<400x128xf32>
    %div3A_73 = vector.broadcast %add3A_67 : vector<400x1xf32> to vector<400x128xf32>
    %div3A_74 = arith.divf %get3A_72, %div3A_73 : vector<400x128xf32>
    %get3A_75 = arith.constant 0 : index
    %get3A_76 = arith.constant 256 : index
    %get3A_77 = vector.load %arg3[%get3A_75, %get3A_76] : memref<1x1024xf32, #tpu.memory_space<vmem>>, vector<1x128xf32>
    %add3A_78 = vector.broadcast %get3A_77 : vector<1x128xf32> to vector<400x128xf32>
    %add3A_79 = arith.addf %div3A_74, %add3A_78 : vector<400x128xf32>
    %gt3A_80 = arith.constant 0.000000e+00 : f32
    %gt3A_81 = vector.broadcast %gt3A_80 : f32 to vector<400x128xf32>
    %gt3A_82 = arith.cmpf ogt, %add3A_79, %gt3A_81 : vector<400x128xf32>
    %min3A_83 = arith.constant 0.000000e+00 : f32
    %min3A_84 = vector.broadcast %min3A_83 : f32 to vector<400x128xf32>
    %min3A_85 = arith.minimumf %add3A_79, %min3A_84 : vector<400x128xf32>
    %exp3A_86 = math.exp %min3A_85 : vector<400x128xf32>
    %sub3A_87 = arith.constant 1.000000e+00 : f32
    %sub3A_88 = vector.broadcast %sub3A_87 : f32 to vector<400x128xf32>
    %sub3A_89 = arith.subf %exp3A_86, %sub3A_88 : vector<400x128xf32>
    %select_n3A_90 = arith.select %gt3A_82, %add3A_79, %sub3A_89 : vector<400x128xi1>, vector<400x128xf32>
    %get3A_91 = arith.constant 256 : index
    %get3A_92 = arith.constant 0 : index
    %get3A_93 = vector.load %arg4[%get3A_91, %get3A_92] : memref<1024x128xf32, #tpu.memory_space<vmem>>, vector<128x128xf32>
    %dot_general3A_94 = arith.constant dense<0.000000e+00> : vector<400x128xf32>
    %dot_general3A_95 = tpu.matmul %select_n3A_90, %get3A_93, %dot_general3A_94 {dimension_numbers = #tpu.dot_dimension_numbers<[1], [0], [0], [1], [0, 0, 1, 1], [], []>, transpose_lhs_hint = false} : vector<400x128xf32>, vector<128x128xf32>, vector<400x128xf32> -> vector<400x128xf32>
    %add3A_96 = arith.addf %add3A_61, %dot_general3A_95 : vector<400x128xf32>
    %get3A_97 = arith.constant 0 : index
    %get3A_98 = arith.constant 1 : index
    %get3A_99 = vector.load %arg2[%get3A_97, %get3A_98] : memref<400x4xf32, #tpu.memory_space<vmem>>, vector<400x1xf32>
    %add3A_100 = arith.constant 1.000000e-16 : f32
    %add3A_101 = vector.broadcast %add3A_100 : f32 to vector<400x1xf32>
    %add3A_102 = arith.addf %get3A_99, %add3A_101 : vector<400x1xf32>
    %get3A_103 = arith.constant 3 : index
    %get3A_104 = arith.constant 0 : index
    %get3A_105 = arith.constant 0 : index
    %get3A_106 = vector.load %arg1[%get3A_103, %get3A_104, %get3A_105] : memref<8x400x128xf32, #tpu.memory_space<vmem>>, vector<1x400x128xf32>
    %get3A_107 = vector.shape_cast %get3A_106 : vector<1x400x128xf32> to vector<400x128xf32>
    %div3A_108 = vector.broadcast %add3A_102 : vector<400x1xf32> to vector<400x128xf32>
    %div3A_109 = arith.divf %get3A_107, %div3A_108 : vector<400x128xf32>
    %get3A_110 = arith.constant 0 : index
    %get3A_111 = arith.constant 384 : index
    %get3A_112 = vector.load %arg3[%get3A_110, %get3A_111] : memref<1x1024xf32, #tpu.memory_space<vmem>>, vector<1x128xf32>
    %add3A_113 = vector.broadcast %get3A_112 : vector<1x128xf32> to vector<400x128xf32>
    %add3A_114 = arith.addf %div3A_109, %add3A_113 : vector<400x128xf32>
    %gt3A_115 = arith.constant 0.000000e+00 : f32
    %gt3A_116 = vector.broadcast %gt3A_115 : f32 to vector<400x128xf32>
    %gt3A_117 = arith.cmpf ogt, %add3A_114, %gt3A_116 : vector<400x128xf32>
    %min3A_118 = arith.constant 0.000000e+00 : f32
    %min3A_119 = vector.broadcast %min3A_118 : f32 to vector<400x128xf32>
    %min3A_120 = arith.minimumf %add3A_114, %min3A_119 : vector<400x128xf32>
    %exp3A_121 = math.exp %min3A_120 : vector<400x128xf32>
    %sub3A_122 = arith.constant 1.000000e+00 : f32
    %sub3A_123 = vector.broadcast %sub3A_122 : f32 to vector<400x128xf32>
    %sub3A_124 = arith.subf %exp3A_121, %sub3A_123 : vector<400x128xf32>
    %select_n3A_125 = arith.select %gt3A_117, %add3A_114, %sub3A_124 : vector<400x128xi1>, vector<400x128xf32>
    %get3A_126 = arith.constant 384 : index
    %get3A_127 = arith.constant 0 : index
    %get3A_128 = vector.load %arg4[%get3A_126, %get3A_127] : memref<1024x128xf32, #tpu.memory_space<vmem>>, vector<128x128xf32>
    %dot_general3A_129 = arith.constant dense<0.000000e+00> : vector<400x128xf32>
    %dot_general3A_130 = tpu.matmul %select_n3A_125, %get3A_128, %dot_general3A_129 {dimension_numbers = #tpu.dot_dimension_numbers<[1], [0], [0], [1], [0, 0, 1, 1], [], []>, transpose_lhs_hint = false} : vector<400x128xf32>, vector<128x128xf32>, vector<400x128xf32> -> vector<400x128xf32>
    %add3A_131 = arith.addf %add3A_96, %dot_general3A_130 : vector<400x128xf32>
    %get3A_132 = arith.constant 0 : index
    %get3A_133 = arith.constant 2 : index
    %get3A_134 = vector.load %arg2[%get3A_132, %get3A_133] : memref<400x4xf32, #tpu.memory_space<vmem>>, vector<400x1xf32>
    %add3A_135 = arith.constant 1.000000e-16 : f32
    %add3A_136 = vector.broadcast %add3A_135 : f32 to vector<400x1xf32>
    %add3A_137 = arith.addf %get3A_134, %add3A_136 : vector<400x1xf32>
    %get3A_138 = arith.constant 4 : index
    %get3A_139 = arith.constant 0 : index
    %get3A_140 = arith.constant 0 : index
    %get3A_141 = vector.load %arg1[%get3A_138, %get3A_139, %get3A_140] : memref<8x400x128xf32, #tpu.memory_space<vmem>>, vector<1x400x128xf32>
    %get3A_142 = vector.shape_cast %get3A_141 : vector<1x400x128xf32> to vector<400x128xf32>
    %div3A_143 = vector.broadcast %add3A_137 : vector<400x1xf32> to vector<400x128xf32>
    %div3A_144 = arith.divf %get3A_142, %div3A_143 : vector<400x128xf32>
    %get3A_145 = arith.constant 0 : index
    %get3A_146 = arith.constant 512 : index
    %get3A_147 = vector.load %arg3[%get3A_145, %get3A_146] : memref<1x1024xf32, #tpu.memory_space<vmem>>, vector<1x128xf32>
    %add3A_148 = vector.broadcast %get3A_147 : vector<1x128xf32> to vector<400x128xf32>
    %add3A_149 = arith.addf %div3A_144, %add3A_148 : vector<400x128xf32>
    %gt3A_150 = arith.constant 0.000000e+00 : f32
    %gt3A_151 = vector.broadcast %gt3A_150 : f32 to vector<400x128xf32>
    %gt3A_152 = arith.cmpf ogt, %add3A_149, %gt3A_151 : vector<400x128xf32>
    %min3A_153 = arith.constant 0.000000e+00 : f32
    %min3A_154 = vector.broadcast %min3A_153 : f32 to vector<400x128xf32>
    %min3A_155 = arith.minimumf %add3A_149, %min3A_154 : vector<400x128xf32>
    %exp3A_156 = math.exp %min3A_155 : vector<400x128xf32>
    %sub3A_157 = arith.constant 1.000000e+00 : f32
    %sub3A_158 = vector.broadcast %sub3A_157 : f32 to vector<400x128xf32>
    %sub3A_159 = arith.subf %exp3A_156, %sub3A_158 : vector<400x128xf32>
    %select_n3A_160 = arith.select %gt3A_152, %add3A_149, %sub3A_159 : vector<400x128xi1>, vector<400x128xf32>
    %get3A_161 = arith.constant 512 : index
    %get3A_162 = arith.constant 0 : index
    %get3A_163 = vector.load %arg4[%get3A_161, %get3A_162] : memref<1024x128xf32, #tpu.memory_space<vmem>>, vector<128x128xf32>
    %dot_general3A_164 = arith.constant dense<0.000000e+00> : vector<400x128xf32>
    %dot_general3A_165 = tpu.matmul %select_n3A_160, %get3A_163, %dot_general3A_164 {dimension_numbers = #tpu.dot_dimension_numbers<[1], [0], [0], [1], [0, 0, 1, 1], [], []>, transpose_lhs_hint = false} : vector<400x128xf32>, vector<128x128xf32>, vector<400x128xf32> -> vector<400x128xf32>
    %add3A_166 = arith.addf %add3A_131, %dot_general3A_165 : vector<400x128xf32>
    %get3A_167 = arith.constant 0 : index
    %get3A_168 = arith.constant 2 : index
    %get3A_169 = vector.load %arg2[%get3A_167, %get3A_168] : memref<400x4xf32, #tpu.memory_space<vmem>>, vector<400x1xf32>
    %add3A_170 = arith.constant 1.000000e-16 : f32
    %add3A_171 = vector.broadcast %add3A_170 : f32 to vector<400x1xf32>
    %add3A_172 = arith.addf %get3A_169, %add3A_171 : vector<400x1xf32>
    %get3A_173 = arith.constant 5 : index
    %get3A_174 = arith.constant 0 : index
    %get3A_175 = arith.constant 0 : index
    %get3A_176 = vector.load %arg1[%get3A_173, %get3A_174, %get3A_175] : memref<8x400x128xf32, #tpu.memory_space<vmem>>, vector<1x400x128xf32>
    %get3A_177 = vector.shape_cast %get3A_176 : vector<1x400x128xf32> to vector<400x128xf32>
    %div3A_178 = vector.broadcast %add3A_172 : vector<400x1xf32> to vector<400x128xf32>
    %div3A_179 = arith.divf %get3A_177, %div3A_178 : vector<400x128xf32>
    %get3A_180 = arith.constant 0 : index
    %get3A_181 = arith.constant 640 : index
    %get3A_182 = vector.load %arg3[%get3A_180, %get3A_181] : memref<1x1024xf32, #tpu.memory_space<vmem>>, vector<1x128xf32>
    %add3A_183 = vector.broadcast %get3A_182 : vector<1x128xf32> to vector<400x128xf32>
    %add3A_184 = arith.addf %div3A_179, %add3A_183 : vector<400x128xf32>
    %gt3A_185 = arith.constant 0.000000e+00 : f32
    %gt3A_186 = vector.broadcast %gt3A_185 : f32 to vector<400x128xf32>
    %gt3A_187 = arith.cmpf ogt, %add3A_184, %gt3A_186 : vector<400x128xf32>
    %min3A_188 = arith.constant 0.000000e+00 : f32
    %min3A_189 = vector.broadcast %min3A_188 : f32 to vector<400x128xf32>
    %min3A_190 = arith.minimumf %add3A_184, %min3A_189 : vector<400x128xf32>
    %exp3A_191 = math.exp %min3A_190 : vector<400x128xf32>
    %sub3A_192 = arith.constant 1.000000e+00 : f32
    %sub3A_193 = vector.broadcast %sub3A_192 : f32 to vector<400x128xf32>
    %sub3A_194 = arith.subf %exp3A_191, %sub3A_193 : vector<400x128xf32>
    %select_n3A_195 = arith.select %gt3A_187, %add3A_184, %sub3A_194 : vector<400x128xi1>, vector<400x128xf32>
    %get3A_196 = arith.constant 640 : index
    %get3A_197 = arith.constant 0 : index
    %get3A_198 = vector.load %arg4[%get3A_196, %get3A_197] : memref<1024x128xf32, #tpu.memory_space<vmem>>, vector<128x128xf32>
    %dot_general3A_199 = arith.constant dense<0.000000e+00> : vector<400x128xf32>
    %dot_general3A_200 = tpu.matmul %select_n3A_195, %get3A_198, %dot_general3A_199 {dimension_numbers = #tpu.dot_dimension_numbers<[1], [0], [0], [1], [0, 0, 1, 1], [], []>, transpose_lhs_hint = false} : vector<400x128xf32>, vector<128x128xf32>, vector<400x128xf32> -> vector<400x128xf32>
    %add3A_201 = arith.addf %add3A_166, %dot_general3A_200 : vector<400x128xf32>
    %get3A_202 = arith.constant 0 : index
    %get3A_203 = arith.constant 3 : index
    %get3A_204 = vector.load %arg2[%get3A_202, %get3A_203] : memref<400x4xf32, #tpu.memory_space<vmem>>, vector<400x1xf32>
    %add3A_205 = arith.constant 1.000000e-16 : f32
    %add3A_206 = vector.broadcast %add3A_205 : f32 to vector<400x1xf32>
    %add3A_207 = arith.addf %get3A_204, %add3A_206 : vector<400x1xf32>
    %get3A_208 = arith.constant 6 : index
    %get3A_209 = arith.constant 0 : index
    %get3A_210 = arith.constant 0 : index
    %get3A_211 = vector.load %arg1[%get3A_208, %get3A_209, %get3A_210] : memref<8x400x128xf32, #tpu.memory_space<vmem>>, vector<1x400x128xf32>
    %get3A_212 = vector.shape_cast %get3A_211 : vector<1x400x128xf32> to vector<400x128xf32>
    %div3A_213 = vector.broadcast %add3A_207 : vector<400x1xf32> to vector<400x128xf32>
    %div3A_214 = arith.divf %get3A_212, %div3A_213 : vector<400x128xf32>
    %get3A_215 = arith.constant 0 : index
    %get3A_216 = arith.constant 768 : index
    %get3A_217 = vector.load %arg3[%get3A_215, %get3A_216] : memref<1x1024xf32, #tpu.memory_space<vmem>>, vector<1x128xf32>
    %add3A_218 = vector.broadcast %get3A_217 : vector<1x128xf32> to vector<400x128xf32>
    %add3A_219 = arith.addf %div3A_214, %add3A_218 : vector<400x128xf32>
    %gt3A_220 = arith.constant 0.000000e+00 : f32
    %gt3A_221 = vector.broadcast %gt3A_220 : f32 to vector<400x128xf32>
    %gt3A_222 = arith.cmpf ogt, %add3A_219, %gt3A_221 : vector<400x128xf32>
    %min3A_223 = arith.constant 0.000000e+00 : f32
    %min3A_224 = vector.broadcast %min3A_223 : f32 to vector<400x128xf32>
    %min3A_225 = arith.minimumf %add3A_219, %min3A_224 : vector<400x128xf32>
    %exp3A_226 = math.exp %min3A_225 : vector<400x128xf32>
    %sub3A_227 = arith.constant 1.000000e+00 : f32
    %sub3A_228 = vector.broadcast %sub3A_227 : f32 to vector<400x128xf32>
    %sub3A_229 = arith.subf %exp3A_226, %sub3A_228 : vector<400x128xf32>
    %select_n3A_230 = arith.select %gt3A_222, %add3A_219, %sub3A_229 : vector<400x128xi1>, vector<400x128xf32>
    %get3A_231 = arith.constant 768 : index
    %get3A_232 = arith.constant 0 : index
    %get3A_233 = vector.load %arg4[%get3A_231, %get3A_232] : memref<1024x128xf32, #tpu.memory_space<vmem>>, vector<128x128xf32>
    %dot_general3A_234 = arith.constant dense<0.000000e+00> : vector<400x128xf32>
    %dot_general3A_235 = tpu.matmul %select_n3A_230, %get3A_233, %dot_general3A_234 {dimension_numbers = #tpu.dot_dimension_numbers<[1], [0], [0], [1], [0, 0, 1, 1], [], []>, transpose_lhs_hint = false} : vector<400x128xf32>, vector<128x128xf32>, vector<400x128xf32> -> vector<400x128xf32>
    %add3A_236 = arith.addf %add3A_201, %dot_general3A_235 : vector<400x128xf32>
    %get3A_237 = arith.constant 0 : index
    %get3A_238 = arith.constant 3 : index
    %get3A_239 = vector.load %arg2[%get3A_237, %get3A_238] : memref<400x4xf32, #tpu.memory_space<vmem>>, vector<400x1xf32>
    %add3A_240 = arith.constant 1.000000e-16 : f32
    %add3A_241 = vector.broadcast %add3A_240 : f32 to vector<400x1xf32>
    %add3A_242 = arith.addf %get3A_239, %add3A_241 : vector<400x1xf32>
    %get3A_243 = arith.constant 7 : index
    %get3A_244 = arith.constant 0 : index
    %get3A_245 = arith.constant 0 : index
    %get3A_246 = vector.load %arg1[%get3A_243, %get3A_244, %get3A_245] : memref<8x400x128xf32, #tpu.memory_space<vmem>>, vector<1x400x128xf32>
    %get3A_247 = vector.shape_cast %get3A_246 : vector<1x400x128xf32> to vector<400x128xf32>
    %div3A_248 = vector.broadcast %add3A_242 : vector<400x1xf32> to vector<400x128xf32>
    %div3A_249 = arith.divf %get3A_247, %div3A_248 : vector<400x128xf32>
    %get3A_250 = arith.constant 0 : index
    %get3A_251 = arith.constant 896 : index
    %get3A_252 = vector.load %arg3[%get3A_250, %get3A_251] : memref<1x1024xf32, #tpu.memory_space<vmem>>, vector<1x128xf32>
    %add3A_253 = vector.broadcast %get3A_252 : vector<1x128xf32> to vector<400x128xf32>
    %add3A_254 = arith.addf %div3A_249, %add3A_253 : vector<400x128xf32>
    %gt3A_255 = arith.constant 0.000000e+00 : f32
    %gt3A_256 = vector.broadcast %gt3A_255 : f32 to vector<400x128xf32>
    %gt3A_257 = arith.cmpf ogt, %add3A_254, %gt3A_256 : vector<400x128xf32>
    %min3A_258 = arith.constant 0.000000e+00 : f32
    %min3A_259 = vector.broadcast %min3A_258 : f32 to vector<400x128xf32>
    %min3A_260 = arith.minimumf %add3A_254, %min3A_259 : vector<400x128xf32>
    %exp3A_261 = math.exp %min3A_260 : vector<400x128xf32>
    %sub3A_262 = arith.constant 1.000000e+00 : f32
    %sub3A_263 = vector.broadcast %sub3A_262 : f32 to vector<400x128xf32>
    %sub3A_264 = arith.subf %exp3A_261, %sub3A_263 : vector<400x128xf32>
    %select_n3A_265 = arith.select %gt3A_257, %add3A_254, %sub3A_264 : vector<400x128xi1>, vector<400x128xf32>
    %get3A_266 = arith.constant 896 : index
    %get3A_267 = arith.constant 0 : index
    %get3A_268 = vector.load %arg4[%get3A_266, %get3A_267] : memref<1024x128xf32, #tpu.memory_space<vmem>>, vector<128x128xf32>
    %dot_general3A_269 = arith.constant dense<0.000000e+00> : vector<400x128xf32>
    %dot_general3A_270 = tpu.matmul %select_n3A_265, %get3A_268, %dot_general3A_269 {dimension_numbers = #tpu.dot_dimension_numbers<[1], [0], [0], [1], [0, 0, 1, 1], [], []>, transpose_lhs_hint = false} : vector<400x128xf32>, vector<128x128xf32>, vector<400x128xf32> -> vector<400x128xf32>
    %add3A_271 = arith.addf %add3A_236, %dot_general3A_270 : vector<400x128xf32>
    %swap3A = arith.constant 0 : index
    %swap3A_272 = arith.constant 0 : index
    %swap3A_273 = vector.load %arg6[%swap3A, %swap3A_272] : memref<400x128xf32, #tpu.memory_space<vmem>>, vector<400x128xf32>
    tpu.vector_store %arg6[%swap3A, %swap3A_272], %add3A_271 {strides = array<i32>} : memref<400x128xf32, #tpu.memory_space<vmem>>, vector<400x128xf32>,
    %get3A_274 = arith.constant 0 : index
    %get3A_275 = arith.constant 0 : index
    %get3A_276 = vector.load %arg5[%get3A_274, %get3A_275] : memref<128x2xf32, #tpu.memory_space<vmem>>, vector<128x2xf32>
    %dot_general3A_277 = arith.constant dense<0.000000e+00> : vector<400x2xf32>
    %dot_general3A_278 = tpu.matmul %add3A_271, %get3A_276, %dot_general3A_277 {dimension_numbers = #tpu.dot_dimension_numbers<[1], [0], [0], [1], [0, 0, 1, 1], [], []>, transpose_lhs_hint = false} : vector<400x128xf32>, vector<128x2xf32>, vector<400x2xf32> -> vector<400x2xf32>
    %swap3A_279 = arith.constant 0 : index
    %swap3A_280 = arith.constant 0 : index
    %swap3A_281 = vector.load %arg7[%swap3A_279, %swap3A_280] : memref<400x2xf32, #tpu.memory_space<vmem>>, vector<400x2xf32>
    tpu.vector_store %arg7[%swap3A_279, %swap3A_280], %dot_general3A_278 {strides = array<i32>} : memref<400x2xf32, #tpu.memory_space<vmem>>, vector<400x2xf32>,
    return
  }
  func.func @transform_0(%arg0: i32) -> (i32, i32, i32) {
    %c0_i32 = arith.constant 0 : i32
    %c0_i32_0 = arith.constant 0 : i32
    %c0_i32_1 = arith.constant 0 : i32
    return %c0_i32, %arg0, %c0_i32_0 : i32, i32, i32
  }
  func.func @transform_1(%arg0: i32) -> (i32, i32) {
    %c0_i32 = arith.constant 0 : i32
    %c0_i32_0 = arith.constant 0 : i32
    return %arg0, %c0_i32 : i32, i32
  }
  func.func @transform_2(%arg0: i32) -> (i32, i32) {
    %c0_i32 = arith.constant 0 : i32
    %c0_i32_0 = arith.constant 0 : i32
    %c0_i32_1 = arith.constant 0 : i32
    return %c0_i32, %c0_i32_0 : i32, i32
  }
  func.func @transform_3(%arg0: i32) -> (i32, i32) {
    %c0_i32 = arith.constant 0 : i32
    %c0_i32_0 = arith.constant 0 : i32
    %c0_i32_1 = arith.constant 0 : i32
    return %c0_i32, %c0_i32_0 : i32, i32
  }
  func.func @transform_4(%arg0: i32) -> (i32, i32) {
    %c0_i32 = arith.constant 0 : i32
    %c0_i32_0 = arith.constant 0 : i32
    %c0_i32_1 = arith.constant 0 : i32
    return %c0_i32, %c0_i32_0 : i32, i32
  }
  func.func @transform_5(%arg0: i32) -> (i32, i32) {
    %c0_i32 = arith.constant 0 : i32
    %c0_i32_0 = arith.constant 0 : i32
    return %arg0, %c0_i32 : i32, i32
  }
  func.func @transform_6(%arg0: i32) -> (i32, i32) {
    %c0_i32 = arith.constant 0 : i32
    %c0_i32_0 = arith.constant 0 : i32
    return %arg0, %c0_i32 : i32, i32
  }
}

module attributes {stable_mosaic.version = 14 : i64} {
  func.func @_tc3_body(%arg0: i32, %arg1: memref<2x400x128xf32, #tpu.memory_space<vmem>>, %arg2: memref<400x2xf32, #tpu.memory_space<vmem>>, %arg3: memref<1x128xf32, #tpu.memory_space<vmem>>, %arg4: memref<256x256xf32, #tpu.memory_space<vmem>>, %arg5: memref<400x256xf32, #tpu.memory_space<vmem>>, %arg6: memref<400x256xf32, #tpu.memory_space<vmem>>) attributes {dimension_semantics = [#tpu.dimension_semantics<arbitrary>], iteration_bounds = array<i64: 25>, scalar_prefetch = 0 : i64, scratch_operands = 0 : i64, tpu.core_type = #tpu.core_type<tc>, window_params = [{transform_indices = @transform_0, window_bounds = array<i64: 2, 400, 128>}, {transform_indices = @transform_1, window_bounds = array<i64: 400, 2>}, {pipeline_mode = #tpu.pipeline_mode<synchronous>, transform_indices = @transform_2, window_bounds = array<i64: 1, 128>}, {pipeline_mode = #tpu.pipeline_mode<synchronous>, transform_indices = @transform_3, window_bounds = array<i64: 256, 256>}, {transform_indices = @transform_4, window_bounds = array<i64: 400, 256>}, {transform_indices = @transform_5, window_bounds = array<i64: 400, 256>}]} {
    %get3A = arith.constant 0 : index
    %get3A_0 = arith.constant 0 : index
    %get3A_1 = vector.load %arg2[%get3A, %get3A_0] : memref<400x2xf32, #tpu.memory_space<vmem>>, vector<400x1xf32>
    %get3A_2 = arith.constant 0 : index
    %get3A_3 = arith.constant 1 : index
    %get3A_4 = vector.load %arg2[%get3A_2, %get3A_3] : memref<400x2xf32, #tpu.memory_space<vmem>>, vector<400x1xf32>
    %add3A = arith.addf %get3A_1, %get3A_4 : vector<400x1xf32>
    %add3A_5 = arith.constant 1.000000e-16 : f32
    %add3A_6 = vector.broadcast %add3A_5 : f32 to vector<400x1xf32>
    %add3A_7 = arith.addf %add3A, %add3A_6 : vector<400x1xf32>
    %get3A_8 = arith.constant 0 : index
    %get3A_9 = arith.constant 0 : index
    %get3A_10 = arith.constant 0 : index
    %get3A_11 = vector.load %arg1[%get3A_8, %get3A_9, %get3A_10] : memref<2x400x128xf32, #tpu.memory_space<vmem>>, vector<1x400x128xf32>
    %get3A_12 = vector.shape_cast %get3A_11 : vector<1x400x128xf32> to vector<400x128xf32>
    %get3A_13 = arith.constant 1 : index
    %get3A_14 = arith.constant 0 : index
    %get3A_15 = arith.constant 0 : index
    %get3A_16 = vector.load %arg1[%get3A_13, %get3A_14, %get3A_15] : memref<2x400x128xf32, #tpu.memory_space<vmem>>, vector<1x400x128xf32>
    %get3A_17 = vector.shape_cast %get3A_16 : vector<1x400x128xf32> to vector<400x128xf32>
    %add3A_18 = arith.addf %get3A_12, %get3A_17 : vector<400x128xf32>
    %div3A = vector.broadcast %add3A_7 : vector<400x1xf32> to vector<400x128xf32>
    %div3A_19 = arith.divf %add3A_18, %div3A : vector<400x128xf32>
    %get3A_20 = arith.constant 0 : index
    %get3A_21 = arith.constant 0 : index
    %get3A_22 = vector.load %arg3[%get3A_20, %get3A_21] : memref<1x128xf32, #tpu.memory_space<vmem>>, vector<1x128xf32>
    %add3A_23 = vector.broadcast %get3A_22 : vector<1x128xf32> to vector<400x128xf32>
    %add3A_24 = arith.addf %div3A_19, %add3A_23 : vector<400x128xf32>
    %get3A_25 = arith.constant 0 : index
    %get3A_26 = arith.constant 0 : index
    %get3A_27 = vector.load %arg4[%get3A_25, %get3A_26] : memref<256x256xf32, #tpu.memory_space<vmem>>, vector<128x256xf32>
    %dot_general3A = arith.constant dense<0.000000e+00> : vector<400x256xf32>
    %dot_general3A_28 = tpu.matmul %add3A_24, %get3A_27, %dot_general3A {dimension_numbers = #tpu.dot_dimension_numbers<[1], [0], [0], [1], [0, 0, 1, 1], [], []>, transpose_lhs_hint = false} : vector<400x128xf32>, vector<128x256xf32>, vector<400x256xf32> -> vector<400x256xf32>
    %swap3A = arith.constant 0 : index
    %swap3A_29 = arith.constant 0 : index
    %swap3A_30 = vector.load %arg5[%swap3A, %swap3A_29] : memref<400x256xf32, #tpu.memory_space<vmem>>, vector<400x256xf32>
    tpu.vector_store %arg5[%swap3A, %swap3A_29], %dot_general3A_28 {strides = array<i32>} : memref<400x256xf32, #tpu.memory_space<vmem>>, vector<400x256xf32>,
    %get3A_31 = arith.constant 128 : index
    %get3A_32 = arith.constant 0 : index
    %get3A_33 = vector.load %arg4[%get3A_31, %get3A_32] : memref<256x256xf32, #tpu.memory_space<vmem>>, vector<128x256xf32>
    %dot_general3A_34 = arith.constant dense<0.000000e+00> : vector<400x256xf32>
    %dot_general3A_35 = tpu.matmul %add3A_24, %get3A_33, %dot_general3A_34 {dimension_numbers = #tpu.dot_dimension_numbers<[1], [0], [0], [1], [0, 0, 1, 1], [], []>, transpose_lhs_hint = false} : vector<400x128xf32>, vector<128x256xf32>, vector<400x256xf32> -> vector<400x256xf32>
    %swap3A_36 = arith.constant 0 : index
    %swap3A_37 = arith.constant 0 : index
    %swap3A_38 = vector.load %arg6[%swap3A_36, %swap3A_37] : memref<400x256xf32, #tpu.memory_space<vmem>>, vector<400x256xf32>
    tpu.vector_store %arg6[%swap3A_36, %swap3A_37], %dot_general3A_35 {strides = array<i32>} : memref<400x256xf32, #tpu.memory_space<vmem>>, vector<400x256xf32>,
    return
  }
  func.func @transform_0(%arg0: i32) -> (i32, i32, i32) {
    %c0_i32 = arith.constant 0 : i32
    %c0_i32_0 = arith.constant 0 : i32
    %c0_i32_1 = arith.constant 0 : i32
    return %c0_i32, %arg0, %c0_i32_0 : i32, i32, i32
  }
  func.func @transform_1(%arg0: i32) -> (i32, i32) {
    %c0_i32 = arith.constant 0 : i32
    %c0_i32_0 = arith.constant 0 : i32
    return %arg0, %c0_i32 : i32, i32
  }
  func.func @transform_2(%arg0: i32) -> (i32, i32) {
    %c0_i32 = arith.constant 0 : i32
    %c0_i32_0 = arith.constant 0 : i32
    %c0_i32_1 = arith.constant 0 : i32
    return %c0_i32, %c0_i32_0 : i32, i32
  }
  func.func @transform_3(%arg0: i32) -> (i32, i32) {
    %c0_i32 = arith.constant 0 : i32
    %c0_i32_0 = arith.constant 0 : i32
    %c0_i32_1 = arith.constant 0 : i32
    return %c0_i32, %c0_i32_0 : i32, i32
  }
  func.func @transform_4(%arg0: i32) -> (i32, i32) {
    %c0_i32 = arith.constant 0 : i32
    %c0_i32_0 = arith.constant 0 : i32
    return %arg0, %c0_i32 : i32, i32
  }
  func.func @transform_5(%arg0: i32) -> (i32, i32) {
    %c0_i32 = arith.constant 0 : i32
    %c0_i32_0 = arith.constant 0 : i32
    return %arg0, %c0_i32 : i32, i32
  }
}

module attributes {stable_mosaic.version = 14 : i64} {
  func.func @_tc4_body(%arg0: i32, %arg1: memref<1024x256xf32, #tpu.memory_space<vmem>>, %arg2: memref<1x256xf32, #tpu.memory_space<vmem>>, %arg3: memref<1x256xf32, #tpu.memory_space<vmem>>, %arg4: memref<1x256xf32, #tpu.memory_space<vmem>>, %arg5: memref<256x32xf32, #tpu.memory_space<vmem>>, %arg6: memref<1x32xf32, #tpu.memory_space<vmem>>, %arg7: memref<1x32xf32, #tpu.memory_space<vmem>>, %arg8: memref<1x32xf32, #tpu.memory_space<vmem>>, %arg9: memref<32x1xf32, #tpu.memory_space<vmem>>, %arg10: memref<1x1xf32, #tpu.memory_space<vmem>>, %arg11: memref<1024x1xf32, #tpu.memory_space<vmem>>) attributes {dimension_semantics = [#tpu.dimension_semantics<arbitrary>], iteration_bounds = array<i64: 64>, scalar_prefetch = 0 : i64, scratch_operands = 0 : i64, tpu.core_type = #tpu.core_type<tc>, window_params = [{transform_indices = @transform_0, window_bounds = array<i64: 1024, 256>}, {pipeline_mode = #tpu.pipeline_mode<synchronous>, transform_indices = @transform_1, window_bounds = array<i64: 1, 256>}, {pipeline_mode = #tpu.pipeline_mode<synchronous>, transform_indices = @transform_2, window_bounds = array<i64: 1, 256>}, {pipeline_mode = #tpu.pipeline_mode<synchronous>, transform_indices = @transform_3, window_bounds = array<i64: 1, 256>}, {pipeline_mode = #tpu.pipeline_mode<synchronous>, transform_indices = @transform_4, window_bounds = array<i64: 256, 32>}, {pipeline_mode = #tpu.pipeline_mode<synchronous>, transform_indices = @transform_5, window_bounds = array<i64: 1, 32>}, {pipeline_mode = #tpu.pipeline_mode<synchronous>, transform_indices = @transform_6, window_bounds = array<i64: 1, 32>}, {pipeline_mode = #tpu.pipeline_mode<synchronous>, transform_indices = @transform_7, window_bounds = array<i64: 1, 32>}, {pipeline_mode = #tpu.pipeline_mode<synchronous>, transform_indices = @transform_8, window_bounds = array<i64: 32, 1>}, {pipeline_mode = #tpu.pipeline_mode<synchronous>, transform_indices = @transform_9, window_bounds = array<i64: 1, 1>}, {transform_indices = @transform_10, window_bounds = array<i64: 1024, 1>}]} {
    %get3A = arith.constant 0 : index
    %get3A_0 = arith.constant 0 : index
    %get3A_1 = vector.load %arg1[%get3A, %get3A_0] : memref<1024x256xf32, #tpu.memory_space<vmem>>, vector<1024x256xf32>
    %get3A_2 = arith.constant 0 : index
    %get3A_3 = arith.constant 0 : index
    %get3A_4 = vector.load %arg2[%get3A_2, %get3A_3] : memref<1x256xf32, #tpu.memory_space<vmem>>, vector<1x256xf32>
    %add3A = vector.broadcast %get3A_4 : vector<1x256xf32> to vector<1024x256xf32>
    %add3A_5 = arith.addf %get3A_1, %add3A : vector<1024x256xf32>
    %get3A_6 = arith.constant 0 : index
    %get3A_7 = arith.constant 0 : index
    %get3A_8 = vector.load %arg3[%get3A_6, %get3A_7] : memref<1x256xf32, #tpu.memory_space<vmem>>, vector<1x256xf32>
    %mul3A = vector.broadcast %get3A_8 : vector<1x256xf32> to vector<1024x256xf32>
    %mul3A_9 = arith.mulf %add3A_5, %mul3A : vector<1024x256xf32>
    %get3A_10 = arith.constant 0 : index
    %get3A_11 = arith.constant 0 : index
    %get3A_12 = vector.load %arg4[%get3A_10, %get3A_11] : memref<1x256xf32, #tpu.memory_space<vmem>>, vector<1x256xf32>
    %add3A_13 = vector.broadcast %get3A_12 : vector<1x256xf32> to vector<1024x256xf32>
    %add3A_14 = arith.addf %mul3A_9, %add3A_13 : vector<1024x256xf32>
    %max3A = arith.constant 0.000000e+00 : f32
    %max3A_15 = vector.broadcast %max3A : f32 to vector<1024x256xf32>
    %max3A_16 = arith.maximumf %add3A_14, %max3A_15 : vector<1024x256xf32>
    %get3A_17 = arith.constant 0 : index
    %get3A_18 = arith.constant 0 : index
    %get3A_19 = vector.load %arg5[%get3A_17, %get3A_18] : memref<256x32xf32, #tpu.memory_space<vmem>>, vector<256x32xf32>
    %dot_general3A = arith.constant dense<0.000000e+00> : vector<1024x32xf32>
    %dot_general3A_20 = tpu.matmul %max3A_16, %get3A_19, %dot_general3A {dimension_numbers = #tpu.dot_dimension_numbers<[1], [0], [0], [1], [0, 0, 1, 1], [], []>, transpose_lhs_hint = false} : vector<1024x256xf32>, vector<256x32xf32>, vector<1024x32xf32> -> vector<1024x32xf32>
    %get3A_21 = arith.constant 0 : index
    %get3A_22 = arith.constant 0 : index
    %get3A_23 = vector.load %arg6[%get3A_21, %get3A_22] : memref<1x32xf32, #tpu.memory_space<vmem>>, vector<1x32xf32>
    %add3A_24 = vector.broadcast %get3A_23 : vector<1x32xf32> to vector<1024x32xf32>
    %add3A_25 = arith.addf %dot_general3A_20, %add3A_24 : vector<1024x32xf32>
    %get3A_26 = arith.constant 0 : index
    %get3A_27 = arith.constant 0 : index
    %get3A_28 = vector.load %arg7[%get3A_26, %get3A_27] : memref<1x32xf32, #tpu.memory_space<vmem>>, vector<1x32xf32>
    %mul3A_29 = vector.broadcast %get3A_28 : vector<1x32xf32> to vector<1024x32xf32>
    %mul3A_30 = arith.mulf %add3A_25, %mul3A_29 : vector<1024x32xf32>
    %get3A_31 = arith.constant 0 : index
    %get3A_32 = arith.constant 0 : index
    %get3A_33 = vector.load %arg8[%get3A_31, %get3A_32] : memref<1x32xf32, #tpu.memory_space<vmem>>, vector<1x32xf32>
    %add3A_34 = vector.broadcast %get3A_33 : vector<1x32xf32> to vector<1024x32xf32>
    %add3A_35 = arith.addf %mul3A_30, %add3A_34 : vector<1024x32xf32>
    %max3A_36 = arith.constant 0.000000e+00 : f32
    %max3A_37 = vector.broadcast %max3A_36 : f32 to vector<1024x32xf32>
    %max3A_38 = arith.maximumf %add3A_35, %max3A_37 : vector<1024x32xf32>
    %get3A_39 = arith.constant 0 : index
    %get3A_40 = arith.constant 0 : index
    %get3A_41 = vector.load %arg9[%get3A_39, %get3A_40] : memref<32x1xf32, #tpu.memory_space<vmem>>, vector<32x1xf32>
    %dot_general3A_42 = arith.constant dense<0.000000e+00> : vector<1024x1xf32>
    %dot_general3A_43 = tpu.matmul %max3A_38, %get3A_41, %dot_general3A_42 {dimension_numbers = #tpu.dot_dimension_numbers<[1], [0], [0], [1], [0, 0, 1, 1], [], []>, transpose_lhs_hint = false} : vector<1024x32xf32>, vector<32x1xf32>, vector<1024x1xf32> -> vector<1024x1xf32>
    %get3A_44 = arith.constant 0 : index
    %get3A_45 = arith.constant 0 : index
    %get3A_46 = vector.load %arg10[%get3A_44, %get3A_45] : memref<1x1xf32, #tpu.memory_space<vmem>>, vector<1x1xf32>
    %add3A_47 = vector.broadcast %get3A_46 : vector<1x1xf32> to vector<1024x1xf32>
    %add3A_48 = arith.addf %dot_general3A_43, %add3A_47 : vector<1024x1xf32>
    %swap3A = arith.constant 0 : index
    %swap3A_49 = arith.constant 0 : index
    %swap3A_50 = vector.load %arg11[%swap3A, %swap3A_49] : memref<1024x1xf32, #tpu.memory_space<vmem>>, vector<1024x1xf32>
    tpu.vector_store %arg11[%swap3A, %swap3A_49], %add3A_48 {strides = array<i32>} : memref<1024x1xf32, #tpu.memory_space<vmem>>, vector<1024x1xf32>,
    return
  }
  func.func @transform_0(%arg0: i32) -> (i32, i32) {
    %c0_i32 = arith.constant 0 : i32
    %c0_i32_0 = arith.constant 0 : i32
    return %arg0, %c0_i32 : i32, i32
  }
  func.func @transform_1(%arg0: i32) -> (i32, i32) {
    %c0_i32 = arith.constant 0 : i32
    %c0_i32_0 = arith.constant 0 : i32
    %c0_i32_1 = arith.constant 0 : i32
    return %c0_i32, %c0_i32_0 : i32, i32
  }
  func.func @transform_2(%arg0: i32) -> (i32, i32) {
    %c0_i32 = arith.constant 0 : i32
    %c0_i32_0 = arith.constant 0 : i32
    %c0_i32_1 = arith.constant 0 : i32
    return %c0_i32, %c0_i32_0 : i32, i32
  }
  func.func @transform_3(%arg0: i32) -> (i32, i32) {
    %c0_i32 = arith.constant 0 : i32
    %c0_i32_0 = arith.constant 0 : i32
    %c0_i32_1 = arith.constant 0 : i32
    return %c0_i32, %c0_i32_0 : i32, i32
  }
  func.func @transform_4(%arg0: i32) -> (i32, i32) {
    %c0_i32 = arith.constant 0 : i32
    %c0_i32_0 = arith.constant 0 : i32
    %c0_i32_1 = arith.constant 0 : i32
    return %c0_i32, %c0_i32_0 : i32, i32
  }
  func.func @transform_5(%arg0: i32) -> (i32, i32) {
    %c0_i32 = arith.constant 0 : i32
    %c0_i32_0 = arith.constant 0 : i32
    %c0_i32_1 = arith.constant 0 : i32
    return %c0_i32, %c0_i32_0 : i32, i32
  }
  func.func @transform_6(%arg0: i32) -> (i32, i32) {
    %c0_i32 = arith.constant 0 : i32
    %c0_i32_0 = arith.constant 0 : i32
    %c0_i32_1 = arith.constant 0 : i32
    return %c0_i32, %c0_i32_0 : i32, i32
  }
  func.func @transform_7(%arg0: i32) -> (i32, i32) {
    %c0_i32 = arith.constant 0 : i32
    %c0_i32_0 = arith.constant 0 : i32
    %c0_i32_1 = arith.constant 0 : i32
    return %c0_i32, %c0_i32_0 : i32, i32
  }
  func.func @transform_8(%arg0: i32) -> (i32, i32) {
    %c0_i32 = arith.constant 0 : i32
    %c0_i32_0 = arith.constant 0 : i32
    %c0_i32_1 = arith.constant 0 : i32
    return %c0_i32, %c0_i32_0 : i32, i32
  }
  func.func @transform_9(%arg0: i32) -> (i32, i32) {
    %c0_i32 = arith.constant 0 : i32
    %c0_i32_0 = arith.constant 0 : i32
    %c0_i32_1 = arith.constant 0 : i32
    return %c0_i32, %c0_i32_0 : i32, i32
  }
  func.func @transform_10(%arg0: i32) -> (i32, i32) {
    %c0_i32 = arith.constant 0 : i32
    %c0_i32_0 = arith.constant 0 : i32
    return %arg0, %c0_i32 : i32, i32
  }
}

</mosaic_0001>

<sc_bundles>
// kernel: kernel.12.cloned.1.call-start
scs
__scs_entry_jumppad:
0x0: {  	(pc) =	sbr.rel $0x88, $3  }
0x1: {  	(tag) =	ssettag $0x0;
	lr =	simm.s32 $0x1  }
0x2: {  	[smem:$0x3F8C] =	sst lr;
	_ =	strace $0xD0000000  }
0x3: {  	_ = 	snop  }
0x4: {  	_ = 	snop  }
0x5: {  	_ = 	snop  }
0x6: {  	_ = 	snop  }
0x7: {  	_ = 	snop  }
__scs_overlays_trampoline_lowered:
0x8: {  	[smem:$0x3F9B] =	sst s0  }
0x9: {  	[smem:$0x3F9C] =	sst s1  }
0xa: {  	[smem:$0x3F9D] =	sst s2  }
0xb: {  	[smem:$0x3F9E] =	sst s3  }
0xc: {  	[smem:$0x3F9F] =	sst s4  }
0xd: {  	[smem:$0x3FA0] =	sst s5  }
0xe: {  	[smem:$0x3FA1] =	sst s6  }
0xf: {  	[smem:$0x3FA2] =	sst s7  }
0x10: {  	[smem:$0x3FA3] =	sst s8  }
0x11: {  	[smem:$0x3FA4] =	sst s9;
	s0 =	simm.s32 @!p0 $0x0  }
0x12: {  	s1 =	sld [smem:$0x3F8A];
	s0 =	simm.s32 @p0 $0x1  }
0x13: {  	[smem:$0x3FA5] =	sst s0;
	s0 =	simm.s32 @!p1 $0x0  }
0x14: {  	s2 =	sld [smem:$0x3F89];
	s0 =	simm.s32 @p1 $0x1  }
0x15: {  	[smem:$0x3FA6] =	sst s0;
	s0 =	simm.s32 @!p2 $0x0  }
0x16: {  	s3 =	sld [smem:$0x3FDB];
	s0 =	simm.s32 @p2 $0x1  }
0x17: {  	s4 =	simm.s32 $0x1BF5;
	[smem:$0x3FA8] =	sst s0  }
0x18: {  	s0 =	sld [smem:$0x3F8B];
	_ =	swait.ge [sflag:s4], $0x0  }
0x19: {  	s7 =	sld [smem:$0x3F8C]  }
0x1a: {  	s8 =	sadd.s32 $0xFFFFE003, lr  }
0x1b: {  	s9 =	sadd.s32 $0xFFFFFEF7, lr;
	s5 =	simm.s32 $0xFFFFFFFF;
	p2 =	slt.u32 s8, $0xFFFFF086  }
0x1c: {  	p1 =	slt.u32 s9, $0xF7A;
	s5 =	simm.s32 @!p2 $0x0  }
0x1d: {  	s5 =	simm.s32 @p1 $0x1;
	p0 =	seq.s32 s7, s2  }
0x1e: {  	s7 =	smul.u32 @!p0 $0xF7A, s2;
	p2 =	seq.s32 @!p0 s5, $0x0  }
0x1f: {  	s9 =	smul.u32 $0xF7A, s1;
	s8 =	simm.s32 @!p0 $0x1BF5;
	p2 =	por !p2, p0  }
0x20: {  	[sflag:s8] =	ssyncset.s32 @!p0 $0xFFFFF086;
	s6 =	sadd.s32 @!p0 s3, s7;
	s7 =	simm.s32 @!p0 $0x108  }
0x21: {  	s3 =	sadd.s32 s3, s9;
	s6 =	sadd.s32 @!p0 $0x88, s6;
	s7 =	simm.s32 @p2 $0x1082  }
0x22: {  	[simem:s7], [sflag:s8] =	dma.local @!p0 [hbm:s6], $0xF7A  }
0x23: {  	s9 =	sor.u32 $0xD0000000, s2;
	s6 =	simm.s32 $0x108;
	_ =	swait.ge @!p0 [sflag:s8], $0x0  }
0x24: {  	s3 =	sadd.s32 $0x88, s3;
	s6 =	simm.s32 @!p1 $0x1082;
	[sflag:s4] =	ssyncset.s32 $0xFFFFF086  }
0x25: {  	[simem:s6], [sflag:s4] =	dma.local [hbm:s3], $0xF7A  }
0x26: {  	[smem:$0x3F8C] =	sst s1;
	(tag) =	ssettag s2;
	_ =	strace s9  }
0x27: {  	s1 =	sld [smem:$0x3F9C]  }
0x28: {  	s2 =	sld [smem:$0x3F9D]  }
0x29: {  	s4 =	sld [smem:$0x3F9F]  }
0x2a: {  	p0 =	seq.s32 s5, $0x0;
	s5 =	sld [smem:$0x3FA0]  }
0x2b: {  	s6 =	sld [smem:$0x3FA1]  }
0x2c: {  	s7 =	sld [smem:$0x3FA2]  }
0x2d: {  	s3 =	simm.s32 $0x108;
	s8 =	sld [smem:$0x3FA3]  }
0x2e: {  	s3 =	simm.s32 @!p0 $0x1082;
	s9 =	sld [smem:$0x3FA4]  }
0x2f: {  	lr =	sadd.s32 s0, s3;
	s0 =	sld [smem:$0x3F9B]  }
0x30: {  	s3 =	sld [smem:$0x3F9E]  }
0x31: {  	[smem:$0x3FA7] =	sst s10  }
0x32: {  	s10 =	sld [smem:$0x3FA5];
	_ =	sdelay $0x3  }
0x33: {  	p0 =	seq.s32 s10, $0x1;
	s10 =	sld [smem:$0x3FA7];
	_ =	sdelay $0x3  }
0x34: {  	[smem:$0x3FA7] =	sst s10  }
0x35: {  	s10 =	sld [smem:$0x3FA6];
	_ =	sdelay $0x3  }
0x36: {  	p1 =	seq.s32 s10, $0x1;
	s10 =	sld [smem:$0x3FA7];
	_ =	sdelay $0x3  }
0x37: {  	[smem:$0x3FA7] =	sst s10  }
0x38: {  	s10 =	sld [smem:$0x3FA8]  }
0x39: {  	_ = 	snop;
	(pc) =	sbr.ind lr, $3  }
0x3a: {  	_ = 	snop  }
0x3b: {  	_ = 	snop  }
0x3c: {  	p2 =	seq.s32 s10, $0x1;
	s10 =	sld [smem:$0x3FA7]  }
0x3d: {  	_ =	shalt  }
0x3e: {  	_ =	shalt  }
0x3f: {  	_ =	shalt  }
0x40: {  	_ =	shalt  }
0x41: {  	_ =	shalt  }
0x42: {  	_ =	shalt  }
0x43: {  	_ =	shalt  }
0x44: {  	_ =	shalt  }
0x45: {  	_ =	shalt  }
0x46: {  	_ =	shalt  }
0x47: {  	_ =	shalt  }
0x48: {  	_ =	shalt  }
0x49: {  	_ =	shalt  }
0x4a: {  	_ =	shalt  }
0x4b: {  	_ =	shalt  }
0x4c: {  	_ =	shalt  }
0x4d: {  	_ =	shalt  }
0x4e: {  	_ =	shalt  }
0x4f: {  	_ =	shalt  }
0x50: {  	_ =	shalt  }
0x51: {  	_ =	shalt  }
0x52: {  	_ =	shalt  }
0x53: {  	_ =	shalt  }
0x54: {  	_ =	shalt  }
0x55: {  	_ =	shalt  }
0x56: {  	_ =	shalt  }
0x57: {  	_ =	shalt  }
0x58: {  	_ =	shalt  }
0x59: {  	_ =	shalt  }
0x5a: {  	_ =	shalt  }
0x5b: {  	_ =	shalt  }
0x5c: {  	_ =	shalt  }
0x5d: {  	_ =	shalt  }
0x5e: {  	_ =	shalt  }
0x5f: {  	_ =	shalt  }
0x60: {  	_ =	shalt  }
0x61: {  	_ =	shalt  }
0x62: {  	_ =	shalt  }
0x63: {  	_ =	shalt  }
0x64: {  	_ =	shalt  }
0x65: {  	_ =	shalt  }
0x66: {  	_ =	shalt  }
0x67: {  	_ =	shalt  }
0x68: {  	_ =	shalt  }
0x69: {  	_ =	shalt  }
0x6a: {  	_ =	shalt  }
0x6b: {  	_ =	shalt  }
0x6c: {  	_ =	shalt  }
0x6d: {  	_ =	shalt  }
0x6e: {  	_ =	shalt  }
0x6f: {  	_ =	shalt  }
0x70: {  	_ =	shalt  }
0x71: {  	_ =	shalt  }
0x72: {  	_ =	shalt  }
0x73: {  	_ =	shalt  }
0x74: {  	_ =	shalt  }
0x75: {  	_ =	shalt  }
0x76: {  	_ =	shalt  }
0x77: {  	_ =	shalt  }
0x78: {  	_ =	shalt  }
0x79: {  	_ =	shalt  }
0x7a: {  	_ =	shalt  }
0x7b: {  	_ =	shalt  }
0x7c: {  	_ =	shalt  }
0x7d: {  	_ =	shalt  }
0x7e: {  	_ =	shalt  }
0x7f: {  	_ =	shalt  }
0x80: {  	_ =	shalt  }
0x81: {  	_ =	shalt  }
0x82: {  	_ =	shalt  }
0x83: {  	_ =	shalt  }
0x84: {  	_ =	shalt  }
0x85: {  	_ =	shalt  }
0x86: {  	_ =	shalt  }
0x87: {  	_ =	shalt  }
.Lfunc_end0:
.L_simem_size_0:
called_computation.1_lowered:
.L_overlay_start_0:
0x88: {  	s2 =	sld [smem:$0x3FD9]  }
0x89: {  	s3 =	sld [smem:$0x3FFE];
	_ =	sdelay $0x1  }
0x8a: {  	s1 =	srdreg.scid  }
0x8b: {  	s0 =	sand.u32 $0x1, s1  }
0x8c: {  	s16 =	sshll.u32 s0, $0xA;
	s2 =	sadd.s32 s3, s2  }
0x8d: {  	s2 =	sadd.s32 s2, s16  }
0x8e: {  	[smem:$0x3FB3] =	sst s2  }
0x8f: {  	_ = 	snop  }
0x90: {  	(tm) =	ssettm $0x1  }
0x91: {  	s17 =	sld [smem:$0x3FFB];
	_ =	sdelay $0x3  }
0x92: {  	_ =	strace s17  }
0x93: {  	s2 =	sld [smem:$0x3FFC];
	_ =	sdelay $0x3  }
0x94: {  	_ =	strace s2  }
0x95: {  	s2 =	sld [smem:$0x3FFD];
	_ =	sdelay $0x3  }
0x96: {  	_ =	strace s2  }
0x97: {  	_ =	strace $0x8FFFFFFF  }
0x98: {  	s18 =	sld [smem:$0x3FDB];
	_ =	sdelay $0x1  }
0x99: {  	s19 =	simm.s32 $_scs_section_size  }
0x9a: {  	s4 =	simm.s32 $_size__tile_overlayer_lowered;
	s5 =	simm.s32 $_tile_overlayer_lowered  }
0x9b: {  	s22 =	simm.s32 $0x1BFF;
	s21 =	sshll.u32 s5, $0x1;
	s2 =	sadd.s32 s19, s18  }
0x9c: {  	s6 =	simm.s32 $0x0;
	s20 =	sshll.u32 s4, $0x1;
	s4 =	sadd.s32 s21, s2  }
0x9d: {  	[timem:s6], [sflag:s22] =	dma.local [hbm:s4], s20  }
0x9e: {  	_ =	swait.ge [sflag:s22], s20  }
0x9f: {  	s3 =	ssub.s32 $0x0, s20;
	[sflag:s22] =	ssyncset.done $0x0  }
0xa0: {  	[sflag:s22] =	ssyncadd.s32 s3;
	_ =	sdelay $0x1  }
0xa1: {  	s23 =	simm.s32 $0x1B8B  }
0xa2: {  	_ =	swait.ge [sflag:s23], $0x1  }
0xa3: {  	[sflag:s23] =	ssyncset.done $0x0  }
0xa4: {  	s25 =	simm.s32 $0x1B8E;
	s24 =	sld [smem:$0x3FFE];
	[sflag:s23] =	ssyncadd.s32 $0xFFFFFFFF  }
0xa5: {  	s26 =	simm.s32 $execute0_lowered;
	[smem:$0x3FD2] =	sst s25  }
0xa6: {  	s4 =	sshll.u32 s26, $0x1;
	_ =	strace $0x80000049;
	[dreg:$0x1] =	wrdreg $0xFFFFFFFF  }
0xa7: {  	s28 =	simm.s32 $_size_execute0_lowered;
	s2 =	sadd.s32 s2, s4;
	[dreg:$0x0] =	wrdreg $0x0  }
0xa8: {  	s4 =	sshll.u32 s28, $0x1;
	[dreg:$0x2] =	wrdreg s2  }
0xa9: {  	[dreg:$0x3] =	wrdreg s4  }
0xaa: {  	[dreg:$0x4] =	wrdreg $0xC0  }
0xab: {  	_ =	task [dreg:s6], $0x5FFFF  }
0xac: {  	[dreg:$0x1] =	wrdreg $0xFFFFFFFF  }
0xad: {  	[dreg:$0x0] =	wrdreg $0x60  }
0xae: {  	[dreg:$0x2] =	wrdreg s24  }
0xaf: {  	[dreg:$0x3] =	wrdreg $0xBF400  }
0xb0: {  	[dreg:$0x4] =	wrdreg $0x1F7C00  }
0xb1: {  	[dreg:$0x5] =	wrdreg $0x9  }
0xb2: {  	_ =	task.clear_ibuf [dreg:s6], $0x6FFFF;
	_ =	strace $0x90000049  }
0xb3: {  	s29 =	simm.s32 $0x9;
	_ =	strace $0x8000004B  }
0xb4: {  	_ =	swait.ge [sflag:s29], $0x1  }
0xb5: {  	[sflag:s29] =	ssyncadd.s32 $0xFFFFFFFF  }
0xb6: {  	_ =	strace $0x9000004B  }
0xb7: {  	_ =	sfence  }
0xb8: {  	s30 =	sld [smem:$0x0];
	_ =	sdelay $0x2  }
0xb9: {  	s31 =	sshll.u32 s1, $0xD;
	s1 =	sshrl.u32 s1, $0x2  }
0xba: {  	s3 =	sand.u32 $0x4000, s31;
	s1 =	sadd.s32 s1, s30  }
0xbb: {  	s0 =	sor.u32 s3, s0;
	s1 =	sshll.u32 s1, $0x11  }
0xbc: {  	s0 =	sor.u32 s1, s0  }
0xbd: {  	s0 =	sadd.s32 $0x8F2B, s0  }
0xbe: {  	[sflag:s0] =	ssyncadd.remote.s32 $0x1  }
0xbf: {  	_ =	sfence.sel $0xFFFF  }
0xc0: {  	[dreg:$0x0] =	wrdreg $0xFFFFFFFF;
	(pc) =	sbr.abs _section_cstart, $3  }
0xc1: {  	[dreg:$0x1] =	wrdreg $0xFFFFFFFF  }
0xc2: {  	_ =	task.clear_ibuf [dreg:s6], $0x2FFFF;
	_ =	strace $0x9FFFFFFF  }
0xc3: {  	(tm) =	ssettm $0x7FFFFFFF  }
tec
execute0_lowered:
.L_overlay_start_1:
0x0: {  	(tag) =	ssettag $0x1  }
0x1: {  	s0 =	rddreg [dreg:$0x0]  }
0x2: {  	s1 =	rddreg [dreg:$0x1]  }
0x3: {  	s3 =	rddreg [dreg:$0x2]  }
0x4: {  	s4 =	simm.s32 $0x0;
	s2 =	srdreg.scid;
	s14 =	stileid.u32  }
0x5: {  	s28 =	simm.s32 $0x1;
	s31 =	simm.s32 $0x50;
	s29 =	simm.s32 $0x7  }
0x6: {  	s30 =	simm.s32 $0x6;
	[smem:$0x7FF] =	sst s4;
	s2 =	sand.u32 $0x1, s2  }
0x7: {  	s7 =	smul.u32 $0x2710, s14;
	s5 =	sadd.s32 $0x3600, s0;
	s6 =	sadd.s32 $0x148400, s0  }
0x8: {  	s10 =	smul.u32 $0x280, s14;
	s8 =	sadd.s32 $0x2A800, s0;
	s12 =	sadd.s32 $0x152200, s0  }
0x9: {  	s16 =	smul.u32 $0x4E200, s14;
	_ =	strace $0x8000004A;
	[dreg:$0x4] =	wrdreg s8  }
0xa: {  	s26 =	sadd.s32 $0x154A00, s0;
	s9 =	smul.u32 $0x27100, s2;
	[dreg:$0x5] =	wrdreg s12  }
0xb: {  	s8 =	sadd.s32 $0x13E600, s0;
	s11 =	smul.u32 $0x2800, s2;
	[dreg:$0x6] =	wrdreg s26  }
0xc: {  	s15 =	sshll.u32 s2, $0x4;
	s2 =	ssub.s32 $0x2, s2;
	s26 =	sshll.u32 s14, $0x6  }
0xd: {  	s12 =	sshrl.u32 s16, $0x2;
	s7 =	sadd.s32 s7, s9;
	s13 =	sadd.s32 s10, s11  }
0xe: {  	s11 =	sor.u32 s14, s15;
	s17 =	sadd.s32 s12, s1;
	s10 =	sadd.s32 s10, s3  }
0xf: {  	s7 =	sadd.s32 s7, s0;
	s9 =	sshrl.u32 s13, $0x3;
	[dreg:$0x8] =	wrdreg s17  }
0x10: {  	s13 =	sshrl.u32 s2, $0x1;
	s11 =	smul.u32 $0x2710, s11;
	[dreg:$0x9] =	wrdreg s10  }
0x11: {  	s9 =	sadd.s32 s9, s0;
	s2 =	ssub.s32 s2, s13;
	s0 =	sadd.s32 $0x2ACE2, s0  }
0x12: {  	s23 =	sadd.s32 $0x2BC00, s7;
	[dreg:$0x7] =	wrdreg s0;
	s18 =	sshrl.u32 s11, $0x3  }
0x13: {  	[dreg:$0xe] =	wrdreg s23;
	s24 =	sadd.s32 $0x2B200, s9;
	s25 =	smax.u32 s2, $0x1  }
0x14: {  	s23 =	simm.s32 $0x2710;
	s2 =	simm.s32 $0x0;
	[dreg:$0xf] =	wrdreg s24  }
0x15: {  	s19 =	sadd.s32 s6, s18;
	s20 =	sadd.s32 $0xFA, s18;
	[dreg:$0x10] =	wrdreg s25  }
0x16: {  	s0 =	sadd.s32 s8, s18;
	s24 =	sor.u32 $0x1C09, s26;
	[dreg:$0xa] =	wrdreg s19  }
0x17: {  	s25 =	simm.s32 $0x6D60;
	[dreg:$0xb] =	wrdreg s0;
	s21 =	sadd.s32 s6, s20  }
0x18: {  	s26 =	simm.s32 $0x5;
	s22 =	sadd.s32 s8, s20;
	[dreg:$0xc] =	wrdreg s21  }
0x19: {  	s0 =	simm.s32 $0x8;
	[dreg:$0xd] =	wrdreg s22;
	s22 =	simm.s32 $0x9  }
.LBB2_1:
0x1a: {  	s7 =	rddreg [dreg:$0x4]  }
0x1b: {  	[tilespmem:s4], [sflag:$0x9] =	stream.linear.gather [hbm4b:s7+s4], $0x2710, $0x38;
	[tilespmem:$0x1FA40] =	vst v63  }
0x1c: {  	_ =	swait.ge [sflag:s22], $0x2710  }
0x1d: {  	[sflag:s22] =	ssyncset.done $0x0  }
0x1e: {  	s9 =	rddreg [dreg:$0x7];
	[sflag:s22] =	ssyncadd.s32 $0xFFFFD8F0  }
0x1f: {  	[tilespmem:s23], [sflag:$0x9] =	stream.linear.gather [hbm4b:s9+s4], $0x2710, $0x38;
	[tilespmem:$0x1FA40] =	vst v63  }
0x20: {  	_ =	swait.ge [sflag:s22], $0x2710  }
0x21: {  	[sflag:s22] =	ssyncset.done $0x0;
	s10 =	rddreg [dreg:$0x8]  }
0x22: {  	s9 =	rddreg [dreg:$0x5];
	[sflag:s22] =	ssyncadd.s32 $0xFFFFD8F0;
	s7 =	sshrl.u32 s10, $0x3  }
0x23: {  	[spmem:s7], [sflag:s24] =	dma.local [hbm:s9], $0x2710  }
0x24: {  	_ =	swait.ge [sflag:s22], $0x2710  }
0x25: {  	[sflag:s22] =	ssyncset.done $0x0;
	s12 =	rddreg [dreg:$0x9]  }
0x26: {  	s10 =	rddreg [dreg:$0x6];
	[sflag:s22] =	ssyncadd.s32 $0xFFFFD8F0;
	s9 =	sshrl.u32 s12, $0x3  }
0x27: {  	[spmem:s9], [sflag:s24] =	dma.local [hbm:s10], $0x50  }
0x28: {  	_ =	swait.ge [sflag:s22], $0x50  }
0x29: {  	[sflag:s22] =	ssyncset.done $0x0  }
0x2a: {  	[sflag:s22] =	ssyncadd.s32 $0xFFFFFFB0  }
0x2b: {  	[bflag:$0x0] =	sbarrier.arrive $0xFFFF  }
0x2c: {  	s12 =	simm.s32 $0x4E20;
	s13 =	rddreg [dreg:$0xa]  }
0x2d: {  	[tilespmem:s12], [sflag:$0x1] =	stream.linear.gather [hbm4b:s13+s4], $0x7D0, $0x38;
	[tilespmem:$0x1FA40] =	vst v63  }
0x2e: {  	s15 =	simm.s32 $0x5DC0;
	s14 =	rddreg [dreg:$0xb]  }
0x2f: {  	[tilespmem:s15], [sflag:$0x1] =	stream.linear.gather [hbm4b:s14+s4], $0x7D0, $0x38;
	[tilespmem:$0x1FA40] =	vst v63  }
0x30: {  	_ =	swait.ge [sflag:s28], $0x7D0  }
0x31: {  	[sflag:s28] =	ssyncset.done $0x0  }
0x32: {  	[sflag:s28] =	ssyncadd.s32 $0xFFFFF830  }
0x33: {  	_ =	swait.ge [sflag:s28], $0x7D0  }
0x34: {  	[sflag:s28] =	ssyncset.done $0x0  }
0x35: {  	s17 =	simm.s32 $0x55F0;
	s16 =	rddreg [dreg:$0xc];
	[sflag:s28] =	ssyncadd.s32 $0xFFFFF830  }
0x36: {  	[tilespmem:s17], [sflag:$0x2] =	stream.linear.gather [hbm4b:s16+s4], $0x7D0, $0x38;
	[tilespmem:$0x1FA40] =	vst v63  }
0x37: {  	s19 =	simm.s32 $0x6590;
	s18 =	rddreg [dreg:$0xd]  }
0x38: {  	[tilespmem:s19], [sflag:$0x2] =	stream.linear.gather [hbm4b:s18+s4], $0x7D0, $0x38;
	[tilespmem:$0x1FA40] =	vst v63  }
0x39: {  	v0 =	vld [tilespmem:$0x4E20]  }
0x3a: {  	v1 =	vld [tilespmem:$0x5DC0];
	_ =	sdelay $0x4  }
0x3b: {  	[tilespmem:$0x6E00] =	vst v0  }
0x3c: {  	[tilespmem:$0x6EA0] =	vst v1  }
0x3d: {  	v0 =	vld.idx.msk [tilespmem:v0+s4+$0x0], $0xffff  }
0x3e: {  	v1 =	vld.idx.msk [tilespmem:v1+s23+$0x0], $0xffff;
	_ =	sdelay $0x4  }
0x3f: {  	v0 =	vadd.f32 v1, v0;
	_ =	sdelay $0x1  }
0x40: {  	v1 =	vmul.f32 $2.000000030e-01, v0  }
0x41: {  	vm0 =	vgt.f32 v0, $0.0e+00  }
0x42: {  	v0 =	vsel vm0, v0, v1  }
0x43: {  	v0 =	vmul.f32 $1.442695020e+00, v0;
	_ =	sdelay $0x1  }
0x44: {  	(erf) = vpow2.f32 v0;
	_ =	sdelay $0x2  }
0x45: {  	v53 =	vld [tilespmem:$0x4E30]  }
0x46: {  	v54 =	vld [tilespmem:$0x5DD0];
	_ =	sdelay $0x3  }
0x47: {  	[tilespmem:$0x6E10] =	vst v53  }
0x48: {  	[tilespmem:$0x6EB0] =	vst v54;
	v2 =	vpop (erf)  }
0x49: {  	[tilespmem:$0x6D60] =	vst v2  }
0x4a: {  	v0 =	vld.idx.msk [tilespmem:v53+s4+$0x0], $0xffff  }
0x4b: {  	v1 =	vld.idx.msk [tilespmem:v54+s23+$0x0], $0xffff;
	_ =	sdelay $0x4  }
0x4c: {  	v0 =	vadd.f32 v1, v0;
	_ =	sdelay $0x1  }
0x4d: {  	v1 =	vmul.f32 $2.000000030e-01, v0  }
0x4e: {  	vm12 =	vgt.f32 v0, $0.0e+00  }
0x4f: {  	v0 =	vsel vm12, v0, v1  }
0x50: {  	v0 =	vmul.f32 $1.442695020e+00, v0;
	_ =	sdelay $0x1  }
0x51: {  	(erf) = vpow2.f32 v0;
	_ =	sdelay $0x2  }
0x52: {  	v55 =	vld [tilespmem:$0x4E40]  }
0x53: {  	v56 =	vld [tilespmem:$0x5DE0];
	_ =	sdelay $0x3  }
0x54: {  	[tilespmem:$0x6E20] =	vst v55  }
0x55: {  	[tilespmem:$0x6EC0] =	vst v56;
	v57 =	vpop (erf)  }
0x56: {  	[tilespmem:$0x6D70] =	vst v57  }
0x57: {  	v0 =	vld.idx.msk [tilespmem:v55+s4+$0x0], $0xffff  }
0x58: {  	v1 =	vld.idx.msk [tilespmem:v56+s23+$0x0], $0xffff;
	_ =	sdelay $0x4  }
0x59: {  	v0 =	vadd.f32 v1, v0;
	_ =	sdelay $0x1  }
0x5a: {  	v1 =	vmul.f32 $2.000000030e-01, v0  }
0x5b: {  	vm13 =	vgt.f32 v0, $0.0e+00  }
0x5c: {  	v0 =	vsel vm13, v0, v1  }
0x5d: {  	v0 =	vmul.f32 $1.442695020e+00, v0;
	_ =	sdelay $0x1  }
0x5e: {  	(erf) = vpow2.f32 v0;
	_ =	sdelay $0x2  }
0x5f: {  	v58 =	vld [tilespmem:$0x4E50]  }
0x60: {  	v59 =	vld [tilespmem:$0x5DF0];
	_ =	sdelay $0x3  }
0x61: {  	[tilespmem:$0x6E30] =	vst v58  }
0x62: {  	[tilespmem:$0x6ED0] =	vst v59;
	v60 =	vpop (erf)  }
0x63: {  	[tilespmem:$0x6D80] =	vst v60  }
0x64: {  	v0 =	vld.idx.msk [tilespmem:v58+s4+$0x0], $0xffff  }
0x65: {  	v1 =	vld.idx.msk [tilespmem:v59+s23+$0x0], $0xffff;
	_ =	sdelay $0x4  }
0x66: {  	v0 =	vadd.f32 v1, v0;
	_ =	sdelay $0x1  }
0x67: {  	v1 =	vmul.f32 $2.000000030e-01, v0  }
0x68: {  	vm14 =	vgt.f32 v0, $0.0e+00  }
0x69: {  	v0 =	vsel vm14, v0, v1  }
0x6a: {  	v0 =	vmul.f32 $1.442695020e+00, v0;
	_ =	sdelay $0x1  }
0x6b: {  	(erf) = vpow2.f32 v0;
	_ =	sdelay $0x2  }
0x6c: {  	v61 =	vld [tilespmem:$0x4E60]  }
0x6d: {  	v62 =	vld [tilespmem:$0x5E00];
	_ =	sdelay $0x3  }
0x6e: {  	[tilespmem:$0x6E40] =	vst v61  }
0x6f: {  	[tilespmem:$0x6EE0] =	vst v62;
	v63 =	vpop (erf)  }
0x70: {  	[tilespmem:$0x6D90] =	vst v63  }
0x71: {  	v0 =	vld.idx.msk [tilespmem:v61+s4+$0x0], $0xffff  }
0x72: {  	v1 =	vld.idx.msk [tilespmem:v62+s23+$0x0], $0xffff;
	_ =	sdelay $0x4  }
0x73: {  	v0 =	vadd.f32 v1, v0;
	_ =	sdelay $0x1  }
0x74: {  	v1 =	vmul.f32 $2.000000030e-01, v0  }
0x75: {  	vm15 =	vgt.f32 v0, $0.0e+00  }
0x76: {  	v0 =	vsel vm15, v0, v1  }
0x77: {  	v0 =	vmul.f32 $1.442695020e+00, v0;
	_ =	sdelay $0x1  }
0x78: {  	(erf) = vpow2.f32 v0;
	_ =	sdelay $0x8  }
0x79: {  	s20 =	simm.s32 $0x6E00;
	v0 =	vpop (erf)  }
0x7a: {  	s21 =	simm.s32 $0x6F40;
	p0 =	por $0x0, $0x0;
	s14 =	simm.s32 $0x0;
	[tilespmem:$0x6DA0] =	vst v0  }
0x7b: {  	[tilespmem:s21], [sflag:$0x3] =	stream.indirect.gather [hbm4b:s5+s31], $0x80, s20, s31, $0xb8;
	[tilespmem:$0x1FA40] =	vst v63  }
.LBB2_2:
0x7c: {  	p1 =	seq.s32 s14, $0x7C  }
.Ltmp0:
0x7d: {  	s10 =	sand.u32 $0x1, s14;
	(pc) =	sbr.rel @p1 .LBB2_9-.Ltmp0, $4  }
0x7e: {  	s13 =	sadd.s32 $0x3, s10  }
0x7f: {  	_ =	swait.ge [sflag:s13], $0x2800  }
0x80: {  	[sflag:s13] =	ssyncset.done $0x0  }
0x81: {  	s12 =	sadd.s32 $0x1, s14;
	[sflag:s13] =	ssyncadd.s32 $0xFFFFD800  }
0x82: {  	s13 =	smul.u32 $0x29, s12;
	_ =	sdelay $0x1  }
0x83: {  	s13 =	sshrl.u32 s13, $0xA  }
0x84: {  	s17 =	sand.u32 $0x3F, s13  }
0x85: {  	s13 =	smul.u32 $0x19, s17;
	_ =	sdelay $0x1  }
0x86: {  	s13 =	ssub.s32 s12, s13  }
0x87: {  	s15 =	sand.u32 $0xFF, s13  }
0x88: {  	p1 =	sne.s32 s15, $0x0  }
.Ltmp1:
0x89: {  	_ = 	snop;
	(pc) =	sbr.rel @p1 .LBB2_6-.Ltmp1, $2  }
0x8a: {  	_ =	sdelay $0x2  }
0x8b: {  	s16 =	sand.u32 $0x1, s17;
	s13 =	sand.u32 $0x1, s12  }
0x8c: {  	s18 =	sadd.s32 $0x1, s16  }
0x8d: {  	p1 =	sgt.u32 s14, $0x62;
	_ =	swait.ge [sflag:s18], $0x7D0  }
.Ltmp2:
0x8e: {  	[sflag:s18] =	ssyncset.done $0x0;
	(pc) =	sbr.rel @p1 .LBB2_7-.Ltmp2, $4  }
0x8f: {  	[sflag:s18] =	ssyncadd.s32 $0xFFFFF830  }
0x90: {  	_ =	swait.ge [sflag:s18], $0x7D0  }
0x91: {  	[sflag:s18] =	ssyncset.done $0x0  }
0x92: {  	[sflag:s18] =	ssyncadd.s32 $0xFFFFF830  }
0x93: {  	s17 =	sadd.s32 $0x1, s17  }
0x94: {  	s18 =	smul.u32 $0x7D0, s17  }
0x95: {  	s17 =	sand.u32 $0x1, s17  }
0x96: {  	s19 =	smul.u32 $0x7D0, s17;
	s18 =	sadd.s32 s11, s18  }
0x97: {  	s18 =	sshrl.u32 s18, $0x3  }
0x98: {  	s17 =	sadd.s32 $0x1, s17;
	s20 =	sadd.s32 $0x4E20, s19;
	s21 =	sadd.s32 s6, s18  }
0x99: {  	[tilespmem:s20], [sflag:s17] =	stream.linear.gather [hbm4b:s21+s4], $0x7D0, $0x38;
	[tilespmem:$0x1FA40] =	vst v63  }
0x9a: {  	s19 =	sadd.s32 $0x5DC0, s19;
	s18 =	sadd.s32 s8, s18  }
0x9b: {  	[tilespmem:s19], [sflag:s17] =	stream.linear.gather [hbm4b:s18+s4], $0x7D0, $0x38;
	[tilespmem:$0x1FA40] =	vst v63  }
.LBB2_6:
0x9c: {  	p1 =	seq.s32 s14, $0x0  }
.Ltmp3:
0x9d: {  	_ = 	snop;
	(pc) =	sbr.rel @p1 .LBB2_8-.Ltmp3, $1  }
0x9e: {  	_ =	sdelay $0x3  }
.LBB2_7:
0x9f: {  	s14 =	sadd.s32 $0x5, s13  }
0xa0: {  	_ =	swait.ge [sflag:s14], $0x2800  }
0xa1: {  	[sflag:s14] =	ssyncset.done $0x0  }
0xa2: {  	s21 =	sadd.s32 $0x7, s13;
	[sflag:s14] =	ssyncadd.s32 $0xFFFFD800  }
0xa3: {  	_ =	swait.ge [sflag:s21], $0x50  }
0xa4: {  	[sflag:s21] =	ssyncset.done $0x0  }
0xa5: {  	[sflag:s21] =	ssyncadd.s32 $0xFFFFFFB0  }
.LBB2_8:
0xa6: {  	p1 =	seq.s32 s16, $0x1;
	s14 =	smul.u32 $0x50, s15;
	s15 =	simm.s32 $0x7D0  }
0xa7: {  	s15 =	simm.s32 @!p1 $0x0  }
0xa8: {  	s15 =	sadd.s32 s14, s15  }
0xa9: {  	v0 =	vld [tilespmem:s15+$0x4E20]  }
0xaa: {  	v1 =	vld [tilespmem:s15+$0x5DC0];
	_ =	sdelay $0x2  }
0xab: {  	s17 =	smul.u32 $0x50, s13;
	_ =	sdelay $0x1  }
0xac: {  	[tilespmem:s17+$0x6E00] =	vst v0  }
0xad: {  	[tilespmem:s17+$0x6EA0] =	vst v1  }
0xae: {  	v0 =	vld.idx.msk [tilespmem:v0+s4+$0x0], $0xffff  }
0xaf: {  	v1 =	vld.idx.msk [tilespmem:v1+s23+$0x0], $0xffff;
	_ =	sdelay $0x4  }
0xb0: {  	v0 =	vadd.f32 v1, v0;
	_ =	sdelay $0x1  }
0xb1: {  	v1 =	vmul.f32 $2.000000030e-01, v0  }
0xb2: {  	vm0 =	vgt.f32 v0, $0.0e+00  }
0xb3: {  	v0 =	vsel vm0, v0, v1  }
0xb4: {  	v0 =	vmul.f32 $1.442695020e+00, v0;
	_ =	sdelay $0x1  }
0xb5: {  	(erf) = vpow2.f32 v0;
	_ =	sdelay $0x8  }
0xb6: {  	v0 =	vpop (erf)  }
0xb7: {  	[tilespmem:s17+$0x6D60] =	vst v0  }
0xb8: {  	v0 =	vld [tilespmem:s15+$0x4E30]  }
0xb9: {  	v60 =	vld [tilespmem:s15+$0x5DD0];
	_ =	sdelay $0x4  }
0xba: {  	[tilespmem:s17+$0x6E10] =	vst v0  }
0xbb: {  	[tilespmem:s17+$0x6EB0] =	vst v60  }
0xbc: {  	v0 =	vld.idx.msk [tilespmem:v0+s4+$0x0], $0xffff  }
0xbd: {  	v1 =	vld.idx.msk [tilespmem:v60+s23+$0x0], $0xffff;
	_ =	sdelay $0x4  }
0xbe: {  	v0 =	vadd.f32 v1, v0;
	_ =	sdelay $0x1  }
0xbf: {  	v1 =	vmul.f32 $2.000000030e-01, v0  }
0xc0: {  	vm12 =	vgt.f32 v0, $0.0e+00  }
0xc1: {  	v0 =	vsel vm12, v0, v1  }
0xc2: {  	v0 =	vmul.f32 $1.442695020e+00, v0;
	_ =	sdelay $0x1  }
0xc3: {  	(erf) = vpow2.f32 v0;
	_ =	sdelay $0x8  }
0xc4: {  	v0 =	vpop (erf)  }
0xc5: {  	[tilespmem:s17+$0x6D70] =	vst v0  }
0xc6: {  	v0 =	vld [tilespmem:s15+$0x4E40]  }
0xc7: {  	v61 =	vld [tilespmem:s15+$0x5DE0];
	_ =	sdelay $0x4  }
0xc8: {  	[tilespmem:s17+$0x6E20] =	vst v0  }
0xc9: {  	[tilespmem:s17+$0x6EC0] =	vst v61  }
0xca: {  	v0 =	vld.idx.msk [tilespmem:v0+s4+$0x0], $0xffff  }
0xcb: {  	v1 =	vld.idx.msk [tilespmem:v61+s23+$0x0], $0xffff;
	_ =	sdelay $0x4  }
0xcc: {  	v0 =	vadd.f32 v1, v0;
	_ =	sdelay $0x1  }
0xcd: {  	v1 =	vmul.f32 $2.000000030e-01, v0  }
0xce: {  	vm13 =	vgt.f32 v0, $0.0e+00  }
0xcf: {  	v0 =	vsel vm13, v0, v1  }
0xd0: {  	v0 =	vmul.f32 $1.442695020e+00, v0;
	_ =	sdelay $0x1  }
0xd1: {  	(erf) = vpow2.f32 v0;
	_ =	sdelay $0x8  }
0xd2: {  	v0 =	vpop (erf)  }
0xd3: {  	[tilespmem:s17+$0x6D80] =	vst v0  }
0xd4: {  	v0 =	vld [tilespmem:s15+$0x4E50]  }
0xd5: {  	v62 =	vld [tilespmem:s15+$0x5DF0];
	_ =	sdelay $0x4  }
0xd6: {  	[tilespmem:s17+$0x6E30] =	vst v0  }
0xd7: {  	[tilespmem:s17+$0x6ED0] =	vst v62  }
0xd8: {  	v0 =	vld.idx.msk [tilespmem:v0+s4+$0x0], $0xffff  }
0xd9: {  	v1 =	vld.idx.msk [tilespmem:v62+s23+$0x0], $0xffff;
	_ =	sdelay $0x4  }
0xda: {  	v0 =	vadd.f32 v1, v0;
	_ =	sdelay $0x1  }
0xdb: {  	v1 =	vmul.f32 $2.000000030e-01, v0  }
0xdc: {  	vm14 =	vgt.f32 v0, $0.0e+00  }
0xdd: {  	v0 =	vsel vm14, v0, v1  }
0xde: {  	v0 =	vmul.f32 $1.442695020e+00, v0;
	_ =	sdelay $0x1  }
0xdf: {  	(erf) = vpow2.f32 v0;
	_ =	sdelay $0x8  }
0xe0: {  	v0 =	vpop (erf)  }
0xe1: {  	[tilespmem:s17+$0x6D90] =	vst v0  }
0xe2: {  	v0 =	vld [tilespmem:s15+$0x4E60]  }
0xe3: {  	v63 =	vld [tilespmem:s15+$0x5E00];
	_ =	sdelay $0x4  }
0xe4: {  	[tilespmem:s17+$0x6E40] =	vst v0  }
0xe5: {  	[tilespmem:s17+$0x6EE0] =	vst v63  }
0xe6: {  	v0 =	vld.idx.msk [tilespmem:v0+s4+$0x0], $0xffff  }
0xe7: {  	v1 =	vld.idx.msk [tilespmem:v63+s23+$0x0], $0xffff;
	_ =	sdelay $0x4  }
0xe8: {  	v0 =	vadd.f32 v1, v0;
	_ =	sdelay $0x1  }
0xe9: {  	v1 =	vmul.f32 $2.000000030e-01, v0  }
0xea: {  	vm15 =	vgt.f32 v0, $0.0e+00  }
0xeb: {  	v0 =	vsel vm15, v0, v1  }
0xec: {  	v0 =	vmul.f32 $1.442695020e+00, v0;
	_ =	sdelay $0x1  }
0xed: {  	(erf) = vpow2.f32 v0;
	_ =	sdelay $0x6  }
0xee: {  	s18 =	smul.u32 $0xA000, s13;
	_ =	sdelay $0x1  }
0xef: {  	s15 =	sshrl.u32 s18, $0x2;
	v0 =	vpop (erf)  }
0xf0: {  	s21 =	sadd.s32 $0x3, s13;
	s19 =	sor.u32 $0x6E00, s17;
	s20 =	sadd.s32 $0x6F40, s15;
	[tilespmem:s17+$0x6DA0] =	vst v0  }
0xf1: {  	[tilespmem:s20], [sflag:s21] =	stream.indirect.gather [hbm4b:s5+s31], $0x80, s19, s31, $0xb8;
	[tilespmem:$0x1FA40] =	vst v63  }
.LBB2_9:
0xf2: {  	v0 =	vmov s10  }
0xf3: {  	v0 =	vmul.u32 $0x50, v0  }
0xf4: {  	s13 =	simm.s32 $0x0  }
0xf5: {  	v1 =	vmov s13;
	v0 =	vbroadcast v0, $0x0  }
0xf6: {  	s14 =	simm.s32 $0x1;
	v2 =	vand.u32 $0x78, v1  }
0xf7: {  	s14 =	simm.s32 @!p0 $0x0;
	v1 =	vand.u32 $0x4, v1;
	v2 =	vadd.s32 v0, v2  }
0xf8: {  	s18 =	smul.u32 $0xA000, s14;
	v1 =	vor.u32 v1, v2;
	_ =	sdelay $0x1  }
0xf9: {  	s13 =	sshrl.u32 s18, $0x2  }
0xfa: {  	s17 =	sadd.s32 $0x7040, s13  }
0xfb: {  	v3 =	vld [tilespmem:s17+$0xFFFFFF70]  }
0xfc: {  	v1 =	vld.idx.msk [tilespmem:v1+s25+$0x0], $0xffff  }
0xfd: {  	v4 =	vld [tilespmem:s17+$0xFFFFFF00]  }
0xfe: {  	v5 =	vld [tilespmem:s17+$0xFFFFFF20]  }
0xff: {  	v6 =	vld [tilespmem:s17+$0xFFFFFF30]  }
0x100: {  	v2 =	vld [tilespmem:s17+$0xFFFFFF50]  }
0x101: {  	v8 =	vld [tilespmem:s17+$0xFFFFFF10];
	v3 =	vmul.f32 v3, v1  }
0x102: {  	s19 =	simm.s32 $0x1;
	v7 =	vld [tilespmem:s17+$0xFFFFFF60];
	v4 =	vmul.f32 v4, v1  }
0x103: {  	v9 =	vld [tilespmem:s17+$0xFFFFFF40];
	v5 =	vmul.f32 v5, v1;
	[tilespmem:s17+$0xFFFFFF70] =	vst v3;
	v3 =	vmov s19  }
0x104: {  	v6 =	vmul.f32 v6, v1;
	[tilespmem:s17+$0xFFFFFF00] =	vst v4;
	v4 =	vand.u32 $0x78, v3  }
0x105: {  	v2 =	vmul.f32 v2, v1;
	[tilespmem:s17+$0xFFFFFF20] =	vst v5;
	v3 =	vand.u32 $0x5, v3;
	v4 =	vadd.s32 v0, v4  }
0x106: {  	v5 =	vmul.f32 v8, v1;
	[tilespmem:s17+$0xFFFFFF30] =	vst v6;
	v3 =	vor.u32 v3, v4  }
0x107: {  	[tilespmem:s17+$0xFFFFFF50] =	vst v2;
	v4 =	vmul.f32 v7, v1  }
0x108: {  	[tilespmem:s17+$0xFFFFFF10] =	vst v5;
	v1 =	vmul.f32 v9, v1  }
0x109: {  	[tilespmem:s17+$0xFFFFFF60] =	vst v4  }
0x10a: {  	[tilespmem:s17+$0xFFFFFF40] =	vst v1;
	v1 =	vld [tilespmem:s17+$0xFFFFFFC0]  }
0x10b: {  	v3 =	vld.idx.msk [tilespmem:v3+s25+$0x0], $0xffff  }
0x10c: {  	v4 =	vld [tilespmem:s17+$0xFFFFFF90]  }
0x10d: {  	v6 =	vld [tilespmem:s17+$0xFFFFFF80]  }
0x10e: {  	v5 =	vld [tilespmem:s17+$0xFFFFFFD0]  }
0x10f: {  	v7 =	vld [tilespmem:s17+$0xFFFFFFE0]  }
0x110: {  	v1 =	vmul.f32 v1, v3  }
0x111: {  	v2 =	vld [tilespmem:s17+$0xFFFFFFF0];
	v4 =	vmul.f32 v4, v3  }
0x112: {  	s20 =	simm.s32 $0x2;
	v63 =	vld [tilespmem:s17+$0xFFFFFFA0];
	v6 =	vmul.f32 v6, v3;
	[tilespmem:s17+$0xFFFFFFC0] =	vst v1  }
0x113: {  	v8 =	vld [tilespmem:s17+$0xFFFFFFB0];
	v1 =	vmul.f32 v5, v3;
	v5 =	vmov s20;
	[tilespmem:s17+$0xFFFFFF90] =	vst v4  }
0x114: {  	v7 =	vmul.f32 v7, v3;
	[tilespmem:s17+$0xFFFFFF80] =	vst v6;
	v4 =	vand.u32 $0x78, v5  }
0x115: {  	[tilespmem:s17+$0xFFFFFFD0] =	vst v1;
	v1 =	vand.u32 $0x6, v5;
	v4 =	vadd.s32 v0, v4  }
0x116: {  	[tilespmem:s17+$0xFFFFFFE0] =	vst v7;
	v7 =	vld [tilespmem:s17+$0x30];
	v5 =	vmul.f32 v2, v3;
	v6 =	vor.u32 v1, v4  }
0x117: {  	v2 =	vld [tilespmem:s17+$0x60];
	v4 =	vmul.f32 v63, v3  }
0x118: {  	v1 =	vld [tilespmem:s17+$0x70];
	v3 =	vmul.f32 v8, v3;
	[tilespmem:s17+$0xFFFFFFF0] =	vst v5  }
0x119: {  	s21 =	smul.u32 $0xA000, s10;
	v5 =	vld [tilespmem:s17+$0x0];
	[tilespmem:s17+$0xFFFFFFA0] =	vst v4  }
0x11a: {  	v4 =	vld [tilespmem:s17+$0x20];
	[tilespmem:s17+$0xFFFFFFB0] =	vst v3  }
0x11b: {  	s15 =	simm.s32 $0x3;
	s13 =	sshrl.u32 s21, $0x2;
	v3 =	vld.idx.msk [tilespmem:v6+s25+$0x0], $0xffff  }
0x11c: {  	s16 =	simm.s32 $0x7;
	s14 =	sadd.s32 $0x6F40, s13;
	s13 =	smov.u32 s17;
	v6 =	vld [tilespmem:s17+$0x50]  }
.LBB2_10:
0x11d: {  	p1 =	sne.s32 s16, $0x4F  }
0x11e: {  	v8 =	vld [tilespmem:s17+$0x40];
	s13 =	sadd.s32 $0x200, s13;
	s18 =	smov.u32 s16;
	s16 =	sadd.s32 $0x4, s16  }
0x11f: {  	v9 =	vld [tilespmem:s17+$0x10];
	_ =	sdelay $0x1  }
0x120: {  	v5 =	vmul.f32 v5, v3;
	v6 =	vmul.f32 v6, v3  }
0x121: {  	v4 =	vmul.f32 v4, v3;
	v7 =	vmul.f32 v7, v3  }
0x122: {  	v2 =	vmul.f32 v2, v3;
	v1 =	vmul.f32 v1, v3;
	[tilespmem:s17+$0x0] =	vst v5;
	v5 =	vmov s15;
	s15 =	smov.u32 s18  }
0x123: {  	v9 =	vmul.f32 v9, v3;
	[tilespmem:s17+$0x20] =	vst v4;
	v3 =	vmul.f32 v8, v3;
	v4 =	vand.u32 $0x78, v5  }
0x124: {  	[tilespmem:s17+$0x70] =	vst v1;
	v1 =	vand.u32 $0x7, v5;
	v4 =	vadd.s32 v0, v4;
	v5 =	vld [tilespmem:s17+$0x80]  }
0x125: {  	[tilespmem:s17+$0x50] =	vst v6;
	v4 =	vor.u32 v1, v4;
	v6 =	vld [tilespmem:s17+$0xD0]  }
0x126: {  	v1 =	vld [tilespmem:s13+$0x70];
	[tilespmem:s17+$0x30] =	vst v7  }
0x127: {  	[tilespmem:s17+$0x40] =	vst v3;
	v3 =	vld [tilespmem:s17+$0x90]  }
0x128: {  	[tilespmem:s17+$0x10] =	vst v9;
	v7 =	vld [tilespmem:s17+$0xE0]  }
0x129: {  	[tilespmem:s17+$0x60] =	vst v2;
	v8 =	vld [tilespmem:s17+$0xB0]  }
0x12a: {  	v4 =	vld.idx.msk [tilespmem:v4+s25+$0x0], $0xffff  }
0x12b: {  	v2 =	vld [tilespmem:s13+$0x60]  }
0x12c: {  	v9 =	vld [tilespmem:s17+$0xA0]  }
0x12d: {  	v10 =	vld [tilespmem:s17+$0xC0]  }
0x12e: {  	v11 =	vld [tilespmem:s17+$0xF0];
	_ =	sdelay $0x1  }
0x12f: {  	v5 =	vmul.f32 v5, v4;
	v3 =	vmul.f32 v3, v4  }
0x130: {  	s18 =	sadd.s32 $0xFFFFFFFD, s15;
	v8 =	vmul.f32 v8, v4;
	v9 =	vmul.f32 v9, v4  }
0x131: {  	v12 =	vmov s18;
	v6 =	vmul.f32 v6, v4;
	[tilespmem:s17+$0x80] =	vst v5;
	v5 =	vmul.f32 v10, v4  }
0x132: {  	v10 =	vand.u32 $0x78, v12;
	[tilespmem:s17+$0x90] =	vst v3;
	v3 =	vmul.f32 v7, v4;
	v4 =	vmul.f32 v11, v4  }
0x133: {  	v7 =	vand.u32 $0x4, v12;
	v10 =	vadd.s32 v0, v10;
	[tilespmem:s17+$0xC0] =	vst v5  }
0x134: {  	v5 =	vor.u32 v7, v10;
	[tilespmem:s17+$0xD0] =	vst v6  }
0x135: {  	v6 =	vld [tilespmem:s13+$0xFFFFFF50];
	[tilespmem:s17+$0xB0] =	vst v8  }
0x136: {  	v7 =	vld [tilespmem:s13+$0xFFFFFF30];
	[tilespmem:s17+$0xE0] =	vst v3  }
0x137: {  	v3 =	vld [tilespmem:s13+$0xFFFFFF60];
	[tilespmem:s17+$0xA0] =	vst v9  }
0x138: {  	v8 =	vld [tilespmem:s13+$0xFFFFFF70];
	[tilespmem:s17+$0xF0] =	vst v4;
	s17 =	smov.u32 s13  }
0x139: {  	v4 =	vld.idx.msk [tilespmem:v5+s25+$0x0], $0xffff  }
0x13a: {  	v5 =	vld [tilespmem:s13+$0xFFFFFF00]  }
0x13b: {  	v9 =	vld [tilespmem:s13+$0xFFFFFF20]  }
0x13c: {  	v10 =	vld [tilespmem:s13+$0xFFFFFF10]  }
0x13d: {  	v11 =	vld [tilespmem:s13+$0xFFFFFF40];
	_ =	sdelay $0x1  }
0x13e: {  	v8 =	vmul.f32 v8, v4;
	v5 =	vmul.f32 v5, v4  }
0x13f: {  	s18 =	sadd.s32 $0xFFFFFFFE, s15;
	v3 =	vmul.f32 v3, v4;
	v9 =	vmul.f32 v9, v4  }
0x140: {  	v7 =	vmul.f32 v7, v4;
	v10 =	vmul.f32 v10, v4;
	[tilespmem:s13+$0xFFFFFF70] =	vst v8;
	v8 =	vmov s18  }
0x141: {  	[tilespmem:s13+$0xFFFFFF00] =	vst v5;
	v5 =	vmul.f32 v11, v4;
	v4 =	vmul.f32 v6, v4;
	v6 =	vand.u32 $0x78, v8  }
0x142: {  	v8 =	vand.u32 $0x5, v8;
	[tilespmem:s13+$0xFFFFFF20] =	vst v9;
	v6 =	vadd.s32 v0, v6  }
0x143: {  	[tilespmem:s13+$0xFFFFFF30] =	vst v7;
	v6 =	vor.u32 v8, v6  }
0x144: {  	[tilespmem:s13+$0xFFFFFF50] =	vst v4;
	v4 =	vld [tilespmem:s13+$0xFFFFFFF0]  }
0x145: {  	[tilespmem:s13+$0xFFFFFF10] =	vst v10;
	v7 =	vld [tilespmem:s13+$0xFFFFFFE0]  }
0x146: {  	[tilespmem:s13+$0xFFFFFF60] =	vst v3;
	v3 =	vld [tilespmem:s13+$0xFFFFFFB0]  }
0x147: {  	[tilespmem:s13+$0xFFFFFF40] =	vst v5;
	v5 =	vld [tilespmem:s13+$0xFFFFFFC0]  }
0x148: {  	v6 =	vld.idx.msk [tilespmem:v6+s25+$0x0], $0xffff  }
0x149: {  	v8 =	vld [tilespmem:s13+$0xFFFFFF80]  }
0x14a: {  	v9 =	vld [tilespmem:s13+$0xFFFFFF90]  }
0x14b: {  	v10 =	vld [tilespmem:s13+$0xFFFFFFD0]  }
0x14c: {  	v11 =	vld [tilespmem:s13+$0xFFFFFFA0];
	_ =	sdelay $0x1  }
0x14d: {  	v5 =	vmul.f32 v5, v6;
	v8 =	vmul.f32 v8, v6  }
0x14e: {  	s18 =	sadd.s32 $0xFFFFFFFF, s15;
	v3 =	vmul.f32 v3, v6;
	v9 =	vmul.f32 v9, v6  }
0x14f: {  	v7 =	vmul.f32 v7, v6;
	[tilespmem:s13+$0xFFFFFFC0] =	vst v5;
	v5 =	vmul.f32 v10, v6;
	v10 =	vmov s18  }
0x150: {  	v4 =	vmul.f32 v4, v6;
	[tilespmem:s13+$0xFFFFFF90] =	vst v9;
	v9 =	vmul.f32 v11, v6;
	v6 =	vand.u32 $0x78, v10  }
0x151: {  	[tilespmem:s13+$0xFFFFFFD0] =	vst v5;
	v5 =	vand.u32 $0x6, v10;
	v6 =	vadd.s32 v0, v6  }
0x152: {  	[tilespmem:s13+$0xFFFFFF80] =	vst v8;
	v6 =	vor.u32 v5, v6  }
0x153: {  	[tilespmem:s13+$0xFFFFFFE0] =	vst v7  }
0x154: {  	[tilespmem:s13+$0xFFFFFFF0] =	vst v4  }
.Ltmp4:
0x155: {  	[tilespmem:s13+$0xFFFFFFA0] =	vst v9;
	v4 =	vld [tilespmem:s13+$0x20];
	(pc) =	sbr.rel @p1 .LBB2_10-.Ltmp4, $4  }
0x156: {  	[tilespmem:s13+$0xFFFFFFB0] =	vst v3;
	v5 =	vld [tilespmem:s13+$0x0]  }
0x157: {  	v3 =	vld.idx.msk [tilespmem:v6+s25+$0x0], $0xffff  }
0x158: {  	v6 =	vld [tilespmem:s13+$0x50]  }
0x159: {  	v7 =	vld [tilespmem:s13+$0x30]  }
0x15a: {  	_ =	sdelay $0x1  }
0x15b: {  	v5 =	vmul.f32 v5, v3  }
0x15c: {  	v8 =	vld [tilespmem:s17+$0x40];
	v1 =	vmul.f32 v1, v3  }
0x15d: {  	v9 =	vld [tilespmem:s17+$0x10];
	v46 =	vmov s15;
	v4 =	vmul.f32 v4, v3;
	[tilespmem:s17+$0x0] =	vst v5  }
0x15e: {  	v47 =	vand.u32 $0x78, v46;
	v2 =	vmul.f32 v2, v3;
	[tilespmem:s17+$0x70] =	vst v1  }
0x15f: {  	v48 =	vand.u32 $0x7, v46;
	v0 =	vadd.s32 v0, v47;
	v6 =	vmul.f32 v6, v3;
	[tilespmem:s17+$0x20] =	vst v4  }
0x160: {  	v0 =	vor.u32 v48, v0;
	v7 =	vmul.f32 v7, v3;
	[tilespmem:s17+$0x60] =	vst v2  }
0x161: {  	v50 =	vmul.f32 v8, v3;
	[tilespmem:s17+$0x50] =	vst v6  }
0x162: {  	v51 =	vmul.f32 v9, v3;
	[tilespmem:s17+$0x30] =	vst v7  }
0x163: {  	[tilespmem:s17+$0x40] =	vst v50  }
0x164: {  	v49 =	vld [tilespmem:s17+$0x80];
	[tilespmem:s17+$0x10] =	vst v51  }
0x165: {  	v0 =	vld.idx.msk [tilespmem:v0+s25+$0x0], $0xffff  }
0x166: {  	v52 =	vld [tilespmem:s17+$0x90]  }
0x167: {  	v53 =	vld [tilespmem:s17+$0xC0]  }
0x168: {  	v54 =	vld [tilespmem:s17+$0xD0]  }
0x169: {  	v55 =	vld [tilespmem:s17+$0xB0]  }
0x16a: {  	v56 =	vld [tilespmem:s17+$0xE0];
	v1 =	vmul.f32 v49, v0  }
0x16b: {  	v57 =	vld [tilespmem:s17+$0xA0];
	v3 =	vmul.f32 v52, v0  }
0x16c: {  	v58 =	vld [tilespmem:s17+$0xF0];
	v59 =	vmul.f32 v53, v0;
	[tilespmem:s17+$0x80] =	vst v1  }
0x16d: {  	v60 =	vmul.f32 v54, v0;
	[tilespmem:s17+$0x90] =	vst v3  }
0x16e: {  	v61 =	vmul.f32 v55, v0;
	[tilespmem:s17+$0xC0] =	vst v59  }
0x16f: {  	v62 =	vmul.f32 v56, v0;
	[tilespmem:s17+$0xD0] =	vst v60  }
0x170: {  	v63 =	vmul.f32 v57, v0;
	[tilespmem:s17+$0xB0] =	vst v61  }
0x171: {  	s13 =	smul.u32 $0x50, s10;
	p1 =	sne.s32 s12, $0x7D;
	v0 =	vmul.f32 v58, v0;
	[tilespmem:s17+$0xE0] =	vst v62  }
.Ltmp5:
0x172: {  	[tilespmem:s17+$0xA0] =	vst v63;
	(pc) =	sbr.rel @p1 .LBB2_2-.Ltmp5, $4  }
0x173: {  	s16 =	sadd.s32 $0x5, s10;
	s21 =	sadd.s32 $0x7, s10;
	s20 =	sadd.s32 $0x6EA0, s13;
	[tilespmem:s17+$0xF0] =	vst v0  }
0x174: {  	[spmem:s1] =	stream.indirect.scatter.add.f32 [tilespmem:s14], [sflag:s16], $0x80, s20, s31, $0xb8;
	[tilespmem:$0x1FA40] =	vst v63  }
0x175: {  	p0 =	por !p0, !p0;
	s13 =	sadd.s32 $0x6D60, s13;
	s14 =	smov.u32 s12  }
0x176: {  	[spmem:s3] =	stream.indirect.scatter.add.f32 [tilespmem:s13], [sflag:s21], $0x1, s20, s31, $0xb8;
	[tilespmem:$0x1FA40] =	vst v63  }
0x177: {  	_ =	swait.ge [sflag:s26], $0x2800  }
0x178: {  	[sflag:s26] =	ssyncset.done $0x0  }
0x179: {  	[sflag:s26] =	ssyncadd.s32 $0xFFFFD800  }
0x17a: {  	_ =	swait.ge [sflag:s29], $0x50  }
0x17b: {  	[sflag:s29] =	ssyncset.done $0x0  }
0x17c: {  	[sflag:s29] =	ssyncadd.s32 $0xFFFFFFB0  }
0x17d: {  	_ =	swait.ge [sflag:s30], $0x2800  }
0x17e: {  	[sflag:s30] =	ssyncset.done $0x0  }
0x17f: {  	[sflag:s30] =	ssyncadd.s32 $0xFFFFD800  }
0x180: {  	_ =	swait.ge [sflag:s0], $0x50  }
0x181: {  	[sflag:s0] =	ssyncset.done $0x0  }
0x182: {  	[sflag:s0] =	ssyncadd.s32 $0xFFFFFFB0  }
0x183: {  	[bflag:$0x0] =	sbarrier.arrive $0xFFFF  }
0x184: {  	s10 =	rddreg [dreg:$0xe]  }
0x185: {  	[hbm:s10], [sflag:s24] =	dma.local [spmem:s7], $0x2710  }
0x186: {  	_ =	swait.ge [sflag:s22], $0x2710  }
0x187: {  	[sflag:s22] =	ssyncset.done $0x0  }
0x188: {  	s20 =	rddreg [dreg:$0xf];
	[sflag:s22] =	ssyncadd.s32 $0xFFFFD8F0  }
0x189: {  	[hbm:s20], [sflag:s24] =	dma.local [spmem:s9], $0x50  }
0x18a: {  	_ =	swait.ge [sflag:s22], $0x50  }
0x18b: {  	s2 =	sadd.s32 $0x1, s2;
	s21 =	rddreg [dreg:$0x10]  }
0x18c: {  	p0 =	sne.s32 s2, s21  }
.Ltmp6:
0x18d: {  	_ = 	snop;
	(pc) =	sbr.rel @p0 .LBB2_1-.Ltmp6, $3  }
0x18e: {  	_ =	sdelay $0x1  }
0x18f: {  	[sflag:s22] =	ssyncset.done $0x0  }
0x190: {  	[sflag:s22] =	ssyncadd.s32 $0xFFFFFFB0  }
0x191: {  	_ =	sfence.sel $0x180000  }
0x192: {  	[bflag:$0x0] =	sbarrier.arrive $0xFFFF  }
0x193: {  	_ =	strace $0x9000004A  }
0x194: {  	s0 =	stileid.u32;
	[bflag:$0x2] =	sbarrier.arrive $0xFFFF  }
0x195: {  	p0 =	sne.s32 s0, $0x0;
	s0 =	rddreg [dreg:$0x3]  }
0x196: {  	s0 =	sadd.s32 @!p0 $0x100000, s0  }
0x197: {  	[sflag:s0] =	ssyncadd.tile.s32 @!p0 $0x1;
	_ =	shalt  }
.Lfunc_end2:
_tile_overlayer_lowered:
.L_overlay_start_2:
0x198: {  	(tag) =	ssettag $0x2  }
0x199: {  	s0 =	rddreg [dreg:$0x0];
	s2 =	stileid.u32  }
0x19a: {  	s1 =	rddreg [dreg:$0x1];
	p0 =	sne.s32 s2, $0x0  }
0x19b: {  	s3 =	rddreg [dreg:$0x2];
	[bflag:$0x3] =	sbarrier.arrive $0xFFFF;
	s2 =	simm.s32 @!p0 $0x1C09  }
0x19c: {  	[timem:s3], [sflag:s2] =	dma.local @!p0 [hbm:s0], s1  }
0x19d: {  	s0 =	simm.s32 @!p0 $0x9  }
0x19e: {  	_ =	swait.ge @!p0 [sflag:s0], s1  }
0x19f: {  	s1 =	ssub.s32 @!p0 $0x0, s1;
	[sflag:s0] =	ssyncset.done @!p0 $0x0  }
0x1a0: {  	[sflag:s0] =	ssyncadd.s32 @!p0 s1  }
0x1a1: {  	[bflag:$0x3] =	sbarrier.arrive $0xFFFF  }
0x1a2: {  	_ =	shalt  }

// kernel: kernel.15.cloned.1.call-start
scs
__scs_entry_jumppad:
0x0: {  	(pc) =	sbr.rel $0x88, $3  }
0x1: {  	(tag) =	ssettag $0x0;
	lr =	simm.s32 $0x1  }
0x2: {  	[smem:$0x3F8C] =	sst lr;
	_ =	strace $0xD0000000  }
0x3: {  	_ = 	snop  }
0x4: {  	_ = 	snop  }
0x5: {  	_ = 	snop  }
0x6: {  	_ = 	snop  }
0x7: {  	_ = 	snop  }
__scs_overlays_trampoline_lowered:
0x8: {  	[smem:$0x3F9B] =	sst s0  }
0x9: {  	[smem:$0x3F9C] =	sst s1  }
0xa: {  	[smem:$0x3F9D] =	sst s2  }
0xb: {  	[smem:$0x3F9E] =	sst s3  }
0xc: {  	[smem:$0x3F9F] =	sst s4  }
0xd: {  	[smem:$0x3FA0] =	sst s5  }
0xe: {  	[smem:$0x3FA1] =	sst s6  }
0xf: {  	[smem:$0x3FA2] =	sst s7  }
0x10: {  	[smem:$0x3FA3] =	sst s8  }
0x11: {  	[smem:$0x3FA4] =	sst s9;
	s0 =	simm.s32 @!p0 $0x0  }
0x12: {  	s1 =	sld [smem:$0x3F8A];
	s0 =	simm.s32 @p0 $0x1  }
0x13: {  	[smem:$0x3FA5] =	sst s0;
	s0 =	simm.s32 @!p1 $0x0  }
0x14: {  	s2 =	sld [smem:$0x3F89];
	s0 =	simm.s32 @p1 $0x1  }
0x15: {  	[smem:$0x3FA6] =	sst s0;
	s0 =	simm.s32 @!p2 $0x0  }
0x16: {  	s3 =	sld [smem:$0x3FDB];
	s0 =	simm.s32 @p2 $0x1  }
0x17: {  	s4 =	simm.s32 $0x1BF5;
	[smem:$0x3FA8] =	sst s0  }
0x18: {  	s0 =	sld [smem:$0x3F8B];
	_ =	swait.ge [sflag:s4], $0x0  }
0x19: {  	s7 =	sld [smem:$0x3F8C]  }
0x1a: {  	s8 =	sadd.s32 $0xFFFFE003, lr  }
0x1b: {  	s9 =	sadd.s32 $0xFFFFFEF7, lr;
	s5 =	simm.s32 $0xFFFFFFFF;
	p2 =	slt.u32 s8, $0xFFFFF086  }
0x1c: {  	p1 =	slt.u32 s9, $0xF7A;
	s5 =	simm.s32 @!p2 $0x0  }
0x1d: {  	s5 =	simm.s32 @p1 $0x1;
	p0 =	seq.s32 s7, s2  }
0x1e: {  	s7 =	smul.u32 @!p0 $0xF7A, s2;
	p2 =	seq.s32 @!p0 s5, $0x0  }
0x1f: {  	s9 =	smul.u32 $0xF7A, s1;
	s8 =	simm.s32 @!p0 $0x1BF5;
	p2 =	por !p2, p0  }
0x20: {  	[sflag:s8] =	ssyncset.s32 @!p0 $0xFFFFF086;
	s6 =	sadd.s32 @!p0 s3, s7;
	s7 =	simm.s32 @!p0 $0x108  }
0x21: {  	s3 =	sadd.s32 s3, s9;
	s6 =	sadd.s32 @!p0 $0x88, s6;
	s7 =	simm.s32 @p2 $0x1082  }
0x22: {  	[simem:s7], [sflag:s8] =	dma.local @!p0 [hbm:s6], $0xF7A  }
0x23: {  	s9 =	sor.u32 $0xD0000000, s2;
	s6 =	simm.s32 $0x108;
	_ =	swait.ge @!p0 [sflag:s8], $0x0  }
0x24: {  	s3 =	sadd.s32 $0x88, s3;
	s6 =	simm.s32 @!p1 $0x1082;
	[sflag:s4] =	ssyncset.s32 $0xFFFFF086  }
0x25: {  	[simem:s6], [sflag:s4] =	dma.local [hbm:s3], $0xF7A  }
0x26: {  	[smem:$0x3F8C] =	sst s1;
	(tag) =	ssettag s2;
	_ =	strace s9  }
0x27: {  	s1 =	sld [smem:$0x3F9C]  }
0x28: {  	s2 =	sld [smem:$0x3F9D]  }
0x29: {  	s4 =	sld [smem:$0x3F9F]  }
0x2a: {  	p0 =	seq.s32 s5, $0x0;
	s5 =	sld [smem:$0x3FA0]  }
0x2b: {  	s6 =	sld [smem:$0x3FA1]  }
0x2c: {  	s7 =	sld [smem:$0x3FA2]  }
0x2d: {  	s3 =	simm.s32 $0x108;
	s8 =	sld [smem:$0x3FA3]  }
0x2e: {  	s3 =	simm.s32 @!p0 $0x1082;
	s9 =	sld [smem:$0x3FA4]  }
0x2f: {  	lr =	sadd.s32 s0, s3;
	s0 =	sld [smem:$0x3F9B]  }
0x30: {  	s3 =	sld [smem:$0x3F9E]  }
0x31: {  	[smem:$0x3FA7] =	sst s10  }
0x32: {  	s10 =	sld [smem:$0x3FA5];
	_ =	sdelay $0x3  }
0x33: {  	p0 =	seq.s32 s10, $0x1;
	s10 =	sld [smem:$0x3FA7];
	_ =	sdelay $0x3  }
0x34: {  	[smem:$0x3FA7] =	sst s10  }
0x35: {  	s10 =	sld [smem:$0x3FA6];
	_ =	sdelay $0x3  }
0x36: {  	p1 =	seq.s32 s10, $0x1;
	s10 =	sld [smem:$0x3FA7];
	_ =	sdelay $0x3  }
0x37: {  	[smem:$0x3FA7] =	sst s10  }
0x38: {  	s10 =	sld [smem:$0x3FA8]  }
0x39: {  	_ = 	snop;
	(pc) =	sbr.ind lr, $3  }
0x3a: {  	_ = 	snop  }
0x3b: {  	_ = 	snop  }
0x3c: {  	p2 =	seq.s32 s10, $0x1;
	s10 =	sld [smem:$0x3FA7]  }
0x3d: {  	_ =	shalt  }
0x3e: {  	_ =	shalt  }
0x3f: {  	_ =	shalt  }
0x40: {  	_ =	shalt  }
0x41: {  	_ =	shalt  }
0x42: {  	_ =	shalt  }
0x43: {  	_ =	shalt  }
0x44: {  	_ =	shalt  }
0x45: {  	_ =	shalt  }
0x46: {  	_ =	shalt  }
0x47: {  	_ =	shalt  }
0x48: {  	_ =	shalt  }
0x49: {  	_ =	shalt  }
0x4a: {  	_ =	shalt  }
0x4b: {  	_ =	shalt  }
0x4c: {  	_ =	shalt  }
0x4d: {  	_ =	shalt  }
0x4e: {  	_ =	shalt  }
0x4f: {  	_ =	shalt  }
0x50: {  	_ =	shalt  }
0x51: {  	_ =	shalt  }
0x52: {  	_ =	shalt  }
0x53: {  	_ =	shalt  }
0x54: {  	_ =	shalt  }
0x55: {  	_ =	shalt  }
0x56: {  	_ =	shalt  }
0x57: {  	_ =	shalt  }
0x58: {  	_ =	shalt  }
0x59: {  	_ =	shalt  }
0x5a: {  	_ =	shalt  }
0x5b: {  	_ =	shalt  }
0x5c: {  	_ =	shalt  }
0x5d: {  	_ =	shalt  }
0x5e: {  	_ =	shalt  }
0x5f: {  	_ =	shalt  }
0x60: {  	_ =	shalt  }
0x61: {  	_ =	shalt  }
0x62: {  	_ =	shalt  }
0x63: {  	_ =	shalt  }
0x64: {  	_ =	shalt  }
0x65: {  	_ =	shalt  }
0x66: {  	_ =	shalt  }
0x67: {  	_ =	shalt  }
0x68: {  	_ =	shalt  }
0x69: {  	_ =	shalt  }
0x6a: {  	_ =	shalt  }
0x6b: {  	_ =	shalt  }
0x6c: {  	_ =	shalt  }
0x6d: {  	_ =	shalt  }
0x6e: {  	_ =	shalt  }
0x6f: {  	_ =	shalt  }
0x70: {  	_ =	shalt  }
0x71: {  	_ =	shalt  }
0x72: {  	_ =	shalt  }
0x73: {  	_ =	shalt  }
0x74: {  	_ =	shalt  }
0x75: {  	_ =	shalt  }
0x76: {  	_ =	shalt  }
0x77: {  	_ =	shalt  }
0x78: {  	_ =	shalt  }
0x79: {  	_ =	shalt  }
0x7a: {  	_ =	shalt  }
0x7b: {  	_ =	shalt  }
0x7c: {  	_ =	shalt  }
0x7d: {  	_ =	shalt  }
0x7e: {  	_ =	shalt  }
0x7f: {  	_ =	shalt  }
0x80: {  	_ =	shalt  }
0x81: {  	_ =	shalt  }
0x82: {  	_ =	shalt  }
0x83: {  	_ =	shalt  }
0x84: {  	_ =	shalt  }
0x85: {  	_ =	shalt  }
0x86: {  	_ =	shalt  }
0x87: {  	_ =	shalt  }
.Lfunc_end0:
.L_simem_size_0:
called_computation.2_lowered:
.L_overlay_start_0:
0x88: {  	s2 =	sld [smem:$0x3FD9]  }
0x89: {  	s3 =	sld [smem:$0x3FFE];
	_ =	sdelay $0x1  }
0x8a: {  	s1 =	srdreg.scid  }
0x8b: {  	s0 =	sand.u32 $0x1, s1  }
0x8c: {  	s17 =	sshll.u32 s0, $0xA;
	s2 =	sadd.s32 s3, s2  }
0x8d: {  	s2 =	sadd.s32 s2, s17  }
0x8e: {  	[smem:$0x3FB3] =	sst s2  }
0x8f: {  	_ = 	snop  }
0x90: {  	s2 =	sld [smem:$0x3FD0];
	(tm) =	ssettm $0x1  }
0x91: {  	s18 =	sld [smem:$0x3FFB];
	_ =	sdelay $0x3  }
0x92: {  	_ =	strace s18  }
0x93: {  	s3 =	sld [smem:$0x3FFC];
	_ =	sdelay $0x3  }
0x94: {  	_ =	strace s3  }
0x95: {  	s3 =	sld [smem:$0x3FFD];
	_ =	sdelay $0x3  }
0x96: {  	_ =	strace s3  }
0x97: {  	_ =	strace $0x8FFFFFFF  }
0x98: {  	s19 =	sld [smem:$0x3FDB];
	_ =	sdelay $0x1  }
0x99: {  	s4 =	simm.s32 $_scs_section_size  }
0x9a: {  	s5 =	simm.s32 $_size__tile_overlayer_lowered;
	s6 =	simm.s32 $_tile_overlayer_lowered  }
0x9b: {  	s22 =	simm.s32 $0x1BFF;
	s21 =	sshll.u32 s6, $0x1;
	s3 =	sadd.s32 s4, s19  }
0x9c: {  	s7 =	simm.s32 $0x0;
	s20 =	sshll.u32 s5, $0x1;
	s5 =	sadd.s32 s21, s3  }
0x9d: {  	[timem:s7], [sflag:s22] =	dma.local [hbm:s5], s20  }
0x9e: {  	_ =	swait.ge [sflag:s22], s20  }
0x9f: {  	s4 =	ssub.s32 $0x0, s20;
	[sflag:s22] =	ssyncset.done $0x0  }
0xa0: {  	[sflag:s22] =	ssyncadd.s32 s4;
	_ =	sdelay $0x1  }
0xa1: {  	s23 =	simm.s32 $0x1B8B  }
0xa2: {  	_ =	swait.ge [sflag:s23], $0x1  }
0xa3: {  	[sflag:s23] =	ssyncset.done $0x0  }
0xa4: {  	s25 =	simm.s32 $0x1B8E;
	s24 =	sld [smem:$0x3FFE];
	[sflag:s23] =	ssyncadd.s32 $0xFFFFFFFF  }
0xa5: {  	s26 =	simm.s32 $execute0_lowered;
	[smem:$0x3FD2] =	sst s25  }
0xa6: {  	s5 =	sshll.u32 s26, $0x1;
	_ =	strace $0x8000004C;
	[dreg:$0x1] =	wrdreg $0xFFFFFFFF  }
0xa7: {  	s28 =	simm.s32 $_size_execute0_lowered;
	s3 =	sadd.s32 s3, s5;
	[dreg:$0x0] =	wrdreg $0x0  }
0xa8: {  	s5 =	sshll.u32 s28, $0x1;
	[dreg:$0x2] =	wrdreg s3  }
0xa9: {  	[dreg:$0x3] =	wrdreg s5  }
0xaa: {  	[dreg:$0x4] =	wrdreg $0xC0  }
0xab: {  	_ =	task [dreg:s7], $0x5FFFF  }
0xac: {  	[dreg:$0x1] =	wrdreg $0xFFFFFFFF  }
0xad: {  	[dreg:$0x0] =	wrdreg $0x60  }
0xae: {  	[dreg:$0x2] =	wrdreg s24  }
0xaf: {  	[dreg:$0x3] =	wrdreg s2  }
0xb0: {  	[dreg:$0x4] =	wrdreg $0x9  }
0xb1: {  	_ =	task.clear_ibuf [dreg:s7], $0x5FFFF;
	_ =	strace $0x9000004C  }
0xb2: {  	s29 =	simm.s32 $0x9;
	_ =	strace $0x8000004E  }
0xb3: {  	_ =	swait.ge [sflag:s29], $0x1  }
0xb4: {  	[sflag:s29] =	ssyncadd.s32 $0xFFFFFFFF  }
0xb5: {  	_ =	strace $0x9000004E  }
0xb6: {  	_ =	sfence  }
0xb7: {  	s30 =	sld [smem:$0x0];
	_ =	sdelay $0x2  }
0xb8: {  	s31 =	sshll.u32 s1, $0xD;
	s1 =	sshrl.u32 s1, $0x2  }
0xb9: {  	s3 =	sand.u32 $0x4000, s31;
	s1 =	sadd.s32 s1, s30  }
0xba: {  	s0 =	sor.u32 s3, s0;
	s1 =	sshll.u32 s1, $0x11  }
0xbb: {  	s0 =	sor.u32 s1, s0  }
0xbc: {  	s0 =	sadd.s32 $0x8F2B, s0  }
0xbd: {  	[sflag:s0] =	ssyncadd.remote.s32 $0x1  }
0xbe: {  	_ =	sfence.sel $0xFFFF  }
0xbf: {  	[dreg:$0x0] =	wrdreg $0xFFFFFFFF;
	(pc) =	sbr.abs _section_cstart, $3  }
0xc0: {  	[dreg:$0x1] =	wrdreg $0xFFFFFFFF  }
0xc1: {  	_ =	task.clear_ibuf [dreg:s7], $0x2FFFF;
	_ =	strace $0x9FFFFFFF  }
0xc2: {  	(tm) =	ssettm $0x7FFFFFFF  }
0xc3: {  	_ =	shalt  }
tec
execute0_lowered:
.L_overlay_start_1:
0x0: {  	(tag) =	ssettag $0x1  }
0x1: {  	s6 =	rddreg [dreg:$0x0]  }
0x2: {  	s8 =	rddreg [dreg:$0x1]  }
0x3: {  	s0 =	rddreg [dreg:$0x2];
	s3 =	srdreg.scid  }
0x4: {  	s2 =	simm.s32 $0x0;
	s1 =	stileid.u32;
	s12 =	simm.s32 $0x40  }
0x5: {  	s13 =	simm.s32 $0x1000;
	s14 =	simm.s32 $0x5000;
	s15 =	simm.s32 $0x1  }
0x6: {  	s16 =	simm.s32 $0x2;
	s17 =	simm.s32 $0x0;
	s7 =	sand.u32 $0x1, s3  }
0x7: {  	[smem:$0x7FF] =	sst s2;
	s5 =	sshll.u32 s1, $0xB;
	s4 =	sshll.u32 s7, $0xF  }
0x8: {  	s3 =	sadd.s32 $0x7BE00, s6;
	s7 =	ssub.s32 $0x2, s7;
	s4 =	sor.u32 s5, s4  }
0x9: {  	_ =	strace $0x8000004D;
	s11 =	sshrl.u32 s7, $0x1;
	s9 =	sshrl.u32 s4, $0x3  }
0xa: {  	s5 =	sadd.s32 $0x3600, s6;
	s11 =	ssub.s32 s7, s11;
	s10 =	sadd.s32 s9, s6  }
0xb: {  	s6 =	sadd.s32 $0xCA000, s6;
	s8 =	sadd.s32 s8, s9;
	s9 =	smax.u32 s11, $0x1  }
0xc: {  	s11 =	simm.s32 $0x800;
	s7 =	sadd.s32 $0x79E00, s10;
	s10 =	simm.s32 $0x3  }
.LBB2_1:
0xd: {  	[tilespmem:s2], [sflag:$0x3] =	stream.linear.gather [hbm4b:s7+s2], $0x800, $0x38;
	[tilespmem:$0x9000] =	vst v63  }
0xe: {  	_ =	swait.ge [sflag:s10], $0x800  }
0xf: {  	[sflag:s10] =	ssyncset.done $0x0  }
0x10: {  	[sflag:s10] =	ssyncadd.s32 $0xFFFFF800  }
0x11: {  	[tilespmem:s11], [sflag:$0x3] =	stream.linear.gather [hbm4b:s8+s2], $0x800, $0x38;
	[tilespmem:$0x9000] =	vst v63  }
0x12: {  	_ =	swait.ge [sflag:s10], $0x800  }
0x13: {  	[sflag:s10] =	ssyncset.done $0x0  }
0x14: {  	s18 =	simm.s32 $0x0;
	[sflag:s10] =	ssyncadd.s32 $0xFFFFF800  }
.LBB2_2:
0x15: {  	s19 =	sshll.u32 s18, $0x6  }
0x16: {  	[tilespmem:s13], [sflag:$0x1] =	stream.indirect.gather [hbm4b:s3+s12], $0x100, s19, s12, $0xb8;
	[tilespmem:$0x9000] =	vst v63  }
0x17: {  	s20 =	sadd.s32 $0x800, s19  }
0x18: {  	[tilespmem:s14], [sflag:$0x2] =	stream.indirect.gather [hbm4b:s5+s12], $0x100, s20, s12, $0xb8;
	[tilespmem:$0x9000] =	vst v63  }
0x19: {  	_ =	swait.ge [sflag:s15], $0x4000  }
0x1a: {  	[sflag:s15] =	ssyncset.done $0x0  }
0x1b: {  	[sflag:s15] =	ssyncadd.s32 $0xFFFFC000  }
0x1c: {  	_ =	swait.ge [sflag:s16], $0x4000  }
0x1d: {  	[sflag:s16] =	ssyncset.done $0x0  }
0x1e: {  	s20 =	simm.s32 $0x0;
	[sflag:s16] =	ssyncadd.s32 $0xFFFFC000  }
0x1f: {  	v6 =	vld [tilespmem:s20+$0x5000]  }
0x20: {  	v7 =	vld [tilespmem:s20+$0x5010]  }
0x21: {  	v8 =	vld [tilespmem:s20+$0x5020]  }
0x22: {  	v9 =	vld [tilespmem:s20+$0x5030]  }
0x23: {  	v10 =	vld [tilespmem:s20+$0x5040]  }
0x24: {  	v11 =	vld [tilespmem:s20+$0x5050]  }
0x25: {  	v12 =	vld [tilespmem:s20+$0x5060]  }
0x26: {  	v13 =	vld [tilespmem:s20+$0x5070]  }
0x27: {  	v14 =	vld [tilespmem:s20+$0x5080]  }
0x28: {  	v15 =	vld [tilespmem:s20+$0x5090]  }
0x29: {  	v5 =	vld [tilespmem:s20+$0x50A0]  }
0x2a: {  	v4 =	vld [tilespmem:s20+$0x50B0]  }
0x2b: {  	v3 =	vld [tilespmem:s20+$0x50C0]  }
0x2c: {  	v2 =	vld [tilespmem:s20+$0x50D0]  }
0x2d: {  	v1 =	vld [tilespmem:s20+$0x50E0]  }
0x2e: {  	v0 =	vld [tilespmem:s20+$0x50F0]  }
0x2f: {  	v16 =	vld [tilespmem:s20+$0x1000]  }
0x30: {  	v17 =	vld [tilespmem:s20+$0x1010]  }
0x31: {  	v18 =	vld [tilespmem:s20+$0x1020]  }
0x32: {  	v19 =	vld [tilespmem:s20+$0x1030]  }
0x33: {  	v20 =	vld [tilespmem:s20+$0x1040]  }
0x34: {  	v60 =	vld [tilespmem:s20+$0x1050];
	v6 =	vadd.f32 v6, v16  }
0x35: {  	v21 =	vld [tilespmem:s20+$0x1060];
	v7 =	vadd.f32 v7, v17  }
0x36: {  	v61 =	vld [tilespmem:s20+$0x1070];
	[tilespmem:s20+$0x1000] =	vst v6;
	v6 =	vadd.f32 v8, v18  }
0x37: {  	v62 =	vld [tilespmem:s20+$0x1080];
	[tilespmem:s20+$0x1010] =	vst v7;
	v7 =	vadd.f32 v9, v19  }
0x38: {  	v63 =	vld [tilespmem:s20+$0x1090];
	[tilespmem:s20+$0x1020] =	vst v6;
	v6 =	vadd.f32 v10, v20  }
0x39: {  	v8 =	vadd.f32 v11, v60;
	[tilespmem:s20+$0x1030] =	vst v7;
	v7 =	vld [tilespmem:s20+$0x10A0]  }
0x3a: {  	v9 =	vadd.f32 v12, v21;
	[tilespmem:s20+$0x1040] =	vst v6;
	v6 =	vld [tilespmem:s20+$0x10B0]  }
0x3b: {  	[tilespmem:s20+$0x1050] =	vst v8;
	v8 =	vld [tilespmem:s20+$0x10C0];
	v10 =	vadd.f32 v13, v61  }
0x3c: {  	v12 =	vadd.f32 v14, v62;
	[tilespmem:s20+$0x1060] =	vst v9;
	v9 =	vld [tilespmem:s20+$0x10D0]  }
0x3d: {  	s21 =	simm.s32 $0x400;
	v11 =	vadd.f32 v15, v63;
	[tilespmem:s20+$0x1070] =	vst v10;
	v10 =	vld [tilespmem:s20+$0x10E0]  }
.LBB2_3:
0x3e: {  	s22 =	sshra.s32 s21, $0x2;
	p0 =	sne.s32 s21, $0xFC00;
	[tilespmem:s20+$0x1080] =	vst v12;
	v5 =	vadd.f32 v5, v7;
	v7 =	vld [tilespmem:s20+$0x10F0]  }
0x3f: {  	v12 =	vld [tilespmem:s22+$0x5000];
	[tilespmem:s20+$0x1090] =	vst v11;
	v4 =	vadd.f32 v4, v6  }
0x40: {  	v6 =	vld [tilespmem:s22+$0x5010];
	[tilespmem:s20+$0x10A0] =	vst v5;
	v3 =	vadd.f32 v3, v8  }
0x41: {  	v8 =	vld [tilespmem:s22+$0x5020];
	[tilespmem:s20+$0x10B0] =	vst v4;
	v2 =	vadd.f32 v2, v9  }
0x42: {  	v9 =	vld [tilespmem:s22+$0x5030];
	[tilespmem:s20+$0x10C0] =	vst v3;
	v1 =	vadd.f32 v1, v10  }
0x43: {  	v10 =	vld [tilespmem:s22+$0x5040];
	[tilespmem:s20+$0x10D0] =	vst v2;
	v0 =	vadd.f32 v0, v7  }
0x44: {  	v7 =	vld [tilespmem:s22+$0x5050];
	[tilespmem:s20+$0x10E0] =	vst v1  }
0x45: {  	v11 =	vld [tilespmem:s22+$0x5060];
	[tilespmem:s20+$0x10F0] =	vst v0;
	s20 =	smov.u32 s22  }
0x46: {  	v13 =	vld [tilespmem:s20+$0x5070]  }
0x47: {  	v14 =	vld [tilespmem:s20+$0x5080]  }
0x48: {  	v15 =	vld [tilespmem:s20+$0x5090]  }
0x49: {  	v5 =	vld [tilespmem:s20+$0x50A0]  }
0x4a: {  	v4 =	vld [tilespmem:s20+$0x50B0]  }
0x4b: {  	v3 =	vld [tilespmem:s20+$0x50C0]  }
0x4c: {  	v2 =	vld [tilespmem:s20+$0x50D0]  }
0x4d: {  	v1 =	vld [tilespmem:s20+$0x50E0]  }
0x4e: {  	v0 =	vld [tilespmem:s20+$0x50F0]  }
0x4f: {  	v16 =	vld [tilespmem:s20+$0x1000]  }
0x50: {  	v17 =	vld [tilespmem:s20+$0x1010]  }
0x51: {  	v18 =	vld [tilespmem:s20+$0x1020]  }
0x52: {  	v19 =	vld [tilespmem:s20+$0x1030]  }
0x53: {  	v20 =	vld [tilespmem:s20+$0x1040]  }
0x54: {  	v12 =	vadd.f32 v12, v16;
	v16 =	vld [tilespmem:s20+$0x1050]  }
0x55: {  	v6 =	vadd.f32 v6, v17;
	v17 =	vld [tilespmem:s20+$0x1060]  }
0x56: {  	[tilespmem:s20+$0x1000] =	vst v12;
	v8 =	vadd.f32 v8, v18;
	v12 =	vld [tilespmem:s20+$0x1070]  }
0x57: {  	[tilespmem:s20+$0x1010] =	vst v6;
	v6 =	vadd.f32 v9, v19;
	v9 =	vld [tilespmem:s20+$0x1080]  }
0x58: {  	[tilespmem:s20+$0x1020] =	vst v8;
	v8 =	vadd.f32 v10, v20;
	v10 =	vld [tilespmem:s20+$0x1090]  }
.Ltmp0:
0x59: {  	[tilespmem:s20+$0x1030] =	vst v6;
	v16 =	vadd.f32 v7, v16;
	v7 =	vld [tilespmem:s20+$0x10A0];
	(pc) =	sbr.rel @p0 .LBB2_3-.Ltmp0, $4  }
0x5a: {  	[tilespmem:s20+$0x1040] =	vst v8;
	v11 =	vadd.f32 v11, v17;
	v6 =	vld [tilespmem:s20+$0x10B0]  }
0x5b: {  	[tilespmem:s20+$0x1050] =	vst v16;
	v13 =	vadd.f32 v13, v12;
	v8 =	vld [tilespmem:s20+$0x10C0]  }
0x5c: {  	[tilespmem:s20+$0x1060] =	vst v11;
	v12 =	vadd.f32 v14, v9;
	v9 =	vld [tilespmem:s20+$0x10D0]  }
0x5d: {  	s21 =	sadd.s32 $0x400, s21;
	[tilespmem:s20+$0x1070] =	vst v13;
	v11 =	vadd.f32 v15, v10;
	v10 =	vld [tilespmem:s20+$0x10E0]  }
0x5e: {  	[tilespmem:s20+$0x1080] =	vst v12;
	v5 =	vadd.f32 v5, v7;
	v63 =	vld [tilespmem:s20+$0x10F0]  }
0x5f: {  	[tilespmem:s20+$0x1090] =	vst v11;
	v4 =	vadd.f32 v4, v6  }
0x60: {  	[tilespmem:s20+$0x10A0] =	vst v5;
	v3 =	vadd.f32 v3, v8  }
0x61: {  	[tilespmem:s20+$0x10B0] =	vst v4;
	v2 =	vadd.f32 v2, v9  }
0x62: {  	[tilespmem:s20+$0x10C0] =	vst v3;
	v1 =	vadd.f32 v1, v10  }
0x63: {  	s19 =	sadd.s32 s4, s19;
	s18 =	sadd.s32 $0x1, s18;
	[tilespmem:s20+$0x10D0] =	vst v2;
	v0 =	vadd.f32 v0, v63  }
0x64: {  	s19 =	sshll.u32 s19, $0x5;
	p0 =	sne.s32 s18, $0x20;
	[tilespmem:s20+$0x10E0] =	vst v1  }
.Ltmp1:
0x65: {  	s19 =	sadd.s32 s6, s19;
	[tilespmem:s20+$0x10F0] =	vst v0;
	(pc) =	sbr.rel @p0 .LBB2_2-.Ltmp1, $4  }
0x66: {  	[hbm4b:s19+s2] =	stream.linear.scatter [tilespmem:s13], [sflag:$0x3], $0x4000, $0x38;
	[tilespmem:$0x9000] =	vst v63  }
0x67: {  	_ =	swait.ge [sflag:s10], $0x4000  }
0x68: {  	[sflag:s10] =	ssyncset.done $0x0  }
0x69: {  	[sflag:s10] =	ssyncadd.s32 $0xFFFFC000  }
0x6a: {  	s17 =	sadd.s32 $0x1, s17  }
0x6b: {  	p0 =	sne.s32 s17, s9  }
.Ltmp2:
0x6c: {  	_ = 	snop;
	(pc) =	sbr.rel @p0 .LBB2_1-.Ltmp2, $1  }
0x6d: {  	_ =	sdelay $0x3  }
0x6e: {  	_ =	sfence.sel $0x180000  }
0x6f: {  	[bflag:$0x0] =	sbarrier.arrive $0xFFFF  }
0x70: {  	p0 =	sne.s32 s1, $0x0;
	_ =	strace $0x9000004D  }
0x71: {  	s0 =	sadd.s32 @!p0 $0x100000, s0;
	[bflag:$0x2] =	sbarrier.arrive $0xFFFF  }
0x72: {  	[sflag:s0] =	ssyncadd.tile.s32 @!p0 $0x1;
	_ =	shalt  }
.Lfunc_end2:
_tile_overlayer_lowered:
.L_overlay_start_2:
0x73: {  	(tag) =	ssettag $0x2  }
0x74: {  	s0 =	rddreg [dreg:$0x0];
	s2 =	stileid.u32  }
0x75: {  	s1 =	rddreg [dreg:$0x1];
	p0 =	sne.s32 s2, $0x0  }
0x76: {  	s3 =	rddreg [dreg:$0x2];
	[bflag:$0x3] =	sbarrier.arrive $0xFFFF;
	s2 =	simm.s32 @!p0 $0x1C03  }
0x77: {  	[timem:s3], [sflag:s2] =	dma.local @!p0 [hbm:s0], s1  }
0x78: {  	s0 =	simm.s32 @!p0 $0x3  }
0x79: {  	_ =	swait.ge @!p0 [sflag:s0], s1  }
0x7a: {  	s1 =	ssub.s32 @!p0 $0x0, s1;
	[sflag:s0] =	ssyncset.done @!p0 $0x0  }
0x7b: {  	[sflag:s0] =	ssyncadd.s32 @!p0 s1  }
0x7c: {  	[bflag:$0x3] =	sbarrier.arrive $0xFFFF  }
0x7d: {  	_ =	shalt  }

// kernel: kernel.9.cloned.1.call-start
scs
__scs_entry_jumppad:
0x0: {  	(pc) =	sbr.rel $0x88, $3  }
0x1: {  	(tag) =	ssettag $0x0;
	lr =	simm.s32 $0x1  }
0x2: {  	[smem:$0x3F8C] =	sst lr;
	_ =	strace $0xD0000000  }
0x3: {  	_ = 	snop  }
0x4: {  	_ = 	snop  }
0x5: {  	_ = 	snop  }
0x6: {  	_ = 	snop  }
0x7: {  	_ = 	snop  }
__scs_overlays_trampoline_lowered:
0x8: {  	[smem:$0x3F9B] =	sst s0  }
0x9: {  	[smem:$0x3F9C] =	sst s1  }
0xa: {  	[smem:$0x3F9D] =	sst s2  }
0xb: {  	[smem:$0x3F9E] =	sst s3  }
0xc: {  	[smem:$0x3F9F] =	sst s4  }
0xd: {  	[smem:$0x3FA0] =	sst s5  }
0xe: {  	[smem:$0x3FA1] =	sst s6  }
0xf: {  	[smem:$0x3FA2] =	sst s7  }
0x10: {  	[smem:$0x3FA3] =	sst s8  }
0x11: {  	[smem:$0x3FA4] =	sst s9;
	s0 =	simm.s32 @!p0 $0x0  }
0x12: {  	s1 =	sld [smem:$0x3F8A];
	s0 =	simm.s32 @p0 $0x1  }
0x13: {  	[smem:$0x3FA5] =	sst s0;
	s0 =	simm.s32 @!p1 $0x0  }
0x14: {  	s2 =	sld [smem:$0x3F89];
	s0 =	simm.s32 @p1 $0x1  }
0x15: {  	[smem:$0x3FA6] =	sst s0;
	s0 =	simm.s32 @!p2 $0x0  }
0x16: {  	s3 =	sld [smem:$0x3FDB];
	s0 =	simm.s32 @p2 $0x1  }
0x17: {  	s4 =	simm.s32 $0x1BF5;
	[smem:$0x3FA8] =	sst s0  }
0x18: {  	s0 =	sld [smem:$0x3F8B];
	_ =	swait.ge [sflag:s4], $0x0  }
0x19: {  	s7 =	sld [smem:$0x3F8C]  }
0x1a: {  	s8 =	sadd.s32 $0xFFFFE003, lr  }
0x1b: {  	s9 =	sadd.s32 $0xFFFFFEF7, lr;
	s5 =	simm.s32 $0xFFFFFFFF;
	p2 =	slt.u32 s8, $0xFFFFF086  }
0x1c: {  	p1 =	slt.u32 s9, $0xF7A;
	s5 =	simm.s32 @!p2 $0x0  }
0x1d: {  	s5 =	simm.s32 @p1 $0x1;
	p0 =	seq.s32 s7, s2  }
0x1e: {  	s7 =	smul.u32 @!p0 $0xF7A, s2;
	p2 =	seq.s32 @!p0 s5, $0x0  }
0x1f: {  	s9 =	smul.u32 $0xF7A, s1;
	s8 =	simm.s32 @!p0 $0x1BF5;
	p2 =	por !p2, p0  }
0x20: {  	[sflag:s8] =	ssyncset.s32 @!p0 $0xFFFFF086;
	s6 =	sadd.s32 @!p0 s3, s7;
	s7 =	simm.s32 @!p0 $0x108  }
0x21: {  	s3 =	sadd.s32 s3, s9;
	s6 =	sadd.s32 @!p0 $0x88, s6;
	s7 =	simm.s32 @p2 $0x1082  }
0x22: {  	[simem:s7], [sflag:s8] =	dma.local @!p0 [hbm:s6], $0xF7A  }
0x23: {  	s9 =	sor.u32 $0xD0000000, s2;
	s6 =	simm.s32 $0x108;
	_ =	swait.ge @!p0 [sflag:s8], $0x0  }
0x24: {  	s3 =	sadd.s32 $0x88, s3;
	s6 =	simm.s32 @!p1 $0x1082;
	[sflag:s4] =	ssyncset.s32 $0xFFFFF086  }
0x25: {  	[simem:s6], [sflag:s4] =	dma.local [hbm:s3], $0xF7A  }
0x26: {  	[smem:$0x3F8C] =	sst s1;
	(tag) =	ssettag s2;
	_ =	strace s9  }
0x27: {  	s1 =	sld [smem:$0x3F9C]  }
0x28: {  	s2 =	sld [smem:$0x3F9D]  }
0x29: {  	s4 =	sld [smem:$0x3F9F]  }
0x2a: {  	p0 =	seq.s32 s5, $0x0;
	s5 =	sld [smem:$0x3FA0]  }
0x2b: {  	s6 =	sld [smem:$0x3FA1]  }
0x2c: {  	s7 =	sld [smem:$0x3FA2]  }
0x2d: {  	s3 =	simm.s32 $0x108;
	s8 =	sld [smem:$0x3FA3]  }
0x2e: {  	s3 =	simm.s32 @!p0 $0x1082;
	s9 =	sld [smem:$0x3FA4]  }
0x2f: {  	lr =	sadd.s32 s0, s3;
	s0 =	sld [smem:$0x3F9B]  }
0x30: {  	s3 =	sld [smem:$0x3F9E]  }
0x31: {  	[smem:$0x3FA7] =	sst s10  }
0x32: {  	s10 =	sld [smem:$0x3FA5];
	_ =	sdelay $0x3  }
0x33: {  	p0 =	seq.s32 s10, $0x1;
	s10 =	sld [smem:$0x3FA7];
	_ =	sdelay $0x3  }
0x34: {  	[smem:$0x3FA7] =	sst s10  }
0x35: {  	s10 =	sld [smem:$0x3FA6];
	_ =	sdelay $0x3  }
0x36: {  	p1 =	seq.s32 s10, $0x1;
	s10 =	sld [smem:$0x3FA7];
	_ =	sdelay $0x3  }
0x37: {  	[smem:$0x3FA7] =	sst s10  }
0x38: {  	s10 =	sld [smem:$0x3FA8]  }
0x39: {  	_ = 	snop;
	(pc) =	sbr.ind lr, $3  }
0x3a: {  	_ = 	snop  }
0x3b: {  	_ = 	snop  }
0x3c: {  	p2 =	seq.s32 s10, $0x1;
	s10 =	sld [smem:$0x3FA7]  }
0x3d: {  	_ =	shalt  }
0x3e: {  	_ =	shalt  }
0x3f: {  	_ =	shalt  }
0x40: {  	_ =	shalt  }
0x41: {  	_ =	shalt  }
0x42: {  	_ =	shalt  }
0x43: {  	_ =	shalt  }
0x44: {  	_ =	shalt  }
0x45: {  	_ =	shalt  }
0x46: {  	_ =	shalt  }
0x47: {  	_ =	shalt  }
0x48: {  	_ =	shalt  }
0x49: {  	_ =	shalt  }
0x4a: {  	_ =	shalt  }
0x4b: {  	_ =	shalt  }
0x4c: {  	_ =	shalt  }
0x4d: {  	_ =	shalt  }
0x4e: {  	_ =	shalt  }
0x4f: {  	_ =	shalt  }
0x50: {  	_ =	shalt  }
0x51: {  	_ =	shalt  }
0x52: {  	_ =	shalt  }
0x53: {  	_ =	shalt  }
0x54: {  	_ =	shalt  }
0x55: {  	_ =	shalt  }
0x56: {  	_ =	shalt  }
0x57: {  	_ =	shalt  }
0x58: {  	_ =	shalt  }
0x59: {  	_ =	shalt  }
0x5a: {  	_ =	shalt  }
0x5b: {  	_ =	shalt  }
0x5c: {  	_ =	shalt  }
0x5d: {  	_ =	shalt  }
0x5e: {  	_ =	shalt  }
0x5f: {  	_ =	shalt  }
0x60: {  	_ =	shalt  }
0x61: {  	_ =	shalt  }
0x62: {  	_ =	shalt  }
0x63: {  	_ =	shalt  }
0x64: {  	_ =	shalt  }
0x65: {  	_ =	shalt  }
0x66: {  	_ =	shalt  }
0x67: {  	_ =	shalt  }
0x68: {  	_ =	shalt  }
0x69: {  	_ =	shalt  }
0x6a: {  	_ =	shalt  }
0x6b: {  	_ =	shalt  }
0x6c: {  	_ =	shalt  }
0x6d: {  	_ =	shalt  }
0x6e: {  	_ =	shalt  }
0x6f: {  	_ =	shalt  }
0x70: {  	_ =	shalt  }
0x71: {  	_ =	shalt  }
0x72: {  	_ =	shalt  }
0x73: {  	_ =	shalt  }
0x74: {  	_ =	shalt  }
0x75: {  	_ =	shalt  }
0x76: {  	_ =	shalt  }
0x77: {  	_ =	shalt  }
0x78: {  	_ =	shalt  }
0x79: {  	_ =	shalt  }
0x7a: {  	_ =	shalt  }
0x7b: {  	_ =	shalt  }
0x7c: {  	_ =	shalt  }
0x7d: {  	_ =	shalt  }
0x7e: {  	_ =	shalt  }
0x7f: {  	_ =	shalt  }
0x80: {  	_ =	shalt  }
0x81: {  	_ =	shalt  }
0x82: {  	_ =	shalt  }
0x83: {  	_ =	shalt  }
0x84: {  	_ =	shalt  }
0x85: {  	_ =	shalt  }
0x86: {  	_ =	shalt  }
0x87: {  	_ =	shalt  }
.Lfunc_end0:
.L_simem_size_0:
called_computation_lowered:
.L_overlay_start_0:
0x88: {  	s2 =	sld [smem:$0x3FD9]  }
0x89: {  	s3 =	sld [smem:$0x3FFE];
	_ =	sdelay $0x1  }
0x8a: {  	s1 =	srdreg.scid  }
0x8b: {  	s0 =	sand.u32 $0x1, s1  }
0x8c: {  	s17 =	sshll.u32 s0, $0xA;
	s2 =	sadd.s32 s3, s2  }
0x8d: {  	s2 =	sadd.s32 s2, s17  }
0x8e: {  	[smem:$0x3FB3] =	sst s2  }
0x8f: {  	_ = 	snop  }
0x90: {  	s2 =	sld [smem:$0x3FD0];
	(tm) =	ssettm $0x1  }
0x91: {  	s18 =	sld [smem:$0x3FFB];
	_ =	sdelay $0x3  }
0x92: {  	_ =	strace s18  }
0x93: {  	s3 =	sld [smem:$0x3FFC];
	_ =	sdelay $0x3  }
0x94: {  	_ =	strace s3  }
0x95: {  	s3 =	sld [smem:$0x3FFD];
	_ =	sdelay $0x3  }
0x96: {  	_ =	strace s3  }
0x97: {  	_ =	strace $0x8FFFFFFF  }
0x98: {  	s19 =	sld [smem:$0x3FDB];
	_ =	sdelay $0x1  }
0x99: {  	s4 =	simm.s32 $_scs_section_size  }
0x9a: {  	s5 =	simm.s32 $_size__tile_overlayer_lowered;
	s6 =	simm.s32 $_tile_overlayer_lowered  }
0x9b: {  	s22 =	simm.s32 $0x1BFF;
	s21 =	sshll.u32 s6, $0x1;
	s3 =	sadd.s32 s4, s19  }
0x9c: {  	s7 =	simm.s32 $0x0;
	s20 =	sshll.u32 s5, $0x1;
	s5 =	sadd.s32 s21, s3  }
0x9d: {  	[timem:s7], [sflag:s22] =	dma.local [hbm:s5], s20  }
0x9e: {  	_ =	swait.ge [sflag:s22], s20  }
0x9f: {  	s4 =	ssub.s32 $0x0, s20;
	[sflag:s22] =	ssyncset.done $0x0  }
0xa0: {  	[sflag:s22] =	ssyncadd.s32 s4;
	_ =	sdelay $0x1  }
0xa1: {  	s23 =	simm.s32 $0x1B8B  }
0xa2: {  	_ =	swait.ge [sflag:s23], $0x1  }
0xa3: {  	[sflag:s23] =	ssyncset.done $0x0  }
0xa4: {  	s25 =	simm.s32 $0x1B8E;
	s24 =	sld [smem:$0x3FFE];
	[sflag:s23] =	ssyncadd.s32 $0xFFFFFFFF  }
0xa5: {  	s26 =	simm.s32 $execute0_lowered;
	[smem:$0x3FD2] =	sst s25  }
0xa6: {  	s5 =	sshll.u32 s26, $0x1;
	_ =	strace $0x80000046;
	[dreg:$0x1] =	wrdreg $0xFFFFFFFF  }
0xa7: {  	s28 =	simm.s32 $_size_execute0_lowered;
	s3 =	sadd.s32 s3, s5;
	[dreg:$0x0] =	wrdreg $0x0  }
0xa8: {  	s5 =	sshll.u32 s28, $0x1;
	[dreg:$0x2] =	wrdreg s3  }
0xa9: {  	[dreg:$0x3] =	wrdreg s5  }
0xaa: {  	[dreg:$0x4] =	wrdreg $0xC0  }
0xab: {  	_ =	task [dreg:s7], $0x5FFFF  }
0xac: {  	[dreg:$0x1] =	wrdreg $0xFFFFFFFF  }
0xad: {  	[dreg:$0x0] =	wrdreg $0x60  }
0xae: {  	[dreg:$0x2] =	wrdreg s24  }
0xaf: {  	[dreg:$0x3] =	wrdreg s2  }
0xb0: {  	[dreg:$0x4] =	wrdreg $0xBF400  }
0xb1: {  	[dreg:$0x5] =	wrdreg $0x1F7C00  }
0xb2: {  	[dreg:$0x6] =	wrdreg $0x9  }
0xb3: {  	_ =	task.clear_ibuf [dreg:s7], $0x7FFFF;
	_ =	strace $0x90000046  }
0xb4: {  	s29 =	simm.s32 $0x9;
	_ =	strace $0x80000048  }
0xb5: {  	_ =	swait.ge [sflag:s29], $0x1  }
0xb6: {  	[sflag:s29] =	ssyncadd.s32 $0xFFFFFFFF  }
0xb7: {  	_ =	strace $0x90000048  }
0xb8: {  	_ =	sfence  }
0xb9: {  	s30 =	sld [smem:$0x0];
	_ =	sdelay $0x2  }
0xba: {  	s31 =	sshll.u32 s1, $0xD;
	s1 =	sshrl.u32 s1, $0x2  }
0xbb: {  	s3 =	sand.u32 $0x4000, s31;
	s1 =	sadd.s32 s1, s30  }
0xbc: {  	s0 =	sor.u32 s3, s0;
	s1 =	sshll.u32 s1, $0x11  }
0xbd: {  	s0 =	sor.u32 s1, s0  }
0xbe: {  	s0 =	sadd.s32 $0x8F2B, s0  }
0xbf: {  	[sflag:s0] =	ssyncadd.remote.s32 $0x1  }
0xc0: {  	_ =	sfence.sel $0xFFFF  }
0xc1: {  	[dreg:$0x0] =	wrdreg $0xFFFFFFFF;
	(pc) =	sbr.abs _section_cstart, $3  }
0xc2: {  	[dreg:$0x1] =	wrdreg $0xFFFFFFFF  }
0xc3: {  	_ =	task.clear_ibuf [dreg:s7], $0x2FFFF;
	_ =	strace $0x9FFFFFFF  }
0xc4: {  	(tm) =	ssettm $0x7FFFFFFF  }
0xc5: {  	_ =	shalt  }
tec
execute0_lowered:
.L_overlay_start_1:
0x0: {  	(tag) =	ssettag $0x1  }
0x1: {  	s0 =	rddreg [dreg:$0x0]  }
0x2: {  	s2 =	rddreg [dreg:$0x2]  }
0x3: {  	s3 =	rddreg [dreg:$0x3];
	s4 =	simm.s32 $0x0  }
0x4: {  	[smem:$0x7FF] =	sst s4;
	s5 =	sadd.s32 $0x3600, s0  }
0x5: {  	s1 =	srdreg.scid;
	s6 =	sadd.s32 $0x13BE00, s0;
	s8 =	sadd.s32 $0x148400, s0  }
0x6: {  	s12 =	stileid.u32;
	s9 =	sadd.s32 $0x13E600, s0;
	s7 =	sadd.s32 $0x152200, s0  }
0x7: {  	s1 =	sand.u32 $0x1, s1;
	s10 =	sadd.s32 $0x154A00, s0;
	s11 =	smul.u32 $0x4E200, s12  }
0x8: {  	s14 =	smul.u32 $0xA00, s12;
	_ =	strace $0x80000047;
	[dreg:$0x5] =	wrdreg s7  }
0x9: {  	s0 =	sadd.s32 $0x154C00, s0;
	s15 =	smul.u32 $0x4E20, s12;
	[dreg:$0x6] =	wrdreg s10  }
0xa: {  	s17 =	smul.u32 $0x271, s12;
	[dreg:$0x7] =	wrdreg s0;
	s16 =	sshll.u32 s1, $0x2  }
0xb: {  	s26 =	ssub.s32 $0x2, s1;
	s1 =	sshll.u32 s1, $0x1;
	[dreg:$0x8] =	wrdreg s16  }
0xc: {  	s23 =	smul.u32 $0x280, s12;
	[dreg:$0x9] =	wrdreg s1;
	s18 =	sshrl.u32 s11, $0x2  }
0xd: {  	[dreg:$0xa] =	wrdreg s17;
	s7 =	sshrl.u32 s14, $0x2;
	s1 =	sadd.s32 s18, s2  }
0xe: {  	s20 =	sshrl.u32 s15, $0x3;
	s19 =	sadd.s32 s7, s3;
	[dreg:$0xb] =	wrdreg s1  }
0xf: {  	s29 =	sshrl.u32 s26, $0x1;
	s21 =	sadd.s32 s8, s20;
	[dreg:$0xc] =	wrdreg s19  }
0x10: {  	s13 =	ssub.s32 s26, s29;
	s29 =	sadd.s32 s23, s3;
	[dreg:$0xd] =	wrdreg s21  }
0x11: {  	s22 =	sadd.s32 $0xFA, s20;
	s1 =	sadd.s32 s9, s20;
	[dreg:$0x11] =	wrdreg s29  }
0x12: {  	s28 =	simm.s32 $0x2710;
	s25 =	sadd.s32 s8, s22;
	[dreg:$0xe] =	wrdreg s1  }
0x13: {  	s31 =	simm.s32 $0x1;
	s26 =	sadd.s32 s9, s22;
	[dreg:$0xf] =	wrdreg s25  }
0x14: {  	s30 =	simm.s32 $0x6D60;
	s0 =	smax.u32 s13, $0x1;
	[dreg:$0x10] =	wrdreg s26  }
0x15: {  	s10 =	simm.s32 $0x0;
	s24 =	smov.u32 s23;
	[dreg:$0x12] =	wrdreg s0  }
0x16: {  	s26 =	simm.s32 $0x9;
	s1 =	simm.s32 $0x50;
	s0 =	simm.s32 $0x5  }
.LBB2_1:
0x17: {  	[dreg:$0x13] =	wrdreg s10;
	s25 =	simm.s32 $0x0  }
.LBB2_2:
0x18: {  	s7 =	sshrl.u32 s25, $0x1;
	s10 =	rddreg [dreg:$0x9]  }
0x19: {  	s7 =	sadd.s32 s10, s7  }
0x1a: {  	s10 =	smul.u32 $0x4E2, s7;
	_ =	sdelay $0x1  }
0x1b: {  	s11 =	smul.u32 $0x2710, s7;
	s10 =	sadd.s32 s6, s10  }
0x1c: {  	[tilespmem:s4], [sflag:$0x9] =	stream.linear.gather [hbm4b:s10+s4], $0x2710, $0x38;
	[tilespmem:$0x1FA40] =	vst v63  }
0x1d: {  	s18 =	sshrl.u32 s11, $0x3;
	_ =	swait.ge [sflag:s26], $0x2710  }
0x1e: {  	s10 =	sadd.s32 s6, s18;
	[sflag:s26] =	ssyncset.done $0x0  }
0x1f: {  	s19 =	stileid.u32;
	s10 =	sadd.s32 $0x1388, s10;
	[sflag:s26] =	ssyncadd.s32 $0xFFFFD8F0  }
0x20: {  	[tilespmem:s28], [sflag:$0x9] =	stream.linear.gather [hbm4b:s10+s4], $0x2710, $0x38;
	[tilespmem:$0x1FA40] =	vst v63  }
0x21: {  	s10 =	sshll.u32 s19, $0x6;
	_ =	swait.ge [sflag:s26], $0x2710  }
0x22: {  	s29 =	sor.u32 $0x1C09, s10;
	[sflag:s26] =	ssyncset.done $0x0;
	s20 =	rddreg [dreg:$0xb]  }
0x23: {  	s21 =	rddreg [dreg:$0x5];
	[sflag:s26] =	ssyncadd.s32 $0xFFFFD8F0;
	s10 =	sshrl.u32 s20, $0x3  }
0x24: {  	[spmem:s10], [sflag:s29] =	dma.local [hbm:s21], $0x2710  }
0x25: {  	s12 =	sand.u32 $0x1, s25;
	_ =	swait.ge [sflag:s26], $0x2710  }
0x26: {  	p0 =	seq.s32 s12, $0x1;
	[sflag:s26] =	ssyncset.done $0x0;
	s11 =	rddreg [dreg:$0xc]  }
0x27: {  	s13 =	rddreg [dreg:$0x6];
	[sflag:s26] =	ssyncadd.s32 $0xFFFFD8F0;
	s11 =	sshrl.u32 @!p0 s11, $0x3  }
0x28: {  	[spmem:s11], [sflag:s29] =	dma.local @!p0 [hbm:s13], $0x50  }
0x29: {  	s11 =	simm.s32 @!p0 $0x9  }
0x2a: {  	_ =	swait.ge @!p0 [sflag:s11], $0x50  }
0x2b: {  	[sflag:s11] =	ssyncset.done @!p0 $0x0  }
0x2c: {  	[sflag:s11] =	ssyncadd.s32 @!p0 $0xFFFFFFB0  }
0x2d: {  	[bflag:$0x0] =	sbarrier.arrive $0xFFFF  }
0x2e: {  	s14 =	simm.s32 $0x0;
	s23 =	simm.s32 $0x4E20;
	s22 =	rddreg [dreg:$0xd]  }
0x2f: {  	[tilespmem:s23], [sflag:$0x1] =	stream.linear.gather [hbm4b:s22+s14], $0x7D0, $0x38;
	[tilespmem:$0x1FA40] =	vst v63  }
0x30: {  	s17 =	simm.s32 $0x5DC0;
	s16 =	rddreg [dreg:$0xe]  }
0x31: {  	[tilespmem:s17], [sflag:$0x1] =	stream.linear.gather [hbm4b:s16+s14], $0x7D0, $0x38;
	[tilespmem:$0x1FA40] =	vst v63  }
0x32: {  	_ =	swait.ge [sflag:s31], $0x7D0  }
0x33: {  	[sflag:s31] =	ssyncset.done $0x0  }
0x34: {  	[sflag:s31] =	ssyncadd.s32 $0xFFFFF830  }
0x35: {  	_ =	swait.ge [sflag:s31], $0x7D0  }
0x36: {  	[sflag:s31] =	ssyncset.done $0x0  }
0x37: {  	s19 =	simm.s32 $0x55F0;
	s18 =	rddreg [dreg:$0xf];
	[sflag:s31] =	ssyncadd.s32 $0xFFFFF830  }
0x38: {  	[tilespmem:s19], [sflag:$0x2] =	stream.linear.gather [hbm4b:s18+s14], $0x7D0, $0x38;
	[tilespmem:$0x1FA40] =	vst v63  }
0x39: {  	s21 =	simm.s32 $0x6590;
	s20 =	rddreg [dreg:$0x10]  }
0x3a: {  	[tilespmem:s21], [sflag:$0x2] =	stream.linear.gather [hbm4b:s20+s14], $0x7D0, $0x38;
	[tilespmem:$0x1FA40] =	vst v63  }
0x3b: {  	v0 =	vld [tilespmem:$0x4E20]  }
0x3c: {  	v1 =	vld [tilespmem:$0x5DC0]  }
0x3d: {  	s22 =	rddreg [dreg:$0x8]  }
0x3e: {  	s11 =	sadd.s32 s22, s25  }
0x3f: {  	s11 =	smul.u32 $0x2710, s11;
	_ =	sdelay $0x1  }
0x40: {  	v2 =	vadd.s32 s11, v0;
	[tilespmem:$0x6EA0] =	vst v1  }
0x41: {  	[tilespmem:$0x6E00] =	vst v2  }
0x42: {  	v0 =	vld.idx.msk [tilespmem:v0+s14+$0x0], $0xffff  }
0x43: {  	v1 =	vld.idx.msk [tilespmem:v1+s28+$0x0], $0xffff;
	_ =	sdelay $0x4  }
0x44: {  	v0 =	vadd.f32 v1, v0;
	_ =	sdelay $0x1  }
0x45: {  	v1 =	vmul.f32 $2.000000030e-01, v0  }
0x46: {  	vm0 =	vgt.f32 v0, $0.0e+00  }
0x47: {  	v0 =	vsel vm0, v0, v1  }
0x48: {  	v0 =	vmul.f32 $1.442695020e+00, v0;
	_ =	sdelay $0x1  }
0x49: {  	(erf) = vpow2.f32 v0;
	_ =	sdelay $0x2  }
0x4a: {  	v1 =	vld [tilespmem:$0x5DD0]  }
0x4b: {  	v0 =	vld [tilespmem:$0x4E30];
	_ =	sdelay $0x4  }
0x4c: {  	[tilespmem:$0x6EB0] =	vst v1;
	v2 =	vpop (erf)  }
0x4d: {  	[tilespmem:$0x6D60] =	vst v2;
	v2 =	vadd.s32 s11, v0  }
0x4e: {  	[tilespmem:$0x6E10] =	vst v2  }
0x4f: {  	v0 =	vld.idx.msk [tilespmem:v0+s14+$0x0], $0xffff  }
0x50: {  	v1 =	vld.idx.msk [tilespmem:v1+s28+$0x0], $0xffff;
	_ =	sdelay $0x4  }
0x51: {  	v0 =	vadd.f32 v1, v0;
	_ =	sdelay $0x1  }
0x52: {  	v1 =	vmul.f32 $2.000000030e-01, v0  }
0x53: {  	vm12 =	vgt.f32 v0, $0.0e+00  }
0x54: {  	v0 =	vsel vm12, v0, v1  }
0x55: {  	v0 =	vmul.f32 $1.442695020e+00, v0;
	_ =	sdelay $0x1  }
0x56: {  	(erf) = vpow2.f32 v0;
	_ =	sdelay $0x2  }
0x57: {  	v1 =	vld [tilespmem:$0x5DE0]  }
0x58: {  	v0 =	vld [tilespmem:$0x4E40];
	_ =	sdelay $0x4  }
0x59: {  	[tilespmem:$0x6EC0] =	vst v1;
	v2 =	vpop (erf)  }
0x5a: {  	[tilespmem:$0x6D70] =	vst v2;
	v2 =	vadd.s32 s11, v0  }
0x5b: {  	[tilespmem:$0x6E20] =	vst v2  }
0x5c: {  	v0 =	vld.idx.msk [tilespmem:v0+s14+$0x0], $0xffff  }
0x5d: {  	v1 =	vld.idx.msk [tilespmem:v1+s28+$0x0], $0xffff;
	_ =	sdelay $0x4  }
0x5e: {  	v0 =	vadd.f32 v1, v0;
	_ =	sdelay $0x1  }
0x5f: {  	v1 =	vmul.f32 $2.000000030e-01, v0  }
0x60: {  	vm13 =	vgt.f32 v0, $0.0e+00  }
0x61: {  	v0 =	vsel vm13, v0, v1  }
0x62: {  	v0 =	vmul.f32 $1.442695020e+00, v0;
	_ =	sdelay $0x1  }
0x63: {  	(erf) = vpow2.f32 v0;
	_ =	sdelay $0x2  }
0x64: {  	v1 =	vld [tilespmem:$0x5DF0]  }
0x65: {  	v0 =	vld [tilespmem:$0x4E50];
	_ =	sdelay $0x4  }
0x66: {  	[tilespmem:$0x6ED0] =	vst v1;
	v2 =	vpop (erf)  }
0x67: {  	[tilespmem:$0x6D80] =	vst v2;
	v2 =	vadd.s32 s11, v0  }
0x68: {  	[tilespmem:$0x6E30] =	vst v2  }
0x69: {  	v0 =	vld.idx.msk [tilespmem:v0+s14+$0x0], $0xffff  }
0x6a: {  	v1 =	vld.idx.msk [tilespmem:v1+s28+$0x0], $0xffff;
	_ =	sdelay $0x4  }
0x6b: {  	v0 =	vadd.f32 v1, v0;
	_ =	sdelay $0x1  }
0x6c: {  	v1 =	vmul.f32 $2.000000030e-01, v0  }
0x6d: {  	vm14 =	vgt.f32 v0, $0.0e+00  }
0x6e: {  	v0 =	vsel vm14, v0, v1  }
0x6f: {  	v0 =	vmul.f32 $1.442695020e+00, v0;
	_ =	sdelay $0x1  }
0x70: {  	(erf) = vpow2.f32 v0;
	_ =	sdelay $0x2  }
0x71: {  	v1 =	vld [tilespmem:$0x5E00]  }
0x72: {  	v0 =	vld [tilespmem:$0x4E60];
	_ =	sdelay $0x4  }
0x73: {  	[tilespmem:$0x6EE0] =	vst v1;
	v2 =	vpop (erf)  }
0x74: {  	[tilespmem:$0x6D90] =	vst v2;
	v2 =	vadd.s32 s11, v0  }
0x75: {  	[tilespmem:$0x6E40] =	vst v2  }
0x76: {  	v0 =	vld.idx.msk [tilespmem:v0+s14+$0x0], $0xffff  }
0x77: {  	v1 =	vld.idx.msk [tilespmem:v1+s28+$0x0], $0xffff;
	_ =	sdelay $0x4  }
0x78: {  	v0 =	vadd.f32 v1, v0;
	_ =	sdelay $0x1  }
0x79: {  	v1 =	vmul.f32 $2.000000030e-01, v0  }
0x7a: {  	vm15 =	vgt.f32 v0, $0.0e+00  }
0x7b: {  	v0 =	vsel vm15, v0, v1  }
0x7c: {  	v0 =	vmul.f32 $1.442695020e+00, v0;
	_ =	sdelay $0x1  }
0x7d: {  	(erf) = vpow2.f32 v0;
	_ =	sdelay $0x8  }
0x7e: {  	p1 =	por $0x0, $0x0;
	v0 =	vpop (erf)  }
0x7f: {  	p0 =	sne.s32 s12, $0x0;
	s23 =	simm.s32 $0x6E00;
	s16 =	simm.s32 $0x6F40;
	[tilespmem:$0x6DA0] =	vst v0  }
0x80: {  	v0 =	vmov s11;
	[tilespmem:s16], [sflag:$0x3] =	stream.indirect.gather [hbm4b:s5+s1], $0x80, s23, s1, $0xb8;
	[tilespmem:$0x1FA40] =	vst v63  }
.LBB2_3:
0x81: {  	p2 =	seq.s32 s14, $0xF9  }
.Ltmp0:
0x82: {  	s12 =	sand.u32 $0x1, s14;
	(pc) =	sbr.rel @p2 .LBB2_10-.Ltmp0, $4  }
0x83: {  	s16 =	sadd.s32 $0x3, s12  }
0x84: {  	_ =	swait.ge [sflag:s16], $0x2800  }
0x85: {  	[sflag:s16] =	ssyncset.done $0x0  }
0x86: {  	s13 =	sadd.s32 $0x1, s14;
	[sflag:s16] =	ssyncadd.s32 $0xFFFFD800  }
0x87: {  	s16 =	sand.u32 $0xFF, s13  }
0x88: {  	s16 =	smul.u32 $0x29, s16;
	_ =	sdelay $0x1  }
0x89: {  	s19 =	sshrl.u32 s16, $0xA  }
0x8a: {  	s16 =	smul.u32 $0x19, s19;
	_ =	sdelay $0x1  }
0x8b: {  	s16 =	ssub.s32 s13, s16  }
0x8c: {  	s17 =	sand.u32 $0xFF, s16  }
0x8d: {  	p2 =	sne.s32 s17, $0x0  }
.Ltmp1:
0x8e: {  	_ = 	snop;
	(pc) =	sbr.rel @p2 .LBB2_7-.Ltmp1, $2  }
0x8f: {  	_ =	sdelay $0x2  }
0x90: {  	s18 =	sand.u32 $0x1, s19;
	s16 =	sand.u32 $0x1, s13  }
0x91: {  	s20 =	sadd.s32 $0x1, s18  }
0x92: {  	p2 =	sgt.u32 s14, $0xDF;
	_ =	swait.ge [sflag:s20], $0x7D0  }
.Ltmp2:
0x93: {  	[sflag:s20] =	ssyncset.done $0x0;
	(pc) =	sbr.rel @p2 .LBB2_8-.Ltmp2, $4  }
0x94: {  	[sflag:s20] =	ssyncadd.s32 $0xFFFFF830  }
0x95: {  	_ =	swait.ge [sflag:s20], $0x7D0  }
0x96: {  	[sflag:s20] =	ssyncset.done $0x0  }
0x97: {  	[sflag:s20] =	ssyncadd.s32 $0xFFFFF830  }
0x98: {  	s19 =	sadd.s32 $0x1, s19  }
0x99: {  	s20 =	smul.u32 $0x7D0, s19  }
0x9a: {  	s19 =	sand.u32 $0x1, s19  }
0x9b: {  	s21 =	smul.u32 $0x7D0, s19;
	s20 =	sadd.s32 s15, s20  }
0x9c: {  	s20 =	sshrl.u32 s20, $0x3  }
0x9d: {  	s19 =	sadd.s32 $0x1, s19;
	s22 =	sadd.s32 $0x4E20, s21;
	s23 =	sadd.s32 s8, s20  }
0x9e: {  	[tilespmem:s22], [sflag:s19] =	stream.linear.gather [hbm4b:s23+s4], $0x7D0, $0x38;
	[tilespmem:$0x1FA40] =	vst v63  }
0x9f: {  	s21 =	sadd.s32 $0x5DC0, s21;
	s20 =	sadd.s32 s9, s20  }
0xa0: {  	[tilespmem:s21], [sflag:s19] =	stream.linear.gather [hbm4b:s20+s4], $0x7D0, $0x38;
	[tilespmem:$0x1FA40] =	vst v63  }
.LBB2_7:
0xa1: {  	p2 =	seq.s32 s14, $0x0  }
.Ltmp3:
0xa2: {  	_ = 	snop;
	(pc) =	sbr.rel @p2 .LBB2_9-.Ltmp3, $1  }
0xa3: {  	_ =	sdelay $0x3  }
.LBB2_8:
0xa4: {  	s14 =	sadd.s32 $0x5, s16  }
0xa5: {  	_ =	swait.ge [sflag:s14], $0x2800  }
0xa6: {  	[sflag:s14] =	ssyncset.done $0x0  }
0xa7: {  	[sflag:s14] =	ssyncadd.s32 $0xFFFFD800;
	s14 =	sadd.s32 @!p0 $0x7, s16  }
0xa8: {  	_ =	swait.ge @!p0 [sflag:s14], $0x50  }
0xa9: {  	[sflag:s14] =	ssyncset.done @!p0 $0x0  }
0xaa: {  	[sflag:s14] =	ssyncadd.s32 @!p0 $0xFFFFFFB0  }
.LBB2_9:
0xab: {  	p2 =	seq.s32 s18, $0x1;
	s14 =	smul.u32 $0x50, s17;
	s17 =	simm.s32 $0x7D0  }
0xac: {  	s17 =	simm.s32 @!p2 $0x0  }
0xad: {  	s17 =	sadd.s32 s14, s17  }
0xae: {  	v1 =	vld [tilespmem:s17+$0x4E20]  }
0xaf: {  	v2 =	vld [tilespmem:s17+$0x5DC0];
	_ =	sdelay $0x2  }
0xb0: {  	s19 =	smul.u32 $0x50, s16;
	_ =	sdelay $0x1  }
0xb1: {  	v3 =	vadd.s32 v0, v1;
	[tilespmem:s19+$0x6EA0] =	vst v2  }
0xb2: {  	[tilespmem:s19+$0x6E00] =	vst v3  }
0xb3: {  	v1 =	vld.idx.msk [tilespmem:v1+s4+$0x0], $0xffff  }
0xb4: {  	v2 =	vld.idx.msk [tilespmem:v2+s28+$0x0], $0xffff;
	_ =	sdelay $0x4  }
0xb5: {  	v1 =	vadd.f32 v2, v1;
	_ =	sdelay $0x1  }
0xb6: {  	v2 =	vmul.f32 $2.000000030e-01, v1  }
0xb7: {  	vm0 =	vgt.f32 v1, $0.0e+00  }
0xb8: {  	v1 =	vsel vm0, v1, v2  }
0xb9: {  	v1 =	vmul.f32 $1.442695020e+00, v1;
	_ =	sdelay $0x1  }
0xba: {  	(erf) = vpow2.f32 v1;
	_ =	sdelay $0x8  }
0xbb: {  	v1 =	vpop (erf)  }
0xbc: {  	[tilespmem:s19+$0x6D60] =	vst v1  }
0xbd: {  	v1 =	vld [tilespmem:s17+$0x4E30]  }
0xbe: {  	v2 =	vld [tilespmem:s17+$0x5DD0];
	_ =	sdelay $0x4  }
0xbf: {  	v3 =	vadd.s32 v0, v1;
	[tilespmem:s19+$0x6EB0] =	vst v2  }
0xc0: {  	[tilespmem:s19+$0x6E10] =	vst v3  }
0xc1: {  	v1 =	vld.idx.msk [tilespmem:v1+s4+$0x0], $0xffff  }
0xc2: {  	v2 =	vld.idx.msk [tilespmem:v2+s28+$0x0], $0xffff;
	_ =	sdelay $0x4  }
0xc3: {  	v1 =	vadd.f32 v2, v1;
	_ =	sdelay $0x1  }
0xc4: {  	v2 =	vmul.f32 $2.000000030e-01, v1  }
0xc5: {  	vm12 =	vgt.f32 v1, $0.0e+00  }
0xc6: {  	v1 =	vsel vm12, v1, v2  }
0xc7: {  	v1 =	vmul.f32 $1.442695020e+00, v1;
	_ =	sdelay $0x1  }
0xc8: {  	(erf) = vpow2.f32 v1;
	_ =	sdelay $0x8  }
0xc9: {  	v1 =	vpop (erf)  }
0xca: {  	[tilespmem:s19+$0x6D70] =	vst v1  }
0xcb: {  	v1 =	vld [tilespmem:s17+$0x4E40]  }
0xcc: {  	v2 =	vld [tilespmem:s17+$0x5DE0];
	_ =	sdelay $0x4  }
0xcd: {  	v3 =	vadd.s32 v0, v1;
	[tilespmem:s19+$0x6EC0] =	vst v2  }
0xce: {  	[tilespmem:s19+$0x6E20] =	vst v3  }
0xcf: {  	v1 =	vld.idx.msk [tilespmem:v1+s4+$0x0], $0xffff  }
0xd0: {  	v2 =	vld.idx.msk [tilespmem:v2+s28+$0x0], $0xffff;
	_ =	sdelay $0x4  }
0xd1: {  	v1 =	vadd.f32 v2, v1;
	_ =	sdelay $0x1  }
0xd2: {  	v2 =	vmul.f32 $2.000000030e-01, v1  }
0xd3: {  	vm13 =	vgt.f32 v1, $0.0e+00  }
0xd4: {  	v1 =	vsel vm13, v1, v2  }
0xd5: {  	v1 =	vmul.f32 $1.442695020e+00, v1;
	_ =	sdelay $0x1  }
0xd6: {  	(erf) = vpow2.f32 v1;
	_ =	sdelay $0x8  }
0xd7: {  	v1 =	vpop (erf)  }
0xd8: {  	[tilespmem:s19+$0x6D80] =	vst v1  }
0xd9: {  	v1 =	vld [tilespmem:s17+$0x4E50]  }
0xda: {  	v2 =	vld [tilespmem:s17+$0x5DF0];
	_ =	sdelay $0x4  }
0xdb: {  	v3 =	vadd.s32 v0, v1;
	[tilespmem:s19+$0x6ED0] =	vst v2  }
0xdc: {  	[tilespmem:s19+$0x6E30] =	vst v3  }
0xdd: {  	v1 =	vld.idx.msk [tilespmem:v1+s4+$0x0], $0xffff  }
0xde: {  	v2 =	vld.idx.msk [tilespmem:v2+s28+$0x0], $0xffff;
	_ =	sdelay $0x4  }
0xdf: {  	v1 =	vadd.f32 v2, v1;
	_ =	sdelay $0x1  }
0xe0: {  	v2 =	vmul.f32 $2.000000030e-01, v1  }
0xe1: {  	vm14 =	vgt.f32 v1, $0.0e+00  }
0xe2: {  	v1 =	vsel vm14, v1, v2  }
0xe3: {  	v1 =	vmul.f32 $1.442695020e+00, v1;
	_ =	sdelay $0x1  }
0xe4: {  	(erf) = vpow2.f32 v1;
	_ =	sdelay $0x8  }
0xe5: {  	v1 =	vpop (erf)  }
0xe6: {  	[tilespmem:s19+$0x6D90] =	vst v1  }
0xe7: {  	v1 =	vld [tilespmem:s17+$0x4E60]  }
0xe8: {  	v2 =	vld [tilespmem:s17+$0x5E00];
	_ =	sdelay $0x4  }
0xe9: {  	v3 =	vadd.s32 v0, v1;
	[tilespmem:s19+$0x6EE0] =	vst v2  }
0xea: {  	[tilespmem:s19+$0x6E40] =	vst v3  }
0xeb: {  	v1 =	vld.idx.msk [tilespmem:v1+s4+$0x0], $0xffff  }
0xec: {  	v2 =	vld.idx.msk [tilespmem:v2+s28+$0x0], $0xffff;
	_ =	sdelay $0x4  }
0xed: {  	v1 =	vadd.f32 v2, v1;
	_ =	sdelay $0x1  }
0xee: {  	v2 =	vmul.f32 $2.000000030e-01, v1  }
0xef: {  	vm15 =	vgt.f32 v1, $0.0e+00  }
0xf0: {  	v1 =	vsel vm15, v1, v2  }
0xf1: {  	v1 =	vmul.f32 $1.442695020e+00, v1;
	_ =	sdelay $0x1  }
0xf2: {  	(erf) = vpow2.f32 v1;
	_ =	sdelay $0x6  }
0xf3: {  	s20 =	smul.u32 $0xA000, s16;
	_ =	sdelay $0x1  }
0xf4: {  	s17 =	sshrl.u32 s20, $0x2;
	v1 =	vpop (erf)  }
0xf5: {  	s23 =	sadd.s32 $0x3, s16;
	s21 =	sor.u32 $0x6E00, s19;
	s22 =	sadd.s32 $0x6F40, s17;
	[tilespmem:s19+$0x6DA0] =	vst v1  }
0xf6: {  	[tilespmem:s22], [sflag:s23] =	stream.indirect.gather [hbm4b:s5+s1], $0x80, s21, s1, $0xb8;
	[tilespmem:$0x1FA40] =	vst v63  }
.LBB2_10:
0xf7: {  	v1 =	vmov s12  }
0xf8: {  	v1 =	vmul.u32 $0x50, v1  }
0xf9: {  	s14 =	simm.s32 $0x0  }
0xfa: {  	v2 =	vmov s14;
	v1 =	vbroadcast v1, $0x0  }
0xfb: {  	s16 =	simm.s32 $0x1;
	v3 =	vand.u32 $0x78, v2  }
0xfc: {  	s16 =	simm.s32 @!p1 $0x0;
	v2 =	vand.u32 $0x4, v2;
	v3 =	vadd.s32 v1, v3  }
0xfd: {  	s20 =	smul.u32 $0xA000, s16;
	v2 =	vor.u32 v2, v3;
	_ =	sdelay $0x1  }
0xfe: {  	s14 =	sshrl.u32 s20, $0x2  }
0xff: {  	s19 =	sadd.s32 $0x7040, s14  }
0x100: {  	v4 =	vld [tilespmem:s19+$0xFFFFFF70]  }
0x101: {  	v2 =	vld.idx.msk [tilespmem:v2+s30+$0x0], $0xffff  }
0x102: {  	v5 =	vld [tilespmem:s19+$0xFFFFFF00]  }
0x103: {  	v6 =	vld [tilespmem:s19+$0xFFFFFF20]  }
0x104: {  	v7 =	vld [tilespmem:s19+$0xFFFFFF30]  }
0x105: {  	v3 =	vld [tilespmem:s19+$0xFFFFFF50]  }
0x106: {  	v9 =	vld [tilespmem:s19+$0xFFFFFF10];
	v4 =	vmul.f32 v4, v2  }
0x107: {  	s21 =	simm.s32 $0x1;
	v8 =	vld [tilespmem:s19+$0xFFFFFF60];
	v5 =	vmul.f32 v5, v2  }
0x108: {  	v10 =	vld [tilespmem:s19+$0xFFFFFF40];
	v6 =	vmul.f32 v6, v2;
	[tilespmem:s19+$0xFFFFFF70] =	vst v4;
	v4 =	vmov s21  }
0x109: {  	v7 =	vmul.f32 v7, v2;
	[tilespmem:s19+$0xFFFFFF00] =	vst v5;
	v5 =	vand.u32 $0x78, v4  }
0x10a: {  	v3 =	vmul.f32 v3, v2;
	[tilespmem:s19+$0xFFFFFF20] =	vst v6;
	v4 =	vand.u32 $0x5, v4;
	v5 =	vadd.s32 v1, v5  }
0x10b: {  	v6 =	vmul.f32 v9, v2;
	[tilespmem:s19+$0xFFFFFF30] =	vst v7;
	v4 =	vor.u32 v4, v5  }
0x10c: {  	[tilespmem:s19+$0xFFFFFF50] =	vst v3;
	v5 =	vmul.f32 v8, v2  }
0x10d: {  	[tilespmem:s19+$0xFFFFFF10] =	vst v6;
	v2 =	vmul.f32 v10, v2  }
0x10e: {  	[tilespmem:s19+$0xFFFFFF60] =	vst v5  }
0x10f: {  	[tilespmem:s19+$0xFFFFFF40] =	vst v2;
	v2 =	vld [tilespmem:s19+$0xFFFFFFC0]  }
0x110: {  	v4 =	vld.idx.msk [tilespmem:v4+s30+$0x0], $0xffff  }
0x111: {  	v5 =	vld [tilespmem:s19+$0xFFFFFF90]  }
0x112: {  	v7 =	vld [tilespmem:s19+$0xFFFFFF80]  }
0x113: {  	v6 =	vld [tilespmem:s19+$0xFFFFFFD0]  }
0x114: {  	v8 =	vld [tilespmem:s19+$0xFFFFFFE0]  }
0x115: {  	v2 =	vmul.f32 v2, v4  }
0x116: {  	v3 =	vld [tilespmem:s19+$0xFFFFFFF0];
	v5 =	vmul.f32 v5, v4  }
0x117: {  	s22 =	simm.s32 $0x2;
	v10 =	vld [tilespmem:s19+$0xFFFFFFA0];
	v7 =	vmul.f32 v7, v4;
	[tilespmem:s19+$0xFFFFFFC0] =	vst v2  }
0x118: {  	v9 =	vld [tilespmem:s19+$0xFFFFFFB0];
	v2 =	vmul.f32 v6, v4;
	v6 =	vmov s22;
	[tilespmem:s19+$0xFFFFFF90] =	vst v5  }
0x119: {  	v8 =	vmul.f32 v8, v4;
	[tilespmem:s19+$0xFFFFFF80] =	vst v7;
	v5 =	vand.u32 $0x78, v6  }
0x11a: {  	[tilespmem:s19+$0xFFFFFFD0] =	vst v2;
	v2 =	vand.u32 $0x6, v6;
	v5 =	vadd.s32 v1, v5  }
0x11b: {  	[tilespmem:s19+$0xFFFFFFE0] =	vst v8;
	v8 =	vld [tilespmem:s19+$0x30];
	v6 =	vmul.f32 v3, v4;
	v7 =	vor.u32 v2, v5  }
0x11c: {  	v3 =	vld [tilespmem:s19+$0x60];
	v5 =	vmul.f32 v10, v4  }
0x11d: {  	v2 =	vld [tilespmem:s19+$0x70];
	v4 =	vmul.f32 v9, v4;
	[tilespmem:s19+$0xFFFFFFF0] =	vst v6  }
0x11e: {  	s23 =	smul.u32 $0xA000, s12;
	v6 =	vld [tilespmem:s19+$0x0];
	[tilespmem:s19+$0xFFFFFFA0] =	vst v5  }
0x11f: {  	v5 =	vld [tilespmem:s19+$0x20];
	[tilespmem:s19+$0xFFFFFFB0] =	vst v4  }
0x120: {  	s17 =	simm.s32 $0x3;
	s14 =	sshrl.u32 s23, $0x2;
	v4 =	vld.idx.msk [tilespmem:v7+s30+$0x0], $0xffff  }
0x121: {  	s18 =	simm.s32 $0x7;
	s16 =	sadd.s32 $0x6F40, s14;
	s14 =	smov.u32 s19;
	v7 =	vld [tilespmem:s19+$0x50]  }
.LBB2_11:
0x122: {  	p2 =	sne.s32 s18, $0x4F  }
0x123: {  	v9 =	vld [tilespmem:s19+$0x40];
	s14 =	sadd.s32 $0x200, s14;
	s20 =	smov.u32 s18;
	s18 =	sadd.s32 $0x4, s18  }
0x124: {  	v10 =	vld [tilespmem:s19+$0x10];
	_ =	sdelay $0x1  }
0x125: {  	v6 =	vmul.f32 v6, v4;
	v7 =	vmul.f32 v7, v4  }
0x126: {  	v5 =	vmul.f32 v5, v4;
	v8 =	vmul.f32 v8, v4  }
0x127: {  	v3 =	vmul.f32 v3, v4;
	v2 =	vmul.f32 v2, v4;
	[tilespmem:s19+$0x0] =	vst v6;
	v6 =	vmov s17;
	s17 =	smov.u32 s20  }
0x128: {  	v10 =	vmul.f32 v10, v4;
	[tilespmem:s19+$0x20] =	vst v5;
	v4 =	vmul.f32 v9, v4;
	v5 =	vand.u32 $0x78, v6  }
0x129: {  	[tilespmem:s19+$0x70] =	vst v2;
	v2 =	vand.u32 $0x7, v6;
	v5 =	vadd.s32 v1, v5;
	v6 =	vld [tilespmem:s19+$0x80]  }
0x12a: {  	[tilespmem:s19+$0x50] =	vst v7;
	v5 =	vor.u32 v2, v5;
	v7 =	vld [tilespmem:s19+$0xD0]  }
0x12b: {  	v2 =	vld [tilespmem:s14+$0x70];
	[tilespmem:s19+$0x30] =	vst v8  }
0x12c: {  	[tilespmem:s19+$0x40] =	vst v4;
	v4 =	vld [tilespmem:s19+$0x90]  }
0x12d: {  	[tilespmem:s19+$0x10] =	vst v10;
	v8 =	vld [tilespmem:s19+$0xE0]  }
0x12e: {  	[tilespmem:s19+$0x60] =	vst v3;
	v9 =	vld [tilespmem:s19+$0xB0]  }
0x12f: {  	v5 =	vld.idx.msk [tilespmem:v5+s30+$0x0], $0xffff  }
0x130: {  	v3 =	vld [tilespmem:s14+$0x60]  }
0x131: {  	v10 =	vld [tilespmem:s19+$0xA0]  }
0x132: {  	v11 =	vld [tilespmem:s19+$0xC0]  }
0x133: {  	v12 =	vld [tilespmem:s19+$0xF0];
	_ =	sdelay $0x1  }
0x134: {  	v6 =	vmul.f32 v6, v5;
	v4 =	vmul.f32 v4, v5  }
0x135: {  	s20 =	sadd.s32 $0xFFFFFFFD, s17;
	v9 =	vmul.f32 v9, v5;
	v10 =	vmul.f32 v10, v5  }
0x136: {  	v13 =	vmov s20;
	v7 =	vmul.f32 v7, v5;
	[tilespmem:s19+$0x80] =	vst v6;
	v6 =	vmul.f32 v11, v5  }
0x137: {  	v11 =	vand.u32 $0x78, v13;
	[tilespmem:s19+$0x90] =	vst v4;
	v4 =	vmul.f32 v8, v5;
	v5 =	vmul.f32 v12, v5  }
0x138: {  	v8 =	vand.u32 $0x4, v13;
	v11 =	vadd.s32 v1, v11;
	[tilespmem:s19+$0xC0] =	vst v6  }
0x139: {  	v6 =	vor.u32 v8, v11;
	[tilespmem:s19+$0xD0] =	vst v7  }
0x13a: {  	v7 =	vld [tilespmem:s14+$0xFFFFFF50];
	[tilespmem:s19+$0xB0] =	vst v9  }
0x13b: {  	v8 =	vld [tilespmem:s14+$0xFFFFFF30];
	[tilespmem:s19+$0xE0] =	vst v4  }
0x13c: {  	v4 =	vld [tilespmem:s14+$0xFFFFFF60];
	[tilespmem:s19+$0xA0] =	vst v10  }
0x13d: {  	v9 =	vld [tilespmem:s14+$0xFFFFFF70];
	[tilespmem:s19+$0xF0] =	vst v5;
	s19 =	smov.u32 s14  }
0x13e: {  	v5 =	vld.idx.msk [tilespmem:v6+s30+$0x0], $0xffff  }
0x13f: {  	v6 =	vld [tilespmem:s14+$0xFFFFFF00]  }
0x140: {  	v10 =	vld [tilespmem:s14+$0xFFFFFF20]  }
0x141: {  	v11 =	vld [tilespmem:s14+$0xFFFFFF10]  }
0x142: {  	v12 =	vld [tilespmem:s14+$0xFFFFFF40];
	_ =	sdelay $0x1  }
0x143: {  	v9 =	vmul.f32 v9, v5;
	v6 =	vmul.f32 v6, v5  }
0x144: {  	s20 =	sadd.s32 $0xFFFFFFFE, s17;
	v4 =	vmul.f32 v4, v5;
	v10 =	vmul.f32 v10, v5  }
0x145: {  	v8 =	vmul.f32 v8, v5;
	v11 =	vmul.f32 v11, v5;
	[tilespmem:s14+$0xFFFFFF70] =	vst v9;
	v9 =	vmov s20  }
0x146: {  	[tilespmem:s14+$0xFFFFFF00] =	vst v6;
	v6 =	vmul.f32 v12, v5;
	v5 =	vmul.f32 v7, v5;
	v7 =	vand.u32 $0x78, v9  }
0x147: {  	v9 =	vand.u32 $0x5, v9;
	[tilespmem:s14+$0xFFFFFF20] =	vst v10;
	v7 =	vadd.s32 v1, v7  }
0x148: {  	[tilespmem:s14+$0xFFFFFF30] =	vst v8;
	v7 =	vor.u32 v9, v7  }
0x149: {  	[tilespmem:s14+$0xFFFFFF50] =	vst v5;
	v5 =	vld [tilespmem:s14+$0xFFFFFFF0]  }
0x14a: {  	[tilespmem:s14+$0xFFFFFF10] =	vst v11;
	v8 =	vld [tilespmem:s14+$0xFFFFFFE0]  }
0x14b: {  	[tilespmem:s14+$0xFFFFFF60] =	vst v4;
	v4 =	vld [tilespmem:s14+$0xFFFFFFB0]  }
0x14c: {  	[tilespmem:s14+$0xFFFFFF40] =	vst v6;
	v6 =	vld [tilespmem:s14+$0xFFFFFFC0]  }
0x14d: {  	v7 =	vld.idx.msk [tilespmem:v7+s30+$0x0], $0xffff  }
0x14e: {  	v9 =	vld [tilespmem:s14+$0xFFFFFF80]  }
0x14f: {  	v10 =	vld [tilespmem:s14+$0xFFFFFF90]  }
0x150: {  	v11 =	vld [tilespmem:s14+$0xFFFFFFD0]  }
0x151: {  	v12 =	vld [tilespmem:s14+$0xFFFFFFA0];
	_ =	sdelay $0x1  }
0x152: {  	v6 =	vmul.f32 v6, v7;
	v9 =	vmul.f32 v9, v7  }
0x153: {  	s20 =	sadd.s32 $0xFFFFFFFF, s17;
	v4 =	vmul.f32 v4, v7;
	v10 =	vmul.f32 v10, v7  }
0x154: {  	v8 =	vmul.f32 v8, v7;
	[tilespmem:s14+$0xFFFFFFC0] =	vst v6;
	v6 =	vmul.f32 v11, v7;
	v11 =	vmov s20  }
0x155: {  	v5 =	vmul.f32 v5, v7;
	[tilespmem:s14+$0xFFFFFF90] =	vst v10;
	v10 =	vmul.f32 v12, v7;
	v7 =	vand.u32 $0x78, v11  }
0x156: {  	[tilespmem:s14+$0xFFFFFFD0] =	vst v6;
	v6 =	vand.u32 $0x6, v11;
	v7 =	vadd.s32 v1, v7  }
0x157: {  	[tilespmem:s14+$0xFFFFFF80] =	vst v9;
	v7 =	vor.u32 v6, v7  }
0x158: {  	[tilespmem:s14+$0xFFFFFFE0] =	vst v8  }
0x159: {  	[tilespmem:s14+$0xFFFFFFF0] =	vst v5  }
.Ltmp4:
0x15a: {  	[tilespmem:s14+$0xFFFFFFA0] =	vst v10;
	v5 =	vld [tilespmem:s14+$0x20];
	(pc) =	sbr.rel @p2 .LBB2_11-.Ltmp4, $4  }
0x15b: {  	[tilespmem:s14+$0xFFFFFFB0] =	vst v4;
	v6 =	vld [tilespmem:s14+$0x0]  }
0x15c: {  	v4 =	vld.idx.msk [tilespmem:v7+s30+$0x0], $0xffff  }
0x15d: {  	v7 =	vld [tilespmem:s14+$0x50]  }
0x15e: {  	v8 =	vld [tilespmem:s14+$0x30]  }
0x15f: {  	_ =	sdelay $0x1  }
0x160: {  	v6 =	vmul.f32 v6, v4  }
0x161: {  	v9 =	vld [tilespmem:s19+$0x40];
	v2 =	vmul.f32 v2, v4  }
0x162: {  	v10 =	vld [tilespmem:s19+$0x10];
	v53 =	vmov s17;
	v5 =	vmul.f32 v5, v4;
	[tilespmem:s19+$0x0] =	vst v6  }
0x163: {  	v3 =	vmul.f32 v3, v4;
	[tilespmem:s19+$0x70] =	vst v2;
	v2 =	vand.u32 $0x78, v53  }
0x164: {  	v54 =	vand.u32 $0x7, v53;
	v7 =	vmul.f32 v7, v4;
	[tilespmem:s19+$0x20] =	vst v5;
	v1 =	vadd.s32 v1, v2  }
0x165: {  	v8 =	vmul.f32 v8, v4;
	[tilespmem:s19+$0x60] =	vst v3;
	v1 =	vor.u32 v54, v1  }
0x166: {  	v55 =	vmul.f32 v9, v4;
	[tilespmem:s19+$0x50] =	vst v7  }
0x167: {  	v56 =	vmul.f32 v10, v4;
	[tilespmem:s19+$0x30] =	vst v8  }
0x168: {  	[tilespmem:s19+$0x40] =	vst v55  }
0x169: {  	v2 =	vld [tilespmem:s19+$0x80];
	[tilespmem:s19+$0x10] =	vst v56  }
0x16a: {  	v1 =	vld.idx.msk [tilespmem:v1+s30+$0x0], $0xffff  }
0x16b: {  	v57 =	vld [tilespmem:s19+$0x90]  }
0x16c: {  	v59 =	vld [tilespmem:s19+$0xB0]  }
0x16d: {  	v3 =	vld [tilespmem:s19+$0xC0]  }
0x16e: {  	v58 =	vld [tilespmem:s19+$0xD0]  }
0x16f: {  	v60 =	vld [tilespmem:s19+$0xE0];
	v2 =	vmul.f32 v2, v1  }
0x170: {  	v61 =	vld [tilespmem:s19+$0xA0];
	v4 =	vmul.f32 v57, v1  }
0x171: {  	v62 =	vld [tilespmem:s19+$0xF0];
	v63 =	vmul.f32 v59, v1;
	[tilespmem:s19+$0x80] =	vst v2  }
0x172: {  	v2 =	vmul.f32 v3, v1;
	[tilespmem:s19+$0x90] =	vst v4  }
0x173: {  	v3 =	vmul.f32 v58, v1;
	[tilespmem:s19+$0xB0] =	vst v63  }
0x174: {  	[tilespmem:s19+$0xC0] =	vst v2;
	v2 =	vmul.f32 v60, v1  }
0x175: {  	[tilespmem:s19+$0xD0] =	vst v3;
	v3 =	vmul.f32 v61, v1  }
0x176: {  	s14 =	smul.u32 $0x50, s12;
	v1 =	vmul.f32 v62, v1;
	[tilespmem:s19+$0xE0] =	vst v2  }
0x177: {  	p2 =	sne.s32 s13, $0xFA;
	[tilespmem:s19+$0xA0] =	vst v3  }
.Ltmp5:
0x178: {  	s18 =	sadd.s32 $0x5, s12;
	s17 =	sadd.s32 $0x6EA0, s14;
	[tilespmem:s19+$0xF0] =	vst v1;
	(pc) =	sbr.rel @p2 .LBB2_3-.Ltmp5, $4  }
0x179: {  	[spmem:s2] =	stream.indirect.scatter.add.f32 [tilespmem:s16], [sflag:s18], $0x80, s17, s1, $0xb8;
	[tilespmem:$0x1FA40] =	vst v63  }
0x17a: {  	s12 =	sadd.s32 @!p0 $0x7, s12;
	s14 =	sadd.s32 @!p0 $0x6D60, s14;
	s16 =	simm.s32 @!p0 $0x50  }
0x17b: {  	[spmem:s3] =	stream.indirect.scatter.add.f32 @!p0 [tilespmem:s14], [sflag:s12], $0x1, s17, s16, $0xb8;
	[tilespmem:$0x1FA40] =	vst v63  }
0x17c: {  	p1 =	por !p1, !p1;
	s14 =	smov.u32 s13  }
0x17d: {  	_ =	swait.ge [sflag:s0], $0x2800  }
0x17e: {  	[sflag:s0] =	ssyncset.done $0x0  }
0x17f: {  	s12 =	simm.s32 @p0 $0x6;
	[sflag:s0] =	ssyncadd.s32 $0xFFFFD800  }
0x180: {  	_ =	swait.ge @p0 [sflag:s12], $0x2800  }
0x181: {  	[sflag:s12] =	ssyncset.done @p0 $0x0  }
0x182: {  	[sflag:s12] =	ssyncadd.s32 @p0 $0xFFFFD800;
	s12 =	simm.s32 @!p0 $0x7  }
0x183: {  	_ =	swait.ge @!p0 [sflag:s12], $0x50  }
0x184: {  	[sflag:s12] =	ssyncset.done @!p0 $0x0  }
0x185: {  	[sflag:s12] =	ssyncadd.s32 @!p0 $0xFFFFFFB0;
	s12 =	simm.s32 @!p0 $0x6  }
0x186: {  	_ =	swait.ge @!p0 [sflag:s12], $0x2800  }
0x187: {  	[sflag:s12] =	ssyncset.done @!p0 $0x0  }
0x188: {  	[sflag:s12] =	ssyncadd.s32 @!p0 $0xFFFFD800;
	s12 =	simm.s32 @!p0 $0x8  }
0x189: {  	_ =	swait.ge @!p0 [sflag:s12], $0x50  }
0x18a: {  	[sflag:s12] =	ssyncset.done @!p0 $0x0  }
0x18b: {  	s13 =	rddreg [dreg:$0xa];
	[sflag:s12] =	ssyncadd.s32 @!p0 $0xFFFFFFB0  }
0x18c: {  	s11 =	sadd.s32 s13, s11;
	[bflag:$0x0] =	sbarrier.arrive $0xFFFF  }
0x18d: {  	s11 =	sshll.u32 s11, $0x4;
	s23 =	rddreg [dreg:$0x7]  }
0x18e: {  	s11 =	sadd.s32 s23, s11  }
0x18f: {  	[hbm:s11], [sflag:s29] =	dma.local [spmem:s10], $0x2710  }
0x190: {  	s7 =	smul.u32 @!p0 $0x2800, s7;
	_ =	swait.ge [sflag:s26], $0x2710  }
0x191: {  	[sflag:s26] =	ssyncset.done $0x0  }
0x192: {  	s7 =	sadd.s32 @!p0 s24, s7;
	[sflag:s26] =	ssyncadd.s32 $0xFFFFD8F0  }
0x193: {  	s7 =	sshrl.u32 @!p0 s7, $0x3;
	s10 =	rddreg [dreg:$0x1]  }
0x194: {  	s7 =	sadd.s32 @!p0 s10, s7;
	s10 =	rddreg [dreg:$0x11]  }
0x195: {  	s10 =	sshrl.u32 @!p0 s10, $0x3  }
0x196: {  	[hbm:s7], [sflag:s29] =	dma.local @!p0 [spmem:s10], $0x50  }
0x197: {  	s7 =	simm.s32 @!p0 $0x9  }
0x198: {  	_ =	swait.ge @!p0 [sflag:s7], $0x50  }
0x199: {  	s25 =	sadd.s32 $0x1, s25;
	[sflag:s7] =	ssyncset.done @!p0 $0x0  }
0x19a: {  	[sflag:s7] =	ssyncadd.s32 @!p0 $0xFFFFFFB0;
	p0 =	sne.s32 s25, $0x4  }
.Ltmp6:
0x19b: {  	_ = 	snop;
	(pc) =	sbr.rel @p0 .LBB2_2-.Ltmp6, $2  }
0x19c: {  	_ =	sdelay $0x1  }
0x19d: {  	[bflag:$0x0] =	sbarrier.arrive $0xFFFF;
	_ =	sdelay $0x1  }
0x19e: {  	s10 =	rddreg [dreg:$0x13]  }
0x19f: {  	s7 =	rddreg [dreg:$0x12];
	s10 =	sadd.s32 $0x1, s10  }
0x1a0: {  	p0 =	sne.s32 s10, s7  }
.Ltmp7:
0x1a1: {  	_ = 	snop;
	(pc) =	sbr.rel @p0 .LBB2_1-.Ltmp7, $1  }
0x1a2: {  	_ =	sdelay $0x3  }
0x1a3: {  	_ =	sfence.sel $0x180000  }
0x1a4: {  	[bflag:$0x0] =	sbarrier.arrive $0xFFFF  }
0x1a5: {  	_ =	strace $0x90000047  }
0x1a6: {  	s0 =	stileid.u32;
	[bflag:$0x2] =	sbarrier.arrive $0xFFFF  }
0x1a7: {  	p0 =	sne.s32 s0, $0x0;
	s0 =	rddreg [dreg:$0x4]  }
0x1a8: {  	s0 =	sadd.s32 @!p0 $0x100000, s0  }
0x1a9: {  	[sflag:s0] =	ssyncadd.tile.s32 @!p0 $0x1;
	_ =	shalt  }
.Lfunc_end2:
_tile_overlayer_lowered:
.L_overlay_start_2:
0x1aa: {  	(tag) =	ssettag $0x2  }
0x1ab: {  	s0 =	rddreg [dreg:$0x0];
	s2 =	stileid.u32  }
0x1ac: {  	s1 =	rddreg [dreg:$0x1];
	p0 =	sne.s32 s2, $0x0  }
0x1ad: {  	s3 =	rddreg [dreg:$0x2];
	[bflag:$0x3] =	sbarrier.arrive $0xFFFF;
	s2 =	simm.s32 @!p0 $0x1C09  }
0x1ae: {  	[timem:s3], [sflag:s2] =	dma.local @!p0 [hbm:s0], s1  }
0x1af: {  	s0 =	simm.s32 @!p0 $0x9  }
0x1b0: {  	_ =	swait.ge @!p0 [sflag:s0], s1  }
0x1b1: {  	s1 =	ssub.s32 @!p0 $0x0, s1;
	[sflag:s0] =	ssyncset.done @!p0 $0x0  }
0x1b2: {  	[sflag:s0] =	ssyncadd.s32 @!p0 s1  }
0x1b3: {  	[bflag:$0x3] =	sbarrier.arrive $0xFFFF  }
0x1b4: {  	_ =	shalt  }

</sc_bundles>
